<compile_context>
chip_gen: v7x
topology: tpu7x:2x2x1
jax: 0.10.2.dev20260603
libtpu: 0.0.44.dev20260713+nightly
codegen_flags: <defaults>
</compile_context>

<pallas_src>
import jax
import jax.numpy as jnp
from jax import lax
from jax.experimental import pallas as pl
from jax.experimental.pallas import tpu as pltpu
from jax.experimental.pallas import tpu_sc as plsc

MIN_DEPTH = 1.45
MAX_DEPTH = 80.0

_B, _N, _H, _W = 2, 2048, 64, 256
_HW = _H * _W
_PP = _N // 16
_CELLS = _HW // 16
_ZS = 2 * _HW // 16


def _sc_body(pts_h, tab_h, zeros_h, depth_h, valid_h,
             in_qu, in_qv, in_w, in_d, tab_v, vd_v, idx_num, idx_den,
             num_v, den_v, outd_v, outv_v, acc, sem):
    c = lax.axis_index("c")
    s = lax.axis_index("s")
    base_pt = c * _N + s * _PP

    cps = [
        pltpu.async_copy(pts_h.at[0, pl.ds(base_pt, _PP)], in_qu, sem),
        pltpu.async_copy(pts_h.at[1, pl.ds(base_pt, _PP)], in_qv, sem),
        pltpu.async_copy(pts_h.at[2, pl.ds(base_pt, _PP)], in_w, sem),
        pltpu.async_copy(pts_h.at[3, pl.ds(base_pt, _PP)], in_d, sem),
        pltpu.async_copy(tab_h, tab_v, sem),
        pltpu.async_copy(zeros_h, acc.at[pl.ds(s * _ZS, _ZS)], sem),
    ]
    for cp in cps:
        cp.wait()

    zero16i = jnp.zeros((16,), jnp.int32)
    one16i = jnp.full((16,), 1, jnp.int32)
    for k in range(_PP // 16):
        sl = pl.ds(k * 16, 16)
        qu = in_qu[sl]
        qv = in_qv[sl]
        pos_u = zero16i
        for st in (32, 16, 8, 4, 2, 1):
            cand = pos_u + st
            m = plsc.load_gather(tab_v, [cand - 1])
            pos_u = jnp.where(qu > m, cand, pos_u)
        pos_v = zero16i
        for st in (128, 64, 32, 16, 8, 4, 2, 1):
            cand = pos_v + st
            m = plsc.load_gather(tab_v, [cand + 63])
            pos_v = jnp.where(qv > m, cand, pos_v)
        cell = pos_u * _W + pos_v
        idx_num[sl] = cell
        idx_den[sl] = cell + _HW
        vd_v[sl] = in_w[sl] * in_d[sl]

    plsc.subcore_barrier()
    a1 = pltpu.async_copy(vd_v, acc.at[idx_num], sem, add=True)
    a2 = pltpu.async_copy(in_w, acc.at[idx_den], sem, add=True)
    a1.wait()
    a2.wait()
    plsc.subcore_barrier()

    f1 = pltpu.async_copy(acc.at[pl.ds(s * _CELLS, _CELLS)], num_v, sem)
    f2 = pltpu.async_copy(acc.at[pl.ds(_HW + s * _CELLS, _CELLS)], den_v, sem)
    f1.wait()
    f2.wait()
    for k in range(_CELLS // 16):
        sl = pl.ds(k * 16, 16)
        q = num_v[sl] / (den_v[sl] + 1e-8)
        valid = q != 0.0
        dd = (q - MIN_DEPTH) / (MAX_DEPTH - MIN_DEPTH)
        outd_v[sl] = jnp.where(valid, dd, 1.0)
        outv_v[sl] = jnp.where(valid, one16i, zero16i)
    out_base = c * _HW + s * _CELLS
    o1 = pltpu.async_copy(outd_v, depth_h.at[pl.ds(out_base, _CELLS)], sem)
    o2 = pltpu.async_copy(outv_v, valid_h.at[pl.ds(out_base, _CELLS)], sem)
    o1.wait()
    o2.wait()


@jax.jit
def _sc_rasterize(pts, tab, zeros):
    mesh = plsc.VectorSubcoreMesh(core_axis_name="c", subcore_axis_name="s")
    f32, i32 = jnp.float32, jnp.int32
    fn = pl.kernel(
        _sc_body,
        out_type=[
            jax.ShapeDtypeStruct((_B * _HW,), f32),
            jax.ShapeDtypeStruct((_B * _HW,), i32),
        ],
        mesh=mesh,
        compiler_params=pltpu.CompilerParams(needs_layout_passes=False),
        scratch_types=[
            pltpu.VMEM((_PP,), f32),
            pltpu.VMEM((_PP,), f32),
            pltpu.VMEM((_PP,), f32),
            pltpu.VMEM((_PP,), f32),
            pltpu.VMEM((320,), f32),
            pltpu.VMEM((_PP,), f32),
            pltpu.VMEM((_PP,), i32),
            pltpu.VMEM((_PP,), i32),
            pltpu.VMEM((_CELLS,), f32),
            pltpu.VMEM((_CELLS,), f32),
            pltpu.VMEM((_CELLS,), f32),
            pltpu.VMEM((_CELLS,), i32),
            pltpu.VMEM_SHARED((2 * _HW,), f32),
            pltpu.SemaphoreType.DMA,
        ],
    )
    return fn(pts, tab, zeros)


def kernel(xyz, angle):
    x = xyz[..., 0:1]
    y = xyz[..., 1:2]
    z = xyz[..., 2:3]
    r = jnp.linalg.norm(xyz[..., :2], axis=2, keepdims=True)
    depth_1d = jnp.linalg.norm(xyz, axis=2, keepdims=True)
    weight = 1.0 / jnp.exp(2.0 * depth_1d)
    depth_1d = depth_1d * MAX_DEPTH
    mask = ((depth_1d > MIN_DEPTH) & (depth_1d < MAX_DEPTH)).astype(xyz.dtype)
    weight = weight * mask
    qu = jnp.arctan2(z, r)[..., 0].reshape(-1)
    qv = jnp.arctan2(y, x)[..., 0].reshape(-1)
    w = weight[..., 0].reshape(-1)
    d = depth_1d[..., 0].reshape(-1)
    pts = jnp.stack([qu, qv, w, d])

    elev = angle[0, 0, :, 0]
    azim = angle[0, 1, 0, :]
    big = jnp.full((1,), 3.0e38, jnp.float32)
    tab = jnp.concatenate(
        [0.5 * (elev[:-1] + elev[1:]), big, 0.5 * (azim[:-1] + azim[1:]), big]
    )
    zeros = jnp.zeros((_ZS,), jnp.float32)

    depth_flat, valid_flat = _sc_rasterize(pts, tab, zeros)
    depth_2d = depth_flat.reshape(_B, 1, _H, _W)
    valid = valid_flat.reshape(_B, 1, _H, _W).astype(bool)
    return depth_2d, valid

# --- scband reference (transcript-rebuilt; emitter-appended) ---
"""Pipeline reference for scband-coordinate-49976239456708 (READ-ONLY COPY).

The authoritative reference and input builder live on the scoring server;
editing this copy changes nothing except your own understanding.
"""

import jax, jax.numpy as jnp
import numpy as np

MIN_DEPTH = 1.45
MAX_DEPTH = 80.0
H, W = 64, 256
DROP_CONST = 0.0


def _bilinear_rasterizer(uv, values, size):
    # uv: [B, N, 2] (row, col) float coords; values: [B, N, C]
    Hh, Ww = size
    B, N, C = values.shape
    u = uv[..., 0]
    v = uv[..., 1]
    u0 = jnp.floor(u)
    v0 = jnp.floor(v)
    u1 = u0 + 1.0
    v1 = v0 + 1.0
    out = jnp.zeros((B * Hh * Ww, C), dtype=values.dtype)
    b_idx = jnp.arange(B, dtype=jnp.int32)[:, None] * (Hh * Ww)
    corners = (
        (u0, v0, (u1 - u) * (v1 - v)),
        (u0, v1, (u1 - u) * (v - v0)),
        (u1, v0, (u - u0) * (v1 - v)),
        (u1, v1, (u - u0) * (v - v0)),
    )
    for ui, vi, w in corners:
        inb = (ui >= 0) & (ui <= Hh - 1) & (vi >= 0) & (vi <= Ww - 1)
        uii = jnp.clip(ui, 0, Hh - 1).astype(jnp.int32)
        vii = jnp.clip(vi, 0, Ww - 1).astype(jnp.int32)
        ww = w * inb.astype(values.dtype)
        flat = (b_idx + uii * Ww + vii).reshape(-1)
        vals = (values * ww[..., None]).reshape(-1, C)
        out = out.at[flat].add(vals)
    return out.reshape(B, Hh, Ww, C).transpose(0, 3, 1, 2)


def _points_to_depth(xyz, angle, drop_value=1.0, tau=2.0):
    # xyz: [B, N, 3]; angle: [1, 2, H, W]
    x = xyz[..., 0:1]
    y = xyz[..., 1:2]
    z = xyz[..., 2:3]
    r = jnp.linalg.norm(xyz[..., :2], axis=2, keepdims=True)
    depth_1d = jnp.linalg.norm(xyz, axis=2, keepdims=True)
    weight = 1.0 / jnp.exp(tau * depth_1d)
    depth_1d = depth_1d * MAX_DEPTH
    mask = jax.lax.stop_gradient(
        ((depth_1d > MIN_DEPTH) & (depth_1d < MAX_DEPTH)).astype(xyz.dtype)
    )
    weight = weight * mask
    angle_u = jnp.arctan2(z, r)
    angle_v = jnp.arctan2(y, x)
    # 1-NN retrieval over the H*W reference angle grid (argmin of L2 distance;
    # indices are non-differentiable, matching torch semantics)
    qu = jax.lax.stop_gradient(angle_u[..., 0])  # [B, N]
    qv = jax.lax.stop_gradient(angle_v[..., 0])  # [B, N]
    ref = jax.lax.stop_gradient(angle)
    ru = ref[0, 0].reshape(-1)  # [H*W]
    rv = ref[0, 1].reshape(-1)  # [H*W]
    d2 = (qu[:, :, None] - ru[None, None, :]) ** 2 + (qv[:, :, None] - rv[None, None, :]) ** 2
    ids = jnp.argmin(d2, axis=2)  # [B, N]
    id_to_uv = jnp.stack(
        jnp.meshgrid(jnp.arange(H), jnp.arange(W), indexing='ij'), axis=-1
    ).reshape(H * W, 2)
    uv = jnp.take(id_to_uv, ids, axis=0).astype(xyz.dtype)  # [B, N, 2]
    num = _bilinear_rasterizer(uv, weight * depth_1d, (H, W))
    den = _bilinear_rasterizer(uv, weight, (H, W))
    depth_2d = num / (den + 1e-08)
    valid = depth_2d != 0
    depth_2d = (depth_2d - MIN_DEPTH) / (MAX_DEPTH - MIN_DEPTH)
    depth_2d = jnp.where(valid, depth_2d, drop_value)
    return depth_2d, valid


def setup_inputs(seed: int = 0):
    key = jax.random.key(seed)
    k1, _ = jax.random.split(key)
    # scale points so depth_1d * MAX_DEPTH mostly lands inside (min_depth, max_depth)
    xyz = jax.random.normal(k1, (2, 2048, 3), dtype=jnp.float32) * 0.25
    elev = jnp.linspace(-25.0, 3.0, H, dtype=jnp.float32) * (jnp.pi / 180.0)
    azim = jnp.linspace(-jnp.pi, jnp.pi, W, endpoint=False, dtype=jnp.float32)
    ang_u = jnp.broadcast_to(elev[:, None], (H, W))
    ang_v = jnp.broadcast_to(azim[None, :], (H, W))
    angle = jnp.stack([ang_u, ang_v], axis=0)[None]  # [1, 2, H, W]
    return {"xyz": xyz, "angle": angle}


def reference(xyz, angle):
    return _points_to_depth(xyz, angle)

if __name__ == "__main__":
    import jax
    _d = setup_inputs()
    print(jax.jit(kernel)(*tuple(_d.values())))

</pallas_src>

<mosaic_0001>
#map = affine_map<(d0, d1) -> (0, 0)>
#map1 = affine_map<(d0, d1) -> (0)>
module attributes {stable_mosaic.version = 14 : i64} {
  func.func @_sc_body(%arg0: i32, %arg1: i32, %arg2: memref<4x4096xf32, #tpu.memory_space<hbm>>, %arg3: memref<320xf32, #tpu.memory_space<hbm>>, %arg4: memref<2048xf32, #tpu.memory_space<hbm>>, %arg5: memref<32768xf32, #tpu.memory_space<hbm>>, %arg6: memref<32768xi32, #tpu.memory_space<hbm>>, %arg7: memref<128xf32, #tpu.memory_space<vmem>>, %arg8: memref<128xf32, #tpu.memory_space<vmem>>, %arg9: memref<128xf32, #tpu.memory_space<vmem>>, %arg10: memref<128xf32, #tpu.memory_space<vmem>>, %arg11: memref<320xf32, #tpu.memory_space<vmem>>, %arg12: memref<128xf32, #tpu.memory_space<vmem>>, %arg13: memref<128xi32, #tpu.memory_space<vmem>>, %arg14: memref<128xi32, #tpu.memory_space<vmem>>, %arg15: memref<1024xf32, #tpu.memory_space<vmem>>, %arg16: memref<1024xf32, #tpu.memory_space<vmem>>, %arg17: memref<1024xf32, #tpu.memory_space<vmem>>, %arg18: memref<1024xi32, #tpu.memory_space<vmem>>, %arg19: memref<32768xf32, #tpu.memory_space<vmem_shared>>, %arg20: memref<!tpu.dma_semaphore, #tpu.memory_space<semaphore_mem>>) attributes {dimension_semantics = [#tpu.dimension_semantics<core_parallel>, #tpu.dimension_semantics<subcore_parallel>], iteration_bounds = array<i64: 2, 16>, scalar_prefetch = 0 : i64, scratch_operands = 14 : i64, tpu.core_type = #tpu.core_type<sc_vector_subcore>, window_params = [{transform_indices = #map}, {transform_indices = #map1}, {transform_indices = #map1}, {transform_indices = #map1}, {transform_indices = #map1}]} {
    %mul3A = arith.constant 2048 : i32
    %mul3A_0 = arith.muli %arg0, %mul3A : i32
    %mul3A_1 = arith.constant 128 : i32
    %mul3A_2 = arith.muli %arg1, %mul3A_1 : i32
    %add3A = arith.addi %mul3A_0, %mul3A_2 : i32
    %dma_start3A = arith.constant 0 : i32
    %dma_start3A_3 = tpu.memref_slice %arg2[%dma_start3A, %add3A] : memref<4x4096xf32, #tpu.memory_space<hbm>> -> memref<1x128xf32, #tpu.memory_space<hbm>>
    %dma_start3A_4 = tpu.memref_squeeze %dma_start3A_3 : memref<1x128xf32, #tpu.memory_space<hbm>> -> memref<128xf32, #tpu.memory_space<hbm>>
    %dma_start3A_5 = tpu.memref_slice %arg2[%dma_start3A, %add3A] : memref<4x4096xf32, #tpu.memory_space<hbm>> -> memref<1x128xf32, #tpu.memory_space<hbm>>
    %dma_start3A_6 = tpu.memref_squeeze %dma_start3A_5 : memref<1x128xf32, #tpu.memory_space<hbm>> -> memref<128xf32, #tpu.memory_space<hbm>>
    tpu.enqueue_dma source(%dma_start3A_6 : memref<128xf32, #tpu.memory_space<hbm>>) target(%arg7 : memref<128xf32, #tpu.memory_space<vmem>>) target_semaphore(%arg20 : memref<!tpu.dma_semaphore, #tpu.memory_space<semaphore_mem>>)
    %dma_start3A_7 = arith.constant 1 : i32
    %dma_start3A_8 = tpu.memref_slice %arg2[%dma_start3A_7, %add3A] : memref<4x4096xf32, #tpu.memory_space<hbm>> -> memref<1x128xf32, #tpu.memory_space<hbm>>
    %dma_start3A_9 = tpu.memref_squeeze %dma_start3A_8 : memref<1x128xf32, #tpu.memory_space<hbm>> -> memref<128xf32, #tpu.memory_space<hbm>>
    %dma_start3A_10 = tpu.memref_slice %arg2[%dma_start3A_7, %add3A] : memref<4x4096xf32, #tpu.memory_space<hbm>> -> memref<1x128xf32, #tpu.memory_space<hbm>>
    %dma_start3A_11 = tpu.memref_squeeze %dma_start3A_10 : memref<1x128xf32, #tpu.memory_space<hbm>> -> memref<128xf32, #tpu.memory_space<hbm>>
    tpu.enqueue_dma source(%dma_start3A_11 : memref<128xf32, #tpu.memory_space<hbm>>) target(%arg8 : memref<128xf32, #tpu.memory_space<vmem>>) target_semaphore(%arg20 : memref<!tpu.dma_semaphore, #tpu.memory_space<semaphore_mem>>)
    %dma_start3A_12 = arith.constant 2 : i32
    %dma_start3A_13 = tpu.memref_slice %arg2[%dma_start3A_12, %add3A] : memref<4x4096xf32, #tpu.memory_space<hbm>> -> memref<1x128xf32, #tpu.memory_space<hbm>>
    %dma_start3A_14 = tpu.memref_squeeze %dma_start3A_13 : memref<1x128xf32, #tpu.memory_space<hbm>> -> memref<128xf32, #tpu.memory_space<hbm>>
    %dma_start3A_15 = tpu.memref_slice %arg2[%dma_start3A_12, %add3A] : memref<4x4096xf32, #tpu.memory_space<hbm>> -> memref<1x128xf32, #tpu.memory_space<hbm>>
    %dma_start3A_16 = tpu.memref_squeeze %dma_start3A_15 : memref<1x128xf32, #tpu.memory_space<hbm>> -> memref<128xf32, #tpu.memory_space<hbm>>
    tpu.enqueue_dma source(%dma_start3A_16 : memref<128xf32, #tpu.memory_space<hbm>>) target(%arg9 : memref<128xf32, #tpu.memory_space<vmem>>) target_semaphore(%arg20 : memref<!tpu.dma_semaphore, #tpu.memory_space<semaphore_mem>>)
    %dma_start3A_17 = arith.constant 3 : i32
    %dma_start3A_18 = tpu.memref_slice %arg2[%dma_start3A_17, %add3A] : memref<4x4096xf32, #tpu.memory_space<hbm>> -> memref<1x128xf32, #tpu.memory_space<hbm>>
    %dma_start3A_19 = tpu.memref_squeeze %dma_start3A_18 : memref<1x128xf32, #tpu.memory_space<hbm>> -> memref<128xf32, #tpu.memory_space<hbm>>
    %dma_start3A_20 = tpu.memref_slice %arg2[%dma_start3A_17, %add3A] : memref<4x4096xf32, #tpu.memory_space<hbm>> -> memref<1x128xf32, #tpu.memory_space<hbm>>
    %dma_start3A_21 = tpu.memref_squeeze %dma_start3A_20 : memref<1x128xf32, #tpu.memory_space<hbm>> -> memref<128xf32, #tpu.memory_space<hbm>>
    tpu.enqueue_dma source(%dma_start3A_21 : memref<128xf32, #tpu.memory_space<hbm>>) target(%arg10 : memref<128xf32, #tpu.memory_space<vmem>>) target_semaphore(%arg20 : memref<!tpu.dma_semaphore, #tpu.memory_space<semaphore_mem>>)
    tpu.enqueue_dma source(%arg3 : memref<320xf32, #tpu.memory_space<hbm>>) target(%arg11 : memref<320xf32, #tpu.memory_space<vmem>>) target_semaphore(%arg20 : memref<!tpu.dma_semaphore, #tpu.memory_space<semaphore_mem>>)
    %mul3A_22 = arith.constant 2048 : i32
    %mul3A_23 = arith.muli %arg1, %mul3A_22 : i32
    %dma_start3A_24 = tpu.memref_slice %arg19[%mul3A_23] : memref<32768xf32, #tpu.memory_space<vmem_shared>> -> memref<2048xf32, #tpu.memory_space<vmem_shared>>
    tpu.enqueue_dma source(%arg4 : memref<2048xf32, #tpu.memory_space<hbm>>) target(%dma_start3A_24 : memref<2048xf32, #tpu.memory_space<vmem_shared>>) target_semaphore(%arg20 : memref<!tpu.dma_semaphore, #tpu.memory_space<semaphore_mem>>)
    %dma_wait3A = arith.constant 0 : i32
    %dma_wait3A_25 = tpu.memref_slice %arg2[%dma_wait3A, %add3A] : memref<4x4096xf32, #tpu.memory_space<hbm>> -> memref<1x128xf32, #tpu.memory_space<hbm>>
    %dma_wait3A_26 = tpu.memref_squeeze %dma_wait3A_25 : memref<1x128xf32, #tpu.memory_space<hbm>> -> memref<128xf32, #tpu.memory_space<hbm>>
    %dma_wait3A_27 = tpu.memref_slice %arg2[%dma_wait3A, %add3A] : memref<4x4096xf32, #tpu.memory_space<hbm>> -> memref<1x128xf32, #tpu.memory_space<hbm>>
    %dma_wait3A_28 = tpu.memref_squeeze %dma_wait3A_27 : memref<1x128xf32, #tpu.memory_space<hbm>> -> memref<128xf32, #tpu.memory_space<hbm>>
    tpu.wait_dma2 semaphore(%arg20 : memref<!tpu.dma_semaphore, #tpu.memory_space<semaphore_mem>>) src(%dma_wait3A_28 : memref<128xf32, #tpu.memory_space<hbm>>) dst(%arg7 : memref<128xf32, #tpu.memory_space<vmem>>)
    %dma_wait3A_29 = arith.constant 1 : i32
    %dma_wait3A_30 = tpu.memref_slice %arg2[%dma_wait3A_29, %add3A] : memref<4x4096xf32, #tpu.memory_space<hbm>> -> memref<1x128xf32, #tpu.memory_space<hbm>>
    %dma_wait3A_31 = tpu.memref_squeeze %dma_wait3A_30 : memref<1x128xf32, #tpu.memory_space<hbm>> -> memref<128xf32, #tpu.memory_space<hbm>>
    %dma_wait3A_32 = tpu.memref_slice %arg2[%dma_wait3A_29, %add3A] : memref<4x4096xf32, #tpu.memory_space<hbm>> -> memref<1x128xf32, #tpu.memory_space<hbm>>
    %dma_wait3A_33 = tpu.memref_squeeze %dma_wait3A_32 : memref<1x128xf32, #tpu.memory_space<hbm>> -> memref<128xf32, #tpu.memory_space<hbm>>
    tpu.wait_dma2 semaphore(%arg20 : memref<!tpu.dma_semaphore, #tpu.memory_space<semaphore_mem>>) src(%dma_wait3A_33 : memref<128xf32, #tpu.memory_space<hbm>>) dst(%arg8 : memref<128xf32, #tpu.memory_space<vmem>>)
    %dma_wait3A_34 = arith.constant 2 : i32
    %dma_wait3A_35 = tpu.memref_slice %arg2[%dma_wait3A_34, %add3A] : memref<4x4096xf32, #tpu.memory_space<hbm>> -> memref<1x128xf32, #tpu.memory_space<hbm>>
    %dma_wait3A_36 = tpu.memref_squeeze %dma_wait3A_35 : memref<1x128xf32, #tpu.memory_space<hbm>> -> memref<128xf32, #tpu.memory_space<hbm>>
    %dma_wait3A_37 = tpu.memref_slice %arg2[%dma_wait3A_34, %add3A] : memref<4x4096xf32, #tpu.memory_space<hbm>> -> memref<1x128xf32, #tpu.memory_space<hbm>>
    %dma_wait3A_38 = tpu.memref_squeeze %dma_wait3A_37 : memref<1x128xf32, #tpu.memory_space<hbm>> -> memref<128xf32, #tpu.memory_space<hbm>>
    tpu.wait_dma2 semaphore(%arg20 : memref<!tpu.dma_semaphore, #tpu.memory_space<semaphore_mem>>) src(%dma_wait3A_38 : memref<128xf32, #tpu.memory_space<hbm>>) dst(%arg9 : memref<128xf32, #tpu.memory_space<vmem>>)
    %dma_wait3A_39 = arith.constant 3 : i32
    %dma_wait3A_40 = tpu.memref_slice %arg2[%dma_wait3A_39, %add3A] : memref<4x4096xf32, #tpu.memory_space<hbm>> -> memref<1x128xf32, #tpu.memory_space<hbm>>
    %dma_wait3A_41 = tpu.memref_squeeze %dma_wait3A_40 : memref<1x128xf32, #tpu.memory_space<hbm>> -> memref<128xf32, #tpu.memory_space<hbm>>
    %dma_wait3A_42 = tpu.memref_slice %arg2[%dma_wait3A_39, %add3A] : memref<4x4096xf32, #tpu.memory_space<hbm>> -> memref<1x128xf32, #tpu.memory_space<hbm>>
    %dma_wait3A_43 = tpu.memref_squeeze %dma_wait3A_42 : memref<1x128xf32, #tpu.memory_space<hbm>> -> memref<128xf32, #tpu.memory_space<hbm>>
    tpu.wait_dma2 semaphore(%arg20 : memref<!tpu.dma_semaphore, #tpu.memory_space<semaphore_mem>>) src(%dma_wait3A_43 : memref<128xf32, #tpu.memory_space<hbm>>) dst(%arg10 : memref<128xf32, #tpu.memory_space<vmem>>)
    tpu.wait_dma2 semaphore(%arg20 : memref<!tpu.dma_semaphore, #tpu.memory_space<semaphore_mem>>) src(%arg3 : memref<320xf32, #tpu.memory_space<hbm>>) dst(%arg11 : memref<320xf32, #tpu.memory_space<vmem>>)
    %dma_wait3A_44 = tpu.memref_slice %arg19[%mul3A_23] : memref<32768xf32, #tpu.memory_space<vmem_shared>> -> memref<2048xf32, #tpu.memory_space<vmem_shared>>
    tpu.wait_dma2 semaphore(%arg20 : memref<!tpu.dma_semaphore, #tpu.memory_space<semaphore_mem>>) src(%arg4 : memref<2048xf32, #tpu.memory_space<hbm>>) dst(%dma_wait3A_44 : memref<2048xf32, #tpu.memory_space<vmem_shared>>)
    %broadcast_in_dim3A = arith.constant 0 : i32
    %broadcast_in_dim3A_45 = vector.broadcast %broadcast_in_dim3A : i32 to vector<16xi32>
    %broadcast_in_dim3A_46 = arith.constant 1 : i32
    %broadcast_in_dim3A_47 = vector.broadcast %broadcast_in_dim3A_46 : i32 to vector<16xi32>
    %get3A = arith.constant 0 : index
    %get3A_48 = tpu.vector_load %arg7[%get3A] {strides = array<i32>} : memref<128xf32, #tpu.memory_space<vmem>>, vector<16xf32>,
    %get3A_49 = arith.constant 0 : index
    %get3A_50 = tpu.vector_load %arg8[%get3A_49] {strides = array<i32>} : memref<128xf32, #tpu.memory_space<vmem>>, vector<16xf32>,
    %add3A_51 = arith.constant 32 : i32
    %add3A_52 = vector.broadcast %add3A_51 : i32 to vector<16xi32>
    %add3A_53 = arith.addi %broadcast_in_dim3A_45, %add3A_52 : vector<16xi32>
    %sub3A = arith.constant 1 : i32
    %sub3A_54 = vector.broadcast %sub3A : i32 to vector<16xi32>
    %sub3A_55 = arith.subi %add3A_53, %sub3A_54 : vector<16xi32>
    %gather3A = tpu.vector_load_idx %arg11[%sub3A_55] : memref<320xf32, #tpu.memory_space<vmem>>[vector<16xi32>], vector<16xf32>,
    %gt3A = arith.cmpf ogt, %get3A_48, %gather3A : vector<16xf32>
    %select_n3A = arith.select %gt3A, %add3A_53, %broadcast_in_dim3A_45 : vector<16xi1>, vector<16xi32>
    %add3A_56 = arith.constant 16 : i32
    %add3A_57 = vector.broadcast %add3A_56 : i32 to vector<16xi32>
    %add3A_58 = arith.addi %select_n3A, %add3A_57 : vector<16xi32>
    %sub3A_59 = arith.constant 1 : i32
    %sub3A_60 = vector.broadcast %sub3A_59 : i32 to vector<16xi32>
    %sub3A_61 = arith.subi %add3A_58, %sub3A_60 : vector<16xi32>
    %gather3A_62 = tpu.vector_load_idx %arg11[%sub3A_61] : memref<320xf32, #tpu.memory_space<vmem>>[vector<16xi32>], vector<16xf32>,
    %gt3A_63 = arith.cmpf ogt, %get3A_48, %gather3A_62 : vector<16xf32>
    %select_n3A_64 = arith.select %gt3A_63, %add3A_58, %select_n3A : vector<16xi1>, vector<16xi32>
    %add3A_65 = arith.constant 8 : i32
    %add3A_66 = vector.broadcast %add3A_65 : i32 to vector<16xi32>
    %add3A_67 = arith.addi %select_n3A_64, %add3A_66 : vector<16xi32>
    %sub3A_68 = arith.constant 1 : i32
    %sub3A_69 = vector.broadcast %sub3A_68 : i32 to vector<16xi32>
    %sub3A_70 = arith.subi %add3A_67, %sub3A_69 : vector<16xi32>
    %gather3A_71 = tpu.vector_load_idx %arg11[%sub3A_70] : memref<320xf32, #tpu.memory_space<vmem>>[vector<16xi32>], vector<16xf32>,
    %gt3A_72 = arith.cmpf ogt, %get3A_48, %gather3A_71 : vector<16xf32>
    %select_n3A_73 = arith.select %gt3A_72, %add3A_67, %select_n3A_64 : vector<16xi1>, vector<16xi32>
    %add3A_74 = arith.constant 4 : i32
    %add3A_75 = vector.broadcast %add3A_74 : i32 to vector<16xi32>
    %add3A_76 = arith.addi %select_n3A_73, %add3A_75 : vector<16xi32>
    %sub3A_77 = arith.constant 1 : i32
    %sub3A_78 = vector.broadcast %sub3A_77 : i32 to vector<16xi32>
    %sub3A_79 = arith.subi %add3A_76, %sub3A_78 : vector<16xi32>
    %gather3A_80 = tpu.vector_load_idx %arg11[%sub3A_79] : memref<320xf32, #tpu.memory_space<vmem>>[vector<16xi32>], vector<16xf32>,
    %gt3A_81 = arith.cmpf ogt, %get3A_48, %gather3A_80 : vector<16xf32>
    %select_n3A_82 = arith.select %gt3A_81, %add3A_76, %select_n3A_73 : vector<16xi1>, vector<16xi32>
    %add3A_83 = arith.constant 2 : i32
    %add3A_84 = vector.broadcast %add3A_83 : i32 to vector<16xi32>
    %add3A_85 = arith.addi %select_n3A_82, %add3A_84 : vector<16xi32>
    %sub3A_86 = arith.constant 1 : i32
    %sub3A_87 = vector.broadcast %sub3A_86 : i32 to vector<16xi32>
    %sub3A_88 = arith.subi %add3A_85, %sub3A_87 : vector<16xi32>
    %gather3A_89 = tpu.vector_load_idx %arg11[%sub3A_88] : memref<320xf32, #tpu.memory_space<vmem>>[vector<16xi32>], vector<16xf32>,
    %gt3A_90 = arith.cmpf ogt, %get3A_48, %gather3A_89 : vector<16xf32>
    %select_n3A_91 = arith.select %gt3A_90, %add3A_85, %select_n3A_82 : vector<16xi1>, vector<16xi32>
    %add3A_92 = arith.constant 1 : i32
    %add3A_93 = vector.broadcast %add3A_92 : i32 to vector<16xi32>
    %add3A_94 = arith.addi %select_n3A_91, %add3A_93 : vector<16xi32>
    %sub3A_95 = arith.constant 1 : i32
    %sub3A_96 = vector.broadcast %sub3A_95 : i32 to vector<16xi32>
    %sub3A_97 = arith.subi %add3A_94, %sub3A_96 : vector<16xi32>
    %gather3A_98 = tpu.vector_load_idx %arg11[%sub3A_97] : memref<320xf32, #tpu.memory_space<vmem>>[vector<16xi32>], vector<16xf32>,
    %gt3A_99 = arith.cmpf ogt, %get3A_48, %gather3A_98 : vector<16xf32>
    %select_n3A_100 = arith.select %gt3A_99, %add3A_94, %select_n3A_91 : vector<16xi1>, vector<16xi32>
    %add3A_101 = arith.constant 128 : i32
    %add3A_102 = vector.broadcast %add3A_101 : i32 to vector<16xi32>
    %add3A_103 = arith.addi %broadcast_in_dim3A_45, %add3A_102 : vector<16xi32>
    %add3A_104 = arith.constant 63 : i32
    %add3A_105 = vector.broadcast %add3A_104 : i32 to vector<16xi32>
    %add3A_106 = arith.addi %add3A_103, %add3A_105 : vector<16xi32>
    %gather3A_107 = tpu.vector_load_idx %arg11[%add3A_106] : memref<320xf32, #tpu.memory_space<vmem>>[vector<16xi32>], vector<16xf32>,
    %gt3A_108 = arith.cmpf ogt, %get3A_50, %gather3A_107 : vector<16xf32>
    %select_n3A_109 = arith.select %gt3A_108, %add3A_103, %broadcast_in_dim3A_45 : vector<16xi1>, vector<16xi32>
    %add3A_110 = arith.constant 64 : i32
    %add3A_111 = vector.broadcast %add3A_110 : i32 to vector<16xi32>
    %add3A_112 = arith.addi %select_n3A_109, %add3A_111 : vector<16xi32>
    %add3A_113 = arith.constant 63 : i32
    %add3A_114 = vector.broadcast %add3A_113 : i32 to vector<16xi32>
    %add3A_115 = arith.addi %add3A_112, %add3A_114 : vector<16xi32>
    %gather3A_116 = tpu.vector_load_idx %arg11[%add3A_115] : memref<320xf32, #tpu.memory_space<vmem>>[vector<16xi32>], vector<16xf32>,
    %gt3A_117 = arith.cmpf ogt, %get3A_50, %gather3A_116 : vector<16xf32>
    %select_n3A_118 = arith.select %gt3A_117, %add3A_112, %select_n3A_109 : vector<16xi1>, vector<16xi32>
    %add3A_119 = arith.constant 32 : i32
    %add3A_120 = vector.broadcast %add3A_119 : i32 to vector<16xi32>
    %add3A_121 = arith.addi %select_n3A_118, %add3A_120 : vector<16xi32>
    %add3A_122 = arith.constant 63 : i32
    %add3A_123 = vector.broadcast %add3A_122 : i32 to vector<16xi32>
    %add3A_124 = arith.addi %add3A_121, %add3A_123 : vector<16xi32>
    %gather3A_125 = tpu.vector_load_idx %arg11[%add3A_124] : memref<320xf32, #tpu.memory_space<vmem>>[vector<16xi32>], vector<16xf32>,
    %gt3A_126 = arith.cmpf ogt, %get3A_50, %gather3A_125 : vector<16xf32>
    %select_n3A_127 = arith.select %gt3A_126, %add3A_121, %select_n3A_118 : vector<16xi1>, vector<16xi32>
    %add3A_128 = arith.constant 16 : i32
    %add3A_129 = vector.broadcast %add3A_128 : i32 to vector<16xi32>
    %add3A_130 = arith.addi %select_n3A_127, %add3A_129 : vector<16xi32>
    %add3A_131 = arith.constant 63 : i32
    %add3A_132 = vector.broadcast %add3A_131 : i32 to vector<16xi32>
    %add3A_133 = arith.addi %add3A_130, %add3A_132 : vector<16xi32>
    %gather3A_134 = tpu.vector_load_idx %arg11[%add3A_133] : memref<320xf32, #tpu.memory_space<vmem>>[vector<16xi32>], vector<16xf32>,
    %gt3A_135 = arith.cmpf ogt, %get3A_50, %gather3A_134 : vector<16xf32>
    %select_n3A_136 = arith.select %gt3A_135, %add3A_130, %select_n3A_127 : vector<16xi1>, vector<16xi32>
    %add3A_137 = arith.constant 8 : i32
    %add3A_138 = vector.broadcast %add3A_137 : i32 to vector<16xi32>
    %add3A_139 = arith.addi %select_n3A_136, %add3A_138 : vector<16xi32>
    %add3A_140 = arith.constant 63 : i32
    %add3A_141 = vector.broadcast %add3A_140 : i32 to vector<16xi32>
    %add3A_142 = arith.addi %add3A_139, %add3A_141 : vector<16xi32>
    %gather3A_143 = tpu.vector_load_idx %arg11[%add3A_142] : memref<320xf32, #tpu.memory_space<vmem>>[vector<16xi32>], vector<16xf32>,
    %gt3A_144 = arith.cmpf ogt, %get3A_50, %gather3A_143 : vector<16xf32>
    %select_n3A_145 = arith.select %gt3A_144, %add3A_139, %select_n3A_136 : vector<16xi1>, vector<16xi32>
    %add3A_146 = arith.constant 4 : i32
    %add3A_147 = vector.broadcast %add3A_146 : i32 to vector<16xi32>
    %add3A_148 = arith.addi %select_n3A_145, %add3A_147 : vector<16xi32>
    %add3A_149 = arith.constant 63 : i32
    %add3A_150 = vector.broadcast %add3A_149 : i32 to vector<16xi32>
    %add3A_151 = arith.addi %add3A_148, %add3A_150 : vector<16xi32>
    %gather3A_152 = tpu.vector_load_idx %arg11[%add3A_151] : memref<320xf32, #tpu.memory_space<vmem>>[vector<16xi32>], vector<16xf32>,
    %gt3A_153 = arith.cmpf ogt, %get3A_50, %gather3A_152 : vector<16xf32>
    %select_n3A_154 = arith.select %gt3A_153, %add3A_148, %select_n3A_145 : vector<16xi1>, vector<16xi32>
    %add3A_155 = arith.constant 2 : i32
    %add3A_156 = vector.broadcast %add3A_155 : i32 to vector<16xi32>
    %add3A_157 = arith.addi %select_n3A_154, %add3A_156 : vector<16xi32>
    %add3A_158 = arith.constant 63 : i32
    %add3A_159 = vector.broadcast %add3A_158 : i32 to vector<16xi32>
    %add3A_160 = arith.addi %add3A_157, %add3A_159 : vector<16xi32>
    %gather3A_161 = tpu.vector_load_idx %arg11[%add3A_160] : memref<320xf32, #tpu.memory_space<vmem>>[vector<16xi32>], vector<16xf32>,
    %gt3A_162 = arith.cmpf ogt, %get3A_50, %gather3A_161 : vector<16xf32>
    %select_n3A_163 = arith.select %gt3A_162, %add3A_157, %select_n3A_154 : vector<16xi1>, vector<16xi32>
    %add3A_164 = arith.constant 1 : i32
    %add3A_165 = vector.broadcast %add3A_164 : i32 to vector<16xi32>
    %add3A_166 = arith.addi %select_n3A_163, %add3A_165 : vector<16xi32>
    %add3A_167 = arith.constant 63 : i32
    %add3A_168 = vector.broadcast %add3A_167 : i32 to vector<16xi32>
    %add3A_169 = arith.addi %add3A_166, %add3A_168 : vector<16xi32>
    %gather3A_170 = tpu.vector_load_idx %arg11[%add3A_169] : memref<320xf32, #tpu.memory_space<vmem>>[vector<16xi32>], vector<16xf32>,
    %gt3A_171 = arith.cmpf ogt, %get3A_50, %gather3A_170 : vector<16xf32>
    %select_n3A_172 = arith.select %gt3A_171, %add3A_166, %select_n3A_163 : vector<16xi1>, vector<16xi32>
    %mul3A_173 = arith.constant 256 : i32
    %mul3A_174 = vector.broadcast %mul3A_173 : i32 to vector<16xi32>
    %mul3A_175 = arith.muli %select_n3A_100, %mul3A_174 : vector<16xi32>
    %add3A_176 = arith.addi %mul3A_175, %select_n3A_172 : vector<16xi32>
    %swap3A = arith.constant 0 : index
    %swap3A_177 = tpu.vector_load %arg13[%swap3A] {strides = array<i32>} : memref<128xi32, #tpu.memory_space<vmem>>, vector<16xi32>,
    tpu.vector_store %arg13[%swap3A], %add3A_176 {strides = array<i32>} : memref<128xi32, #tpu.memory_space<vmem>>, vector<16xi32>,
    %add3A_178 = arith.constant 16384 : i32
    %add3A_179 = vector.broadcast %add3A_178 : i32 to vector<16xi32>
    %add3A_180 = arith.addi %add3A_176, %add3A_179 : vector<16xi32>
    %swap3A_181 = arith.constant 0 : index
    %swap3A_182 = tpu.vector_load %arg14[%swap3A_181] {strides = array<i32>} : memref<128xi32, #tpu.memory_space<vmem>>, vector<16xi32>,
    tpu.vector_store %arg14[%swap3A_181], %add3A_180 {strides = array<i32>} : memref<128xi32, #tpu.memory_space<vmem>>, vector<16xi32>,
    %get3A_183 = arith.constant 0 : index
    %get3A_184 = tpu.vector_load %arg9[%get3A_183] {strides = array<i32>} : memref<128xf32, #tpu.memory_space<vmem>>, vector<16xf32>,
    %get3A_185 = arith.constant 0 : index
    %get3A_186 = tpu.vector_load %arg10[%get3A_185] {strides = array<i32>} : memref<128xf32, #tpu.memory_space<vmem>>, vector<16xf32>,
    %mul3A_187 = arith.mulf %get3A_184, %get3A_186 : vector<16xf32>
    %swap3A_188 = arith.constant 0 : index
    %swap3A_189 = tpu.vector_load %arg12[%swap3A_188] {strides = array<i32>} : memref<128xf32, #tpu.memory_space<vmem>>, vector<16xf32>,
    tpu.vector_store %arg12[%swap3A_188], %mul3A_187 {strides = array<i32>} : memref<128xf32, #tpu.memory_space<vmem>>, vector<16xf32>,
    %get3A_190 = arith.constant 16 : index
    %get3A_191 = tpu.vector_load %arg7[%get3A_190] {strides = array<i32>} : memref<128xf32, #tpu.memory_space<vmem>>, vector<16xf32>,
    %get3A_192 = arith.constant 16 : index
    %get3A_193 = tpu.vector_load %arg8[%get3A_192] {strides = array<i32>} : memref<128xf32, #tpu.memory_space<vmem>>, vector<16xf32>,
    %add3A_194 = arith.constant 32 : i32
    %add3A_195 = vector.broadcast %add3A_194 : i32 to vector<16xi32>
    %add3A_196 = arith.addi %broadcast_in_dim3A_45, %add3A_195 : vector<16xi32>
    %sub3A_197 = arith.constant 1 : i32
    %sub3A_198 = vector.broadcast %sub3A_197 : i32 to vector<16xi32>
    %sub3A_199 = arith.subi %add3A_196, %sub3A_198 : vector<16xi32>
    %gather3A_200 = tpu.vector_load_idx %arg11[%sub3A_199] : memref<320xf32, #tpu.memory_space<vmem>>[vector<16xi32>], vector<16xf32>,
    %gt3A_201 = arith.cmpf ogt, %get3A_191, %gather3A_200 : vector<16xf32>
    %select_n3A_202 = arith.select %gt3A_201, %add3A_196, %broadcast_in_dim3A_45 : vector<16xi1>, vector<16xi32>
    %add3A_203 = arith.constant 16 : i32
    %add3A_204 = vector.broadcast %add3A_203 : i32 to vector<16xi32>
    %add3A_205 = arith.addi %select_n3A_202, %add3A_204 : vector<16xi32>
    %sub3A_206 = arith.constant 1 : i32
    %sub3A_207 = vector.broadcast %sub3A_206 : i32 to vector<16xi32>
    %sub3A_208 = arith.subi %add3A_205, %sub3A_207 : vector<16xi32>
    %gather3A_209 = tpu.vector_load_idx %arg11[%sub3A_208] : memref<320xf32, #tpu.memory_space<vmem>>[vector<16xi32>], vector<16xf32>,
    %gt3A_210 = arith.cmpf ogt, %get3A_191, %gather3A_209 : vector<16xf32>
    %select_n3A_211 = arith.select %gt3A_210, %add3A_205, %select_n3A_202 : vector<16xi1>, vector<16xi32>
    %add3A_212 = arith.constant 8 : i32
    %add3A_213 = vector.broadcast %add3A_212 : i32 to vector<16xi32>
    %add3A_214 = arith.addi %select_n3A_211, %add3A_213 : vector<16xi32>
    %sub3A_215 = arith.constant 1 : i32
    %sub3A_216 = vector.broadcast %sub3A_215 : i32 to vector<16xi32>
    %sub3A_217 = arith.subi %add3A_214, %sub3A_216 : vector<16xi32>
    %gather3A_218 = tpu.vector_load_idx %arg11[%sub3A_217] : memref<320xf32, #tpu.memory_space<vmem>>[vector<16xi32>], vector<16xf32>,
    %gt3A_219 = arith.cmpf ogt, %get3A_191, %gather3A_218 : vector<16xf32>
    %select_n3A_220 = arith.select %gt3A_219, %add3A_214, %select_n3A_211 : vector<16xi1>, vector<16xi32>
    %add3A_221 = arith.constant 4 : i32
    %add3A_222 = vector.broadcast %add3A_221 : i32 to vector<16xi32>
    %add3A_223 = arith.addi %select_n3A_220, %add3A_222 : vector<16xi32>
    %sub3A_224 = arith.constant 1 : i32
    %sub3A_225 = vector.broadcast %sub3A_224 : i32 to vector<16xi32>
    %sub3A_226 = arith.subi %add3A_223, %sub3A_225 : vector<16xi32>
    %gather3A_227 = tpu.vector_load_idx %arg11[%sub3A_226] : memref<320xf32, #tpu.memory_space<vmem>>[vector<16xi32>], vector<16xf32>,
    %gt3A_228 = arith.cmpf ogt, %get3A_191, %gather3A_227 : vector<16xf32>
    %select_n3A_229 = arith.select %gt3A_228, %add3A_223, %select_n3A_220 : vector<16xi1>, vector<16xi32>
    %add3A_230 = arith.constant 2 : i32
    %add3A_231 = vector.broadcast %add3A_230 : i32 to vector<16xi32>
    %add3A_232 = arith.addi %select_n3A_229, %add3A_231 : vector<16xi32>
    %sub3A_233 = arith.constant 1 : i32
    %sub3A_234 = vector.broadcast %sub3A_233 : i32 to vector<16xi32>
    %sub3A_235 = arith.subi %add3A_232, %sub3A_234 : vector<16xi32>
    %gather3A_236 = tpu.vector_load_idx %arg11[%sub3A_235] : memref<320xf32, #tpu.memory_space<vmem>>[vector<16xi32>], vector<16xf32>,
    %gt3A_237 = arith.cmpf ogt, %get3A_191, %gather3A_236 : vector<16xf32>
    %select_n3A_238 = arith.select %gt3A_237, %add3A_232, %select_n3A_229 : vector<16xi1>, vector<16xi32>
    %add3A_239 = arith.constant 1 : i32
    %add3A_240 = vector.broadcast %add3A_239 : i32 to vector<16xi32>
    %add3A_241 = arith.addi %select_n3A_238, %add3A_240 : vector<16xi32>
    %sub3A_242 = arith.constant 1 : i32
    %sub3A_243 = vector.broadcast %sub3A_242 : i32 to vector<16xi32>
    %sub3A_244 = arith.subi %add3A_241, %sub3A_243 : vector<16xi32>
    %gather3A_245 = tpu.vector_load_idx %arg11[%sub3A_244] : memref<320xf32, #tpu.memory_space<vmem>>[vector<16xi32>], vector<16xf32>,
    %gt3A_246 = arith.cmpf ogt, %get3A_191, %gather3A_245 : vector<16xf32>
    %select_n3A_247 = arith.select %gt3A_246, %add3A_241, %select_n3A_238 : vector<16xi1>, vector<16xi32>
    %add3A_248 = arith.constant 128 : i32
    %add3A_249 = vector.broadcast %add3A_248 : i32 to vector<16xi32>
    %add3A_250 = arith.addi %broadcast_in_dim3A_45, %add3A_249 : vector<16xi32>
    %add3A_251 = arith.constant 63 : i32
    %add3A_252 = vector.broadcast %add3A_251 : i32 to vector<16xi32>
    %add3A_253 = arith.addi %add3A_250, %add3A_252 : vector<16xi32>
    %gather3A_254 = tpu.vector_load_idx %arg11[%add3A_253] : memref<320xf32, #tpu.memory_space<vmem>>[vector<16xi32>], vector<16xf32>,
    %gt3A_255 = arith.cmpf ogt, %get3A_193, %gather3A_254 : vector<16xf32>
    %select_n3A_256 = arith.select %gt3A_255, %add3A_250, %broadcast_in_dim3A_45 : vector<16xi1>, vector<16xi32>
    %add3A_257 = arith.constant 64 : i32
    %add3A_258 = vector.broadcast %add3A_257 : i32 to vector<16xi32>
    %add3A_259 = arith.addi %select_n3A_256, %add3A_258 : vector<16xi32>
    %add3A_260 = arith.constant 63 : i32
    %add3A_261 = vector.broadcast %add3A_260 : i32 to vector<16xi32>
    %add3A_262 = arith.addi %add3A_259, %add3A_261 : vector<16xi32>
    %gather3A_263 = tpu.vector_load_idx %arg11[%add3A_262] : memref<320xf32, #tpu.memory_space<vmem>>[vector<16xi32>], vector<16xf32>,
    %gt3A_264 = arith.cmpf ogt, %get3A_193, %gather3A_263 : vector<16xf32>
    %select_n3A_265 = arith.select %gt3A_264, %add3A_259, %select_n3A_256 : vector<16xi1>, vector<16xi32>
    %add3A_266 = arith.constant 32 : i32
    %add3A_267 = vector.broadcast %add3A_266 : i32 to vector<16xi32>
    %add3A_268 = arith.addi %select_n3A_265, %add3A_267 : vector<16xi32>
    %add3A_269 = arith.constant 63 : i32
    %add3A_270 = vector.broadcast %add3A_269 : i32 to vector<16xi32>
    %add3A_271 = arith.addi %add3A_268, %add3A_270 : vector<16xi32>
    %gather3A_272 = tpu.vector_load_idx %arg11[%add3A_271] : memref<320xf32, #tpu.memory_space<vmem>>[vector<16xi32>], vector<16xf32>,
    %gt3A_273 = arith.cmpf ogt, %get3A_193, %gather3A_272 : vector<16xf32>
    %select_n3A_274 = arith.select %gt3A_273, %add3A_268, %select_n3A_265 : vector<16xi1>, vector<16xi32>
    %add3A_275 = arith.constant 16 : i32
    %add3A_276 = vector.broadcast %add3A_275 : i32 to vector<16xi32>
    %add3A_277 = arith.addi %select_n3A_274, %add3A_276 : vector<16xi32>
    %add3A_278 = arith.constant 63 : i32
    %add3A_279 = vector.broadcast %add3A_278 : i32 to vector<16xi32>
    %add3A_280 = arith.addi %add3A_277, %add3A_279 : vector<16xi32>
    %gather3A_281 = tpu.vector_load_idx %arg11[%add3A_280] : memref<320xf32, #tpu.memory_space<vmem>>[vector<16xi32>], vector<16xf32>,
    %gt3A_282 = arith.cmpf ogt, %get3A_193, %gather3A_281 : vector<16xf32>
    %select_n3A_283 = arith.select %gt3A_282, %add3A_277, %select_n3A_274 : vector<16xi1>, vector<16xi32>
    %add3A_284 = arith.constant 8 : i32
    %add3A_285 = vector.broadcast %add3A_284 : i32 to vector<16xi32>
    %add3A_286 = arith.addi %select_n3A_283, %add3A_285 : vector<16xi32>
    %add3A_287 = arith.constant 63 : i32
    %add3A_288 = vector.broadcast %add3A_287 : i32 to vector<16xi32>
    %add3A_289 = arith.addi %add3A_286, %add3A_288 : vector<16xi32>
    %gather3A_290 = tpu.vector_load_idx %arg11[%add3A_289] : memref<320xf32, #tpu.memory_space<vmem>>[vector<16xi32>], vector<16xf32>,
    %gt3A_291 = arith.cmpf ogt, %get3A_193, %gather3A_290 : vector<16xf32>
    %select_n3A_292 = arith.select %gt3A_291, %add3A_286, %select_n3A_283 : vector<16xi1>, vector<16xi32>
    %add3A_293 = arith.constant 4 : i32
    %add3A_294 = vector.broadcast %add3A_293 : i32 to vector<16xi32>
    %add3A_295 = arith.addi %select_n3A_292, %add3A_294 : vector<16xi32>
    %add3A_296 = arith.constant 63 : i32
    %add3A_297 = vector.broadcast %add3A_296 : i32 to vector<16xi32>
    %add3A_298 = arith.addi %add3A_295, %add3A_297 : vector<16xi32>
    %gather3A_299 = tpu.vector_load_idx %arg11[%add3A_298] : memref<320xf32, #tpu.memory_space<vmem>>[vector<16xi32>], vector<16xf32>,
    %gt3A_300 = arith.cmpf ogt, %get3A_193, %gather3A_299 : vector<16xf32>
    %select_n3A_301 = arith.select %gt3A_300, %add3A_295, %select_n3A_292 : vector<16xi1>, vector<16xi32>
    %add3A_302 = arith.constant 2 : i32
    %add3A_303 = vector.broadcast %add3A_302 : i32 to vector<16xi32>
    %add3A_304 = arith.addi %select_n3A_301, %add3A_303 : vector<16xi32>
    %add3A_305 = arith.constant 63 : i32
    %add3A_306 = vector.broadcast %add3A_305 : i32 to vector<16xi32>
    %add3A_307 = arith.addi %add3A_304, %add3A_306 : vector<16xi32>
    %gather3A_308 = tpu.vector_load_idx %arg11[%add3A_307] : memref<320xf32, #tpu.memory_space<vmem>>[vector<16xi32>], vector<16xf32>,
    %gt3A_309 = arith.cmpf ogt, %get3A_193, %gather3A_308 : vector<16xf32>
    %select_n3A_310 = arith.select %gt3A_309, %add3A_304, %select_n3A_301 : vector<16xi1>, vector<16xi32>
    %add3A_311 = arith.constant 1 : i32
    %add3A_312 = vector.broadcast %add3A_311 : i32 to vector<16xi32>
    %add3A_313 = arith.addi %select_n3A_310, %add3A_312 : vector<16xi32>
    %add3A_314 = arith.constant 63 : i32
    %add3A_315 = vector.broadcast %add3A_314 : i32 to vector<16xi32>
    %add3A_316 = arith.addi %add3A_313, %add3A_315 : vector<16xi32>
    %gather3A_317 = tpu.vector_load_idx %arg11[%add3A_316] : memref<320xf32, #tpu.memory_space<vmem>>[vector<16xi32>], vector<16xf32>,
    %gt3A_318 = arith.cmpf ogt, %get3A_193, %gather3A_317 : vector<16xf32>
    %select_n3A_319 = arith.select %gt3A_318, %add3A_313, %select_n3A_310 : vector<16xi1>, vector<16xi32>
    %mul3A_320 = arith.constant 256 : i32
    %mul3A_321 = vector.broadcast %mul3A_320 : i32 to vector<16xi32>
    %mul3A_322 = arith.muli %select_n3A_247, %mul3A_321 : vector<16xi32>
    %add3A_323 = arith.addi %mul3A_322, %select_n3A_319 : vector<16xi32>
    %swap3A_324 = arith.constant 16 : index
    %swap3A_325 = tpu.vector_load %arg13[%swap3A_324] {strides = array<i32>} : memref<128xi32, #tpu.memory_space<vmem>>, vector<16xi32>,
    tpu.vector_store %arg13[%swap3A_324], %add3A_323 {strides = array<i32>} : memref<128xi32, #tpu.memory_space<vmem>>, vector<16xi32>,
    %add3A_326 = arith.constant 16384 : i32
    %add3A_327 = vector.broadcast %add3A_326 : i32 to vector<16xi32>
    %add3A_328 = arith.addi %add3A_323, %add3A_327 : vector<16xi32>
    %swap3A_329 = arith.constant 16 : index
    %swap3A_330 = tpu.vector_load %arg14[%swap3A_329] {strides = array<i32>} : memref<128xi32, #tpu.memory_space<vmem>>, vector<16xi32>,
    tpu.vector_store %arg14[%swap3A_329], %add3A_328 {strides = array<i32>} : memref<128xi32, #tpu.memory_space<vmem>>, vector<16xi32>,
    %get3A_331 = arith.constant 16 : index
    %get3A_332 = tpu.vector_load %arg9[%get3A_331] {strides = array<i32>} : memref<128xf32, #tpu.memory_space<vmem>>, vector<16xf32>,
    %get3A_333 = arith.constant 16 : index
    %get3A_334 = tpu.vector_load %arg10[%get3A_333] {strides = array<i32>} : memref<128xf32, #tpu.memory_space<vmem>>, vector<16xf32>,
    %mul3A_335 = arith.mulf %get3A_332, %get3A_334 : vector<16xf32>
    %swap3A_336 = arith.constant 16 : index
    %swap3A_337 = tpu.vector_load %arg12[%swap3A_336] {strides = array<i32>} : memref<128xf32, #tpu.memory_space<vmem>>, vector<16xf32>,
    tpu.vector_store %arg12[%swap3A_336], %mul3A_335 {strides = array<i32>} : memref<128xf32, #tpu.memory_space<vmem>>, vector<16xf32>,
    %get3A_338 = arith.constant 32 : index
    %get3A_339 = tpu.vector_load %arg7[%get3A_338] {strides = array<i32>} : memref<128xf32, #tpu.memory_space<vmem>>, vector<16xf32>,
    %get3A_340 = arith.constant 32 : index
    %get3A_341 = tpu.vector_load %arg8[%get3A_340] {strides = array<i32>} : memref<128xf32, #tpu.memory_space<vmem>>, vector<16xf32>,
    %add3A_342 = arith.constant 32 : i32
    %add3A_343 = vector.broadcast %add3A_342 : i32 to vector<16xi32>
    %add3A_344 = arith.addi %broadcast_in_dim3A_45, %add3A_343 : vector<16xi32>
    %sub3A_345 = arith.constant 1 : i32
    %sub3A_346 = vector.broadcast %sub3A_345 : i32 to vector<16xi32>
    %sub3A_347 = arith.subi %add3A_344, %sub3A_346 : vector<16xi32>
    %gather3A_348 = tpu.vector_load_idx %arg11[%sub3A_347] : memref<320xf32, #tpu.memory_space<vmem>>[vector<16xi32>], vector<16xf32>,
    %gt3A_349 = arith.cmpf ogt, %get3A_339, %gather3A_348 : vector<16xf32>
    %select_n3A_350 = arith.select %gt3A_349, %add3A_344, %broadcast_in_dim3A_45 : vector<16xi1>, vector<16xi32>
    %add3A_351 = arith.constant 16 : i32
    %add3A_352 = vector.broadcast %add3A_351 : i32 to vector<16xi32>
    %add3A_353 = arith.addi %select_n3A_350, %add3A_352 : vector<16xi32>
    %sub3A_354 = arith.constant 1 : i32
    %sub3A_355 = vector.broadcast %sub3A_354 : i32 to vector<16xi32>
    %sub3A_356 = arith.subi %add3A_353, %sub3A_355 : vector<16xi32>
    %gather3A_357 = tpu.vector_load_idx %arg11[%sub3A_356] : memref<320xf32, #tpu.memory_space<vmem>>[vector<16xi32>], vector<16xf32>,
    %gt3A_358 = arith.cmpf ogt, %get3A_339, %gather3A_357 : vector<16xf32>
    %select_n3A_359 = arith.select %gt3A_358, %add3A_353, %select_n3A_350 : vector<16xi1>, vector<16xi32>
    %add3A_360 = arith.constant 8 : i32
    %add3A_361 = vector.broadcast %add3A_360 : i32 to vector<16xi32>
    %add3A_362 = arith.addi %select_n3A_359, %add3A_361 : vector<16xi32>
    %sub3A_363 = arith.constant 1 : i32
    %sub3A_364 = vector.broadcast %sub3A_363 : i32 to vector<16xi32>
    %sub3A_365 = arith.subi %add3A_362, %sub3A_364 : vector<16xi32>
    %gather3A_366 = tpu.vector_load_idx %arg11[%sub3A_365] : memref<320xf32, #tpu.memory_space<vmem>>[vector<16xi32>], vector<16xf32>,
    %gt3A_367 = arith.cmpf ogt, %get3A_339, %gather3A_366 : vector<16xf32>
    %select_n3A_368 = arith.select %gt3A_367, %add3A_362, %select_n3A_359 : vector<16xi1>, vector<16xi32>
    %add3A_369 = arith.constant 4 : i32
    %add3A_370 = vector.broadcast %add3A_369 : i32 to vector<16xi32>
    %add3A_371 = arith.addi %select_n3A_368, %add3A_370 : vector<16xi32>
    %sub3A_372 = arith.constant 1 : i32
    %sub3A_373 = vector.broadcast %sub3A_372 : i32 to vector<16xi32>
    %sub3A_374 = arith.subi %add3A_371, %sub3A_373 : vector<16xi32>
    %gather3A_375 = tpu.vector_load_idx %arg11[%sub3A_374] : memref<320xf32, #tpu.memory_space<vmem>>[vector<16xi32>], vector<16xf32>,
    %gt3A_376 = arith.cmpf ogt, %get3A_339, %gather3A_375 : vector<16xf32>
    %select_n3A_377 = arith.select %gt3A_376, %add3A_371, %select_n3A_368 : vector<16xi1>, vector<16xi32>
    %add3A_378 = arith.constant 2 : i32
    %add3A_379 = vector.broadcast %add3A_378 : i32 to vector<16xi32>
    %add3A_380 = arith.addi %select_n3A_377, %add3A_379 : vector<16xi32>
    %sub3A_381 = arith.constant 1 : i32
    %sub3A_382 = vector.broadcast %sub3A_381 : i32 to vector<16xi32>
    %sub3A_383 = arith.subi %add3A_380, %sub3A_382 : vector<16xi32>
    %gather3A_384 = tpu.vector_load_idx %arg11[%sub3A_383] : memref<320xf32, #tpu.memory_space<vmem>>[vector<16xi32>], vector<16xf32>,
    %gt3A_385 = arith.cmpf ogt, %get3A_339, %gather3A_384 : vector<16xf32>
    %select_n3A_386 = arith.select %gt3A_385, %add3A_380, %select_n3A_377 : vector<16xi1>, vector<16xi32>
    %add3A_387 = arith.constant 1 : i32
    %add3A_388 = vector.broadcast %add3A_387 : i32 to vector<16xi32>
    %add3A_389 = arith.addi %select_n3A_386, %add3A_388 : vector<16xi32>
    %sub3A_390 = arith.constant 1 : i32
    %sub3A_391 = vector.broadcast %sub3A_390 : i32 to vector<16xi32>
    %sub3A_392 = arith.subi %add3A_389, %sub3A_391 : vector<16xi32>
    %gather3A_393 = tpu.vector_load_idx %arg11[%sub3A_392] : memref<320xf32, #tpu.memory_space<vmem>>[vector<16xi32>], vector<16xf32>,
    %gt3A_394 = arith.cmpf ogt, %get3A_339, %gather3A_393 : vector<16xf32>
    %select_n3A_395 = arith.select %gt3A_394, %add3A_389, %select_n3A_386 : vector<16xi1>, vector<16xi32>
    %add3A_396 = arith.constant 128 : i32
    %add3A_397 = vector.broadcast %add3A_396 : i32 to vector<16xi32>
    %add3A_398 = arith.addi %broadcast_in_dim3A_45, %add3A_397 : vector<16xi32>
    %add3A_399 = arith.constant 63 : i32
    %add3A_400 = vector.broadcast %add3A_399 : i32 to vector<16xi32>
    %add3A_401 = arith.addi %add3A_398, %add3A_400 : vector<16xi32>
    %gather3A_402 = tpu.vector_load_idx %arg11[%add3A_401] : memref<320xf32, #tpu.memory_space<vmem>>[vector<16xi32>], vector<16xf32>,
    %gt3A_403 = arith.cmpf ogt, %get3A_341, %gather3A_402 : vector<16xf32>
    %select_n3A_404 = arith.select %gt3A_403, %add3A_398, %broadcast_in_dim3A_45 : vector<16xi1>, vector<16xi32>
    %add3A_405 = arith.constant 64 : i32
    %add3A_406 = vector.broadcast %add3A_405 : i32 to vector<16xi32>
    %add3A_407 = arith.addi %select_n3A_404, %add3A_406 : vector<16xi32>
    %add3A_408 = arith.constant 63 : i32
    %add3A_409 = vector.broadcast %add3A_408 : i32 to vector<16xi32>
    %add3A_410 = arith.addi %add3A_407, %add3A_409 : vector<16xi32>
    %gather3A_411 = tpu.vector_load_idx %arg11[%add3A_410] : memref<320xf32, #tpu.memory_space<vmem>>[vector<16xi32>], vector<16xf32>,
    %gt3A_412 = arith.cmpf ogt, %get3A_341, %gather3A_411 : vector<16xf32>
    %select_n3A_413 = arith.select %gt3A_412, %add3A_407, %select_n3A_404 : vector<16xi1>, vector<16xi32>
    %add3A_414 = arith.constant 32 : i32
    %add3A_415 = vector.broadcast %add3A_414 : i32 to vector<16xi32>
    %add3A_416 = arith.addi %select_n3A_413, %add3A_415 : vector<16xi32>
    %add3A_417 = arith.constant 63 : i32
    %add3A_418 = vector.broadcast %add3A_417 : i32 to vector<16xi32>
    %add3A_419 = arith.addi %add3A_416, %add3A_418 : vector<16xi32>
    %gather3A_420 = tpu.vector_load_idx %arg11[%add3A_419] : memref<320xf32, #tpu.memory_space<vmem>>[vector<16xi32>], vector<16xf32>,
    %gt3A_421 = arith.cmpf ogt, %get3A_341, %gather3A_420 : vector<16xf32>
    %select_n3A_422 = arith.select %gt3A_421, %add3A_416, %select_n3A_413 : vector<16xi1>, vector<16xi32>
    %add3A_423 = arith.constant 16 : i32
    %add3A_424 = vector.broadcast %add3A_423 : i32 to vector<16xi32>
    %add3A_425 = arith.addi %select_n3A_422, %add3A_424 : vector<16xi32>
    %add3A_426 = arith.constant 63 : i32
    %add3A_427 = vector.broadcast %add3A_426 : i32 to vector<16xi32>
    %add3A_428 = arith.addi %add3A_425, %add3A_427 : vector<16xi32>
    %gather3A_429 = tpu.vector_load_idx %arg11[%add3A_428] : memref<320xf32, #tpu.memory_space<vmem>>[vector<16xi32>], vector<16xf32>,
    %gt3A_430 = arith.cmpf ogt, %get3A_341, %gather3A_429 : vector<16xf32>
    %select_n3A_431 = arith.select %gt3A_430, %add3A_425, %select_n3A_422 : vector<16xi1>, vector<16xi32>
    %add3A_432 = arith.constant 8 : i32
    %add3A_433 = vector.broadcast %add3A_432 : i32 to vector<16xi32>
    %add3A_434 = arith.addi %select_n3A_431, %add3A_433 : vector<16xi32>
    %add3A_435 = arith.constant 63 : i32
    %add3A_436 = vector.broadcast %add3A_435 : i32 to vector<16xi32>
    %add3A_437 = arith.addi %add3A_434, %add3A_436 : vector<16xi32>
    %gather3A_438 = tpu.vector_load_idx %arg11[%add3A_437] : memref<320xf32, #tpu.memory_space<vmem>>[vector<16xi32>], vector<16xf32>,
    %gt3A_439 = arith.cmpf ogt, %get3A_341, %gather3A_438 : vector<16xf32>
    %select_n3A_440 = arith.select %gt3A_439, %add3A_434, %select_n3A_431 : vector<16xi1>, vector<16xi32>
    %add3A_441 = arith.constant 4 : i32
    %add3A_442 = vector.broadcast %add3A_441 : i32 to vector<16xi32>
    %add3A_443 = arith.addi %select_n3A_440, %add3A_442 : vector<16xi32>
    %add3A_444 = arith.constant 63 : i32
    %add3A_445 = vector.broadcast %add3A_444 : i32 to vector<16xi32>
    %add3A_446 = arith.addi %add3A_443, %add3A_445 : vector<16xi32>
    %gather3A_447 = tpu.vector_load_idx %arg11[%add3A_446] : memref<320xf32, #tpu.memory_space<vmem>>[vector<16xi32>], vector<16xf32>,
    %gt3A_448 = arith.cmpf ogt, %get3A_341, %gather3A_447 : vector<16xf32>
    %select_n3A_449 = arith.select %gt3A_448, %add3A_443, %select_n3A_440 : vector<16xi1>, vector<16xi32>
    %add3A_450 = arith.constant 2 : i32
    %add3A_451 = vector.broadcast %add3A_450 : i32 to vector<16xi32>
    %add3A_452 = arith.addi %select_n3A_449, %add3A_451 : vector<16xi32>
    %add3A_453 = arith.constant 63 : i32
    %add3A_454 = vector.broadcast %add3A_453 : i32 to vector<16xi32>
    %add3A_455 = arith.addi %add3A_452, %add3A_454 : vector<16xi32>
    %gather3A_456 = tpu.vector_load_idx %arg11[%add3A_455] : memref<320xf32, #tpu.memory_space<vmem>>[vector<16xi32>], vector<16xf32>,
    %gt3A_457 = arith.cmpf ogt, %get3A_341, %gather3A_456 : vector<16xf32>
    %select_n3A_458 = arith.select %gt3A_457, %add3A_452, %select_n3A_449 : vector<16xi1>, vector<16xi32>
    %add3A_459 = arith.constant 1 : i32
    %add3A_460 = vector.broadcast %add3A_459 : i32 to vector<16xi32>
    %add3A_461 = arith.addi %select_n3A_458, %add3A_460 : vector<16xi32>
    %add3A_462 = arith.constant 63 : i32
    %add3A_463 = vector.broadcast %add3A_462 : i32 to vector<16xi32>
    %add3A_464 = arith.addi %add3A_461, %add3A_463 : vector<16xi32>
    %gather3A_465 = tpu.vector_load_idx %arg11[%add3A_464] : memref<320xf32, #tpu.memory_space<vmem>>[vector<16xi32>], vector<16xf32>,
    %gt3A_466 = arith.cmpf ogt, %get3A_341, %gather3A_465 : vector<16xf32>
    %select_n3A_467 = arith.select %gt3A_466, %add3A_461, %select_n3A_458 : vector<16xi1>, vector<16xi32>
    %mul3A_468 = arith.constant 256 : i32
    %mul3A_469 = vector.broadcast %mul3A_468 : i32 to vector<16xi32>
    %mul3A_470 = arith.muli %select_n3A_395, %mul3A_469 : vector<16xi32>
    %add3A_471 = arith.addi %mul3A_470, %select_n3A_467 : vector<16xi32>
    %swap3A_472 = arith.constant 32 : index
    %swap3A_473 = tpu.vector_load %arg13[%swap3A_472] {strides = array<i32>} : memref<128xi32, #tpu.memory_space<vmem>>, vector<16xi32>,
    tpu.vector_store %arg13[%swap3A_472], %add3A_471 {strides = array<i32>} : memref<128xi32, #tpu.memory_space<vmem>>, vector<16xi32>,
    %add3A_474 = arith.constant 16384 : i32
    %add3A_475 = vector.broadcast %add3A_474 : i32 to vector<16xi32>
    %add3A_476 = arith.addi %add3A_471, %add3A_475 : vector<16xi32>
    %swap3A_477 = arith.constant 32 : index
    %swap3A_478 = tpu.vector_load %arg14[%swap3A_477] {strides = array<i32>} : memref<128xi32, #tpu.memory_space<vmem>>, vector<16xi32>,
    tpu.vector_store %arg14[%swap3A_477], %add3A_476 {strides = array<i32>} : memref<128xi32, #tpu.memory_space<vmem>>, vector<16xi32>,
    %get3A_479 = arith.constant 32 : index
    %get3A_480 = tpu.vector_load %arg9[%get3A_479] {strides = array<i32>} : memref<128xf32, #tpu.memory_space<vmem>>, vector<16xf32>,
    %get3A_481 = arith.constant 32 : index
    %get3A_482 = tpu.vector_load %arg10[%get3A_481] {strides = array<i32>} : memref<128xf32, #tpu.memory_space<vmem>>, vector<16xf32>,
    %mul3A_483 = arith.mulf %get3A_480, %get3A_482 : vector<16xf32>
    %swap3A_484 = arith.constant 32 : index
    %swap3A_485 = tpu.vector_load %arg12[%swap3A_484] {strides = array<i32>} : memref<128xf32, #tpu.memory_space<vmem>>, vector<16xf32>,
    tpu.vector_store %arg12[%swap3A_484], %mul3A_483 {strides = array<i32>} : memref<128xf32, #tpu.memory_space<vmem>>, vector<16xf32>,
    %get3A_486 = arith.constant 48 : index
    %get3A_487 = tpu.vector_load %arg7[%get3A_486] {strides = array<i32>} : memref<128xf32, #tpu.memory_space<vmem>>, vector<16xf32>,
    %get3A_488 = arith.constant 48 : index
    %get3A_489 = tpu.vector_load %arg8[%get3A_488] {strides = array<i32>} : memref<128xf32, #tpu.memory_space<vmem>>, vector<16xf32>,
    %add3A_490 = arith.constant 32 : i32
    %add3A_491 = vector.broadcast %add3A_490 : i32 to vector<16xi32>
    %add3A_492 = arith.addi %broadcast_in_dim3A_45, %add3A_491 : vector<16xi32>
    %sub3A_493 = arith.constant 1 : i32
    %sub3A_494 = vector.broadcast %sub3A_493 : i32 to vector<16xi32>
    %sub3A_495 = arith.subi %add3A_492, %sub3A_494 : vector<16xi32>
    %gather3A_496 = tpu.vector_load_idx %arg11[%sub3A_495] : memref<320xf32, #tpu.memory_space<vmem>>[vector<16xi32>], vector<16xf32>,
    %gt3A_497 = arith.cmpf ogt, %get3A_487, %gather3A_496 : vector<16xf32>
    %select_n3A_498 = arith.select %gt3A_497, %add3A_492, %broadcast_in_dim3A_45 : vector<16xi1>, vector<16xi32>
    %add3A_499 = arith.constant 16 : i32
    %add3A_500 = vector.broadcast %add3A_499 : i32 to vector<16xi32>
    %add3A_501 = arith.addi %select_n3A_498, %add3A_500 : vector<16xi32>
    %sub3A_502 = arith.constant 1 : i32
    %sub3A_503 = vector.broadcast %sub3A_502 : i32 to vector<16xi32>
    %sub3A_504 = arith.subi %add3A_501, %sub3A_503 : vector<16xi32>
    %gather3A_505 = tpu.vector_load_idx %arg11[%sub3A_504] : memref<320xf32, #tpu.memory_space<vmem>>[vector<16xi32>], vector<16xf32>,
    %gt3A_506 = arith.cmpf ogt, %get3A_487, %gather3A_505 : vector<16xf32>
    %select_n3A_507 = arith.select %gt3A_506, %add3A_501, %select_n3A_498 : vector<16xi1>, vector<16xi32>
    %add3A_508 = arith.constant 8 : i32
    %add3A_509 = vector.broadcast %add3A_508 : i32 to vector<16xi32>
    %add3A_510 = arith.addi %select_n3A_507, %add3A_509 : vector<16xi32>
    %sub3A_511 = arith.constant 1 : i32
    %sub3A_512 = vector.broadcast %sub3A_511 : i32 to vector<16xi32>
    %sub3A_513 = arith.subi %add3A_510, %sub3A_512 : vector<16xi32>
    %gather3A_514 = tpu.vector_load_idx %arg11[%sub3A_513] : memref<320xf32, #tpu.memory_space<vmem>>[vector<16xi32>], vector<16xf32>,
    %gt3A_515 = arith.cmpf ogt, %get3A_487, %gather3A_514 : vector<16xf32>
    %select_n3A_516 = arith.select %gt3A_515, %add3A_510, %select_n3A_507 : vector<16xi1>, vector<16xi32>
    %add3A_517 = arith.constant 4 : i32
    %add3A_518 = vector.broadcast %add3A_517 : i32 to vector<16xi32>
    %add3A_519 = arith.addi %select_n3A_516, %add3A_518 : vector<16xi32>
    %sub3A_520 = arith.constant 1 : i32
    %sub3A_521 = vector.broadcast %sub3A_520 : i32 to vector<16xi32>
    %sub3A_522 = arith.subi %add3A_519, %sub3A_521 : vector<16xi32>
    %gather3A_523 = tpu.vector_load_idx %arg11[%sub3A_522] : memref<320xf32, #tpu.memory_space<vmem>>[vector<16xi32>], vector<16xf32>,
    %gt3A_524 = arith.cmpf ogt, %get3A_487, %gather3A_523 : vector<16xf32>
    %select_n3A_525 = arith.select %gt3A_524, %add3A_519, %select_n3A_516 : vector<16xi1>, vector<16xi32>
    %add3A_526 = arith.constant 2 : i32
    %add3A_527 = vector.broadcast %add3A_526 : i32 to vector<16xi32>
    %add3A_528 = arith.addi %select_n3A_525, %add3A_527 : vector<16xi32>
    %sub3A_529 = arith.constant 1 : i32
    %sub3A_530 = vector.broadcast %sub3A_529 : i32 to vector<16xi32>
    %sub3A_531 = arith.subi %add3A_528, %sub3A_530 : vector<16xi32>
    %gather3A_532 = tpu.vector_load_idx %arg11[%sub3A_531] : memref<320xf32, #tpu.memory_space<vmem>>[vector<16xi32>], vector<16xf32>,
    %gt3A_533 = arith.cmpf ogt, %get3A_487, %gather3A_532 : vector<16xf32>
    %select_n3A_534 = arith.select %gt3A_533, %add3A_528, %select_n3A_525 : vector<16xi1>, vector<16xi32>
    %add3A_535 = arith.constant 1 : i32
    %add3A_536 = vector.broadcast %add3A_535 : i32 to vector<16xi32>
    %add3A_537 = arith.addi %select_n3A_534, %add3A_536 : vector<16xi32>
    %sub3A_538 = arith.constant 1 : i32
    %sub3A_539 = vector.broadcast %sub3A_538 : i32 to vector<16xi32>
    %sub3A_540 = arith.subi %add3A_537, %sub3A_539 : vector<16xi32>
    %gather3A_541 = tpu.vector_load_idx %arg11[%sub3A_540] : memref<320xf32, #tpu.memory_space<vmem>>[vector<16xi32>], vector<16xf32>,
    %gt3A_542 = arith.cmpf ogt, %get3A_487, %gather3A_541 : vector<16xf32>
    %select_n3A_543 = arith.select %gt3A_542, %add3A_537, %select_n3A_534 : vector<16xi1>, vector<16xi32>
    %add3A_544 = arith.constant 128 : i32
    %add3A_545 = vector.broadcast %add3A_544 : i32 to vector<16xi32>
    %add3A_546 = arith.addi %broadcast_in_dim3A_45, %add3A_545 : vector<16xi32>
    %add3A_547 = arith.constant 63 : i32
    %add3A_548 = vector.broadcast %add3A_547 : i32 to vector<16xi32>
    %add3A_549 = arith.addi %add3A_546, %add3A_548 : vector<16xi32>
    %gather3A_550 = tpu.vector_load_idx %arg11[%add3A_549] : memref<320xf32, #tpu.memory_space<vmem>>[vector<16xi32>], vector<16xf32>,
    %gt3A_551 = arith.cmpf ogt, %get3A_489, %gather3A_550 : vector<16xf32>
    %select_n3A_552 = arith.select %gt3A_551, %add3A_546, %broadcast_in_dim3A_45 : vector<16xi1>, vector<16xi32>
    %add3A_553 = arith.constant 64 : i32
    %add3A_554 = vector.broadcast %add3A_553 : i32 to vector<16xi32>
    %add3A_555 = arith.addi %select_n3A_552, %add3A_554 : vector<16xi32>
    %add3A_556 = arith.constant 63 : i32
    %add3A_557 = vector.broadcast %add3A_556 : i32 to vector<16xi32>
    %add3A_558 = arith.addi %add3A_555, %add3A_557 : vector<16xi32>
    %gather3A_559 = tpu.vector_load_idx %arg11[%add3A_558] : memref<320xf32, #tpu.memory_space<vmem>>[vector<16xi32>], vector<16xf32>,
    %gt3A_560 = arith.cmpf ogt, %get3A_489, %gather3A_559 : vector<16xf32>
    %select_n3A_561 = arith.select %gt3A_560, %add3A_555, %select_n3A_552 : vector<16xi1>, vector<16xi32>
    %add3A_562 = arith.constant 32 : i32
    %add3A_563 = vector.broadcast %add3A_562 : i32 to vector<16xi32>
    %add3A_564 = arith.addi %select_n3A_561, %add3A_563 : vector<16xi32>
    %add3A_565 = arith.constant 63 : i32
    %add3A_566 = vector.broadcast %add3A_565 : i32 to vector<16xi32>
    %add3A_567 = arith.addi %add3A_564, %add3A_566 : vector<16xi32>
    %gather3A_568 = tpu.vector_load_idx %arg11[%add3A_567] : memref<320xf32, #tpu.memory_space<vmem>>[vector<16xi32>], vector<16xf32>,
    %gt3A_569 = arith.cmpf ogt, %get3A_489, %gather3A_568 : vector<16xf32>
    %select_n3A_570 = arith.select %gt3A_569, %add3A_564, %select_n3A_561 : vector<16xi1>, vector<16xi32>
    %add3A_571 = arith.constant 16 : i32
    %add3A_572 = vector.broadcast %add3A_571 : i32 to vector<16xi32>
    %add3A_573 = arith.addi %select_n3A_570, %add3A_572 : vector<16xi32>
    %add3A_574 = arith.constant 63 : i32
    %add3A_575 = vector.broadcast %add3A_574 : i32 to vector<16xi32>
    %add3A_576 = arith.addi %add3A_573, %add3A_575 : vector<16xi32>
    %gather3A_577 = tpu.vector_load_idx %arg11[%add3A_576] : memref<320xf32, #tpu.memory_space<vmem>>[vector<16xi32>], vector<16xf32>,
    %gt3A_578 = arith.cmpf ogt, %get3A_489, %gather3A_577 : vector<16xf32>
    %select_n3A_579 = arith.select %gt3A_578, %add3A_573, %select_n3A_570 : vector<16xi1>, vector<16xi32>
    %add3A_580 = arith.constant 8 : i32
    %add3A_581 = vector.broadcast %add3A_580 : i32 to vector<16xi32>
    %add3A_582 = arith.addi %select_n3A_579, %add3A_581 : vector<16xi32>
    %add3A_583 = arith.constant 63 : i32
    %add3A_584 = vector.broadcast %add3A_583 : i32 to vector<16xi32>
    %add3A_585 = arith.addi %add3A_582, %add3A_584 : vector<16xi32>
    %gather3A_586 = tpu.vector_load_idx %arg11[%add3A_585] : memref<320xf32, #tpu.memory_space<vmem>>[vector<16xi32>], vector<16xf32>,
    %gt3A_587 = arith.cmpf ogt, %get3A_489, %gather3A_586 : vector<16xf32>
    %select_n3A_588 = arith.select %gt3A_587, %add3A_582, %select_n3A_579 : vector<16xi1>, vector<16xi32>
    %add3A_589 = arith.constant 4 : i32
    %add3A_590 = vector.broadcast %add3A_589 : i32 to vector<16xi32>
    %add3A_591 = arith.addi %select_n3A_588, %add3A_590 : vector<16xi32>
    %add3A_592 = arith.constant 63 : i32
    %add3A_593 = vector.broadcast %add3A_592 : i32 to vector<16xi32>
    %add3A_594 = arith.addi %add3A_591, %add3A_593 : vector<16xi32>
    %gather3A_595 = tpu.vector_load_idx %arg11[%add3A_594] : memref<320xf32, #tpu.memory_space<vmem>>[vector<16xi32>], vector<16xf32>,
    %gt3A_596 = arith.cmpf ogt, %get3A_489, %gather3A_595 : vector<16xf32>
    %select_n3A_597 = arith.select %gt3A_596, %add3A_591, %select_n3A_588 : vector<16xi1>, vector<16xi32>
    %add3A_598 = arith.constant 2 : i32
    %add3A_599 = vector.broadcast %add3A_598 : i32 to vector<16xi32>
    %add3A_600 = arith.addi %select_n3A_597, %add3A_599 : vector<16xi32>
    %add3A_601 = arith.constant 63 : i32
    %add3A_602 = vector.broadcast %add3A_601 : i32 to vector<16xi32>
    %add3A_603 = arith.addi %add3A_600, %add3A_602 : vector<16xi32>
    %gather3A_604 = tpu.vector_load_idx %arg11[%add3A_603] : memref<320xf32, #tpu.memory_space<vmem>>[vector<16xi32>], vector<16xf32>,
    %gt3A_605 = arith.cmpf ogt, %get3A_489, %gather3A_604 : vector<16xf32>
    %select_n3A_606 = arith.select %gt3A_605, %add3A_600, %select_n3A_597 : vector<16xi1>, vector<16xi32>
    %add3A_607 = arith.constant 1 : i32
    %add3A_608 = vector.broadcast %add3A_607 : i32 to vector<16xi32>
    %add3A_609 = arith.addi %select_n3A_606, %add3A_608 : vector<16xi32>
    %add3A_610 = arith.constant 63 : i32
    %add3A_611 = vector.broadcast %add3A_610 : i32 to vector<16xi32>
    %add3A_612 = arith.addi %add3A_609, %add3A_611 : vector<16xi32>
    %gather3A_613 = tpu.vector_load_idx %arg11[%add3A_612] : memref<320xf32, #tpu.memory_space<vmem>>[vector<16xi32>], vector<16xf32>,
    %gt3A_614 = arith.cmpf ogt, %get3A_489, %gather3A_613 : vector<16xf32>
    %select_n3A_615 = arith.select %gt3A_614, %add3A_609, %select_n3A_606 : vector<16xi1>, vector<16xi32>
    %mul3A_616 = arith.constant 256 : i32
    %mul3A_617 = vector.broadcast %mul3A_616 : i32 to vector<16xi32>
    %mul3A_618 = arith.muli %select_n3A_543, %mul3A_617 : vector<16xi32>
    %add3A_619 = arith.addi %mul3A_618, %select_n3A_615 : vector<16xi32>
    %swap3A_620 = arith.constant 48 : index
    %swap3A_621 = tpu.vector_load %arg13[%swap3A_620] {strides = array<i32>} : memref<128xi32, #tpu.memory_space<vmem>>, vector<16xi32>,
    tpu.vector_store %arg13[%swap3A_620], %add3A_619 {strides = array<i32>} : memref<128xi32, #tpu.memory_space<vmem>>, vector<16xi32>,
    %add3A_622 = arith.constant 16384 : i32
    %add3A_623 = vector.broadcast %add3A_622 : i32 to vector<16xi32>
    %add3A_624 = arith.addi %add3A_619, %add3A_623 : vector<16xi32>
    %swap3A_625 = arith.constant 48 : index
    %swap3A_626 = tpu.vector_load %arg14[%swap3A_625] {strides = array<i32>} : memref<128xi32, #tpu.memory_space<vmem>>, vector<16xi32>,
    tpu.vector_store %arg14[%swap3A_625], %add3A_624 {strides = array<i32>} : memref<128xi32, #tpu.memory_space<vmem>>, vector<16xi32>,
    %get3A_627 = arith.constant 48 : index
    %get3A_628 = tpu.vector_load %arg9[%get3A_627] {strides = array<i32>} : memref<128xf32, #tpu.memory_space<vmem>>, vector<16xf32>,
    %get3A_629 = arith.constant 48 : index
    %get3A_630 = tpu.vector_load %arg10[%get3A_629] {strides = array<i32>} : memref<128xf32, #tpu.memory_space<vmem>>, vector<16xf32>,
    %mul3A_631 = arith.mulf %get3A_628, %get3A_630 : vector<16xf32>
    %swap3A_632 = arith.constant 48 : index
    %swap3A_633 = tpu.vector_load %arg12[%swap3A_632] {strides = array<i32>} : memref<128xf32, #tpu.memory_space<vmem>>, vector<16xf32>,
    tpu.vector_store %arg12[%swap3A_632], %mul3A_631 {strides = array<i32>} : memref<128xf32, #tpu.memory_space<vmem>>, vector<16xf32>,
    %get3A_634 = arith.constant 64 : index
    %get3A_635 = tpu.vector_load %arg7[%get3A_634] {strides = array<i32>} : memref<128xf32, #tpu.memory_space<vmem>>, vector<16xf32>,
    %get3A_636 = arith.constant 64 : index
    %get3A_637 = tpu.vector_load %arg8[%get3A_636] {strides = array<i32>} : memref<128xf32, #tpu.memory_space<vmem>>, vector<16xf32>,
    %add3A_638 = arith.constant 32 : i32
    %add3A_639 = vector.broadcast %add3A_638 : i32 to vector<16xi32>
    %add3A_640 = arith.addi %broadcast_in_dim3A_45, %add3A_639 : vector<16xi32>
    %sub3A_641 = arith.constant 1 : i32
    %sub3A_642 = vector.broadcast %sub3A_641 : i32 to vector<16xi32>
    %sub3A_643 = arith.subi %add3A_640, %sub3A_642 : vector<16xi32>
    %gather3A_644 = tpu.vector_load_idx %arg11[%sub3A_643] : memref<320xf32, #tpu.memory_space<vmem>>[vector<16xi32>], vector<16xf32>,
    %gt3A_645 = arith.cmpf ogt, %get3A_635, %gather3A_644 : vector<16xf32>
    %select_n3A_646 = arith.select %gt3A_645, %add3A_640, %broadcast_in_dim3A_45 : vector<16xi1>, vector<16xi32>
    %add3A_647 = arith.constant 16 : i32
    %add3A_648 = vector.broadcast %add3A_647 : i32 to vector<16xi32>
    %add3A_649 = arith.addi %select_n3A_646, %add3A_648 : vector<16xi32>
    %sub3A_650 = arith.constant 1 : i32
    %sub3A_651 = vector.broadcast %sub3A_650 : i32 to vector<16xi32>
    %sub3A_652 = arith.subi %add3A_649, %sub3A_651 : vector<16xi32>
    %gather3A_653 = tpu.vector_load_idx %arg11[%sub3A_652] : memref<320xf32, #tpu.memory_space<vmem>>[vector<16xi32>], vector<16xf32>,
    %gt3A_654 = arith.cmpf ogt, %get3A_635, %gather3A_653 : vector<16xf32>
    %select_n3A_655 = arith.select %gt3A_654, %add3A_649, %select_n3A_646 : vector<16xi1>, vector<16xi32>
    %add3A_656 = arith.constant 8 : i32
    %add3A_657 = vector.broadcast %add3A_656 : i32 to vector<16xi32>
    %add3A_658 = arith.addi %select_n3A_655, %add3A_657 : vector<16xi32>
    %sub3A_659 = arith.constant 1 : i32
    %sub3A_660 = vector.broadcast %sub3A_659 : i32 to vector<16xi32>
    %sub3A_661 = arith.subi %add3A_658, %sub3A_660 : vector<16xi32>
    %gather3A_662 = tpu.vector_load_idx %arg11[%sub3A_661] : memref<320xf32, #tpu.memory_space<vmem>>[vector<16xi32>], vector<16xf32>,
    %gt3A_663 = arith.cmpf ogt, %get3A_635, %gather3A_662 : vector<16xf32>
    %select_n3A_664 = arith.select %gt3A_663, %add3A_658, %select_n3A_655 : vector<16xi1>, vector<16xi32>
    %add3A_665 = arith.constant 4 : i32
    %add3A_666 = vector.broadcast %add3A_665 : i32 to vector<16xi32>
    %add3A_667 = arith.addi %select_n3A_664, %add3A_666 : vector<16xi32>
    %sub3A_668 = arith.constant 1 : i32
    %sub3A_669 = vector.broadcast %sub3A_668 : i32 to vector<16xi32>
    %sub3A_670 = arith.subi %add3A_667, %sub3A_669 : vector<16xi32>
    %gather3A_671 = tpu.vector_load_idx %arg11[%sub3A_670] : memref<320xf32, #tpu.memory_space<vmem>>[vector<16xi32>], vector<16xf32>,
    %gt3A_672 = arith.cmpf ogt, %get3A_635, %gather3A_671 : vector<16xf32>
    %select_n3A_673 = arith.select %gt3A_672, %add3A_667, %select_n3A_664 : vector<16xi1>, vector<16xi32>
    %add3A_674 = arith.constant 2 : i32
    %add3A_675 = vector.broadcast %add3A_674 : i32 to vector<16xi32>
    %add3A_676 = arith.addi %select_n3A_673, %add3A_675 : vector<16xi32>
    %sub3A_677 = arith.constant 1 : i32
    %sub3A_678 = vector.broadcast %sub3A_677 : i32 to vector<16xi32>
    %sub3A_679 = arith.subi %add3A_676, %sub3A_678 : vector<16xi32>
    %gather3A_680 = tpu.vector_load_idx %arg11[%sub3A_679] : memref<320xf32, #tpu.memory_space<vmem>>[vector<16xi32>], vector<16xf32>,
    %gt3A_681 = arith.cmpf ogt, %get3A_635, %gather3A_680 : vector<16xf32>
    %select_n3A_682 = arith.select %gt3A_681, %add3A_676, %select_n3A_673 : vector<16xi1>, vector<16xi32>
    %add3A_683 = arith.constant 1 : i32
    %add3A_684 = vector.broadcast %add3A_683 : i32 to vector<16xi32>
    %add3A_685 = arith.addi %select_n3A_682, %add3A_684 : vector<16xi32>
    %sub3A_686 = arith.constant 1 : i32
    %sub3A_687 = vector.broadcast %sub3A_686 : i32 to vector<16xi32>
    %sub3A_688 = arith.subi %add3A_685, %sub3A_687 : vector<16xi32>
    %gather3A_689 = tpu.vector_load_idx %arg11[%sub3A_688] : memref<320xf32, #tpu.memory_space<vmem>>[vector<16xi32>], vector<16xf32>,
    %gt3A_690 = arith.cmpf ogt, %get3A_635, %gather3A_689 : vector<16xf32>
    %select_n3A_691 = arith.select %gt3A_690, %add3A_685, %select_n3A_682 : vector<16xi1>, vector<16xi32>
    %add3A_692 = arith.constant 128 : i32
    %add3A_693 = vector.broadcast %add3A_692 : i32 to vector<16xi32>
    %add3A_694 = arith.addi %broadcast_in_dim3A_45, %add3A_693 : vector<16xi32>
    %add3A_695 = arith.constant 63 : i32
    %add3A_696 = vector.broadcast %add3A_695 : i32 to vector<16xi32>
    %add3A_697 = arith.addi %add3A_694, %add3A_696 : vector<16xi32>
    %gather3A_698 = tpu.vector_load_idx %arg11[%add3A_697] : memref<320xf32, #tpu.memory_space<vmem>>[vector<16xi32>], vector<16xf32>,
    %gt3A_699 = arith.cmpf ogt, %get3A_637, %gather3A_698 : vector<16xf32>
    %select_n3A_700 = arith.select %gt3A_699, %add3A_694, %broadcast_in_dim3A_45 : vector<16xi1>, vector<16xi32>
    %add3A_701 = arith.constant 64 : i32
    %add3A_702 = vector.broadcast %add3A_701 : i32 to vector<16xi32>
    %add3A_703 = arith.addi %select_n3A_700, %add3A_702 : vector<16xi32>
    %add3A_704 = arith.constant 63 : i32
    %add3A_705 = vector.broadcast %add3A_704 : i32 to vector<16xi32>
    %add3A_706 = arith.addi %add3A_703, %add3A_705 : vector<16xi32>
    %gather3A_707 = tpu.vector_load_idx %arg11[%add3A_706] : memref<320xf32, #tpu.memory_space<vmem>>[vector<16xi32>], vector<16xf32>,
    %gt3A_708 = arith.cmpf ogt, %get3A_637, %gather3A_707 : vector<16xf32>
    %select_n3A_709 = arith.select %gt3A_708, %add3A_703, %select_n3A_700 : vector<16xi1>, vector<16xi32>
    %add3A_710 = arith.constant 32 : i32
    %add3A_711 = vector.broadcast %add3A_710 : i32 to vector<16xi32>
    %add3A_712 = arith.addi %select_n3A_709, %add3A_711 : vector<16xi32>
    %add3A_713 = arith.constant 63 : i32
    %add3A_714 = vector.broadcast %add3A_713 : i32 to vector<16xi32>
    %add3A_715 = arith.addi %add3A_712, %add3A_714 : vector<16xi32>
    %gather3A_716 = tpu.vector_load_idx %arg11[%add3A_715] : memref<320xf32, #tpu.memory_space<vmem>>[vector<16xi32>], vector<16xf32>,
    %gt3A_717 = arith.cmpf ogt, %get3A_637, %gather3A_716 : vector<16xf32>
    %select_n3A_718 = arith.select %gt3A_717, %add3A_712, %select_n3A_709 : vector<16xi1>, vector<16xi32>
    %add3A_719 = arith.constant 16 : i32
    %add3A_720 = vector.broadcast %add3A_719 : i32 to vector<16xi32>
    %add3A_721 = arith.addi %select_n3A_718, %add3A_720 : vector<16xi32>
    %add3A_722 = arith.constant 63 : i32
    %add3A_723 = vector.broadcast %add3A_722 : i32 to vector<16xi32>
    %add3A_724 = arith.addi %add3A_721, %add3A_723 : vector<16xi32>
    %gather3A_725 = tpu.vector_load_idx %arg11[%add3A_724] : memref<320xf32, #tpu.memory_space<vmem>>[vector<16xi32>], vector<16xf32>,
    %gt3A_726 = arith.cmpf ogt, %get3A_637, %gather3A_725 : vector<16xf32>
    %select_n3A_727 = arith.select %gt3A_726, %add3A_721, %select_n3A_718 : vector<16xi1>, vector<16xi32>
    %add3A_728 = arith.constant 8 : i32
    %add3A_729 = vector.broadcast %add3A_728 : i32 to vector<16xi32>
    %add3A_730 = arith.addi %select_n3A_727, %add3A_729 : vector<16xi32>
    %add3A_731 = arith.constant 63 : i32
    %add3A_732 = vector.broadcast %add3A_731 : i32 to vector<16xi32>
    %add3A_733 = arith.addi %add3A_730, %add3A_732 : vector<16xi32>
    %gather3A_734 = tpu.vector_load_idx %arg11[%add3A_733] : memref<320xf32, #tpu.memory_space<vmem>>[vector<16xi32>], vector<16xf32>,
    %gt3A_735 = arith.cmpf ogt, %get3A_637, %gather3A_734 : vector<16xf32>
    %select_n3A_736 = arith.select %gt3A_735, %add3A_730, %select_n3A_727 : vector<16xi1>, vector<16xi32>
    %add3A_737 = arith.constant 4 : i32
    %add3A_738 = vector.broadcast %add3A_737 : i32 to vector<16xi32>
    %add3A_739 = arith.addi %select_n3A_736, %add3A_738 : vector<16xi32>
    %add3A_740 = arith.constant 63 : i32
    %add3A_741 = vector.broadcast %add3A_740 : i32 to vector<16xi32>
    %add3A_742 = arith.addi %add3A_739, %add3A_741 : vector<16xi32>
    %gather3A_743 = tpu.vector_load_idx %arg11[%add3A_742] : memref<320xf32, #tpu.memory_space<vmem>>[vector<16xi32>], vector<16xf32>,
    %gt3A_744 = arith.cmpf ogt, %get3A_637, %gather3A_743 : vector<16xf32>
    %select_n3A_745 = arith.select %gt3A_744, %add3A_739, %select_n3A_736 : vector<16xi1>, vector<16xi32>
    %add3A_746 = arith.constant 2 : i32
    %add3A_747 = vector.broadcast %add3A_746 : i32 to vector<16xi32>
    %add3A_748 = arith.addi %select_n3A_745, %add3A_747 : vector<16xi32>
    %add3A_749 = arith.constant 63 : i32
    %add3A_750 = vector.broadcast %add3A_749 : i32 to vector<16xi32>
    %add3A_751 = arith.addi %add3A_748, %add3A_750 : vector<16xi32>
    %gather3A_752 = tpu.vector_load_idx %arg11[%add3A_751] : memref<320xf32, #tpu.memory_space<vmem>>[vector<16xi32>], vector<16xf32>,
    %gt3A_753 = arith.cmpf ogt, %get3A_637, %gather3A_752 : vector<16xf32>
    %select_n3A_754 = arith.select %gt3A_753, %add3A_748, %select_n3A_745 : vector<16xi1>, vector<16xi32>
    %add3A_755 = arith.constant 1 : i32
    %add3A_756 = vector.broadcast %add3A_755 : i32 to vector<16xi32>
    %add3A_757 = arith.addi %select_n3A_754, %add3A_756 : vector<16xi32>
    %add3A_758 = arith.constant 63 : i32
    %add3A_759 = vector.broadcast %add3A_758 : i32 to vector<16xi32>
    %add3A_760 = arith.addi %add3A_757, %add3A_759 : vector<16xi32>
    %gather3A_761 = tpu.vector_load_idx %arg11[%add3A_760] : memref<320xf32, #tpu.memory_space<vmem>>[vector<16xi32>], vector<16xf32>,
    %gt3A_762 = arith.cmpf ogt, %get3A_637, %gather3A_761 : vector<16xf32>
    %select_n3A_763 = arith.select %gt3A_762, %add3A_757, %select_n3A_754 : vector<16xi1>, vector<16xi32>
    %mul3A_764 = arith.constant 256 : i32
    %mul3A_765 = vector.broadcast %mul3A_764 : i32 to vector<16xi32>
    %mul3A_766 = arith.muli %select_n3A_691, %mul3A_765 : vector<16xi32>
    %add3A_767 = arith.addi %mul3A_766, %select_n3A_763 : vector<16xi32>
    %swap3A_768 = arith.constant 64 : index
    %swap3A_769 = tpu.vector_load %arg13[%swap3A_768] {strides = array<i32>} : memref<128xi32, #tpu.memory_space<vmem>>, vector<16xi32>,
    tpu.vector_store %arg13[%swap3A_768], %add3A_767 {strides = array<i32>} : memref<128xi32, #tpu.memory_space<vmem>>, vector<16xi32>,
    %add3A_770 = arith.constant 16384 : i32
    %add3A_771 = vector.broadcast %add3A_770 : i32 to vector<16xi32>
    %add3A_772 = arith.addi %add3A_767, %add3A_771 : vector<16xi32>
    %swap3A_773 = arith.constant 64 : index
    %swap3A_774 = tpu.vector_load %arg14[%swap3A_773] {strides = array<i32>} : memref<128xi32, #tpu.memory_space<vmem>>, vector<16xi32>,
    tpu.vector_store %arg14[%swap3A_773], %add3A_772 {strides = array<i32>} : memref<128xi32, #tpu.memory_space<vmem>>, vector<16xi32>,
    %get3A_775 = arith.constant 64 : index
    %get3A_776 = tpu.vector_load %arg9[%get3A_775] {strides = array<i32>} : memref<128xf32, #tpu.memory_space<vmem>>, vector<16xf32>,
    %get3A_777 = arith.constant 64 : index
    %get3A_778 = tpu.vector_load %arg10[%get3A_777] {strides = array<i32>} : memref<128xf32, #tpu.memory_space<vmem>>, vector<16xf32>,
    %mul3A_779 = arith.mulf %get3A_776, %get3A_778 : vector<16xf32>
    %swap3A_780 = arith.constant 64 : index
    %swap3A_781 = tpu.vector_load %arg12[%swap3A_780] {strides = array<i32>} : memref<128xf32, #tpu.memory_space<vmem>>, vector<16xf32>,
    tpu.vector_store %arg12[%swap3A_780], %mul3A_779 {strides = array<i32>} : memref<128xf32, #tpu.memory_space<vmem>>, vector<16xf32>,
    %get3A_782 = arith.constant 80 : index
    %get3A_783 = tpu.vector_load %arg7[%get3A_782] {strides = array<i32>} : memref<128xf32, #tpu.memory_space<vmem>>, vector<16xf32>,
    %get3A_784 = arith.constant 80 : index
    %get3A_785 = tpu.vector_load %arg8[%get3A_784] {strides = array<i32>} : memref<128xf32, #tpu.memory_space<vmem>>, vector<16xf32>,
    %add3A_786 = arith.constant 32 : i32
    %add3A_787 = vector.broadcast %add3A_786 : i32 to vector<16xi32>
    %add3A_788 = arith.addi %broadcast_in_dim3A_45, %add3A_787 : vector<16xi32>
    %sub3A_789 = arith.constant 1 : i32
    %sub3A_790 = vector.broadcast %sub3A_789 : i32 to vector<16xi32>
    %sub3A_791 = arith.subi %add3A_788, %sub3A_790 : vector<16xi32>
    %gather3A_792 = tpu.vector_load_idx %arg11[%sub3A_791] : memref<320xf32, #tpu.memory_space<vmem>>[vector<16xi32>], vector<16xf32>,
    %gt3A_793 = arith.cmpf ogt, %get3A_783, %gather3A_792 : vector<16xf32>
    %select_n3A_794 = arith.select %gt3A_793, %add3A_788, %broadcast_in_dim3A_45 : vector<16xi1>, vector<16xi32>
    %add3A_795 = arith.constant 16 : i32
    %add3A_796 = vector.broadcast %add3A_795 : i32 to vector<16xi32>
    %add3A_797 = arith.addi %select_n3A_794, %add3A_796 : vector<16xi32>
    %sub3A_798 = arith.constant 1 : i32
    %sub3A_799 = vector.broadcast %sub3A_798 : i32 to vector<16xi32>
    %sub3A_800 = arith.subi %add3A_797, %sub3A_799 : vector<16xi32>
    %gather3A_801 = tpu.vector_load_idx %arg11[%sub3A_800] : memref<320xf32, #tpu.memory_space<vmem>>[vector<16xi32>], vector<16xf32>,
    %gt3A_802 = arith.cmpf ogt, %get3A_783, %gather3A_801 : vector<16xf32>
    %select_n3A_803 = arith.select %gt3A_802, %add3A_797, %select_n3A_794 : vector<16xi1>, vector<16xi32>
    %add3A_804 = arith.constant 8 : i32
    %add3A_805 = vector.broadcast %add3A_804 : i32 to vector<16xi32>
    %add3A_806 = arith.addi %select_n3A_803, %add3A_805 : vector<16xi32>
    %sub3A_807 = arith.constant 1 : i32
    %sub3A_808 = vector.broadcast %sub3A_807 : i32 to vector<16xi32>
    %sub3A_809 = arith.subi %add3A_806, %sub3A_808 : vector<16xi32>
    %gather3A_810 = tpu.vector_load_idx %arg11[%sub3A_809] : memref<320xf32, #tpu.memory_space<vmem>>[vector<16xi32>], vector<16xf32>,
    %gt3A_811 = arith.cmpf ogt, %get3A_783, %gather3A_810 : vector<16xf32>
    %select_n3A_812 = arith.select %gt3A_811, %add3A_806, %select_n3A_803 : vector<16xi1>, vector<16xi32>
    %add3A_813 = arith.constant 4 : i32
    %add3A_814 = vector.broadcast %add3A_813 : i32 to vector<16xi32>
    %add3A_815 = arith.addi %select_n3A_812, %add3A_814 : vector<16xi32>
    %sub3A_816 = arith.constant 1 : i32
    %sub3A_817 = vector.broadcast %sub3A_816 : i32 to vector<16xi32>
    %sub3A_818 = arith.subi %add3A_815, %sub3A_817 : vector<16xi32>
    %gather3A_819 = tpu.vector_load_idx %arg11[%sub3A_818] : memref<320xf32, #tpu.memory_space<vmem>>[vector<16xi32>], vector<16xf32>,
    %gt3A_820 = arith.cmpf ogt, %get3A_783, %gather3A_819 : vector<16xf32>
    %select_n3A_821 = arith.select %gt3A_820, %add3A_815, %select_n3A_812 : vector<16xi1>, vector<16xi32>
    %add3A_822 = arith.constant 2 : i32
    %add3A_823 = vector.broadcast %add3A_822 : i32 to vector<16xi32>
    %add3A_824 = arith.addi %select_n3A_821, %add3A_823 : vector<16xi32>
    %sub3A_825 = arith.constant 1 : i32
    %sub3A_826 = vector.broadcast %sub3A_825 : i32 to vector<16xi32>
    %sub3A_827 = arith.subi %add3A_824, %sub3A_826 : vector<16xi32>
    %gather3A_828 = tpu.vector_load_idx %arg11[%sub3A_827] : memref<320xf32, #tpu.memory_space<vmem>>[vector<16xi32>], vector<16xf32>,
    %gt3A_829 = arith.cmpf ogt, %get3A_783, %gather3A_828 : vector<16xf32>
    %select_n3A_830 = arith.select %gt3A_829, %add3A_824, %select_n3A_821 : vector<16xi1>, vector<16xi32>
    %add3A_831 = arith.constant 1 : i32
    %add3A_832 = vector.broadcast %add3A_831 : i32 to vector<16xi32>
    %add3A_833 = arith.addi %select_n3A_830, %add3A_832 : vector<16xi32>
    %sub3A_834 = arith.constant 1 : i32
    %sub3A_835 = vector.broadcast %sub3A_834 : i32 to vector<16xi32>
    %sub3A_836 = arith.subi %add3A_833, %sub3A_835 : vector<16xi32>
    %gather3A_837 = tpu.vector_load_idx %arg11[%sub3A_836] : memref<320xf32, #tpu.memory_space<vmem>>[vector<16xi32>], vector<16xf32>,
    %gt3A_838 = arith.cmpf ogt, %get3A_783, %gather3A_837 : vector<16xf32>
    %select_n3A_839 = arith.select %gt3A_838, %add3A_833, %select_n3A_830 : vector<16xi1>, vector<16xi32>
    %add3A_840 = arith.constant 128 : i32
    %add3A_841 = vector.broadcast %add3A_840 : i32 to vector<16xi32>
    %add3A_842 = arith.addi %broadcast_in_dim3A_45, %add3A_841 : vector<16xi32>
    %add3A_843 = arith.constant 63 : i32
    %add3A_844 = vector.broadcast %add3A_843 : i32 to vector<16xi32>
    %add3A_845 = arith.addi %add3A_842, %add3A_844 : vector<16xi32>
    %gather3A_846 = tpu.vector_load_idx %arg11[%add3A_845] : memref<320xf32, #tpu.memory_space<vmem>>[vector<16xi32>], vector<16xf32>,
    %gt3A_847 = arith.cmpf ogt, %get3A_785, %gather3A_846 : vector<16xf32>
    %select_n3A_848 = arith.select %gt3A_847, %add3A_842, %broadcast_in_dim3A_45 : vector<16xi1>, vector<16xi32>
    %add3A_849 = arith.constant 64 : i32
    %add3A_850 = vector.broadcast %add3A_849 : i32 to vector<16xi32>
    %add3A_851 = arith.addi %select_n3A_848, %add3A_850 : vector<16xi32>
    %add3A_852 = arith.constant 63 : i32
    %add3A_853 = vector.broadcast %add3A_852 : i32 to vector<16xi32>
    %add3A_854 = arith.addi %add3A_851, %add3A_853 : vector<16xi32>
    %gather3A_855 = tpu.vector_load_idx %arg11[%add3A_854] : memref<320xf32, #tpu.memory_space<vmem>>[vector<16xi32>], vector<16xf32>,
    %gt3A_856 = arith.cmpf ogt, %get3A_785, %gather3A_855 : vector<16xf32>
    %select_n3A_857 = arith.select %gt3A_856, %add3A_851, %select_n3A_848 : vector<16xi1>, vector<16xi32>
    %add3A_858 = arith.constant 32 : i32
    %add3A_859 = vector.broadcast %add3A_858 : i32 to vector<16xi32>
    %add3A_860 = arith.addi %select_n3A_857, %add3A_859 : vector<16xi32>
    %add3A_861 = arith.constant 63 : i32
    %add3A_862 = vector.broadcast %add3A_861 : i32 to vector<16xi32>
    %add3A_863 = arith.addi %add3A_860, %add3A_862 : vector<16xi32>
    %gather3A_864 = tpu.vector_load_idx %arg11[%add3A_863] : memref<320xf32, #tpu.memory_space<vmem>>[vector<16xi32>], vector<16xf32>,
    %gt3A_865 = arith.cmpf ogt, %get3A_785, %gather3A_864 : vector<16xf32>
    %select_n3A_866 = arith.select %gt3A_865, %add3A_860, %select_n3A_857 : vector<16xi1>, vector<16xi32>
    %add3A_867 = arith.constant 16 : i32
    %add3A_868 = vector.broadcast %add3A_867 : i32 to vector<16xi32>
    %add3A_869 = arith.addi %select_n3A_866, %add3A_868 : vector<16xi32>
    %add3A_870 = arith.constant 63 : i32
    %add3A_871 = vector.broadcast %add3A_870 : i32 to vector<16xi32>
    %add3A_872 = arith.addi %add3A_869, %add3A_871 : vector<16xi32>
    %gather3A_873 = tpu.vector_load_idx %arg11[%add3A_872] : memref<320xf32, #tpu.memory_space<vmem>>[vector<16xi32>], vector<16xf32>,
    %gt3A_874 = arith.cmpf ogt, %get3A_785, %gather3A_873 : vector<16xf32>
    %select_n3A_875 = arith.select %gt3A_874, %add3A_869, %select_n3A_866 : vector<16xi1>, vector<16xi32>
    %add3A_876 = arith.constant 8 : i32
    %add3A_877 = vector.broadcast %add3A_876 : i32 to vector<16xi32>
    %add3A_878 = arith.addi %select_n3A_875, %add3A_877 : vector<16xi32>
    %add3A_879 = arith.constant 63 : i32
    %add3A_880 = vector.broadcast %add3A_879 : i32 to vector<16xi32>
    %add3A_881 = arith.addi %add3A_878, %add3A_880 : vector<16xi32>
    %gather3A_882 = tpu.vector_load_idx %arg11[%add3A_881] : memref<320xf32, #tpu.memory_space<vmem>>[vector<16xi32>], vector<16xf32>,
    %gt3A_883 = arith.cmpf ogt, %get3A_785, %gather3A_882 : vector<16xf32>
    %select_n3A_884 = arith.select %gt3A_883, %add3A_878, %select_n3A_875 : vector<16xi1>, vector<16xi32>
    %add3A_885 = arith.constant 4 : i32
    %add3A_886 = vector.broadcast %add3A_885 : i32 to vector<16xi32>
    %add3A_887 = arith.addi %select_n3A_884, %add3A_886 : vector<16xi32>
    %add3A_888 = arith.constant 63 : i32
    %add3A_889 = vector.broadcast %add3A_888 : i32 to vector<16xi32>
    %add3A_890 = arith.addi %add3A_887, %add3A_889 : vector<16xi32>
    %gather3A_891 = tpu.vector_load_idx %arg11[%add3A_890] : memref<320xf32, #tpu.memory_space<vmem>>[vector<16xi32>], vector<16xf32>,
    %gt3A_892 = arith.cmpf ogt, %get3A_785, %gather3A_891 : vector<16xf32>
    %select_n3A_893 = arith.select %gt3A_892, %add3A_887, %select_n3A_884 : vector<16xi1>, vector<16xi32>
    %add3A_894 = arith.constant 2 : i32
    %add3A_895 = vector.broadcast %add3A_894 : i32 to vector<16xi32>
    %add3A_896 = arith.addi %select_n3A_893, %add3A_895 : vector<16xi32>
    %add3A_897 = arith.constant 63 : i32
    %add3A_898 = vector.broadcast %add3A_897 : i32 to vector<16xi32>
    %add3A_899 = arith.addi %add3A_896, %add3A_898 : vector<16xi32>
    %gather3A_900 = tpu.vector_load_idx %arg11[%add3A_899] : memref<320xf32, #tpu.memory_space<vmem>>[vector<16xi32>], vector<16xf32>,
    %gt3A_901 = arith.cmpf ogt, %get3A_785, %gather3A_900 : vector<16xf32>
    %select_n3A_902 = arith.select %gt3A_901, %add3A_896, %select_n3A_893 : vector<16xi1>, vector<16xi32>
    %add3A_903 = arith.constant 1 : i32
    %add3A_904 = vector.broadcast %add3A_903 : i32 to vector<16xi32>
    %add3A_905 = arith.addi %select_n3A_902, %add3A_904 : vector<16xi32>
    %add3A_906 = arith.constant 63 : i32
    %add3A_907 = vector.broadcast %add3A_906 : i32 to vector<16xi32>
    %add3A_908 = arith.addi %add3A_905, %add3A_907 : vector<16xi32>
    %gather3A_909 = tpu.vector_load_idx %arg11[%add3A_908] : memref<320xf32, #tpu.memory_space<vmem>>[vector<16xi32>], vector<16xf32>,
    %gt3A_910 = arith.cmpf ogt, %get3A_785, %gather3A_909 : vector<16xf32>
    %select_n3A_911 = arith.select %gt3A_910, %add3A_905, %select_n3A_902 : vector<16xi1>, vector<16xi32>
    %mul3A_912 = arith.constant 256 : i32
    %mul3A_913 = vector.broadcast %mul3A_912 : i32 to vector<16xi32>
    %mul3A_914 = arith.muli %select_n3A_839, %mul3A_913 : vector<16xi32>
    %add3A_915 = arith.addi %mul3A_914, %select_n3A_911 : vector<16xi32>
    %swap3A_916 = arith.constant 80 : index
    %swap3A_917 = tpu.vector_load %arg13[%swap3A_916] {strides = array<i32>} : memref<128xi32, #tpu.memory_space<vmem>>, vector<16xi32>,
    tpu.vector_store %arg13[%swap3A_916], %add3A_915 {strides = array<i32>} : memref<128xi32, #tpu.memory_space<vmem>>, vector<16xi32>,
    %add3A_918 = arith.constant 16384 : i32
    %add3A_919 = vector.broadcast %add3A_918 : i32 to vector<16xi32>
    %add3A_920 = arith.addi %add3A_915, %add3A_919 : vector<16xi32>
    %swap3A_921 = arith.constant 80 : index
    %swap3A_922 = tpu.vector_load %arg14[%swap3A_921] {strides = array<i32>} : memref<128xi32, #tpu.memory_space<vmem>>, vector<16xi32>,
    tpu.vector_store %arg14[%swap3A_921], %add3A_920 {strides = array<i32>} : memref<128xi32, #tpu.memory_space<vmem>>, vector<16xi32>,
    %get3A_923 = arith.constant 80 : index
    %get3A_924 = tpu.vector_load %arg9[%get3A_923] {strides = array<i32>} : memref<128xf32, #tpu.memory_space<vmem>>, vector<16xf32>,
    %get3A_925 = arith.constant 80 : index
    %get3A_926 = tpu.vector_load %arg10[%get3A_925] {strides = array<i32>} : memref<128xf32, #tpu.memory_space<vmem>>, vector<16xf32>,
    %mul3A_927 = arith.mulf %get3A_924, %get3A_926 : vector<16xf32>
    %swap3A_928 = arith.constant 80 : index
    %swap3A_929 = tpu.vector_load %arg12[%swap3A_928] {strides = array<i32>} : memref<128xf32, #tpu.memory_space<vmem>>, vector<16xf32>,
    tpu.vector_store %arg12[%swap3A_928], %mul3A_927 {strides = array<i32>} : memref<128xf32, #tpu.memory_space<vmem>>, vector<16xf32>,
    %get3A_930 = arith.constant 96 : index
    %get3A_931 = tpu.vector_load %arg7[%get3A_930] {strides = array<i32>} : memref<128xf32, #tpu.memory_space<vmem>>, vector<16xf32>,
    %get3A_932 = arith.constant 96 : index
    %get3A_933 = tpu.vector_load %arg8[%get3A_932] {strides = array<i32>} : memref<128xf32, #tpu.memory_space<vmem>>, vector<16xf32>,
    %add3A_934 = arith.constant 32 : i32
    %add3A_935 = vector.broadcast %add3A_934 : i32 to vector<16xi32>
    %add3A_936 = arith.addi %broadcast_in_dim3A_45, %add3A_935 : vector<16xi32>
    %sub3A_937 = arith.constant 1 : i32
    %sub3A_938 = vector.broadcast %sub3A_937 : i32 to vector<16xi32>
    %sub3A_939 = arith.subi %add3A_936, %sub3A_938 : vector<16xi32>
    %gather3A_940 = tpu.vector_load_idx %arg11[%sub3A_939] : memref<320xf32, #tpu.memory_space<vmem>>[vector<16xi32>], vector<16xf32>,
    %gt3A_941 = arith.cmpf ogt, %get3A_931, %gather3A_940 : vector<16xf32>
    %select_n3A_942 = arith.select %gt3A_941, %add3A_936, %broadcast_in_dim3A_45 : vector<16xi1>, vector<16xi32>
    %add3A_943 = arith.constant 16 : i32
    %add3A_944 = vector.broadcast %add3A_943 : i32 to vector<16xi32>
    %add3A_945 = arith.addi %select_n3A_942, %add3A_944 : vector<16xi32>
    %sub3A_946 = arith.constant 1 : i32
    %sub3A_947 = vector.broadcast %sub3A_946 : i32 to vector<16xi32>
    %sub3A_948 = arith.subi %add3A_945, %sub3A_947 : vector<16xi32>
    %gather3A_949 = tpu.vector_load_idx %arg11[%sub3A_948] : memref<320xf32, #tpu.memory_space<vmem>>[vector<16xi32>], vector<16xf32>,
    %gt3A_950 = arith.cmpf ogt, %get3A_931, %gather3A_949 : vector<16xf32>
    %select_n3A_951 = arith.select %gt3A_950, %add3A_945, %select_n3A_942 : vector<16xi1>, vector<16xi32>
    %add3A_952 = arith.constant 8 : i32
    %add3A_953 = vector.broadcast %add3A_952 : i32 to vector<16xi32>
    %add3A_954 = arith.addi %select_n3A_951, %add3A_953 : vector<16xi32>
    %sub3A_955 = arith.constant 1 : i32
    %sub3A_956 = vector.broadcast %sub3A_955 : i32 to vector<16xi32>
    %sub3A_957 = arith.subi %add3A_954, %sub3A_956 : vector<16xi32>
    %gather3A_958 = tpu.vector_load_idx %arg11[%sub3A_957] : memref<320xf32, #tpu.memory_space<vmem>>[vector<16xi32>], vector<16xf32>,
    %gt3A_959 = arith.cmpf ogt, %get3A_931, %gather3A_958 : vector<16xf32>
    %select_n3A_960 = arith.select %gt3A_959, %add3A_954, %select_n3A_951 : vector<16xi1>, vector<16xi32>
    %add3A_961 = arith.constant 4 : i32
    %add3A_962 = vector.broadcast %add3A_961 : i32 to vector<16xi32>
    %add3A_963 = arith.addi %select_n3A_960, %add3A_962 : vector<16xi32>
    %sub3A_964 = arith.constant 1 : i32
    %sub3A_965 = vector.broadcast %sub3A_964 : i32 to vector<16xi32>
    %sub3A_966 = arith.subi %add3A_963, %sub3A_965 : vector<16xi32>
    %gather3A_967 = tpu.vector_load_idx %arg11[%sub3A_966] : memref<320xf32, #tpu.memory_space<vmem>>[vector<16xi32>], vector<16xf32>,
    %gt3A_968 = arith.cmpf ogt, %get3A_931, %gather3A_967 : vector<16xf32>
    %select_n3A_969 = arith.select %gt3A_968, %add3A_963, %select_n3A_960 : vector<16xi1>, vector<16xi32>
    %add3A_970 = arith.constant 2 : i32
    %add3A_971 = vector.broadcast %add3A_970 : i32 to vector<16xi32>
    %add3A_972 = arith.addi %select_n3A_969, %add3A_971 : vector<16xi32>
    %sub3A_973 = arith.constant 1 : i32
    %sub3A_974 = vector.broadcast %sub3A_973 : i32 to vector<16xi32>
    %sub3A_975 = arith.subi %add3A_972, %sub3A_974 : vector<16xi32>
    %gather3A_976 = tpu.vector_load_idx %arg11[%sub3A_975] : memref<320xf32, #tpu.memory_space<vmem>>[vector<16xi32>], vector<16xf32>,
    %gt3A_977 = arith.cmpf ogt, %get3A_931, %gather3A_976 : vector<16xf32>
    %select_n3A_978 = arith.select %gt3A_977, %add3A_972, %select_n3A_969 : vector<16xi1>, vector<16xi32>
    %add3A_979 = arith.constant 1 : i32
    %add3A_980 = vector.broadcast %add3A_979 : i32 to vector<16xi32>
    %add3A_981 = arith.addi %select_n3A_978, %add3A_980 : vector<16xi32>
    %sub3A_982 = arith.constant 1 : i32
    %sub3A_983 = vector.broadcast %sub3A_982 : i32 to vector<16xi32>
    %sub3A_984 = arith.subi %add3A_981, %sub3A_983 : vector<16xi32>
    %gather3A_985 = tpu.vector_load_idx %arg11[%sub3A_984] : memref<320xf32, #tpu.memory_space<vmem>>[vector<16xi32>], vector<16xf32>,
    %gt3A_986 = arith.cmpf ogt, %get3A_931, %gather3A_985 : vector<16xf32>
    %select_n3A_987 = arith.select %gt3A_986, %add3A_981, %select_n3A_978 : vector<16xi1>, vector<16xi32>
    %add3A_988 = arith.constant 128 : i32
    %add3A_989 = vector.broadcast %add3A_988 : i32 to vector<16xi32>
    %add3A_990 = arith.addi %broadcast_in_dim3A_45, %add3A_989 : vector<16xi32>
    %add3A_991 = arith.constant 63 : i32
    %add3A_992 = vector.broadcast %add3A_991 : i32 to vector<16xi32>
    %add3A_993 = arith.addi %add3A_990, %add3A_992 : vector<16xi32>
    %gather3A_994 = tpu.vector_load_idx %arg11[%add3A_993] : memref<320xf32, #tpu.memory_space<vmem>>[vector<16xi32>], vector<16xf32>,
    %gt3A_995 = arith.cmpf ogt, %get3A_933, %gather3A_994 : vector<16xf32>
    %select_n3A_996 = arith.select %gt3A_995, %add3A_990, %broadcast_in_dim3A_45 : vector<16xi1>, vector<16xi32>
    %add3A_997 = arith.constant 64 : i32
    %add3A_998 = vector.broadcast %add3A_997 : i32 to vector<16xi32>
    %add3A_999 = arith.addi %select_n3A_996, %add3A_998 : vector<16xi32>
    %add3A_1000 = arith.constant 63 : i32
    %add3A_1001 = vector.broadcast %add3A_1000 : i32 to vector<16xi32>
    %add3A_1002 = arith.addi %add3A_999, %add3A_1001 : vector<16xi32>
    %gather3A_1003 = tpu.vector_load_idx %arg11[%add3A_1002] : memref<320xf32, #tpu.memory_space<vmem>>[vector<16xi32>], vector<16xf32>,
    %gt3A_1004 = arith.cmpf ogt, %get3A_933, %gather3A_1003 : vector<16xf32>
    %select_n3A_1005 = arith.select %gt3A_1004, %add3A_999, %select_n3A_996 : vector<16xi1>, vector<16xi32>
    %add3A_1006 = arith.constant 32 : i32
    %add3A_1007 = vector.broadcast %add3A_1006 : i32 to vector<16xi32>
    %add3A_1008 = arith.addi %select_n3A_1005, %add3A_1007 : vector<16xi32>
    %add3A_1009 = arith.constant 63 : i32
    %add3A_1010 = vector.broadcast %add3A_1009 : i32 to vector<16xi32>
    %add3A_1011 = arith.addi %add3A_1008, %add3A_1010 : vector<16xi32>
    %gather3A_1012 = tpu.vector_load_idx %arg11[%add3A_1011] : memref<320xf32, #tpu.memory_space<vmem>>[vector<16xi32>], vector<16xf32>,
    %gt3A_1013 = arith.cmpf ogt, %get3A_933, %gather3A_1012 : vector<16xf32>
    %select_n3A_1014 = arith.select %gt3A_1013, %add3A_1008, %select_n3A_1005 : vector<16xi1>, vector<16xi32>
    %add3A_1015 = arith.constant 16 : i32
    %add3A_1016 = vector.broadcast %add3A_1015 : i32 to vector<16xi32>
    %add3A_1017 = arith.addi %select_n3A_1014, %add3A_1016 : vector<16xi32>
    %add3A_1018 = arith.constant 63 : i32
    %add3A_1019 = vector.broadcast %add3A_1018 : i32 to vector<16xi32>
    %add3A_1020 = arith.addi %add3A_1017, %add3A_1019 : vector<16xi32>
    %gather3A_1021 = tpu.vector_load_idx %arg11[%add3A_1020] : memref<320xf32, #tpu.memory_space<vmem>>[vector<16xi32>], vector<16xf32>,
    %gt3A_1022 = arith.cmpf ogt, %get3A_933, %gather3A_1021 : vector<16xf32>
    %select_n3A_1023 = arith.select %gt3A_1022, %add3A_1017, %select_n3A_1014 : vector<16xi1>, vector<16xi32>
    %add3A_1024 = arith.constant 8 : i32
    %add3A_1025 = vector.broadcast %add3A_1024 : i32 to vector<16xi32>
    %add3A_1026 = arith.addi %select_n3A_1023, %add3A_1025 : vector<16xi32>
    %add3A_1027 = arith.constant 63 : i32
    %add3A_1028 = vector.broadcast %add3A_1027 : i32 to vector<16xi32>
    %add3A_1029 = arith.addi %add3A_1026, %add3A_1028 : vector<16xi32>
    %gather3A_1030 = tpu.vector_load_idx %arg11[%add3A_1029] : memref<320xf32, #tpu.memory_space<vmem>>[vector<16xi32>], vector<16xf32>,
    %gt3A_1031 = arith.cmpf ogt, %get3A_933, %gather3A_1030 : vector<16xf32>
    %select_n3A_1032 = arith.select %gt3A_1031, %add3A_1026, %select_n3A_1023 : vector<16xi1>, vector<16xi32>
    %add3A_1033 = arith.constant 4 : i32
    %add3A_1034 = vector.broadcast %add3A_1033 : i32 to vector<16xi32>
    %add3A_1035 = arith.addi %select_n3A_1032, %add3A_1034 : vector<16xi32>
    %add3A_1036 = arith.constant 63 : i32
    %add3A_1037 = vector.broadcast %add3A_1036 : i32 to vector<16xi32>
    %add3A_1038 = arith.addi %add3A_1035, %add3A_1037 : vector<16xi32>
    %gather3A_1039 = tpu.vector_load_idx %arg11[%add3A_1038] : memref<320xf32, #tpu.memory_space<vmem>>[vector<16xi32>], vector<16xf32>,
    %gt3A_1040 = arith.cmpf ogt, %get3A_933, %gather3A_1039 : vector<16xf32>
    %select_n3A_1041 = arith.select %gt3A_1040, %add3A_1035, %select_n3A_1032 : vector<16xi1>, vector<16xi32>
    %add3A_1042 = arith.constant 2 : i32
    %add3A_1043 = vector.broadcast %add3A_1042 : i32 to vector<16xi32>
    %add3A_1044 = arith.addi %select_n3A_1041, %add3A_1043 : vector<16xi32>
    %add3A_1045 = arith.constant 63 : i32
    %add3A_1046 = vector.broadcast %add3A_1045 : i32 to vector<16xi32>
    %add3A_1047 = arith.addi %add3A_1044, %add3A_1046 : vector<16xi32>
    %gather3A_1048 = tpu.vector_load_idx %arg11[%add3A_1047] : memref<320xf32, #tpu.memory_space<vmem>>[vector<16xi32>], vector<16xf32>,
    %gt3A_1049 = arith.cmpf ogt, %get3A_933, %gather3A_1048 : vector<16xf32>
    %select_n3A_1050 = arith.select %gt3A_1049, %add3A_1044, %select_n3A_1041 : vector<16xi1>, vector<16xi32>
    %add3A_1051 = arith.constant 1 : i32
    %add3A_1052 = vector.broadcast %add3A_1051 : i32 to vector<16xi32>
    %add3A_1053 = arith.addi %select_n3A_1050, %add3A_1052 : vector<16xi32>
    %add3A_1054 = arith.constant 63 : i32
    %add3A_1055 = vector.broadcast %add3A_1054 : i32 to vector<16xi32>
    %add3A_1056 = arith.addi %add3A_1053, %add3A_1055 : vector<16xi32>
    %gather3A_1057 = tpu.vector_load_idx %arg11[%add3A_1056] : memref<320xf32, #tpu.memory_space<vmem>>[vector<16xi32>], vector<16xf32>,
    %gt3A_1058 = arith.cmpf ogt, %get3A_933, %gather3A_1057 : vector<16xf32>
    %select_n3A_1059 = arith.select %gt3A_1058, %add3A_1053, %select_n3A_1050 : vector<16xi1>, vector<16xi32>
    %mul3A_1060 = arith.constant 256 : i32
    %mul3A_1061 = vector.broadcast %mul3A_1060 : i32 to vector<16xi32>
    %mul3A_1062 = arith.muli %select_n3A_987, %mul3A_1061 : vector<16xi32>
    %add3A_1063 = arith.addi %mul3A_1062, %select_n3A_1059 : vector<16xi32>
    %swap3A_1064 = arith.constant 96 : index
    %swap3A_1065 = tpu.vector_load %arg13[%swap3A_1064] {strides = array<i32>} : memref<128xi32, #tpu.memory_space<vmem>>, vector<16xi32>,
    tpu.vector_store %arg13[%swap3A_1064], %add3A_1063 {strides = array<i32>} : memref<128xi32, #tpu.memory_space<vmem>>, vector<16xi32>,
    %add3A_1066 = arith.constant 16384 : i32
    %add3A_1067 = vector.broadcast %add3A_1066 : i32 to vector<16xi32>
    %add3A_1068 = arith.addi %add3A_1063, %add3A_1067 : vector<16xi32>
    %swap3A_1069 = arith.constant 96 : index
    %swap3A_1070 = tpu.vector_load %arg14[%swap3A_1069] {strides = array<i32>} : memref<128xi32, #tpu.memory_space<vmem>>, vector<16xi32>,
    tpu.vector_store %arg14[%swap3A_1069], %add3A_1068 {strides = array<i32>} : memref<128xi32, #tpu.memory_space<vmem>>, vector<16xi32>,
    %get3A_1071 = arith.constant 96 : index
    %get3A_1072 = tpu.vector_load %arg9[%get3A_1071] {strides = array<i32>} : memref<128xf32, #tpu.memory_space<vmem>>, vector<16xf32>,
    %get3A_1073 = arith.constant 96 : index
    %get3A_1074 = tpu.vector_load %arg10[%get3A_1073] {strides = array<i32>} : memref<128xf32, #tpu.memory_space<vmem>>, vector<16xf32>,
    %mul3A_1075 = arith.mulf %get3A_1072, %get3A_1074 : vector<16xf32>
    %swap3A_1076 = arith.constant 96 : index
    %swap3A_1077 = tpu.vector_load %arg12[%swap3A_1076] {strides = array<i32>} : memref<128xf32, #tpu.memory_space<vmem>>, vector<16xf32>,
    tpu.vector_store %arg12[%swap3A_1076], %mul3A_1075 {strides = array<i32>} : memref<128xf32, #tpu.memory_space<vmem>>, vector<16xf32>,
    %get3A_1078 = arith.constant 112 : index
    %get3A_1079 = tpu.vector_load %arg7[%get3A_1078] {strides = array<i32>} : memref<128xf32, #tpu.memory_space<vmem>>, vector<16xf32>,
    %get3A_1080 = arith.constant 112 : index
    %get3A_1081 = tpu.vector_load %arg8[%get3A_1080] {strides = array<i32>} : memref<128xf32, #tpu.memory_space<vmem>>, vector<16xf32>,
    %add3A_1082 = arith.constant 32 : i32
    %add3A_1083 = vector.broadcast %add3A_1082 : i32 to vector<16xi32>
    %add3A_1084 = arith.addi %broadcast_in_dim3A_45, %add3A_1083 : vector<16xi32>
    %sub3A_1085 = arith.constant 1 : i32
    %sub3A_1086 = vector.broadcast %sub3A_1085 : i32 to vector<16xi32>
    %sub3A_1087 = arith.subi %add3A_1084, %sub3A_1086 : vector<16xi32>
    %gather3A_1088 = tpu.vector_load_idx %arg11[%sub3A_1087] : memref<320xf32, #tpu.memory_space<vmem>>[vector<16xi32>], vector<16xf32>,
    %gt3A_1089 = arith.cmpf ogt, %get3A_1079, %gather3A_1088 : vector<16xf32>
    %select_n3A_1090 = arith.select %gt3A_1089, %add3A_1084, %broadcast_in_dim3A_45 : vector<16xi1>, vector<16xi32>
    %add3A_1091 = arith.constant 16 : i32
    %add3A_1092 = vector.broadcast %add3A_1091 : i32 to vector<16xi32>
    %add3A_1093 = arith.addi %select_n3A_1090, %add3A_1092 : vector<16xi32>
    %sub3A_1094 = arith.constant 1 : i32
    %sub3A_1095 = vector.broadcast %sub3A_1094 : i32 to vector<16xi32>
    %sub3A_1096 = arith.subi %add3A_1093, %sub3A_1095 : vector<16xi32>
    %gather3A_1097 = tpu.vector_load_idx %arg11[%sub3A_1096] : memref<320xf32, #tpu.memory_space<vmem>>[vector<16xi32>], vector<16xf32>,
    %gt3A_1098 = arith.cmpf ogt, %get3A_1079, %gather3A_1097 : vector<16xf32>
    %select_n3A_1099 = arith.select %gt3A_1098, %add3A_1093, %select_n3A_1090 : vector<16xi1>, vector<16xi32>
    %add3A_1100 = arith.constant 8 : i32
    %add3A_1101 = vector.broadcast %add3A_1100 : i32 to vector<16xi32>
    %add3A_1102 = arith.addi %select_n3A_1099, %add3A_1101 : vector<16xi32>
    %sub3A_1103 = arith.constant 1 : i32
    %sub3A_1104 = vector.broadcast %sub3A_1103 : i32 to vector<16xi32>
    %sub3A_1105 = arith.subi %add3A_1102, %sub3A_1104 : vector<16xi32>
    %gather3A_1106 = tpu.vector_load_idx %arg11[%sub3A_1105] : memref<320xf32, #tpu.memory_space<vmem>>[vector<16xi32>], vector<16xf32>,
    %gt3A_1107 = arith.cmpf ogt, %get3A_1079, %gather3A_1106 : vector<16xf32>
    %select_n3A_1108 = arith.select %gt3A_1107, %add3A_1102, %select_n3A_1099 : vector<16xi1>, vector<16xi32>
    %add3A_1109 = arith.constant 4 : i32
    %add3A_1110 = vector.broadcast %add3A_1109 : i32 to vector<16xi32>
    %add3A_1111 = arith.addi %select_n3A_1108, %add3A_1110 : vector<16xi32>
    %sub3A_1112 = arith.constant 1 : i32
    %sub3A_1113 = vector.broadcast %sub3A_1112 : i32 to vector<16xi32>
    %sub3A_1114 = arith.subi %add3A_1111, %sub3A_1113 : vector<16xi32>
    %gather3A_1115 = tpu.vector_load_idx %arg11[%sub3A_1114] : memref<320xf32, #tpu.memory_space<vmem>>[vector<16xi32>], vector<16xf32>,
    %gt3A_1116 = arith.cmpf ogt, %get3A_1079, %gather3A_1115 : vector<16xf32>
    %select_n3A_1117 = arith.select %gt3A_1116, %add3A_1111, %select_n3A_1108 : vector<16xi1>, vector<16xi32>
    %add3A_1118 = arith.constant 2 : i32
    %add3A_1119 = vector.broadcast %add3A_1118 : i32 to vector<16xi32>
    %add3A_1120 = arith.addi %select_n3A_1117, %add3A_1119 : vector<16xi32>
    %sub3A_1121 = arith.constant 1 : i32
    %sub3A_1122 = vector.broadcast %sub3A_1121 : i32 to vector<16xi32>
    %sub3A_1123 = arith.subi %add3A_1120, %sub3A_1122 : vector<16xi32>
    %gather3A_1124 = tpu.vector_load_idx %arg11[%sub3A_1123] : memref<320xf32, #tpu.memory_space<vmem>>[vector<16xi32>], vector<16xf32>,
    %gt3A_1125 = arith.cmpf ogt, %get3A_1079, %gather3A_1124 : vector<16xf32>
    %select_n3A_1126 = arith.select %gt3A_1125, %add3A_1120, %select_n3A_1117 : vector<16xi1>, vector<16xi32>
    %add3A_1127 = arith.constant 1 : i32
    %add3A_1128 = vector.broadcast %add3A_1127 : i32 to vector<16xi32>
    %add3A_1129 = arith.addi %select_n3A_1126, %add3A_1128 : vector<16xi32>
    %sub3A_1130 = arith.constant 1 : i32
    %sub3A_1131 = vector.broadcast %sub3A_1130 : i32 to vector<16xi32>
    %sub3A_1132 = arith.subi %add3A_1129, %sub3A_1131 : vector<16xi32>
    %gather3A_1133 = tpu.vector_load_idx %arg11[%sub3A_1132] : memref<320xf32, #tpu.memory_space<vmem>>[vector<16xi32>], vector<16xf32>,
    %gt3A_1134 = arith.cmpf ogt, %get3A_1079, %gather3A_1133 : vector<16xf32>
    %select_n3A_1135 = arith.select %gt3A_1134, %add3A_1129, %select_n3A_1126 : vector<16xi1>, vector<16xi32>
    %add3A_1136 = arith.constant 128 : i32
    %add3A_1137 = vector.broadcast %add3A_1136 : i32 to vector<16xi32>
    %add3A_1138 = arith.addi %broadcast_in_dim3A_45, %add3A_1137 : vector<16xi32>
    %add3A_1139 = arith.constant 63 : i32
    %add3A_1140 = vector.broadcast %add3A_1139 : i32 to vector<16xi32>
    %add3A_1141 = arith.addi %add3A_1138, %add3A_1140 : vector<16xi32>
    %gather3A_1142 = tpu.vector_load_idx %arg11[%add3A_1141] : memref<320xf32, #tpu.memory_space<vmem>>[vector<16xi32>], vector<16xf32>,
    %gt3A_1143 = arith.cmpf ogt, %get3A_1081, %gather3A_1142 : vector<16xf32>
    %select_n3A_1144 = arith.select %gt3A_1143, %add3A_1138, %broadcast_in_dim3A_45 : vector<16xi1>, vector<16xi32>
    %add3A_1145 = arith.constant 64 : i32
    %add3A_1146 = vector.broadcast %add3A_1145 : i32 to vector<16xi32>
    %add3A_1147 = arith.addi %select_n3A_1144, %add3A_1146 : vector<16xi32>
    %add3A_1148 = arith.constant 63 : i32
    %add3A_1149 = vector.broadcast %add3A_1148 : i32 to vector<16xi32>
    %add3A_1150 = arith.addi %add3A_1147, %add3A_1149 : vector<16xi32>
    %gather3A_1151 = tpu.vector_load_idx %arg11[%add3A_1150] : memref<320xf32, #tpu.memory_space<vmem>>[vector<16xi32>], vector<16xf32>,
    %gt3A_1152 = arith.cmpf ogt, %get3A_1081, %gather3A_1151 : vector<16xf32>
    %select_n3A_1153 = arith.select %gt3A_1152, %add3A_1147, %select_n3A_1144 : vector<16xi1>, vector<16xi32>
    %add3A_1154 = arith.constant 32 : i32
    %add3A_1155 = vector.broadcast %add3A_1154 : i32 to vector<16xi32>
    %add3A_1156 = arith.addi %select_n3A_1153, %add3A_1155 : vector<16xi32>
    %add3A_1157 = arith.constant 63 : i32
    %add3A_1158 = vector.broadcast %add3A_1157 : i32 to vector<16xi32>
    %add3A_1159 = arith.addi %add3A_1156, %add3A_1158 : vector<16xi32>
    %gather3A_1160 = tpu.vector_load_idx %arg11[%add3A_1159] : memref<320xf32, #tpu.memory_space<vmem>>[vector<16xi32>], vector<16xf32>,
    %gt3A_1161 = arith.cmpf ogt, %get3A_1081, %gather3A_1160 : vector<16xf32>
    %select_n3A_1162 = arith.select %gt3A_1161, %add3A_1156, %select_n3A_1153 : vector<16xi1>, vector<16xi32>
    %add3A_1163 = arith.constant 16 : i32
    %add3A_1164 = vector.broadcast %add3A_1163 : i32 to vector<16xi32>
    %add3A_1165 = arith.addi %select_n3A_1162, %add3A_1164 : vector<16xi32>
    %add3A_1166 = arith.constant 63 : i32
    %add3A_1167 = vector.broadcast %add3A_1166 : i32 to vector<16xi32>
    %add3A_1168 = arith.addi %add3A_1165, %add3A_1167 : vector<16xi32>
    %gather3A_1169 = tpu.vector_load_idx %arg11[%add3A_1168] : memref<320xf32, #tpu.memory_space<vmem>>[vector<16xi32>], vector<16xf32>,
    %gt3A_1170 = arith.cmpf ogt, %get3A_1081, %gather3A_1169 : vector<16xf32>
    %select_n3A_1171 = arith.select %gt3A_1170, %add3A_1165, %select_n3A_1162 : vector<16xi1>, vector<16xi32>
    %add3A_1172 = arith.constant 8 : i32
    %add3A_1173 = vector.broadcast %add3A_1172 : i32 to vector<16xi32>
    %add3A_1174 = arith.addi %select_n3A_1171, %add3A_1173 : vector<16xi32>
    %add3A_1175 = arith.constant 63 : i32
    %add3A_1176 = vector.broadcast %add3A_1175 : i32 to vector<16xi32>
    %add3A_1177 = arith.addi %add3A_1174, %add3A_1176 : vector<16xi32>
    %gather3A_1178 = tpu.vector_load_idx %arg11[%add3A_1177] : memref<320xf32, #tpu.memory_space<vmem>>[vector<16xi32>], vector<16xf32>,
    %gt3A_1179 = arith.cmpf ogt, %get3A_1081, %gather3A_1178 : vector<16xf32>
    %select_n3A_1180 = arith.select %gt3A_1179, %add3A_1174, %select_n3A_1171 : vector<16xi1>, vector<16xi32>
    %add3A_1181 = arith.constant 4 : i32
    %add3A_1182 = vector.broadcast %add3A_1181 : i32 to vector<16xi32>
    %add3A_1183 = arith.addi %select_n3A_1180, %add3A_1182 : vector<16xi32>
    %add3A_1184 = arith.constant 63 : i32
    %add3A_1185 = vector.broadcast %add3A_1184 : i32 to vector<16xi32>
    %add3A_1186 = arith.addi %add3A_1183, %add3A_1185 : vector<16xi32>
    %gather3A_1187 = tpu.vector_load_idx %arg11[%add3A_1186] : memref<320xf32, #tpu.memory_space<vmem>>[vector<16xi32>], vector<16xf32>,
    %gt3A_1188 = arith.cmpf ogt, %get3A_1081, %gather3A_1187 : vector<16xf32>
    %select_n3A_1189 = arith.select %gt3A_1188, %add3A_1183, %select_n3A_1180 : vector<16xi1>, vector<16xi32>
    %add3A_1190 = arith.constant 2 : i32
    %add3A_1191 = vector.broadcast %add3A_1190 : i32 to vector<16xi32>
    %add3A_1192 = arith.addi %select_n3A_1189, %add3A_1191 : vector<16xi32>
    %add3A_1193 = arith.constant 63 : i32
    %add3A_1194 = vector.broadcast %add3A_1193 : i32 to vector<16xi32>
    %add3A_1195 = arith.addi %add3A_1192, %add3A_1194 : vector<16xi32>
    %gather3A_1196 = tpu.vector_load_idx %arg11[%add3A_1195] : memref<320xf32, #tpu.memory_space<vmem>>[vector<16xi32>], vector<16xf32>,
    %gt3A_1197 = arith.cmpf ogt, %get3A_1081, %gather3A_1196 : vector<16xf32>
    %select_n3A_1198 = arith.select %gt3A_1197, %add3A_1192, %select_n3A_1189 : vector<16xi1>, vector<16xi32>
    %add3A_1199 = arith.constant 1 : i32
    %add3A_1200 = vector.broadcast %add3A_1199 : i32 to vector<16xi32>
    %add3A_1201 = arith.addi %select_n3A_1198, %add3A_1200 : vector<16xi32>
    %add3A_1202 = arith.constant 63 : i32
    %add3A_1203 = vector.broadcast %add3A_1202 : i32 to vector<16xi32>
    %add3A_1204 = arith.addi %add3A_1201, %add3A_1203 : vector<16xi32>
    %gather3A_1205 = tpu.vector_load_idx %arg11[%add3A_1204] : memref<320xf32, #tpu.memory_space<vmem>>[vector<16xi32>], vector<16xf32>,
    %gt3A_1206 = arith.cmpf ogt, %get3A_1081, %gather3A_1205 : vector<16xf32>
    %select_n3A_1207 = arith.select %gt3A_1206, %add3A_1201, %select_n3A_1198 : vector<16xi1>, vector<16xi32>
    %mul3A_1208 = arith.constant 256 : i32
    %mul3A_1209 = vector.broadcast %mul3A_1208 : i32 to vector<16xi32>
    %mul3A_1210 = arith.muli %select_n3A_1135, %mul3A_1209 : vector<16xi32>
    %add3A_1211 = arith.addi %mul3A_1210, %select_n3A_1207 : vector<16xi32>
    %swap3A_1212 = arith.constant 112 : index
    %swap3A_1213 = tpu.vector_load %arg13[%swap3A_1212] {strides = array<i32>} : memref<128xi32, #tpu.memory_space<vmem>>, vector<16xi32>,
    tpu.vector_store %arg13[%swap3A_1212], %add3A_1211 {strides = array<i32>} : memref<128xi32, #tpu.memory_space<vmem>>, vector<16xi32>,
    %add3A_1214 = arith.constant 16384 : i32
    %add3A_1215 = vector.broadcast %add3A_1214 : i32 to vector<16xi32>
    %add3A_1216 = arith.addi %add3A_1211, %add3A_1215 : vector<16xi32>
    %swap3A_1217 = arith.constant 112 : index
    %swap3A_1218 = tpu.vector_load %arg14[%swap3A_1217] {strides = array<i32>} : memref<128xi32, #tpu.memory_space<vmem>>, vector<16xi32>,
    tpu.vector_store %arg14[%swap3A_1217], %add3A_1216 {strides = array<i32>} : memref<128xi32, #tpu.memory_space<vmem>>, vector<16xi32>,
    %get3A_1219 = arith.constant 112 : index
    %get3A_1220 = tpu.vector_load %arg9[%get3A_1219] {strides = array<i32>} : memref<128xf32, #tpu.memory_space<vmem>>, vector<16xf32>,
    %get3A_1221 = arith.constant 112 : index
    %get3A_1222 = tpu.vector_load %arg10[%get3A_1221] {strides = array<i32>} : memref<128xf32, #tpu.memory_space<vmem>>, vector<16xf32>,
    %mul3A_1223 = arith.mulf %get3A_1220, %get3A_1222 : vector<16xf32>
    %swap3A_1224 = arith.constant 112 : index
    %swap3A_1225 = tpu.vector_load %arg12[%swap3A_1224] {strides = array<i32>} : memref<128xf32, #tpu.memory_space<vmem>>, vector<16xf32>,
    tpu.vector_store %arg12[%swap3A_1224], %mul3A_1223 {strides = array<i32>} : memref<128xf32, #tpu.memory_space<vmem>>, vector<16xf32>,
    %barrier3A = arith.constant 0 : index
    tpu.barrier barrier_id(%barrier3A)
    %dma_start3A_1226 = arith.constant 0 : i32
    %dma_start3A_1227 = tpu.memref_slice %arg19[%dma_start3A_1226] : memref<32768xf32, #tpu.memory_space<vmem_shared>> -> memref<32768xf32, #tpu.memory_space<vmem_shared>>
    tpu.enqueue_indirect_dma source(%arg12 : memref<128xf32, #tpu.memory_space<vmem>>) target(%dma_start3A_1227 : memref<32768xf32, #tpu.memory_space<vmem_shared>>) offsets(%arg13 : memref<128xi32, #tpu.memory_space<vmem>>) semaphore(%arg20 : memref<!tpu.dma_semaphore, #tpu.memory_space<semaphore_mem>>) {add = true}
    %dma_start3A_1228 = arith.constant 0 : i32
    %dma_start3A_1229 = tpu.memref_slice %arg19[%dma_start3A_1228] : memref<32768xf32, #tpu.memory_space<vmem_shared>> -> memref<32768xf32, #tpu.memory_space<vmem_shared>>
    tpu.enqueue_indirect_dma source(%arg9 : memref<128xf32, #tpu.memory_space<vmem>>) target(%dma_start3A_1229 : memref<32768xf32, #tpu.memory_space<vmem_shared>>) offsets(%arg14 : memref<128xi32, #tpu.memory_space<vmem>>) semaphore(%arg20 : memref<!tpu.dma_semaphore, #tpu.memory_space<semaphore_mem>>) {add = true}
    %dma_wait3A_1230 = arith.constant 0 : i32
    %dma_wait3A_1231 = tpu.memref_slice %arg19[%dma_wait3A_1230] : memref<32768xf32, #tpu.memory_space<vmem_shared>> -> memref<32768xf32, #tpu.memory_space<vmem_shared>>
    tpu.wait_indirect_dma semaphore(%arg20 : memref<!tpu.dma_semaphore, #tpu.memory_space<semaphore_mem>>) src(%arg12 : memref<128xf32, #tpu.memory_space<vmem>>) dst(%dma_wait3A_1231 : memref<32768xf32, #tpu.memory_space<vmem_shared>>)
    %dma_wait3A_1232 = arith.constant 0 : i32
    %dma_wait3A_1233 = tpu.memref_slice %arg19[%dma_wait3A_1232] : memref<32768xf32, #tpu.memory_space<vmem_shared>> -> memref<32768xf32, #tpu.memory_space<vmem_shared>>
    tpu.wait_indirect_dma semaphore(%arg20 : memref<!tpu.dma_semaphore, #tpu.memory_space<semaphore_mem>>) src(%arg9 : memref<128xf32, #tpu.memory_space<vmem>>) dst(%dma_wait3A_1233 : memref<32768xf32, #tpu.memory_space<vmem_shared>>)
    %barrier3A_1234 = arith.constant 0 : index
    tpu.barrier barrier_id(%barrier3A_1234)
    %mul3A_1235 = arith.constant 1024 : i32
    %mul3A_1236 = arith.muli %arg1, %mul3A_1235 : i32
    %dma_start3A_1237 = tpu.memref_slice %arg19[%mul3A_1236] : memref<32768xf32, #tpu.memory_space<vmem_shared>> -> memref<1024xf32, #tpu.memory_space<vmem_shared>>
    %dma_start3A_1238 = tpu.memref_slice %arg19[%mul3A_1236] : memref<32768xf32, #tpu.memory_space<vmem_shared>> -> memref<1024xf32, #tpu.memory_space<vmem_shared>>
    tpu.enqueue_dma source(%dma_start3A_1238 : memref<1024xf32, #tpu.memory_space<vmem_shared>>) target(%arg15 : memref<1024xf32, #tpu.memory_space<vmem>>) target_semaphore(%arg20 : memref<!tpu.dma_semaphore, #tpu.memory_space<semaphore_mem>>)
    %mul3A_1239 = arith.constant 1024 : i32
    %mul3A_1240 = arith.muli %arg1, %mul3A_1239 : i32
    %add3A_1241 = arith.constant 16384 : i32
    %add3A_1242 = arith.addi %add3A_1241, %mul3A_1240 : i32
    %dma_start3A_1243 = tpu.memref_slice %arg19[%add3A_1242] : memref<32768xf32, #tpu.memory_space<vmem_shared>> -> memref<1024xf32, #tpu.memory_space<vmem_shared>>
    %dma_start3A_1244 = tpu.memref_slice %arg19[%add3A_1242] : memref<32768xf32, #tpu.memory_space<vmem_shared>> -> memref<1024xf32, #tpu.memory_space<vmem_shared>>
    tpu.enqueue_dma source(%dma_start3A_1244 : memref<1024xf32, #tpu.memory_space<vmem_shared>>) target(%arg16 : memref<1024xf32, #tpu.memory_space<vmem>>) target_semaphore(%arg20 : memref<!tpu.dma_semaphore, #tpu.memory_space<semaphore_mem>>)
    %dma_wait3A_1245 = tpu.memref_slice %arg19[%mul3A_1236] : memref<32768xf32, #tpu.memory_space<vmem_shared>> -> memref<1024xf32, #tpu.memory_space<vmem_shared>>
    %dma_wait3A_1246 = tpu.memref_slice %arg19[%mul3A_1236] : memref<32768xf32, #tpu.memory_space<vmem_shared>> -> memref<1024xf32, #tpu.memory_space<vmem_shared>>
    tpu.wait_dma2 semaphore(%arg20 : memref<!tpu.dma_semaphore, #tpu.memory_space<semaphore_mem>>) src(%dma_wait3A_1246 : memref<1024xf32, #tpu.memory_space<vmem_shared>>) dst(%arg15 : memref<1024xf32, #tpu.memory_space<vmem>>)
    %dma_wait3A_1247 = tpu.memref_slice %arg19[%add3A_1242] : memref<32768xf32, #tpu.memory_space<vmem_shared>> -> memref<1024xf32, #tpu.memory_space<vmem_shared>>
    %dma_wait3A_1248 = tpu.memref_slice %arg19[%add3A_1242] : memref<32768xf32, #tpu.memory_space<vmem_shared>> -> memref<1024xf32, #tpu.memory_space<vmem_shared>>
    tpu.wait_dma2 semaphore(%arg20 : memref<!tpu.dma_semaphore, #tpu.memory_space<semaphore_mem>>) src(%dma_wait3A_1248 : memref<1024xf32, #tpu.memory_space<vmem_shared>>) dst(%arg16 : memref<1024xf32, #tpu.memory_space<vmem>>)
    %get3A_1249 = arith.constant 0 : index
    %get3A_1250 = tpu.vector_load %arg15[%get3A_1249] {strides = array<i32>} : memref<1024xf32, #tpu.memory_space<vmem>>, vector<16xf32>,
    %get3A_1251 = arith.constant 0 : index
    %get3A_1252 = tpu.vector_load %arg16[%get3A_1251] {strides = array<i32>} : memref<1024xf32, #tpu.memory_space<vmem>>, vector<16xf32>,
    %add3A_1253 = arith.constant 9.99999993E-9 : f32
    %add3A_1254 = vector.broadcast %add3A_1253 : f32 to vector<16xf32>
    %add3A_1255 = arith.addf %get3A_1252, %add3A_1254 : vector<16xf32>
    %div3A = arith.divf %get3A_1250, %add3A_1255 : vector<16xf32>
    %ne3A = arith.constant 0.000000e+00 : f32
    %ne3A_1256 = vector.broadcast %ne3A : f32 to vector<16xf32>
    %ne3A_1257 = arith.cmpf one, %div3A, %ne3A_1256 : vector<16xf32>
    %sub3A_1258 = arith.constant 1.450000e+00 : f32
    %sub3A_1259 = vector.broadcast %sub3A_1258 : f32 to vector<16xf32>
    %sub3A_1260 = arith.subf %div3A, %sub3A_1259 : vector<16xf32>
    %div3A_1261 = arith.constant 7.855000e+01 : f32
    %div3A_1262 = vector.broadcast %div3A_1261 : f32 to vector<16xf32>
    %div3A_1263 = arith.divf %sub3A_1260, %div3A_1262 : vector<16xf32>
    %jit3A = arith.constant 1.000000e+00 : f32
    %broadcast_in_dim3A_1264 = vector.broadcast %jit3A : f32 to vector<16xf32>
    %select_n3A_1265 = arith.select %ne3A_1257, %div3A_1263, %broadcast_in_dim3A_1264 : vector<16xi1>, vector<16xf32>
    %swap3A_1266 = arith.constant 0 : index
    %swap3A_1267 = tpu.vector_load %arg17[%swap3A_1266] {strides = array<i32>} : memref<1024xf32, #tpu.memory_space<vmem>>, vector<16xf32>,
    tpu.vector_store %arg17[%swap3A_1266], %select_n3A_1265 {strides = array<i32>} : memref<1024xf32, #tpu.memory_space<vmem>>, vector<16xf32>,
    %select_n3A_1268 = arith.select %ne3A_1257, %broadcast_in_dim3A_47, %broadcast_in_dim3A_45 : vector<16xi1>, vector<16xi32>
    %swap3A_1269 = arith.constant 0 : index
    %swap3A_1270 = tpu.vector_load %arg18[%swap3A_1269] {strides = array<i32>} : memref<1024xi32, #tpu.memory_space<vmem>>, vector<16xi32>,
    tpu.vector_store %arg18[%swap3A_1269], %select_n3A_1268 {strides = array<i32>} : memref<1024xi32, #tpu.memory_space<vmem>>, vector<16xi32>,
    %get3A_1271 = arith.constant 16 : index
    %get3A_1272 = tpu.vector_load %arg15[%get3A_1271] {strides = array<i32>} : memref<1024xf32, #tpu.memory_space<vmem>>, vector<16xf32>,
    %get3A_1273 = arith.constant 16 : index
    %get3A_1274 = tpu.vector_load %arg16[%get3A_1273] {strides = array<i32>} : memref<1024xf32, #tpu.memory_space<vmem>>, vector<16xf32>,
    %add3A_1275 = arith.constant 9.99999993E-9 : f32
    %add3A_1276 = vector.broadcast %add3A_1275 : f32 to vector<16xf32>
    %add3A_1277 = arith.addf %get3A_1274, %add3A_1276 : vector<16xf32>
    %div3A_1278 = arith.divf %get3A_1272, %add3A_1277 : vector<16xf32>
    %ne3A_1279 = arith.constant 0.000000e+00 : f32
    %ne3A_1280 = vector.broadcast %ne3A_1279 : f32 to vector<16xf32>
    %ne3A_1281 = arith.cmpf one, %div3A_1278, %ne3A_1280 : vector<16xf32>
    %sub3A_1282 = arith.constant 1.450000e+00 : f32
    %sub3A_1283 = vector.broadcast %sub3A_1282 : f32 to vector<16xf32>
    %sub3A_1284 = arith.subf %div3A_1278, %sub3A_1283 : vector<16xf32>
    %div3A_1285 = arith.constant 7.855000e+01 : f32
    %div3A_1286 = vector.broadcast %div3A_1285 : f32 to vector<16xf32>
    %div3A_1287 = arith.divf %sub3A_1284, %div3A_1286 : vector<16xf32>
    %jit3A_1288 = arith.constant 1.000000e+00 : f32
    %broadcast_in_dim3A_1289 = vector.broadcast %jit3A_1288 : f32 to vector<16xf32>
    %select_n3A_1290 = arith.select %ne3A_1281, %div3A_1287, %broadcast_in_dim3A_1289 : vector<16xi1>, vector<16xf32>
    %swap3A_1291 = arith.constant 16 : index
    %swap3A_1292 = tpu.vector_load %arg17[%swap3A_1291] {strides = array<i32>} : memref<1024xf32, #tpu.memory_space<vmem>>, vector<16xf32>,
    tpu.vector_store %arg17[%swap3A_1291], %select_n3A_1290 {strides = array<i32>} : memref<1024xf32, #tpu.memory_space<vmem>>, vector<16xf32>,
    %select_n3A_1293 = arith.select %ne3A_1281, %broadcast_in_dim3A_47, %broadcast_in_dim3A_45 : vector<16xi1>, vector<16xi32>
    %swap3A_1294 = arith.constant 16 : index
    %swap3A_1295 = tpu.vector_load %arg18[%swap3A_1294] {strides = array<i32>} : memref<1024xi32, #tpu.memory_space<vmem>>, vector<16xi32>,
    tpu.vector_store %arg18[%swap3A_1294], %select_n3A_1293 {strides = array<i32>} : memref<1024xi32, #tpu.memory_space<vmem>>, vector<16xi32>,
    %get3A_1296 = arith.constant 32 : index
    %get3A_1297 = tpu.vector_load %arg15[%get3A_1296] {strides = array<i32>} : memref<1024xf32, #tpu.memory_space<vmem>>, vector<16xf32>,
    %get3A_1298 = arith.constant 32 : index
    %get3A_1299 = tpu.vector_load %arg16[%get3A_1298] {strides = array<i32>} : memref<1024xf32, #tpu.memory_space<vmem>>, vector<16xf32>,
    %add3A_1300 = arith.constant 9.99999993E-9 : f32
    %add3A_1301 = vector.broadcast %add3A_1300 : f32 to vector<16xf32>
    %add3A_1302 = arith.addf %get3A_1299, %add3A_1301 : vector<16xf32>
    %div3A_1303 = arith.divf %get3A_1297, %add3A_1302 : vector<16xf32>
    %ne3A_1304 = arith.constant 0.000000e+00 : f32
    %ne3A_1305 = vector.broadcast %ne3A_1304 : f32 to vector<16xf32>
    %ne3A_1306 = arith.cmpf one, %div3A_1303, %ne3A_1305 : vector<16xf32>
    %sub3A_1307 = arith.constant 1.450000e+00 : f32
    %sub3A_1308 = vector.broadcast %sub3A_1307 : f32 to vector<16xf32>
    %sub3A_1309 = arith.subf %div3A_1303, %sub3A_1308 : vector<16xf32>
    %div3A_1310 = arith.constant 7.855000e+01 : f32
    %div3A_1311 = vector.broadcast %div3A_1310 : f32 to vector<16xf32>
    %div3A_1312 = arith.divf %sub3A_1309, %div3A_1311 : vector<16xf32>
    %jit3A_1313 = arith.constant 1.000000e+00 : f32
    %broadcast_in_dim3A_1314 = vector.broadcast %jit3A_1313 : f32 to vector<16xf32>
    %select_n3A_1315 = arith.select %ne3A_1306, %div3A_1312, %broadcast_in_dim3A_1314 : vector<16xi1>, vector<16xf32>
    %swap3A_1316 = arith.constant 32 : index
    %swap3A_1317 = tpu.vector_load %arg17[%swap3A_1316] {strides = array<i32>} : memref<1024xf32, #tpu.memory_space<vmem>>, vector<16xf32>,
    tpu.vector_store %arg17[%swap3A_1316], %select_n3A_1315 {strides = array<i32>} : memref<1024xf32, #tpu.memory_space<vmem>>, vector<16xf32>,
    %select_n3A_1318 = arith.select %ne3A_1306, %broadcast_in_dim3A_47, %broadcast_in_dim3A_45 : vector<16xi1>, vector<16xi32>
    %swap3A_1319 = arith.constant 32 : index
    %swap3A_1320 = tpu.vector_load %arg18[%swap3A_1319] {strides = array<i32>} : memref<1024xi32, #tpu.memory_space<vmem>>, vector<16xi32>,
    tpu.vector_store %arg18[%swap3A_1319], %select_n3A_1318 {strides = array<i32>} : memref<1024xi32, #tpu.memory_space<vmem>>, vector<16xi32>,
    %get3A_1321 = arith.constant 48 : index
    %get3A_1322 = tpu.vector_load %arg15[%get3A_1321] {strides = array<i32>} : memref<1024xf32, #tpu.memory_space<vmem>>, vector<16xf32>,
    %get3A_1323 = arith.constant 48 : index
    %get3A_1324 = tpu.vector_load %arg16[%get3A_1323] {strides = array<i32>} : memref<1024xf32, #tpu.memory_space<vmem>>, vector<16xf32>,
    %add3A_1325 = arith.constant 9.99999993E-9 : f32
    %add3A_1326 = vector.broadcast %add3A_1325 : f32 to vector<16xf32>
    %add3A_1327 = arith.addf %get3A_1324, %add3A_1326 : vector<16xf32>
    %div3A_1328 = arith.divf %get3A_1322, %add3A_1327 : vector<16xf32>
    %ne3A_1329 = arith.constant 0.000000e+00 : f32
    %ne3A_1330 = vector.broadcast %ne3A_1329 : f32 to vector<16xf32>
    %ne3A_1331 = arith.cmpf one, %div3A_1328, %ne3A_1330 : vector<16xf32>
    %sub3A_1332 = arith.constant 1.450000e+00 : f32
    %sub3A_1333 = vector.broadcast %sub3A_1332 : f32 to vector<16xf32>
    %sub3A_1334 = arith.subf %div3A_1328, %sub3A_1333 : vector<16xf32>
    %div3A_1335 = arith.constant 7.855000e+01 : f32
    %div3A_1336 = vector.broadcast %div3A_1335 : f32 to vector<16xf32>
    %div3A_1337 = arith.divf %sub3A_1334, %div3A_1336 : vector<16xf32>
    %jit3A_1338 = arith.constant 1.000000e+00 : f32
    %broadcast_in_dim3A_1339 = vector.broadcast %jit3A_1338 : f32 to vector<16xf32>
    %select_n3A_1340 = arith.select %ne3A_1331, %div3A_1337, %broadcast_in_dim3A_1339 : vector<16xi1>, vector<16xf32>
    %swap3A_1341 = arith.constant 48 : index
    %swap3A_1342 = tpu.vector_load %arg17[%swap3A_1341] {strides = array<i32>} : memref<1024xf32, #tpu.memory_space<vmem>>, vector<16xf32>,
    tpu.vector_store %arg17[%swap3A_1341], %select_n3A_1340 {strides = array<i32>} : memref<1024xf32, #tpu.memory_space<vmem>>, vector<16xf32>,
    %select_n3A_1343 = arith.select %ne3A_1331, %broadcast_in_dim3A_47, %broadcast_in_dim3A_45 : vector<16xi1>, vector<16xi32>
    %swap3A_1344 = arith.constant 48 : index
    %swap3A_1345 = tpu.vector_load %arg18[%swap3A_1344] {strides = array<i32>} : memref<1024xi32, #tpu.memory_space<vmem>>, vector<16xi32>,
    tpu.vector_store %arg18[%swap3A_1344], %select_n3A_1343 {strides = array<i32>} : memref<1024xi32, #tpu.memory_space<vmem>>, vector<16xi32>,
    %get3A_1346 = arith.constant 64 : index
    %get3A_1347 = tpu.vector_load %arg15[%get3A_1346] {strides = array<i32>} : memref<1024xf32, #tpu.memory_space<vmem>>, vector<16xf32>,
    %get3A_1348 = arith.constant 64 : index
    %get3A_1349 = tpu.vector_load %arg16[%get3A_1348] {strides = array<i32>} : memref<1024xf32, #tpu.memory_space<vmem>>, vector<16xf32>,
    %add3A_1350 = arith.constant 9.99999993E-9 : f32
    %add3A_1351 = vector.broadcast %add3A_1350 : f32 to vector<16xf32>
    %add3A_1352 = arith.addf %get3A_1349, %add3A_1351 : vector<16xf32>
    %div3A_1353 = arith.divf %get3A_1347, %add3A_1352 : vector<16xf32>
    %ne3A_1354 = arith.constant 0.000000e+00 : f32
    %ne3A_1355 = vector.broadcast %ne3A_1354 : f32 to vector<16xf32>
    %ne3A_1356 = arith.cmpf one, %div3A_1353, %ne3A_1355 : vector<16xf32>
    %sub3A_1357 = arith.constant 1.450000e+00 : f32
    %sub3A_1358 = vector.broadcast %sub3A_1357 : f32 to vector<16xf32>
    %sub3A_1359 = arith.subf %div3A_1353, %sub3A_1358 : vector<16xf32>
    %div3A_1360 = arith.constant 7.855000e+01 : f32
    %div3A_1361 = vector.broadcast %div3A_1360 : f32 to vector<16xf32>
    %div3A_1362 = arith.divf %sub3A_1359, %div3A_1361 : vector<16xf32>
    %jit3A_1363 = arith.constant 1.000000e+00 : f32
    %broadcast_in_dim3A_1364 = vector.broadcast %jit3A_1363 : f32 to vector<16xf32>
    %select_n3A_1365 = arith.select %ne3A_1356, %div3A_1362, %broadcast_in_dim3A_1364 : vector<16xi1>, vector<16xf32>
    %swap3A_1366 = arith.constant 64 : index
    %swap3A_1367 = tpu.vector_load %arg17[%swap3A_1366] {strides = array<i32>} : memref<1024xf32, #tpu.memory_space<vmem>>, vector<16xf32>,
    tpu.vector_store %arg17[%swap3A_1366], %select_n3A_1365 {strides = array<i32>} : memref<1024xf32, #tpu.memory_space<vmem>>, vector<16xf32>,
    %select_n3A_1368 = arith.select %ne3A_1356, %broadcast_in_dim3A_47, %broadcast_in_dim3A_45 : vector<16xi1>, vector<16xi32>
    %swap3A_1369 = arith.constant 64 : index
    %swap3A_1370 = tpu.vector_load %arg18[%swap3A_1369] {strides = array<i32>} : memref<1024xi32, #tpu.memory_space<vmem>>, vector<16xi32>,
    tpu.vector_store %arg18[%swap3A_1369], %select_n3A_1368 {strides = array<i32>} : memref<1024xi32, #tpu.memory_space<vmem>>, vector<16xi32>,
    %get3A_1371 = arith.constant 80 : index
    %get3A_1372 = tpu.vector_load %arg15[%get3A_1371] {strides = array<i32>} : memref<1024xf32, #tpu.memory_space<vmem>>, vector<16xf32>,
    %get3A_1373 = arith.constant 80 : index
    %get3A_1374 = tpu.vector_load %arg16[%get3A_1373] {strides = array<i32>} : memref<1024xf32, #tpu.memory_space<vmem>>, vector<16xf32>,
    %add3A_1375 = arith.constant 9.99999993E-9 : f32
    %add3A_1376 = vector.broadcast %add3A_1375 : f32 to vector<16xf32>
    %add3A_1377 = arith.addf %get3A_1374, %add3A_1376 : vector<16xf32>
    %div3A_1378 = arith.divf %get3A_1372, %add3A_1377 : vector<16xf32>
    %ne3A_1379 = arith.constant 0.000000e+00 : f32
    %ne3A_1380 = vector.broadcast %ne3A_1379 : f32 to vector<16xf32>
    %ne3A_1381 = arith.cmpf one, %div3A_1378, %ne3A_1380 : vector<16xf32>
    %sub3A_1382 = arith.constant 1.450000e+00 : f32
    %sub3A_1383 = vector.broadcast %sub3A_1382 : f32 to vector<16xf32>
    %sub3A_1384 = arith.subf %div3A_1378, %sub3A_1383 : vector<16xf32>
    %div3A_1385 = arith.constant 7.855000e+01 : f32
    %div3A_1386 = vector.broadcast %div3A_1385 : f32 to vector<16xf32>
    %div3A_1387 = arith.divf %sub3A_1384, %div3A_1386 : vector<16xf32>
    %jit3A_1388 = arith.constant 1.000000e+00 : f32
    %broadcast_in_dim3A_1389 = vector.broadcast %jit3A_1388 : f32 to vector<16xf32>
    %select_n3A_1390 = arith.select %ne3A_1381, %div3A_1387, %broadcast_in_dim3A_1389 : vector<16xi1>, vector<16xf32>
    %swap3A_1391 = arith.constant 80 : index
    %swap3A_1392 = tpu.vector_load %arg17[%swap3A_1391] {strides = array<i32>} : memref<1024xf32, #tpu.memory_space<vmem>>, vector<16xf32>,
    tpu.vector_store %arg17[%swap3A_1391], %select_n3A_1390 {strides = array<i32>} : memref<1024xf32, #tpu.memory_space<vmem>>, vector<16xf32>,
    %select_n3A_1393 = arith.select %ne3A_1381, %broadcast_in_dim3A_47, %broadcast_in_dim3A_45 : vector<16xi1>, vector<16xi32>
    %swap3A_1394 = arith.constant 80 : index
    %swap3A_1395 = tpu.vector_load %arg18[%swap3A_1394] {strides = array<i32>} : memref<1024xi32, #tpu.memory_space<vmem>>, vector<16xi32>,
    tpu.vector_store %arg18[%swap3A_1394], %select_n3A_1393 {strides = array<i32>} : memref<1024xi32, #tpu.memory_space<vmem>>, vector<16xi32>,
    %get3A_1396 = arith.constant 96 : index
    %get3A_1397 = tpu.vector_load %arg15[%get3A_1396] {strides = array<i32>} : memref<1024xf32, #tpu.memory_space<vmem>>, vector<16xf32>,
    %get3A_1398 = arith.constant 96 : index
    %get3A_1399 = tpu.vector_load %arg16[%get3A_1398] {strides = array<i32>} : memref<1024xf32, #tpu.memory_space<vmem>>, vector<16xf32>,
    %add3A_1400 = arith.constant 9.99999993E-9 : f32
    %add3A_1401 = vector.broadcast %add3A_1400 : f32 to vector<16xf32>
    %add3A_1402 = arith.addf %get3A_1399, %add3A_1401 : vector<16xf32>
    %div3A_1403 = arith.divf %get3A_1397, %add3A_1402 : vector<16xf32>
    %ne3A_1404 = arith.constant 0.000000e+00 : f32
    %ne3A_1405 = vector.broadcast %ne3A_1404 : f32 to vector<16xf32>
    %ne3A_1406 = arith.cmpf one, %div3A_1403, %ne3A_1405 : vector<16xf32>
    %sub3A_1407 = arith.constant 1.450000e+00 : f32
    %sub3A_1408 = vector.broadcast %sub3A_1407 : f32 to vector<16xf32>
    %sub3A_1409 = arith.subf %div3A_1403, %sub3A_1408 : vector<16xf32>
    %div3A_1410 = arith.constant 7.855000e+01 : f32
    %div3A_1411 = vector.broadcast %div3A_1410 : f32 to vector<16xf32>
    %div3A_1412 = arith.divf %sub3A_1409, %div3A_1411 : vector<16xf32>
    %jit3A_1413 = arith.constant 1.000000e+00 : f32
    %broadcast_in_dim3A_1414 = vector.broadcast %jit3A_1413 : f32 to vector<16xf32>
    %select_n3A_1415 = arith.select %ne3A_1406, %div3A_1412, %broadcast_in_dim3A_1414 : vector<16xi1>, vector<16xf32>
    %swap3A_1416 = arith.constant 96 : index
    %swap3A_1417 = tpu.vector_load %arg17[%swap3A_1416] {strides = array<i32>} : memref<1024xf32, #tpu.memory_space<vmem>>, vector<16xf32>,
    tpu.vector_store %arg17[%swap3A_1416], %select_n3A_1415 {strides = array<i32>} : memref<1024xf32, #tpu.memory_space<vmem>>, vector<16xf32>,
    %select_n3A_1418 = arith.select %ne3A_1406, %broadcast_in_dim3A_47, %broadcast_in_dim3A_45 : vector<16xi1>, vector<16xi32>
    %swap3A_1419 = arith.constant 96 : index
    %swap3A_1420 = tpu.vector_load %arg18[%swap3A_1419] {strides = array<i32>} : memref<1024xi32, #tpu.memory_space<vmem>>, vector<16xi32>,
    tpu.vector_store %arg18[%swap3A_1419], %select_n3A_1418 {strides = array<i32>} : memref<1024xi32, #tpu.memory_space<vmem>>, vector<16xi32>,
    %get3A_1421 = arith.constant 112 : index
    %get3A_1422 = tpu.vector_load %arg15[%get3A_1421] {strides = array<i32>} : memref<1024xf32, #tpu.memory_space<vmem>>, vector<16xf32>,
    %get3A_1423 = arith.constant 112 : index
    %get3A_1424 = tpu.vector_load %arg16[%get3A_1423] {strides = array<i32>} : memref<1024xf32, #tpu.memory_space<vmem>>, vector<16xf32>,
    %add3A_1425 = arith.constant 9.99999993E-9 : f32
    %add3A_1426 = vector.broadcast %add3A_1425 : f32 to vector<16xf32>
    %add3A_1427 = arith.addf %get3A_1424, %add3A_1426 : vector<16xf32>
    %div3A_1428 = arith.divf %get3A_1422, %add3A_1427 : vector<16xf32>
    %ne3A_1429 = arith.constant 0.000000e+00 : f32
    %ne3A_1430 = vector.broadcast %ne3A_1429 : f32 to vector<16xf32>
    %ne3A_1431 = arith.cmpf one, %div3A_1428, %ne3A_1430 : vector<16xf32>
    %sub3A_1432 = arith.constant 1.450000e+00 : f32
    %sub3A_1433 = vector.broadcast %sub3A_1432 : f32 to vector<16xf32>
    %sub3A_1434 = arith.subf %div3A_1428, %sub3A_1433 : vector<16xf32>
    %div3A_1435 = arith.constant 7.855000e+01 : f32
    %div3A_1436 = vector.broadcast %div3A_1435 : f32 to vector<16xf32>
    %div3A_1437 = arith.divf %sub3A_1434, %div3A_1436 : vector<16xf32>
    %jit3A_1438 = arith.constant 1.000000e+00 : f32
    %broadcast_in_dim3A_1439 = vector.broadcast %jit3A_1438 : f32 to vector<16xf32>
    %select_n3A_1440 = arith.select %ne3A_1431, %div3A_1437, %broadcast_in_dim3A_1439 : vector<16xi1>, vector<16xf32>
    %swap3A_1441 = arith.constant 112 : index
    %swap3A_1442 = tpu.vector_load %arg17[%swap3A_1441] {strides = array<i32>} : memref<1024xf32, #tpu.memory_space<vmem>>, vector<16xf32>,
    tpu.vector_store %arg17[%swap3A_1441], %select_n3A_1440 {strides = array<i32>} : memref<1024xf32, #tpu.memory_space<vmem>>, vector<16xf32>,
    %select_n3A_1443 = arith.select %ne3A_1431, %broadcast_in_dim3A_47, %broadcast_in_dim3A_45 : vector<16xi1>, vector<16xi32>
    %swap3A_1444 = arith.constant 112 : index
    %swap3A_1445 = tpu.vector_load %arg18[%swap3A_1444] {strides = array<i32>} : memref<1024xi32, #tpu.memory_space<vmem>>, vector<16xi32>,
    tpu.vector_store %arg18[%swap3A_1444], %select_n3A_1443 {strides = array<i32>} : memref<1024xi32, #tpu.memory_space<vmem>>, vector<16xi32>,
    %get3A_1446 = arith.constant 128 : index
    %get3A_1447 = tpu.vector_load %arg15[%get3A_1446] {strides = array<i32>} : memref<1024xf32, #tpu.memory_space<vmem>>, vector<16xf32>,
    %get3A_1448 = arith.constant 128 : index
    %get3A_1449 = tpu.vector_load %arg16[%get3A_1448] {strides = array<i32>} : memref<1024xf32, #tpu.memory_space<vmem>>, vector<16xf32>,
    %add3A_1450 = arith.constant 9.99999993E-9 : f32
    %add3A_1451 = vector.broadcast %add3A_1450 : f32 to vector<16xf32>
    %add3A_1452 = arith.addf %get3A_1449, %add3A_1451 : vector<16xf32>
    %div3A_1453 = arith.divf %get3A_1447, %add3A_1452 : vector<16xf32>
    %ne3A_1454 = arith.constant 0.000000e+00 : f32
    %ne3A_1455 = vector.broadcast %ne3A_1454 : f32 to vector<16xf32>
    %ne3A_1456 = arith.cmpf one, %div3A_1453, %ne3A_1455 : vector<16xf32>
    %sub3A_1457 = arith.constant 1.450000e+00 : f32
    %sub3A_1458 = vector.broadcast %sub3A_1457 : f32 to vector<16xf32>
    %sub3A_1459 = arith.subf %div3A_1453, %sub3A_1458 : vector<16xf32>
    %div3A_1460 = arith.constant 7.855000e+01 : f32
    %div3A_1461 = vector.broadcast %div3A_1460 : f32 to vector<16xf32>
    %div3A_1462 = arith.divf %sub3A_1459, %div3A_1461 : vector<16xf32>
    %jit3A_1463 = arith.constant 1.000000e+00 : f32
    %broadcast_in_dim3A_1464 = vector.broadcast %jit3A_1463 : f32 to vector<16xf32>
    %select_n3A_1465 = arith.select %ne3A_1456, %div3A_1462, %broadcast_in_dim3A_1464 : vector<16xi1>, vector<16xf32>
    %swap3A_1466 = arith.constant 128 : index
    %swap3A_1467 = tpu.vector_load %arg17[%swap3A_1466] {strides = array<i32>} : memref<1024xf32, #tpu.memory_space<vmem>>, vector<16xf32>,
    tpu.vector_store %arg17[%swap3A_1466], %select_n3A_1465 {strides = array<i32>} : memref<1024xf32, #tpu.memory_space<vmem>>, vector<16xf32>,
    %select_n3A_1468 = arith.select %ne3A_1456, %broadcast_in_dim3A_47, %broadcast_in_dim3A_45 : vector<16xi1>, vector<16xi32>
    %swap3A_1469 = arith.constant 128 : index
    %swap3A_1470 = tpu.vector_load %arg18[%swap3A_1469] {strides = array<i32>} : memref<1024xi32, #tpu.memory_space<vmem>>, vector<16xi32>,
    tpu.vector_store %arg18[%swap3A_1469], %select_n3A_1468 {strides = array<i32>} : memref<1024xi32, #tpu.memory_space<vmem>>, vector<16xi32>,
    %get3A_1471 = arith.constant 144 : index
    %get3A_1472 = tpu.vector_load %arg15[%get3A_1471] {strides = array<i32>} : memref<1024xf32, #tpu.memory_space<vmem>>, vector<16xf32>,
    %get3A_1473 = arith.constant 144 : index
    %get3A_1474 = tpu.vector_load %arg16[%get3A_1473] {strides = array<i32>} : memref<1024xf32, #tpu.memory_space<vmem>>, vector<16xf32>,
    %add3A_1475 = arith.constant 9.99999993E-9 : f32
    %add3A_1476 = vector.broadcast %add3A_1475 : f32 to vector<16xf32>
    %add3A_1477 = arith.addf %get3A_1474, %add3A_1476 : vector<16xf32>
    %div3A_1478 = arith.divf %get3A_1472, %add3A_1477 : vector<16xf32>
    %ne3A_1479 = arith.constant 0.000000e+00 : f32
    %ne3A_1480 = vector.broadcast %ne3A_1479 : f32 to vector<16xf32>
    %ne3A_1481 = arith.cmpf one, %div3A_1478, %ne3A_1480 : vector<16xf32>
    %sub3A_1482 = arith.constant 1.450000e+00 : f32
    %sub3A_1483 = vector.broadcast %sub3A_1482 : f32 to vector<16xf32>
    %sub3A_1484 = arith.subf %div3A_1478, %sub3A_1483 : vector<16xf32>
    %div3A_1485 = arith.constant 7.855000e+01 : f32
    %div3A_1486 = vector.broadcast %div3A_1485 : f32 to vector<16xf32>
    %div3A_1487 = arith.divf %sub3A_1484, %div3A_1486 : vector<16xf32>
    %jit3A_1488 = arith.constant 1.000000e+00 : f32
    %broadcast_in_dim3A_1489 = vector.broadcast %jit3A_1488 : f32 to vector<16xf32>
    %select_n3A_1490 = arith.select %ne3A_1481, %div3A_1487, %broadcast_in_dim3A_1489 : vector<16xi1>, vector<16xf32>
    %swap3A_1491 = arith.constant 144 : index
    %swap3A_1492 = tpu.vector_load %arg17[%swap3A_1491] {strides = array<i32>} : memref<1024xf32, #tpu.memory_space<vmem>>, vector<16xf32>,
    tpu.vector_store %arg17[%swap3A_1491], %select_n3A_1490 {strides = array<i32>} : memref<1024xf32, #tpu.memory_space<vmem>>, vector<16xf32>,
    %select_n3A_1493 = arith.select %ne3A_1481, %broadcast_in_dim3A_47, %broadcast_in_dim3A_45 : vector<16xi1>, vector<16xi32>
    %swap3A_1494 = arith.constant 144 : index
    %swap3A_1495 = tpu.vector_load %arg18[%swap3A_1494] {strides = array<i32>} : memref<1024xi32, #tpu.memory_space<vmem>>, vector<16xi32>,
    tpu.vector_store %arg18[%swap3A_1494], %select_n3A_1493 {strides = array<i32>} : memref<1024xi32, #tpu.memory_space<vmem>>, vector<16xi32>,
    %get3A_1496 = arith.constant 160 : index
    %get3A_1497 = tpu.vector_load %arg15[%get3A_1496] {strides = array<i32>} : memref<1024xf32, #tpu.memory_space<vmem>>, vector<16xf32>,
    %get3A_1498 = arith.constant 160 : index
    %get3A_1499 = tpu.vector_load %arg16[%get3A_1498] {strides = array<i32>} : memref<1024xf32, #tpu.memory_space<vmem>>, vector<16xf32>,
    %add3A_1500 = arith.constant 9.99999993E-9 : f32
    %add3A_1501 = vector.broadcast %add3A_1500 : f32 to vector<16xf32>
    %add3A_1502 = arith.addf %get3A_1499, %add3A_1501 : vector<16xf32>
    %div3A_1503 = arith.divf %get3A_1497, %add3A_1502 : vector<16xf32>
    %ne3A_1504 = arith.constant 0.000000e+00 : f32
    %ne3A_1505 = vector.broadcast %ne3A_1504 : f32 to vector<16xf32>
    %ne3A_1506 = arith.cmpf one, %div3A_1503, %ne3A_1505 : vector<16xf32>
    %sub3A_1507 = arith.constant 1.450000e+00 : f32
    %sub3A_1508 = vector.broadcast %sub3A_1507 : f32 to vector<16xf32>
    %sub3A_1509 = arith.subf %div3A_1503, %sub3A_1508 : vector<16xf32>
    %div3A_1510 = arith.constant 7.855000e+01 : f32
    %div3A_1511 = vector.broadcast %div3A_1510 : f32 to vector<16xf32>
    %div3A_1512 = arith.divf %sub3A_1509, %div3A_1511 : vector<16xf32>
    %jit3A_1513 = arith.constant 1.000000e+00 : f32
    %broadcast_in_dim3A_1514 = vector.broadcast %jit3A_1513 : f32 to vector<16xf32>
    %select_n3A_1515 = arith.select %ne3A_1506, %div3A_1512, %broadcast_in_dim3A_1514 : vector<16xi1>, vector<16xf32>
    %swap3A_1516 = arith.constant 160 : index
    %swap3A_1517 = tpu.vector_load %arg17[%swap3A_1516] {strides = array<i32>} : memref<1024xf32, #tpu.memory_space<vmem>>, vector<16xf32>,
    tpu.vector_store %arg17[%swap3A_1516], %select_n3A_1515 {strides = array<i32>} : memref<1024xf32, #tpu.memory_space<vmem>>, vector<16xf32>,
    %select_n3A_1518 = arith.select %ne3A_1506, %broadcast_in_dim3A_47, %broadcast_in_dim3A_45 : vector<16xi1>, vector<16xi32>
    %swap3A_1519 = arith.constant 160 : index
    %swap3A_1520 = tpu.vector_load %arg18[%swap3A_1519] {strides = array<i32>} : memref<1024xi32, #tpu.memory_space<vmem>>, vector<16xi32>,
    tpu.vector_store %arg18[%swap3A_1519], %select_n3A_1518 {strides = array<i32>} : memref<1024xi32, #tpu.memory_space<vmem>>, vector<16xi32>,
    %get3A_1521 = arith.constant 176 : index
    %get3A_1522 = tpu.vector_load %arg15[%get3A_1521] {strides = array<i32>} : memref<1024xf32, #tpu.memory_space<vmem>>, vector<16xf32>,
    %get3A_1523 = arith.constant 176 : index
    %get3A_1524 = tpu.vector_load %arg16[%get3A_1523] {strides = array<i32>} : memref<1024xf32, #tpu.memory_space<vmem>>, vector<16xf32>,
    %add3A_1525 = arith.constant 9.99999993E-9 : f32
    %add3A_1526 = vector.broadcast %add3A_1525 : f32 to vector<16xf32>
    %add3A_1527 = arith.addf %get3A_1524, %add3A_1526 : vector<16xf32>
    %div3A_1528 = arith.divf %get3A_1522, %add3A_1527 : vector<16xf32>
    %ne3A_1529 = arith.constant 0.000000e+00 : f32
    %ne3A_1530 = vector.broadcast %ne3A_1529 : f32 to vector<16xf32>
    %ne3A_1531 = arith.cmpf one, %div3A_1528, %ne3A_1530 : vector<16xf32>
    %sub3A_1532 = arith.constant 1.450000e+00 : f32
    %sub3A_1533 = vector.broadcast %sub3A_1532 : f32 to vector<16xf32>
    %sub3A_1534 = arith.subf %div3A_1528, %sub3A_1533 : vector<16xf32>
    %div3A_1535 = arith.constant 7.855000e+01 : f32
    %div3A_1536 = vector.broadcast %div3A_1535 : f32 to vector<16xf32>
    %div3A_1537 = arith.divf %sub3A_1534, %div3A_1536 : vector<16xf32>
    %jit3A_1538 = arith.constant 1.000000e+00 : f32
    %broadcast_in_dim3A_1539 = vector.broadcast %jit3A_1538 : f32 to vector<16xf32>
    %select_n3A_1540 = arith.select %ne3A_1531, %div3A_1537, %broadcast_in_dim3A_1539 : vector<16xi1>, vector<16xf32>
    %swap3A_1541 = arith.constant 176 : index
    %swap3A_1542 = tpu.vector_load %arg17[%swap3A_1541] {strides = array<i32>} : memref<1024xf32, #tpu.memory_space<vmem>>, vector<16xf32>,
    tpu.vector_store %arg17[%swap3A_1541], %select_n3A_1540 {strides = array<i32>} : memref<1024xf32, #tpu.memory_space<vmem>>, vector<16xf32>,
    %select_n3A_1543 = arith.select %ne3A_1531, %broadcast_in_dim3A_47, %broadcast_in_dim3A_45 : vector<16xi1>, vector<16xi32>
    %swap3A_1544 = arith.constant 176 : index
    %swap3A_1545 = tpu.vector_load %arg18[%swap3A_1544] {strides = array<i32>} : memref<1024xi32, #tpu.memory_space<vmem>>, vector<16xi32>,
    tpu.vector_store %arg18[%swap3A_1544], %select_n3A_1543 {strides = array<i32>} : memref<1024xi32, #tpu.memory_space<vmem>>, vector<16xi32>,
    %get3A_1546 = arith.constant 192 : index
    %get3A_1547 = tpu.vector_load %arg15[%get3A_1546] {strides = array<i32>} : memref<1024xf32, #tpu.memory_space<vmem>>, vector<16xf32>,
    %get3A_1548 = arith.constant 192 : index
    %get3A_1549 = tpu.vector_load %arg16[%get3A_1548] {strides = array<i32>} : memref<1024xf32, #tpu.memory_space<vmem>>, vector<16xf32>,
    %add3A_1550 = arith.constant 9.99999993E-9 : f32
    %add3A_1551 = vector.broadcast %add3A_1550 : f32 to vector<16xf32>
    %add3A_1552 = arith.addf %get3A_1549, %add3A_1551 : vector<16xf32>
    %div3A_1553 = arith.divf %get3A_1547, %add3A_1552 : vector<16xf32>
    %ne3A_1554 = arith.constant 0.000000e+00 : f32
    %ne3A_1555 = vector.broadcast %ne3A_1554 : f32 to vector<16xf32>
    %ne3A_1556 = arith.cmpf one, %div3A_1553, %ne3A_1555 : vector<16xf32>
    %sub3A_1557 = arith.constant 1.450000e+00 : f32
    %sub3A_1558 = vector.broadcast %sub3A_1557 : f32 to vector<16xf32>
    %sub3A_1559 = arith.subf %div3A_1553, %sub3A_1558 : vector<16xf32>
    %div3A_1560 = arith.constant 7.855000e+01 : f32
    %div3A_1561 = vector.broadcast %div3A_1560 : f32 to vector<16xf32>
    %div3A_1562 = arith.divf %sub3A_1559, %div3A_1561 : vector<16xf32>
    %jit3A_1563 = arith.constant 1.000000e+00 : f32
    %broadcast_in_dim3A_1564 = vector.broadcast %jit3A_1563 : f32 to vector<16xf32>
    %select_n3A_1565 = arith.select %ne3A_1556, %div3A_1562, %broadcast_in_dim3A_1564 : vector<16xi1>, vector<16xf32>
    %swap3A_1566 = arith.constant 192 : index
    %swap3A_1567 = tpu.vector_load %arg17[%swap3A_1566] {strides = array<i32>} : memref<1024xf32, #tpu.memory_space<vmem>>, vector<16xf32>,
    tpu.vector_store %arg17[%swap3A_1566], %select_n3A_1565 {strides = array<i32>} : memref<1024xf32, #tpu.memory_space<vmem>>, vector<16xf32>,
    %select_n3A_1568 = arith.select %ne3A_1556, %broadcast_in_dim3A_47, %broadcast_in_dim3A_45 : vector<16xi1>, vector<16xi32>
    %swap3A_1569 = arith.constant 192 : index
    %swap3A_1570 = tpu.vector_load %arg18[%swap3A_1569] {strides = array<i32>} : memref<1024xi32, #tpu.memory_space<vmem>>, vector<16xi32>,
    tpu.vector_store %arg18[%swap3A_1569], %select_n3A_1568 {strides = array<i32>} : memref<1024xi32, #tpu.memory_space<vmem>>, vector<16xi32>,
    %get3A_1571 = arith.constant 208 : index
    %get3A_1572 = tpu.vector_load %arg15[%get3A_1571] {strides = array<i32>} : memref<1024xf32, #tpu.memory_space<vmem>>, vector<16xf32>,
    %get3A_1573 = arith.constant 208 : index
    %get3A_1574 = tpu.vector_load %arg16[%get3A_1573] {strides = array<i32>} : memref<1024xf32, #tpu.memory_space<vmem>>, vector<16xf32>,
    %add3A_1575 = arith.constant 9.99999993E-9 : f32
    %add3A_1576 = vector.broadcast %add3A_1575 : f32 to vector<16xf32>
    %add3A_1577 = arith.addf %get3A_1574, %add3A_1576 : vector<16xf32>
    %div3A_1578 = arith.divf %get3A_1572, %add3A_1577 : vector<16xf32>
    %ne3A_1579 = arith.constant 0.000000e+00 : f32
    %ne3A_1580 = vector.broadcast %ne3A_1579 : f32 to vector<16xf32>
    %ne3A_1581 = arith.cmpf one, %div3A_1578, %ne3A_1580 : vector<16xf32>
    %sub3A_1582 = arith.constant 1.450000e+00 : f32
    %sub3A_1583 = vector.broadcast %sub3A_1582 : f32 to vector<16xf32>
    %sub3A_1584 = arith.subf %div3A_1578, %sub3A_1583 : vector<16xf32>
    %div3A_1585 = arith.constant 7.855000e+01 : f32
    %div3A_1586 = vector.broadcast %div3A_1585 : f32 to vector<16xf32>
    %div3A_1587 = arith.divf %sub3A_1584, %div3A_1586 : vector<16xf32>
    %jit3A_1588 = arith.constant 1.000000e+00 : f32
    %broadcast_in_dim3A_1589 = vector.broadcast %jit3A_1588 : f32 to vector<16xf32>
    %select_n3A_1590 = arith.select %ne3A_1581, %div3A_1587, %broadcast_in_dim3A_1589 : vector<16xi1>, vector<16xf32>
    %swap3A_1591 = arith.constant 208 : index
    %swap3A_1592 = tpu.vector_load %arg17[%swap3A_1591] {strides = array<i32>} : memref<1024xf32, #tpu.memory_space<vmem>>, vector<16xf32>,
    tpu.vector_store %arg17[%swap3A_1591], %select_n3A_1590 {strides = array<i32>} : memref<1024xf32, #tpu.memory_space<vmem>>, vector<16xf32>,
    %select_n3A_1593 = arith.select %ne3A_1581, %broadcast_in_dim3A_47, %broadcast_in_dim3A_45 : vector<16xi1>, vector<16xi32>
    %swap3A_1594 = arith.constant 208 : index
    %swap3A_1595 = tpu.vector_load %arg18[%swap3A_1594] {strides = array<i32>} : memref<1024xi32, #tpu.memory_space<vmem>>, vector<16xi32>,
    tpu.vector_store %arg18[%swap3A_1594], %select_n3A_1593 {strides = array<i32>} : memref<1024xi32, #tpu.memory_space<vmem>>, vector<16xi32>,
    %get3A_1596 = arith.constant 224 : index
    %get3A_1597 = tpu.vector_load %arg15[%get3A_1596] {strides = array<i32>} : memref<1024xf32, #tpu.memory_space<vmem>>, vector<16xf32>,
    %get3A_1598 = arith.constant 224 : index
    %get3A_1599 = tpu.vector_load %arg16[%get3A_1598] {strides = array<i32>} : memref<1024xf32, #tpu.memory_space<vmem>>, vector<16xf32>,
    %add3A_1600 = arith.constant 9.99999993E-9 : f32
    %add3A_1601 = vector.broadcast %add3A_1600 : f32 to vector<16xf32>
    %add3A_1602 = arith.addf %get3A_1599, %add3A_1601 : vector<16xf32>
    %div3A_1603 = arith.divf %get3A_1597, %add3A_1602 : vector<16xf32>
    %ne3A_1604 = arith.constant 0.000000e+00 : f32
    %ne3A_1605 = vector.broadcast %ne3A_1604 : f32 to vector<16xf32>
    %ne3A_1606 = arith.cmpf one, %div3A_1603, %ne3A_1605 : vector<16xf32>
    %sub3A_1607 = arith.constant 1.450000e+00 : f32
    %sub3A_1608 = vector.broadcast %sub3A_1607 : f32 to vector<16xf32>
    %sub3A_1609 = arith.subf %div3A_1603, %sub3A_1608 : vector<16xf32>
    %div3A_1610 = arith.constant 7.855000e+01 : f32
    %div3A_1611 = vector.broadcast %div3A_1610 : f32 to vector<16xf32>
    %div3A_1612 = arith.divf %sub3A_1609, %div3A_1611 : vector<16xf32>
    %jit3A_1613 = arith.constant 1.000000e+00 : f32
    %broadcast_in_dim3A_1614 = vector.broadcast %jit3A_1613 : f32 to vector<16xf32>
    %select_n3A_1615 = arith.select %ne3A_1606, %div3A_1612, %broadcast_in_dim3A_1614 : vector<16xi1>, vector<16xf32>
    %swap3A_1616 = arith.constant 224 : index
    %swap3A_1617 = tpu.vector_load %arg17[%swap3A_1616] {strides = array<i32>} : memref<1024xf32, #tpu.memory_space<vmem>>, vector<16xf32>,
    tpu.vector_store %arg17[%swap3A_1616], %select_n3A_1615 {strides = array<i32>} : memref<1024xf32, #tpu.memory_space<vmem>>, vector<16xf32>,
    %select_n3A_1618 = arith.select %ne3A_1606, %broadcast_in_dim3A_47, %broadcast_in_dim3A_45 : vector<16xi1>, vector<16xi32>
    %swap3A_1619 = arith.constant 224 : index
    %swap3A_1620 = tpu.vector_load %arg18[%swap3A_1619] {strides = array<i32>} : memref<1024xi32, #tpu.memory_space<vmem>>, vector<16xi32>,
    tpu.vector_store %arg18[%swap3A_1619], %select_n3A_1618 {strides = array<i32>} : memref<1024xi32, #tpu.memory_space<vmem>>, vector<16xi32>,
    %get3A_1621 = arith.constant 240 : index
    %get3A_1622 = tpu.vector_load %arg15[%get3A_1621] {strides = array<i32>} : memref<1024xf32, #tpu.memory_space<vmem>>, vector<16xf32>,
    %get3A_1623 = arith.constant 240 : index
    %get3A_1624 = tpu.vector_load %arg16[%get3A_1623] {strides = array<i32>} : memref<1024xf32, #tpu.memory_space<vmem>>, vector<16xf32>,
    %add3A_1625 = arith.constant 9.99999993E-9 : f32
    %add3A_1626 = vector.broadcast %add3A_1625 : f32 to vector<16xf32>
    %add3A_1627 = arith.addf %get3A_1624, %add3A_1626 : vector<16xf32>
    %div3A_1628 = arith.divf %get3A_1622, %add3A_1627 : vector<16xf32>
    %ne3A_1629 = arith.constant 0.000000e+00 : f32
    %ne3A_1630 = vector.broadcast %ne3A_1629 : f32 to vector<16xf32>
    %ne3A_1631 = arith.cmpf one, %div3A_1628, %ne3A_1630 : vector<16xf32>
    %sub3A_1632 = arith.constant 1.450000e+00 : f32
    %sub3A_1633 = vector.broadcast %sub3A_1632 : f32 to vector<16xf32>
    %sub3A_1634 = arith.subf %div3A_1628, %sub3A_1633 : vector<16xf32>
    %div3A_1635 = arith.constant 7.855000e+01 : f32
    %div3A_1636 = vector.broadcast %div3A_1635 : f32 to vector<16xf32>
    %div3A_1637 = arith.divf %sub3A_1634, %div3A_1636 : vector<16xf32>
    %jit3A_1638 = arith.constant 1.000000e+00 : f32
    %broadcast_in_dim3A_1639 = vector.broadcast %jit3A_1638 : f32 to vector<16xf32>
    %select_n3A_1640 = arith.select %ne3A_1631, %div3A_1637, %broadcast_in_dim3A_1639 : vector<16xi1>, vector<16xf32>
    %swap3A_1641 = arith.constant 240 : index
    %swap3A_1642 = tpu.vector_load %arg17[%swap3A_1641] {strides = array<i32>} : memref<1024xf32, #tpu.memory_space<vmem>>, vector<16xf32>,
    tpu.vector_store %arg17[%swap3A_1641], %select_n3A_1640 {strides = array<i32>} : memref<1024xf32, #tpu.memory_space<vmem>>, vector<16xf32>,
    %select_n3A_1643 = arith.select %ne3A_1631, %broadcast_in_dim3A_47, %broadcast_in_dim3A_45 : vector<16xi1>, vector<16xi32>
    %swap3A_1644 = arith.constant 240 : index
    %swap3A_1645 = tpu.vector_load %arg18[%swap3A_1644] {strides = array<i32>} : memref<1024xi32, #tpu.memory_space<vmem>>, vector<16xi32>,
    tpu.vector_store %arg18[%swap3A_1644], %select_n3A_1643 {strides = array<i32>} : memref<1024xi32, #tpu.memory_space<vmem>>, vector<16xi32>,
    %get3A_1646 = arith.constant 256 : index
    %get3A_1647 = tpu.vector_load %arg15[%get3A_1646] {strides = array<i32>} : memref<1024xf32, #tpu.memory_space<vmem>>, vector<16xf32>,
    %get3A_1648 = arith.constant 256 : index
    %get3A_1649 = tpu.vector_load %arg16[%get3A_1648] {strides = array<i32>} : memref<1024xf32, #tpu.memory_space<vmem>>, vector<16xf32>,
    %add3A_1650 = arith.constant 9.99999993E-9 : f32
    %add3A_1651 = vector.broadcast %add3A_1650 : f32 to vector<16xf32>
    %add3A_1652 = arith.addf %get3A_1649, %add3A_1651 : vector<16xf32>
    %div3A_1653 = arith.divf %get3A_1647, %add3A_1652 : vector<16xf32>
    %ne3A_1654 = arith.constant 0.000000e+00 : f32
    %ne3A_1655 = vector.broadcast %ne3A_1654 : f32 to vector<16xf32>
    %ne3A_1656 = arith.cmpf one, %div3A_1653, %ne3A_1655 : vector<16xf32>
    %sub3A_1657 = arith.constant 1.450000e+00 : f32
    %sub3A_1658 = vector.broadcast %sub3A_1657 : f32 to vector<16xf32>
    %sub3A_1659 = arith.subf %div3A_1653, %sub3A_1658 : vector<16xf32>
    %div3A_1660 = arith.constant 7.855000e+01 : f32
    %div3A_1661 = vector.broadcast %div3A_1660 : f32 to vector<16xf32>
    %div3A_1662 = arith.divf %sub3A_1659, %div3A_1661 : vector<16xf32>
    %jit3A_1663 = arith.constant 1.000000e+00 : f32
    %broadcast_in_dim3A_1664 = vector.broadcast %jit3A_1663 : f32 to vector<16xf32>
    %select_n3A_1665 = arith.select %ne3A_1656, %div3A_1662, %broadcast_in_dim3A_1664 : vector<16xi1>, vector<16xf32>
    %swap3A_1666 = arith.constant 256 : index
    %swap3A_1667 = tpu.vector_load %arg17[%swap3A_1666] {strides = array<i32>} : memref<1024xf32, #tpu.memory_space<vmem>>, vector<16xf32>,
    tpu.vector_store %arg17[%swap3A_1666], %select_n3A_1665 {strides = array<i32>} : memref<1024xf32, #tpu.memory_space<vmem>>, vector<16xf32>,
    %select_n3A_1668 = arith.select %ne3A_1656, %broadcast_in_dim3A_47, %broadcast_in_dim3A_45 : vector<16xi1>, vector<16xi32>
    %swap3A_1669 = arith.constant 256 : index
    %swap3A_1670 = tpu.vector_load %arg18[%swap3A_1669] {strides = array<i32>} : memref<1024xi32, #tpu.memory_space<vmem>>, vector<16xi32>,
    tpu.vector_store %arg18[%swap3A_1669], %select_n3A_1668 {strides = array<i32>} : memref<1024xi32, #tpu.memory_space<vmem>>, vector<16xi32>,
    %get3A_1671 = arith.constant 272 : index
    %get3A_1672 = tpu.vector_load %arg15[%get3A_1671] {strides = array<i32>} : memref<1024xf32, #tpu.memory_space<vmem>>, vector<16xf32>,
    %get3A_1673 = arith.constant 272 : index
    %get3A_1674 = tpu.vector_load %arg16[%get3A_1673] {strides = array<i32>} : memref<1024xf32, #tpu.memory_space<vmem>>, vector<16xf32>,
    %add3A_1675 = arith.constant 9.99999993E-9 : f32
    %add3A_1676 = vector.broadcast %add3A_1675 : f32 to vector<16xf32>
    %add3A_1677 = arith.addf %get3A_1674, %add3A_1676 : vector<16xf32>
    %div3A_1678 = arith.divf %get3A_1672, %add3A_1677 : vector<16xf32>
    %ne3A_1679 = arith.constant 0.000000e+00 : f32
    %ne3A_1680 = vector.broadcast %ne3A_1679 : f32 to vector<16xf32>
    %ne3A_1681 = arith.cmpf one, %div3A_1678, %ne3A_1680 : vector<16xf32>
    %sub3A_1682 = arith.constant 1.450000e+00 : f32
    %sub3A_1683 = vector.broadcast %sub3A_1682 : f32 to vector<16xf32>
    %sub3A_1684 = arith.subf %div3A_1678, %sub3A_1683 : vector<16xf32>
    %div3A_1685 = arith.constant 7.855000e+01 : f32
    %div3A_1686 = vector.broadcast %div3A_1685 : f32 to vector<16xf32>
    %div3A_1687 = arith.divf %sub3A_1684, %div3A_1686 : vector<16xf32>
    %jit3A_1688 = arith.constant 1.000000e+00 : f32
    %broadcast_in_dim3A_1689 = vector.broadcast %jit3A_1688 : f32 to vector<16xf32>
    %select_n3A_1690 = arith.select %ne3A_1681, %div3A_1687, %broadcast_in_dim3A_1689 : vector<16xi1>, vector<16xf32>
    %swap3A_1691 = arith.constant 272 : index
    %swap3A_1692 = tpu.vector_load %arg17[%swap3A_1691] {strides = array<i32>} : memref<1024xf32, #tpu.memory_space<vmem>>, vector<16xf32>,
    tpu.vector_store %arg17[%swap3A_1691], %select_n3A_1690 {strides = array<i32>} : memref<1024xf32, #tpu.memory_space<vmem>>, vector<16xf32>,
    %select_n3A_1693 = arith.select %ne3A_1681, %broadcast_in_dim3A_47, %broadcast_in_dim3A_45 : vector<16xi1>, vector<16xi32>
    %swap3A_1694 = arith.constant 272 : index
    %swap3A_1695 = tpu.vector_load %arg18[%swap3A_1694] {strides = array<i32>} : memref<1024xi32, #tpu.memory_space<vmem>>, vector<16xi32>,
    tpu.vector_store %arg18[%swap3A_1694], %select_n3A_1693 {strides = array<i32>} : memref<1024xi32, #tpu.memory_space<vmem>>, vector<16xi32>,
    %get3A_1696 = arith.constant 288 : index
    %get3A_1697 = tpu.vector_load %arg15[%get3A_1696] {strides = array<i32>} : memref<1024xf32, #tpu.memory_space<vmem>>, vector<16xf32>,
    %get3A_1698 = arith.constant 288 : index
    %get3A_1699 = tpu.vector_load %arg16[%get3A_1698] {strides = array<i32>} : memref<1024xf32, #tpu.memory_space<vmem>>, vector<16xf32>,
    %add3A_1700 = arith.constant 9.99999993E-9 : f32
    %add3A_1701 = vector.broadcast %add3A_1700 : f32 to vector<16xf32>
    %add3A_1702 = arith.addf %get3A_1699, %add3A_1701 : vector<16xf32>
    %div3A_1703 = arith.divf %get3A_1697, %add3A_1702 : vector<16xf32>
    %ne3A_1704 = arith.constant 0.000000e+00 : f32
    %ne3A_1705 = vector.broadcast %ne3A_1704 : f32 to vector<16xf32>
    %ne3A_1706 = arith.cmpf one, %div3A_1703, %ne3A_1705 : vector<16xf32>
    %sub3A_1707 = arith.constant 1.450000e+00 : f32
    %sub3A_1708 = vector.broadcast %sub3A_1707 : f32 to vector<16xf32>
    %sub3A_1709 = arith.subf %div3A_1703, %sub3A_1708 : vector<16xf32>
    %div3A_1710 = arith.constant 7.855000e+01 : f32
    %div3A_1711 = vector.broadcast %div3A_1710 : f32 to vector<16xf32>
    %div3A_1712 = arith.divf %sub3A_1709, %div3A_1711 : vector<16xf32>
    %jit3A_1713 = arith.constant 1.000000e+00 : f32
    %broadcast_in_dim3A_1714 = vector.broadcast %jit3A_1713 : f32 to vector<16xf32>
    %select_n3A_1715 = arith.select %ne3A_1706, %div3A_1712, %broadcast_in_dim3A_1714 : vector<16xi1>, vector<16xf32>
    %swap3A_1716 = arith.constant 288 : index
    %swap3A_1717 = tpu.vector_load %arg17[%swap3A_1716] {strides = array<i32>} : memref<1024xf32, #tpu.memory_space<vmem>>, vector<16xf32>,
    tpu.vector_store %arg17[%swap3A_1716], %select_n3A_1715 {strides = array<i32>} : memref<1024xf32, #tpu.memory_space<vmem>>, vector<16xf32>,
    %select_n3A_1718 = arith.select %ne3A_1706, %broadcast_in_dim3A_47, %broadcast_in_dim3A_45 : vector<16xi1>, vector<16xi32>
    %swap3A_1719 = arith.constant 288 : index
    %swap3A_1720 = tpu.vector_load %arg18[%swap3A_1719] {strides = array<i32>} : memref<1024xi32, #tpu.memory_space<vmem>>, vector<16xi32>,
    tpu.vector_store %arg18[%swap3A_1719], %select_n3A_1718 {strides = array<i32>} : memref<1024xi32, #tpu.memory_space<vmem>>, vector<16xi32>,
    %get3A_1721 = arith.constant 304 : index
    %get3A_1722 = tpu.vector_load %arg15[%get3A_1721] {strides = array<i32>} : memref<1024xf32, #tpu.memory_space<vmem>>, vector<16xf32>,
    %get3A_1723 = arith.constant 304 : index
    %get3A_1724 = tpu.vector_load %arg16[%get3A_1723] {strides = array<i32>} : memref<1024xf32, #tpu.memory_space<vmem>>, vector<16xf32>,
    %add3A_1725 = arith.constant 9.99999993E-9 : f32
    %add3A_1726 = vector.broadcast %add3A_1725 : f32 to vector<16xf32>
    %add3A_1727 = arith.addf %get3A_1724, %add3A_1726 : vector<16xf32>
    %div3A_1728 = arith.divf %get3A_1722, %add3A_1727 : vector<16xf32>
    %ne3A_1729 = arith.constant 0.000000e+00 : f32
    %ne3A_1730 = vector.broadcast %ne3A_1729 : f32 to vector<16xf32>
    %ne3A_1731 = arith.cmpf one, %div3A_1728, %ne3A_1730 : vector<16xf32>
    %sub3A_1732 = arith.constant 1.450000e+00 : f32
    %sub3A_1733 = vector.broadcast %sub3A_1732 : f32 to vector<16xf32>
    %sub3A_1734 = arith.subf %div3A_1728, %sub3A_1733 : vector<16xf32>
    %div3A_1735 = arith.constant 7.855000e+01 : f32
    %div3A_1736 = vector.broadcast %div3A_1735 : f32 to vector<16xf32>
    %div3A_1737 = arith.divf %sub3A_1734, %div3A_1736 : vector<16xf32>
    %jit3A_1738 = arith.constant 1.000000e+00 : f32
    %broadcast_in_dim3A_1739 = vector.broadcast %jit3A_1738 : f32 to vector<16xf32>
    %select_n3A_1740 = arith.select %ne3A_1731, %div3A_1737, %broadcast_in_dim3A_1739 : vector<16xi1>, vector<16xf32>
    %swap3A_1741 = arith.constant 304 : index
    %swap3A_1742 = tpu.vector_load %arg17[%swap3A_1741] {strides = array<i32>} : memref<1024xf32, #tpu.memory_space<vmem>>, vector<16xf32>,
    tpu.vector_store %arg17[%swap3A_1741], %select_n3A_1740 {strides = array<i32>} : memref<1024xf32, #tpu.memory_space<vmem>>, vector<16xf32>,
    %select_n3A_1743 = arith.select %ne3A_1731, %broadcast_in_dim3A_47, %broadcast_in_dim3A_45 : vector<16xi1>, vector<16xi32>
    %swap3A_1744 = arith.constant 304 : index
    %swap3A_1745 = tpu.vector_load %arg18[%swap3A_1744] {strides = array<i32>} : memref<1024xi32, #tpu.memory_space<vmem>>, vector<16xi32>,
    tpu.vector_store %arg18[%swap3A_1744], %select_n3A_1743 {strides = array<i32>} : memref<1024xi32, #tpu.memory_space<vmem>>, vector<16xi32>,
    %get3A_1746 = arith.constant 320 : index
    %get3A_1747 = tpu.vector_load %arg15[%get3A_1746] {strides = array<i32>} : memref<1024xf32, #tpu.memory_space<vmem>>, vector<16xf32>,
    %get3A_1748 = arith.constant 320 : index
    %get3A_1749 = tpu.vector_load %arg16[%get3A_1748] {strides = array<i32>} : memref<1024xf32, #tpu.memory_space<vmem>>, vector<16xf32>,
    %add3A_1750 = arith.constant 9.99999993E-9 : f32
    %add3A_1751 = vector.broadcast %add3A_1750 : f32 to vector<16xf32>
    %add3A_1752 = arith.addf %get3A_1749, %add3A_1751 : vector<16xf32>
    %div3A_1753 = arith.divf %get3A_1747, %add3A_1752 : vector<16xf32>
    %ne3A_1754 = arith.constant 0.000000e+00 : f32
    %ne3A_1755 = vector.broadcast %ne3A_1754 : f32 to vector<16xf32>
    %ne3A_1756 = arith.cmpf one, %div3A_1753, %ne3A_1755 : vector<16xf32>
    %sub3A_1757 = arith.constant 1.450000e+00 : f32
    %sub3A_1758 = vector.broadcast %sub3A_1757 : f32 to vector<16xf32>
    %sub3A_1759 = arith.subf %div3A_1753, %sub3A_1758 : vector<16xf32>
    %div3A_1760 = arith.constant 7.855000e+01 : f32
    %div3A_1761 = vector.broadcast %div3A_1760 : f32 to vector<16xf32>
    %div3A_1762 = arith.divf %sub3A_1759, %div3A_1761 : vector<16xf32>
    %jit3A_1763 = arith.constant 1.000000e+00 : f32
    %broadcast_in_dim3A_1764 = vector.broadcast %jit3A_1763 : f32 to vector<16xf32>
    %select_n3A_1765 = arith.select %ne3A_1756, %div3A_1762, %broadcast_in_dim3A_1764 : vector<16xi1>, vector<16xf32>
    %swap3A_1766 = arith.constant 320 : index
    %swap3A_1767 = tpu.vector_load %arg17[%swap3A_1766] {strides = array<i32>} : memref<1024xf32, #tpu.memory_space<vmem>>, vector<16xf32>,
    tpu.vector_store %arg17[%swap3A_1766], %select_n3A_1765 {strides = array<i32>} : memref<1024xf32, #tpu.memory_space<vmem>>, vector<16xf32>,
    %select_n3A_1768 = arith.select %ne3A_1756, %broadcast_in_dim3A_47, %broadcast_in_dim3A_45 : vector<16xi1>, vector<16xi32>
    %swap3A_1769 = arith.constant 320 : index
    %swap3A_1770 = tpu.vector_load %arg18[%swap3A_1769] {strides = array<i32>} : memref<1024xi32, #tpu.memory_space<vmem>>, vector<16xi32>,
    tpu.vector_store %arg18[%swap3A_1769], %select_n3A_1768 {strides = array<i32>} : memref<1024xi32, #tpu.memory_space<vmem>>, vector<16xi32>,
    %get3A_1771 = arith.constant 336 : index
    %get3A_1772 = tpu.vector_load %arg15[%get3A_1771] {strides = array<i32>} : memref<1024xf32, #tpu.memory_space<vmem>>, vector<16xf32>,
    %get3A_1773 = arith.constant 336 : index
    %get3A_1774 = tpu.vector_load %arg16[%get3A_1773] {strides = array<i32>} : memref<1024xf32, #tpu.memory_space<vmem>>, vector<16xf32>,
    %add3A_1775 = arith.constant 9.99999993E-9 : f32
    %add3A_1776 = vector.broadcast %add3A_1775 : f32 to vector<16xf32>
    %add3A_1777 = arith.addf %get3A_1774, %add3A_1776 : vector<16xf32>
    %div3A_1778 = arith.divf %get3A_1772, %add3A_1777 : vector<16xf32>
    %ne3A_1779 = arith.constant 0.000000e+00 : f32
    %ne3A_1780 = vector.broadcast %ne3A_1779 : f32 to vector<16xf32>
    %ne3A_1781 = arith.cmpf one, %div3A_1778, %ne3A_1780 : vector<16xf32>
    %sub3A_1782 = arith.constant 1.450000e+00 : f32
    %sub3A_1783 = vector.broadcast %sub3A_1782 : f32 to vector<16xf32>
    %sub3A_1784 = arith.subf %div3A_1778, %sub3A_1783 : vector<16xf32>
    %div3A_1785 = arith.constant 7.855000e+01 : f32
    %div3A_1786 = vector.broadcast %div3A_1785 : f32 to vector<16xf32>
    %div3A_1787 = arith.divf %sub3A_1784, %div3A_1786 : vector<16xf32>
    %jit3A_1788 = arith.constant 1.000000e+00 : f32
    %broadcast_in_dim3A_1789 = vector.broadcast %jit3A_1788 : f32 to vector<16xf32>
    %select_n3A_1790 = arith.select %ne3A_1781, %div3A_1787, %broadcast_in_dim3A_1789 : vector<16xi1>, vector<16xf32>
    %swap3A_1791 = arith.constant 336 : index
    %swap3A_1792 = tpu.vector_load %arg17[%swap3A_1791] {strides = array<i32>} : memref<1024xf32, #tpu.memory_space<vmem>>, vector<16xf32>,
    tpu.vector_store %arg17[%swap3A_1791], %select_n3A_1790 {strides = array<i32>} : memref<1024xf32, #tpu.memory_space<vmem>>, vector<16xf32>,
    %select_n3A_1793 = arith.select %ne3A_1781, %broadcast_in_dim3A_47, %broadcast_in_dim3A_45 : vector<16xi1>, vector<16xi32>
    %swap3A_1794 = arith.constant 336 : index
    %swap3A_1795 = tpu.vector_load %arg18[%swap3A_1794] {strides = array<i32>} : memref<1024xi32, #tpu.memory_space<vmem>>, vector<16xi32>,
    tpu.vector_store %arg18[%swap3A_1794], %select_n3A_1793 {strides = array<i32>} : memref<1024xi32, #tpu.memory_space<vmem>>, vector<16xi32>,
    %get3A_1796 = arith.constant 352 : index
    %get3A_1797 = tpu.vector_load %arg15[%get3A_1796] {strides = array<i32>} : memref<1024xf32, #tpu.memory_space<vmem>>, vector<16xf32>,
    %get3A_1798 = arith.constant 352 : index
    %get3A_1799 = tpu.vector_load %arg16[%get3A_1798] {strides = array<i32>} : memref<1024xf32, #tpu.memory_space<vmem>>, vector<16xf32>,
    %add3A_1800 = arith.constant 9.99999993E-9 : f32
    %add3A_1801 = vector.broadcast %add3A_1800 : f32 to vector<16xf32>
    %add3A_1802 = arith.addf %get3A_1799, %add3A_1801 : vector<16xf32>
    %div3A_1803 = arith.divf %get3A_1797, %add3A_1802 : vector<16xf32>
    %ne3A_1804 = arith.constant 0.000000e+00 : f32
    %ne3A_1805 = vector.broadcast %ne3A_1804 : f32 to vector<16xf32>
    %ne3A_1806 = arith.cmpf one, %div3A_1803, %ne3A_1805 : vector<16xf32>
    %sub3A_1807 = arith.constant 1.450000e+00 : f32
    %sub3A_1808 = vector.broadcast %sub3A_1807 : f32 to vector<16xf32>
    %sub3A_1809 = arith.subf %div3A_1803, %sub3A_1808 : vector<16xf32>
    %div3A_1810 = arith.constant 7.855000e+01 : f32
    %div3A_1811 = vector.broadcast %div3A_1810 : f32 to vector<16xf32>
    %div3A_1812 = arith.divf %sub3A_1809, %div3A_1811 : vector<16xf32>
    %jit3A_1813 = arith.constant 1.000000e+00 : f32
    %broadcast_in_dim3A_1814 = vector.broadcast %jit3A_1813 : f32 to vector<16xf32>
    %select_n3A_1815 = arith.select %ne3A_1806, %div3A_1812, %broadcast_in_dim3A_1814 : vector<16xi1>, vector<16xf32>
    %swap3A_1816 = arith.constant 352 : index
    %swap3A_1817 = tpu.vector_load %arg17[%swap3A_1816] {strides = array<i32>} : memref<1024xf32, #tpu.memory_space<vmem>>, vector<16xf32>,
    tpu.vector_store %arg17[%swap3A_1816], %select_n3A_1815 {strides = array<i32>} : memref<1024xf32, #tpu.memory_space<vmem>>, vector<16xf32>,
    %select_n3A_1818 = arith.select %ne3A_1806, %broadcast_in_dim3A_47, %broadcast_in_dim3A_45 : vector<16xi1>, vector<16xi32>
    %swap3A_1819 = arith.constant 352 : index
    %swap3A_1820 = tpu.vector_load %arg18[%swap3A_1819] {strides = array<i32>} : memref<1024xi32, #tpu.memory_space<vmem>>, vector<16xi32>,
    tpu.vector_store %arg18[%swap3A_1819], %select_n3A_1818 {strides = array<i32>} : memref<1024xi32, #tpu.memory_space<vmem>>, vector<16xi32>,
    %get3A_1821 = arith.constant 368 : index
    %get3A_1822 = tpu.vector_load %arg15[%get3A_1821] {strides = array<i32>} : memref<1024xf32, #tpu.memory_space<vmem>>, vector<16xf32>,
    %get3A_1823 = arith.constant 368 : index
    %get3A_1824 = tpu.vector_load %arg16[%get3A_1823] {strides = array<i32>} : memref<1024xf32, #tpu.memory_space<vmem>>, vector<16xf32>,
    %add3A_1825 = arith.constant 9.99999993E-9 : f32
    %add3A_1826 = vector.broadcast %add3A_1825 : f32 to vector<16xf32>
    %add3A_1827 = arith.addf %get3A_1824, %add3A_1826 : vector<16xf32>
    %div3A_1828 = arith.divf %get3A_1822, %add3A_1827 : vector<16xf32>
    %ne3A_1829 = arith.constant 0.000000e+00 : f32
    %ne3A_1830 = vector.broadcast %ne3A_1829 : f32 to vector<16xf32>
    %ne3A_1831 = arith.cmpf one, %div3A_1828, %ne3A_1830 : vector<16xf32>
    %sub3A_1832 = arith.constant 1.450000e+00 : f32
    %sub3A_1833 = vector.broadcast %sub3A_1832 : f32 to vector<16xf32>
    %sub3A_1834 = arith.subf %div3A_1828, %sub3A_1833 : vector<16xf32>
    %div3A_1835 = arith.constant 7.855000e+01 : f32
    %div3A_1836 = vector.broadcast %div3A_1835 : f32 to vector<16xf32>
    %div3A_1837 = arith.divf %sub3A_1834, %div3A_1836 : vector<16xf32>
    %jit3A_1838 = arith.constant 1.000000e+00 : f32
    %broadcast_in_dim3A_1839 = vector.broadcast %jit3A_1838 : f32 to vector<16xf32>
    %select_n3A_1840 = arith.select %ne3A_1831, %div3A_1837, %broadcast_in_dim3A_1839 : vector<16xi1>, vector<16xf32>
    %swap3A_1841 = arith.constant 368 : index
    %swap3A_1842 = tpu.vector_load %arg17[%swap3A_1841] {strides = array<i32>} : memref<1024xf32, #tpu.memory_space<vmem>>, vector<16xf32>,
    tpu.vector_store %arg17[%swap3A_1841], %select_n3A_1840 {strides = array<i32>} : memref<1024xf32, #tpu.memory_space<vmem>>, vector<16xf32>,
    %select_n3A_1843 = arith.select %ne3A_1831, %broadcast_in_dim3A_47, %broadcast_in_dim3A_45 : vector<16xi1>, vector<16xi32>
    %swap3A_1844 = arith.constant 368 : index
    %swap3A_1845 = tpu.vector_load %arg18[%swap3A_1844] {strides = array<i32>} : memref<1024xi32, #tpu.memory_space<vmem>>, vector<16xi32>,
    tpu.vector_store %arg18[%swap3A_1844], %select_n3A_1843 {strides = array<i32>} : memref<1024xi32, #tpu.memory_space<vmem>>, vector<16xi32>,
    %get3A_1846 = arith.constant 384 : index
    %get3A_1847 = tpu.vector_load %arg15[%get3A_1846] {strides = array<i32>} : memref<1024xf32, #tpu.memory_space<vmem>>, vector<16xf32>,
    %get3A_1848 = arith.constant 384 : index
    %get3A_1849 = tpu.vector_load %arg16[%get3A_1848] {strides = array<i32>} : memref<1024xf32, #tpu.memory_space<vmem>>, vector<16xf32>,
    %add3A_1850 = arith.constant 9.99999993E-9 : f32
    %add3A_1851 = vector.broadcast %add3A_1850 : f32 to vector<16xf32>
    %add3A_1852 = arith.addf %get3A_1849, %add3A_1851 : vector<16xf32>
    %div3A_1853 = arith.divf %get3A_1847, %add3A_1852 : vector<16xf32>
    %ne3A_1854 = arith.constant 0.000000e+00 : f32
    %ne3A_1855 = vector.broadcast %ne3A_1854 : f32 to vector<16xf32>
    %ne3A_1856 = arith.cmpf one, %div3A_1853, %ne3A_1855 : vector<16xf32>
    %sub3A_1857 = arith.constant 1.450000e+00 : f32
    %sub3A_1858 = vector.broadcast %sub3A_1857 : f32 to vector<16xf32>
    %sub3A_1859 = arith.subf %div3A_1853, %sub3A_1858 : vector<16xf32>
    %div3A_1860 = arith.constant 7.855000e+01 : f32
    %div3A_1861 = vector.broadcast %div3A_1860 : f32 to vector<16xf32>
    %div3A_1862 = arith.divf %sub3A_1859, %div3A_1861 : vector<16xf32>
    %jit3A_1863 = arith.constant 1.000000e+00 : f32
    %broadcast_in_dim3A_1864 = vector.broadcast %jit3A_1863 : f32 to vector<16xf32>
    %select_n3A_1865 = arith.select %ne3A_1856, %div3A_1862, %broadcast_in_dim3A_1864 : vector<16xi1>, vector<16xf32>
    %swap3A_1866 = arith.constant 384 : index
    %swap3A_1867 = tpu.vector_load %arg17[%swap3A_1866] {strides = array<i32>} : memref<1024xf32, #tpu.memory_space<vmem>>, vector<16xf32>,
    tpu.vector_store %arg17[%swap3A_1866], %select_n3A_1865 {strides = array<i32>} : memref<1024xf32, #tpu.memory_space<vmem>>, vector<16xf32>,
    %select_n3A_1868 = arith.select %ne3A_1856, %broadcast_in_dim3A_47, %broadcast_in_dim3A_45 : vector<16xi1>, vector<16xi32>
    %swap3A_1869 = arith.constant 384 : index
    %swap3A_1870 = tpu.vector_load %arg18[%swap3A_1869] {strides = array<i32>} : memref<1024xi32, #tpu.memory_space<vmem>>, vector<16xi32>,
    tpu.vector_store %arg18[%swap3A_1869], %select_n3A_1868 {strides = array<i32>} : memref<1024xi32, #tpu.memory_space<vmem>>, vector<16xi32>,
    %get3A_1871 = arith.constant 400 : index
    %get3A_1872 = tpu.vector_load %arg15[%get3A_1871] {strides = array<i32>} : memref<1024xf32, #tpu.memory_space<vmem>>, vector<16xf32>,
    %get3A_1873 = arith.constant 400 : index
    %get3A_1874 = tpu.vector_load %arg16[%get3A_1873] {strides = array<i32>} : memref<1024xf32, #tpu.memory_space<vmem>>, vector<16xf32>,
    %add3A_1875 = arith.constant 9.99999993E-9 : f32
    %add3A_1876 = vector.broadcast %add3A_1875 : f32 to vector<16xf32>
    %add3A_1877 = arith.addf %get3A_1874, %add3A_1876 : vector<16xf32>
    %div3A_1878 = arith.divf %get3A_1872, %add3A_1877 : vector<16xf32>
    %ne3A_1879 = arith.constant 0.000000e+00 : f32
    %ne3A_1880 = vector.broadcast %ne3A_1879 : f32 to vector<16xf32>
    %ne3A_1881 = arith.cmpf one, %div3A_1878, %ne3A_1880 : vector<16xf32>
    %sub3A_1882 = arith.constant 1.450000e+00 : f32
    %sub3A_1883 = vector.broadcast %sub3A_1882 : f32 to vector<16xf32>
    %sub3A_1884 = arith.subf %div3A_1878, %sub3A_1883 : vector<16xf32>
    %div3A_1885 = arith.constant 7.855000e+01 : f32
    %div3A_1886 = vector.broadcast %div3A_1885 : f32 to vector<16xf32>
    %div3A_1887 = arith.divf %sub3A_1884, %div3A_1886 : vector<16xf32>
    %jit3A_1888 = arith.constant 1.000000e+00 : f32
    %broadcast_in_dim3A_1889 = vector.broadcast %jit3A_1888 : f32 to vector<16xf32>
    %select_n3A_1890 = arith.select %ne3A_1881, %div3A_1887, %broadcast_in_dim3A_1889 : vector<16xi1>, vector<16xf32>
    %swap3A_1891 = arith.constant 400 : index
    %swap3A_1892 = tpu.vector_load %arg17[%swap3A_1891] {strides = array<i32>} : memref<1024xf32, #tpu.memory_space<vmem>>, vector<16xf32>,
    tpu.vector_store %arg17[%swap3A_1891], %select_n3A_1890 {strides = array<i32>} : memref<1024xf32, #tpu.memory_space<vmem>>, vector<16xf32>,
    %select_n3A_1893 = arith.select %ne3A_1881, %broadcast_in_dim3A_47, %broadcast_in_dim3A_45 : vector<16xi1>, vector<16xi32>
    %swap3A_1894 = arith.constant 400 : index
    %swap3A_1895 = tpu.vector_load %arg18[%swap3A_1894] {strides = array<i32>} : memref<1024xi32, #tpu.memory_space<vmem>>, vector<16xi32>,
    tpu.vector_store %arg18[%swap3A_1894], %select_n3A_1893 {strides = array<i32>} : memref<1024xi32, #tpu.memory_space<vmem>>, vector<16xi32>,
    %get3A_1896 = arith.constant 416 : index
    %get3A_1897 = tpu.vector_load %arg15[%get3A_1896] {strides = array<i32>} : memref<1024xf32, #tpu.memory_space<vmem>>, vector<16xf32>,
    %get3A_1898 = arith.constant 416 : index
    %get3A_1899 = tpu.vector_load %arg16[%get3A_1898] {strides = array<i32>} : memref<1024xf32, #tpu.memory_space<vmem>>, vector<16xf32>,
    %add3A_1900 = arith.constant 9.99999993E-9 : f32
    %add3A_1901 = vector.broadcast %add3A_1900 : f32 to vector<16xf32>
    %add3A_1902 = arith.addf %get3A_1899, %add3A_1901 : vector<16xf32>
    %div3A_1903 = arith.divf %get3A_1897, %add3A_1902 : vector<16xf32>
    %ne3A_1904 = arith.constant 0.000000e+00 : f32
    %ne3A_1905 = vector.broadcast %ne3A_1904 : f32 to vector<16xf32>
    %ne3A_1906 = arith.cmpf one, %div3A_1903, %ne3A_1905 : vector<16xf32>
    %sub3A_1907 = arith.constant 1.450000e+00 : f32
    %sub3A_1908 = vector.broadcast %sub3A_1907 : f32 to vector<16xf32>
    %sub3A_1909 = arith.subf %div3A_1903, %sub3A_1908 : vector<16xf32>
    %div3A_1910 = arith.constant 7.855000e+01 : f32
    %div3A_1911 = vector.broadcast %div3A_1910 : f32 to vector<16xf32>
    %div3A_1912 = arith.divf %sub3A_1909, %div3A_1911 : vector<16xf32>
    %jit3A_1913 = arith.constant 1.000000e+00 : f32
    %broadcast_in_dim3A_1914 = vector.broadcast %jit3A_1913 : f32 to vector<16xf32>
    %select_n3A_1915 = arith.select %ne3A_1906, %div3A_1912, %broadcast_in_dim3A_1914 : vector<16xi1>, vector<16xf32>
    %swap3A_1916 = arith.constant 416 : index
    %swap3A_1917 = tpu.vector_load %arg17[%swap3A_1916] {strides = array<i32>} : memref<1024xf32, #tpu.memory_space<vmem>>, vector<16xf32>,
    tpu.vector_store %arg17[%swap3A_1916], %select_n3A_1915 {strides = array<i32>} : memref<1024xf32, #tpu.memory_space<vmem>>, vector<16xf32>,
    %select_n3A_1918 = arith.select %ne3A_1906, %broadcast_in_dim3A_47, %broadcast_in_dim3A_45 : vector<16xi1>, vector<16xi32>
    %swap3A_1919 = arith.constant 416 : index
    %swap3A_1920 = tpu.vector_load %arg18[%swap3A_1919] {strides = array<i32>} : memref<1024xi32, #tpu.memory_space<vmem>>, vector<16xi32>,
    tpu.vector_store %arg18[%swap3A_1919], %select_n3A_1918 {strides = array<i32>} : memref<1024xi32, #tpu.memory_space<vmem>>, vector<16xi32>,
    %get3A_1921 = arith.constant 432 : index
    %get3A_1922 = tpu.vector_load %arg15[%get3A_1921] {strides = array<i32>} : memref<1024xf32, #tpu.memory_space<vmem>>, vector<16xf32>,
    %get3A_1923 = arith.constant 432 : index
    %get3A_1924 = tpu.vector_load %arg16[%get3A_1923] {strides = array<i32>} : memref<1024xf32, #tpu.memory_space<vmem>>, vector<16xf32>,
    %add3A_1925 = arith.constant 9.99999993E-9 : f32
    %add3A_1926 = vector.broadcast %add3A_1925 : f32 to vector<16xf32>
    %add3A_1927 = arith.addf %get3A_1924, %add3A_1926 : vector<16xf32>
    %div3A_1928 = arith.divf %get3A_1922, %add3A_1927 : vector<16xf32>
    %ne3A_1929 = arith.constant 0.000000e+00 : f32
    %ne3A_1930 = vector.broadcast %ne3A_1929 : f32 to vector<16xf32>
    %ne3A_1931 = arith.cmpf one, %div3A_1928, %ne3A_1930 : vector<16xf32>
    %sub3A_1932 = arith.constant 1.450000e+00 : f32
    %sub3A_1933 = vector.broadcast %sub3A_1932 : f32 to vector<16xf32>
    %sub3A_1934 = arith.subf %div3A_1928, %sub3A_1933 : vector<16xf32>
    %div3A_1935 = arith.constant 7.855000e+01 : f32
    %div3A_1936 = vector.broadcast %div3A_1935 : f32 to vector<16xf32>
    %div3A_1937 = arith.divf %sub3A_1934, %div3A_1936 : vector<16xf32>
    %jit3A_1938 = arith.constant 1.000000e+00 : f32
    %broadcast_in_dim3A_1939 = vector.broadcast %jit3A_1938 : f32 to vector<16xf32>
    %select_n3A_1940 = arith.select %ne3A_1931, %div3A_1937, %broadcast_in_dim3A_1939 : vector<16xi1>, vector<16xf32>
    %swap3A_1941 = arith.constant 432 : index
    %swap3A_1942 = tpu.vector_load %arg17[%swap3A_1941] {strides = array<i32>} : memref<1024xf32, #tpu.memory_space<vmem>>, vector<16xf32>,
    tpu.vector_store %arg17[%swap3A_1941], %select_n3A_1940 {strides = array<i32>} : memref<1024xf32, #tpu.memory_space<vmem>>, vector<16xf32>,
    %select_n3A_1943 = arith.select %ne3A_1931, %broadcast_in_dim3A_47, %broadcast_in_dim3A_45 : vector<16xi1>, vector<16xi32>
    %swap3A_1944 = arith.constant 432 : index
    %swap3A_1945 = tpu.vector_load %arg18[%swap3A_1944] {strides = array<i32>} : memref<1024xi32, #tpu.memory_space<vmem>>, vector<16xi32>,
    tpu.vector_store %arg18[%swap3A_1944], %select_n3A_1943 {strides = array<i32>} : memref<1024xi32, #tpu.memory_space<vmem>>, vector<16xi32>,
    %get3A_1946 = arith.constant 448 : index
    %get3A_1947 = tpu.vector_load %arg15[%get3A_1946] {strides = array<i32>} : memref<1024xf32, #tpu.memory_space<vmem>>, vector<16xf32>,
    %get3A_1948 = arith.constant 448 : index
    %get3A_1949 = tpu.vector_load %arg16[%get3A_1948] {strides = array<i32>} : memref<1024xf32, #tpu.memory_space<vmem>>, vector<16xf32>,
    %add3A_1950 = arith.constant 9.99999993E-9 : f32
    %add3A_1951 = vector.broadcast %add3A_1950 : f32 to vector<16xf32>
    %add3A_1952 = arith.addf %get3A_1949, %add3A_1951 : vector<16xf32>
    %div3A_1953 = arith.divf %get3A_1947, %add3A_1952 : vector<16xf32>
    %ne3A_1954 = arith.constant 0.000000e+00 : f32
    %ne3A_1955 = vector.broadcast %ne3A_1954 : f32 to vector<16xf32>
    %ne3A_1956 = arith.cmpf one, %div3A_1953, %ne3A_1955 : vector<16xf32>
    %sub3A_1957 = arith.constant 1.450000e+00 : f32
    %sub3A_1958 = vector.broadcast %sub3A_1957 : f32 to vector<16xf32>
    %sub3A_1959 = arith.subf %div3A_1953, %sub3A_1958 : vector<16xf32>
    %div3A_1960 = arith.constant 7.855000e+01 : f32
    %div3A_1961 = vector.broadcast %div3A_1960 : f32 to vector<16xf32>
    %div3A_1962 = arith.divf %sub3A_1959, %div3A_1961 : vector<16xf32>
    %jit3A_1963 = arith.constant 1.000000e+00 : f32
    %broadcast_in_dim3A_1964 = vector.broadcast %jit3A_1963 : f32 to vector<16xf32>
    %select_n3A_1965 = arith.select %ne3A_1956, %div3A_1962, %broadcast_in_dim3A_1964 : vector<16xi1>, vector<16xf32>
    %swap3A_1966 = arith.constant 448 : index
    %swap3A_1967 = tpu.vector_load %arg17[%swap3A_1966] {strides = array<i32>} : memref<1024xf32, #tpu.memory_space<vmem>>, vector<16xf32>,
    tpu.vector_store %arg17[%swap3A_1966], %select_n3A_1965 {strides = array<i32>} : memref<1024xf32, #tpu.memory_space<vmem>>, vector<16xf32>,
    %select_n3A_1968 = arith.select %ne3A_1956, %broadcast_in_dim3A_47, %broadcast_in_dim3A_45 : vector<16xi1>, vector<16xi32>
    %swap3A_1969 = arith.constant 448 : index
    %swap3A_1970 = tpu.vector_load %arg18[%swap3A_1969] {strides = array<i32>} : memref<1024xi32, #tpu.memory_space<vmem>>, vector<16xi32>,
    tpu.vector_store %arg18[%swap3A_1969], %select_n3A_1968 {strides = array<i32>} : memref<1024xi32, #tpu.memory_space<vmem>>, vector<16xi32>,
    %get3A_1971 = arith.constant 464 : index
    %get3A_1972 = tpu.vector_load %arg15[%get3A_1971] {strides = array<i32>} : memref<1024xf32, #tpu.memory_space<vmem>>, vector<16xf32>,
    %get3A_1973 = arith.constant 464 : index
    %get3A_1974 = tpu.vector_load %arg16[%get3A_1973] {strides = array<i32>} : memref<1024xf32, #tpu.memory_space<vmem>>, vector<16xf32>,
    %add3A_1975 = arith.constant 9.99999993E-9 : f32
    %add3A_1976 = vector.broadcast %add3A_1975 : f32 to vector<16xf32>
    %add3A_1977 = arith.addf %get3A_1974, %add3A_1976 : vector<16xf32>
    %div3A_1978 = arith.divf %get3A_1972, %add3A_1977 : vector<16xf32>
    %ne3A_1979 = arith.constant 0.000000e+00 : f32
    %ne3A_1980 = vector.broadcast %ne3A_1979 : f32 to vector<16xf32>
    %ne3A_1981 = arith.cmpf one, %div3A_1978, %ne3A_1980 : vector<16xf32>
    %sub3A_1982 = arith.constant 1.450000e+00 : f32
    %sub3A_1983 = vector.broadcast %sub3A_1982 : f32 to vector<16xf32>
    %sub3A_1984 = arith.subf %div3A_1978, %sub3A_1983 : vector<16xf32>
    %div3A_1985 = arith.constant 7.855000e+01 : f32
    %div3A_1986 = vector.broadcast %div3A_1985 : f32 to vector<16xf32>
    %div3A_1987 = arith.divf %sub3A_1984, %div3A_1986 : vector<16xf32>
    %jit3A_1988 = arith.constant 1.000000e+00 : f32
    %broadcast_in_dim3A_1989 = vector.broadcast %jit3A_1988 : f32 to vector<16xf32>
    %select_n3A_1990 = arith.select %ne3A_1981, %div3A_1987, %broadcast_in_dim3A_1989 : vector<16xi1>, vector<16xf32>
    %swap3A_1991 = arith.constant 464 : index
    %swap3A_1992 = tpu.vector_load %arg17[%swap3A_1991] {strides = array<i32>} : memref<1024xf32, #tpu.memory_space<vmem>>, vector<16xf32>,
    tpu.vector_store %arg17[%swap3A_1991], %select_n3A_1990 {strides = array<i32>} : memref<1024xf32, #tpu.memory_space<vmem>>, vector<16xf32>,
    %select_n3A_1993 = arith.select %ne3A_1981, %broadcast_in_dim3A_47, %broadcast_in_dim3A_45 : vector<16xi1>, vector<16xi32>
    %swap3A_1994 = arith.constant 464 : index
    %swap3A_1995 = tpu.vector_load %arg18[%swap3A_1994] {strides = array<i32>} : memref<1024xi32, #tpu.memory_space<vmem>>, vector<16xi32>,
    tpu.vector_store %arg18[%swap3A_1994], %select_n3A_1993 {strides = array<i32>} : memref<1024xi32, #tpu.memory_space<vmem>>, vector<16xi32>,
    %get3A_1996 = arith.constant 480 : index
    %get3A_1997 = tpu.vector_load %arg15[%get3A_1996] {strides = array<i32>} : memref<1024xf32, #tpu.memory_space<vmem>>, vector<16xf32>,
    %get3A_1998 = arith.constant 480 : index
    %get3A_1999 = tpu.vector_load %arg16[%get3A_1998] {strides = array<i32>} : memref<1024xf32, #tpu.memory_space<vmem>>, vector<16xf32>,
    %add3A_2000 = arith.constant 9.99999993E-9 : f32
    %add3A_2001 = vector.broadcast %add3A_2000 : f32 to vector<16xf32>
    %add3A_2002 = arith.addf %get3A_1999, %add3A_2001 : vector<16xf32>
    %div3A_2003 = arith.divf %get3A_1997, %add3A_2002 : vector<16xf32>
    %ne3A_2004 = arith.constant 0.000000e+00 : f32
    %ne3A_2005 = vector.broadcast %ne3A_2004 : f32 to vector<16xf32>
    %ne3A_2006 = arith.cmpf one, %div3A_2003, %ne3A_2005 : vector<16xf32>
    %sub3A_2007 = arith.constant 1.450000e+00 : f32
    %sub3A_2008 = vector.broadcast %sub3A_2007 : f32 to vector<16xf32>
    %sub3A_2009 = arith.subf %div3A_2003, %sub3A_2008 : vector<16xf32>
    %div3A_2010 = arith.constant 7.855000e+01 : f32
    %div3A_2011 = vector.broadcast %div3A_2010 : f32 to vector<16xf32>
    %div3A_2012 = arith.divf %sub3A_2009, %div3A_2011 : vector<16xf32>
    %jit3A_2013 = arith.constant 1.000000e+00 : f32
    %broadcast_in_dim3A_2014 = vector.broadcast %jit3A_2013 : f32 to vector<16xf32>
    %select_n3A_2015 = arith.select %ne3A_2006, %div3A_2012, %broadcast_in_dim3A_2014 : vector<16xi1>, vector<16xf32>
    %swap3A_2016 = arith.constant 480 : index
    %swap3A_2017 = tpu.vector_load %arg17[%swap3A_2016] {strides = array<i32>} : memref<1024xf32, #tpu.memory_space<vmem>>, vector<16xf32>,
    tpu.vector_store %arg17[%swap3A_2016], %select_n3A_2015 {strides = array<i32>} : memref<1024xf32, #tpu.memory_space<vmem>>, vector<16xf32>,
    %select_n3A_2018 = arith.select %ne3A_2006, %broadcast_in_dim3A_47, %broadcast_in_dim3A_45 : vector<16xi1>, vector<16xi32>
    %swap3A_2019 = arith.constant 480 : index
    %swap3A_2020 = tpu.vector_load %arg18[%swap3A_2019] {strides = array<i32>} : memref<1024xi32, #tpu.memory_space<vmem>>, vector<16xi32>,
    tpu.vector_store %arg18[%swap3A_2019], %select_n3A_2018 {strides = array<i32>} : memref<1024xi32, #tpu.memory_space<vmem>>, vector<16xi32>,
    %get3A_2021 = arith.constant 496 : index
    %get3A_2022 = tpu.vector_load %arg15[%get3A_2021] {strides = array<i32>} : memref<1024xf32, #tpu.memory_space<vmem>>, vector<16xf32>,
    %get3A_2023 = arith.constant 496 : index
    %get3A_2024 = tpu.vector_load %arg16[%get3A_2023] {strides = array<i32>} : memref<1024xf32, #tpu.memory_space<vmem>>, vector<16xf32>,
    %add3A_2025 = arith.constant 9.99999993E-9 : f32
    %add3A_2026 = vector.broadcast %add3A_2025 : f32 to vector<16xf32>
    %add3A_2027 = arith.addf %get3A_2024, %add3A_2026 : vector<16xf32>
    %div3A_2028 = arith.divf %get3A_2022, %add3A_2027 : vector<16xf32>
    %ne3A_2029 = arith.constant 0.000000e+00 : f32
    %ne3A_2030 = vector.broadcast %ne3A_2029 : f32 to vector<16xf32>
    %ne3A_2031 = arith.cmpf one, %div3A_2028, %ne3A_2030 : vector<16xf32>
    %sub3A_2032 = arith.constant 1.450000e+00 : f32
    %sub3A_2033 = vector.broadcast %sub3A_2032 : f32 to vector<16xf32>
    %sub3A_2034 = arith.subf %div3A_2028, %sub3A_2033 : vector<16xf32>
    %div3A_2035 = arith.constant 7.855000e+01 : f32
    %div3A_2036 = vector.broadcast %div3A_2035 : f32 to vector<16xf32>
    %div3A_2037 = arith.divf %sub3A_2034, %div3A_2036 : vector<16xf32>
    %jit3A_2038 = arith.constant 1.000000e+00 : f32
    %broadcast_in_dim3A_2039 = vector.broadcast %jit3A_2038 : f32 to vector<16xf32>
    %select_n3A_2040 = arith.select %ne3A_2031, %div3A_2037, %broadcast_in_dim3A_2039 : vector<16xi1>, vector<16xf32>
    %swap3A_2041 = arith.constant 496 : index
    %swap3A_2042 = tpu.vector_load %arg17[%swap3A_2041] {strides = array<i32>} : memref<1024xf32, #tpu.memory_space<vmem>>, vector<16xf32>,
    tpu.vector_store %arg17[%swap3A_2041], %select_n3A_2040 {strides = array<i32>} : memref<1024xf32, #tpu.memory_space<vmem>>, vector<16xf32>,
    %select_n3A_2043 = arith.select %ne3A_2031, %broadcast_in_dim3A_47, %broadcast_in_dim3A_45 : vector<16xi1>, vector<16xi32>
    %swap3A_2044 = arith.constant 496 : index
    %swap3A_2045 = tpu.vector_load %arg18[%swap3A_2044] {strides = array<i32>} : memref<1024xi32, #tpu.memory_space<vmem>>, vector<16xi32>,
    tpu.vector_store %arg18[%swap3A_2044], %select_n3A_2043 {strides = array<i32>} : memref<1024xi32, #tpu.memory_space<vmem>>, vector<16xi32>,
    %get3A_2046 = arith.constant 512 : index
    %get3A_2047 = tpu.vector_load %arg15[%get3A_2046] {strides = array<i32>} : memref<1024xf32, #tpu.memory_space<vmem>>, vector<16xf32>,
    %get3A_2048 = arith.constant 512 : index
    %get3A_2049 = tpu.vector_load %arg16[%get3A_2048] {strides = array<i32>} : memref<1024xf32, #tpu.memory_space<vmem>>, vector<16xf32>,
    %add3A_2050 = arith.constant 9.99999993E-9 : f32
    %add3A_2051 = vector.broadcast %add3A_2050 : f32 to vector<16xf32>
    %add3A_2052 = arith.addf %get3A_2049, %add3A_2051 : vector<16xf32>
    %div3A_2053 = arith.divf %get3A_2047, %add3A_2052 : vector<16xf32>
    %ne3A_2054 = arith.constant 0.000000e+00 : f32
    %ne3A_2055 = vector.broadcast %ne3A_2054 : f32 to vector<16xf32>
    %ne3A_2056 = arith.cmpf one, %div3A_2053, %ne3A_2055 : vector<16xf32>
    %sub3A_2057 = arith.constant 1.450000e+00 : f32
    %sub3A_2058 = vector.broadcast %sub3A_2057 : f32 to vector<16xf32>
    %sub3A_2059 = arith.subf %div3A_2053, %sub3A_2058 : vector<16xf32>
    %div3A_2060 = arith.constant 7.855000e+01 : f32
    %div3A_2061 = vector.broadcast %div3A_2060 : f32 to vector<16xf32>
    %div3A_2062 = arith.divf %sub3A_2059, %div3A_2061 : vector<16xf32>
    %jit3A_2063 = arith.constant 1.000000e+00 : f32
    %broadcast_in_dim3A_2064 = vector.broadcast %jit3A_2063 : f32 to vector<16xf32>
    %select_n3A_2065 = arith.select %ne3A_2056, %div3A_2062, %broadcast_in_dim3A_2064 : vector<16xi1>, vector<16xf32>
    %swap3A_2066 = arith.constant 512 : index
    %swap3A_2067 = tpu.vector_load %arg17[%swap3A_2066] {strides = array<i32>} : memref<1024xf32, #tpu.memory_space<vmem>>, vector<16xf32>,
    tpu.vector_store %arg17[%swap3A_2066], %select_n3A_2065 {strides = array<i32>} : memref<1024xf32, #tpu.memory_space<vmem>>, vector<16xf32>,
    %select_n3A_2068 = arith.select %ne3A_2056, %broadcast_in_dim3A_47, %broadcast_in_dim3A_45 : vector<16xi1>, vector<16xi32>
    %swap3A_2069 = arith.constant 512 : index
    %swap3A_2070 = tpu.vector_load %arg18[%swap3A_2069] {strides = array<i32>} : memref<1024xi32, #tpu.memory_space<vmem>>, vector<16xi32>,
    tpu.vector_store %arg18[%swap3A_2069], %select_n3A_2068 {strides = array<i32>} : memref<1024xi32, #tpu.memory_space<vmem>>, vector<16xi32>,
    %get3A_2071 = arith.constant 528 : index
    %get3A_2072 = tpu.vector_load %arg15[%get3A_2071] {strides = array<i32>} : memref<1024xf32, #tpu.memory_space<vmem>>, vector<16xf32>,
    %get3A_2073 = arith.constant 528 : index
    %get3A_2074 = tpu.vector_load %arg16[%get3A_2073] {strides = array<i32>} : memref<1024xf32, #tpu.memory_space<vmem>>, vector<16xf32>,
    %add3A_2075 = arith.constant 9.99999993E-9 : f32
    %add3A_2076 = vector.broadcast %add3A_2075 : f32 to vector<16xf32>
    %add3A_2077 = arith.addf %get3A_2074, %add3A_2076 : vector<16xf32>
    %div3A_2078 = arith.divf %get3A_2072, %add3A_2077 : vector<16xf32>
    %ne3A_2079 = arith.constant 0.000000e+00 : f32
    %ne3A_2080 = vector.broadcast %ne3A_2079 : f32 to vector<16xf32>
    %ne3A_2081 = arith.cmpf one, %div3A_2078, %ne3A_2080 : vector<16xf32>
    %sub3A_2082 = arith.constant 1.450000e+00 : f32
    %sub3A_2083 = vector.broadcast %sub3A_2082 : f32 to vector<16xf32>
    %sub3A_2084 = arith.subf %div3A_2078, %sub3A_2083 : vector<16xf32>
    %div3A_2085 = arith.constant 7.855000e+01 : f32
    %div3A_2086 = vector.broadcast %div3A_2085 : f32 to vector<16xf32>
    %div3A_2087 = arith.divf %sub3A_2084, %div3A_2086 : vector<16xf32>
    %jit3A_2088 = arith.constant 1.000000e+00 : f32
    %broadcast_in_dim3A_2089 = vector.broadcast %jit3A_2088 : f32 to vector<16xf32>
    %select_n3A_2090 = arith.select %ne3A_2081, %div3A_2087, %broadcast_in_dim3A_2089 : vector<16xi1>, vector<16xf32>
    %swap3A_2091 = arith.constant 528 : index
    %swap3A_2092 = tpu.vector_load %arg17[%swap3A_2091] {strides = array<i32>} : memref<1024xf32, #tpu.memory_space<vmem>>, vector<16xf32>,
    tpu.vector_store %arg17[%swap3A_2091], %select_n3A_2090 {strides = array<i32>} : memref<1024xf32, #tpu.memory_space<vmem>>, vector<16xf32>,
    %select_n3A_2093 = arith.select %ne3A_2081, %broadcast_in_dim3A_47, %broadcast_in_dim3A_45 : vector<16xi1>, vector<16xi32>
    %swap3A_2094 = arith.constant 528 : index
    %swap3A_2095 = tpu.vector_load %arg18[%swap3A_2094] {strides = array<i32>} : memref<1024xi32, #tpu.memory_space<vmem>>, vector<16xi32>,
    tpu.vector_store %arg18[%swap3A_2094], %select_n3A_2093 {strides = array<i32>} : memref<1024xi32, #tpu.memory_space<vmem>>, vector<16xi32>,
    %get3A_2096 = arith.constant 544 : index
    %get3A_2097 = tpu.vector_load %arg15[%get3A_2096] {strides = array<i32>} : memref<1024xf32, #tpu.memory_space<vmem>>, vector<16xf32>,
    %get3A_2098 = arith.constant 544 : index
    %get3A_2099 = tpu.vector_load %arg16[%get3A_2098] {strides = array<i32>} : memref<1024xf32, #tpu.memory_space<vmem>>, vector<16xf32>,
    %add3A_2100 = arith.constant 9.99999993E-9 : f32
    %add3A_2101 = vector.broadcast %add3A_2100 : f32 to vector<16xf32>
    %add3A_2102 = arith.addf %get3A_2099, %add3A_2101 : vector<16xf32>
    %div3A_2103 = arith.divf %get3A_2097, %add3A_2102 : vector<16xf32>
    %ne3A_2104 = arith.constant 0.000000e+00 : f32
    %ne3A_2105 = vector.broadcast %ne3A_2104 : f32 to vector<16xf32>
    %ne3A_2106 = arith.cmpf one, %div3A_2103, %ne3A_2105 : vector<16xf32>
    %sub3A_2107 = arith.constant 1.450000e+00 : f32
    %sub3A_2108 = vector.broadcast %sub3A_2107 : f32 to vector<16xf32>
    %sub3A_2109 = arith.subf %div3A_2103, %sub3A_2108 : vector<16xf32>
    %div3A_2110 = arith.constant 7.855000e+01 : f32
    %div3A_2111 = vector.broadcast %div3A_2110 : f32 to vector<16xf32>
    %div3A_2112 = arith.divf %sub3A_2109, %div3A_2111 : vector<16xf32>
    %jit3A_2113 = arith.constant 1.000000e+00 : f32
    %broadcast_in_dim3A_2114 = vector.broadcast %jit3A_2113 : f32 to vector<16xf32>
    %select_n3A_2115 = arith.select %ne3A_2106, %div3A_2112, %broadcast_in_dim3A_2114 : vector<16xi1>, vector<16xf32>
    %swap3A_2116 = arith.constant 544 : index
    %swap3A_2117 = tpu.vector_load %arg17[%swap3A_2116] {strides = array<i32>} : memref<1024xf32, #tpu.memory_space<vmem>>, vector<16xf32>,
    tpu.vector_store %arg17[%swap3A_2116], %select_n3A_2115 {strides = array<i32>} : memref<1024xf32, #tpu.memory_space<vmem>>, vector<16xf32>,
    %select_n3A_2118 = arith.select %ne3A_2106, %broadcast_in_dim3A_47, %broadcast_in_dim3A_45 : vector<16xi1>, vector<16xi32>
    %swap3A_2119 = arith.constant 544 : index
    %swap3A_2120 = tpu.vector_load %arg18[%swap3A_2119] {strides = array<i32>} : memref<1024xi32, #tpu.memory_space<vmem>>, vector<16xi32>,
    tpu.vector_store %arg18[%swap3A_2119], %select_n3A_2118 {strides = array<i32>} : memref<1024xi32, #tpu.memory_space<vmem>>, vector<16xi32>,
    %get3A_2121 = arith.constant 560 : index
    %get3A_2122 = tpu.vector_load %arg15[%get3A_2121] {strides = array<i32>} : memref<1024xf32, #tpu.memory_space<vmem>>, vector<16xf32>,
    %get3A_2123 = arith.constant 560 : index
    %get3A_2124 = tpu.vector_load %arg16[%get3A_2123] {strides = array<i32>} : memref<1024xf32, #tpu.memory_space<vmem>>, vector<16xf32>,
    %add3A_2125 = arith.constant 9.99999993E-9 : f32
    %add3A_2126 = vector.broadcast %add3A_2125 : f32 to vector<16xf32>
    %add3A_2127 = arith.addf %get3A_2124, %add3A_2126 : vector<16xf32>
    %div3A_2128 = arith.divf %get3A_2122, %add3A_2127 : vector<16xf32>
    %ne3A_2129 = arith.constant 0.000000e+00 : f32
    %ne3A_2130 = vector.broadcast %ne3A_2129 : f32 to vector<16xf32>
    %ne3A_2131 = arith.cmpf one, %div3A_2128, %ne3A_2130 : vector<16xf32>
    %sub3A_2132 = arith.constant 1.450000e+00 : f32
    %sub3A_2133 = vector.broadcast %sub3A_2132 : f32 to vector<16xf32>
    %sub3A_2134 = arith.subf %div3A_2128, %sub3A_2133 : vector<16xf32>
    %div3A_2135 = arith.constant 7.855000e+01 : f32
    %div3A_2136 = vector.broadcast %div3A_2135 : f32 to vector<16xf32>
    %div3A_2137 = arith.divf %sub3A_2134, %div3A_2136 : vector<16xf32>
    %jit3A_2138 = arith.constant 1.000000e+00 : f32
    %broadcast_in_dim3A_2139 = vector.broadcast %jit3A_2138 : f32 to vector<16xf32>
    %select_n3A_2140 = arith.select %ne3A_2131, %div3A_2137, %broadcast_in_dim3A_2139 : vector<16xi1>, vector<16xf32>
    %swap3A_2141 = arith.constant 560 : index
    %swap3A_2142 = tpu.vector_load %arg17[%swap3A_2141] {strides = array<i32>} : memref<1024xf32, #tpu.memory_space<vmem>>, vector<16xf32>,
    tpu.vector_store %arg17[%swap3A_2141], %select_n3A_2140 {strides = array<i32>} : memref<1024xf32, #tpu.memory_space<vmem>>, vector<16xf32>,
    %select_n3A_2143 = arith.select %ne3A_2131, %broadcast_in_dim3A_47, %broadcast_in_dim3A_45 : vector<16xi1>, vector<16xi32>
    %swap3A_2144 = arith.constant 560 : index
    %swap3A_2145 = tpu.vector_load %arg18[%swap3A_2144] {strides = array<i32>} : memref<1024xi32, #tpu.memory_space<vmem>>, vector<16xi32>,
    tpu.vector_store %arg18[%swap3A_2144], %select_n3A_2143 {strides = array<i32>} : memref<1024xi32, #tpu.memory_space<vmem>>, vector<16xi32>,
    %get3A_2146 = arith.constant 576 : index
    %get3A_2147 = tpu.vector_load %arg15[%get3A_2146] {strides = array<i32>} : memref<1024xf32, #tpu.memory_space<vmem>>, vector<16xf32>,
    %get3A_2148 = arith.constant 576 : index
    %get3A_2149 = tpu.vector_load %arg16[%get3A_2148] {strides = array<i32>} : memref<1024xf32, #tpu.memory_space<vmem>>, vector<16xf32>,
    %add3A_2150 = arith.constant 9.99999993E-9 : f32
    %add3A_2151 = vector.broadcast %add3A_2150 : f32 to vector<16xf32>
    %add3A_2152 = arith.addf %get3A_2149, %add3A_2151 : vector<16xf32>
    %div3A_2153 = arith.divf %get3A_2147, %add3A_2152 : vector<16xf32>
    %ne3A_2154 = arith.constant 0.000000e+00 : f32
    %ne3A_2155 = vector.broadcast %ne3A_2154 : f32 to vector<16xf32>
    %ne3A_2156 = arith.cmpf one, %div3A_2153, %ne3A_2155 : vector<16xf32>
    %sub3A_2157 = arith.constant 1.450000e+00 : f32
    %sub3A_2158 = vector.broadcast %sub3A_2157 : f32 to vector<16xf32>
    %sub3A_2159 = arith.subf %div3A_2153, %sub3A_2158 : vector<16xf32>
    %div3A_2160 = arith.constant 7.855000e+01 : f32
    %div3A_2161 = vector.broadcast %div3A_2160 : f32 to vector<16xf32>
    %div3A_2162 = arith.divf %sub3A_2159, %div3A_2161 : vector<16xf32>
    %jit3A_2163 = arith.constant 1.000000e+00 : f32
    %broadcast_in_dim3A_2164 = vector.broadcast %jit3A_2163 : f32 to vector<16xf32>
    %select_n3A_2165 = arith.select %ne3A_2156, %div3A_2162, %broadcast_in_dim3A_2164 : vector<16xi1>, vector<16xf32>
    %swap3A_2166 = arith.constant 576 : index
    %swap3A_2167 = tpu.vector_load %arg17[%swap3A_2166] {strides = array<i32>} : memref<1024xf32, #tpu.memory_space<vmem>>, vector<16xf32>,
    tpu.vector_store %arg17[%swap3A_2166], %select_n3A_2165 {strides = array<i32>} : memref<1024xf32, #tpu.memory_space<vmem>>, vector<16xf32>,
    %select_n3A_2168 = arith.select %ne3A_2156, %broadcast_in_dim3A_47, %broadcast_in_dim3A_45 : vector<16xi1>, vector<16xi32>
    %swap3A_2169 = arith.constant 576 : index
    %swap3A_2170 = tpu.vector_load %arg18[%swap3A_2169] {strides = array<i32>} : memref<1024xi32, #tpu.memory_space<vmem>>, vector<16xi32>,
    tpu.vector_store %arg18[%swap3A_2169], %select_n3A_2168 {strides = array<i32>} : memref<1024xi32, #tpu.memory_space<vmem>>, vector<16xi32>,
    %get3A_2171 = arith.constant 592 : index
    %get3A_2172 = tpu.vector_load %arg15[%get3A_2171] {strides = array<i32>} : memref<1024xf32, #tpu.memory_space<vmem>>, vector<16xf32>,
    %get3A_2173 = arith.constant 592 : index
    %get3A_2174 = tpu.vector_load %arg16[%get3A_2173] {strides = array<i32>} : memref<1024xf32, #tpu.memory_space<vmem>>, vector<16xf32>,
    %add3A_2175 = arith.constant 9.99999993E-9 : f32
    %add3A_2176 = vector.broadcast %add3A_2175 : f32 to vector<16xf32>
    %add3A_2177 = arith.addf %get3A_2174, %add3A_2176 : vector<16xf32>
    %div3A_2178 = arith.divf %get3A_2172, %add3A_2177 : vector<16xf32>
    %ne3A_2179 = arith.constant 0.000000e+00 : f32
    %ne3A_2180 = vector.broadcast %ne3A_2179 : f32 to vector<16xf32>
    %ne3A_2181 = arith.cmpf one, %div3A_2178, %ne3A_2180 : vector<16xf32>
    %sub3A_2182 = arith.constant 1.450000e+00 : f32
    %sub3A_2183 = vector.broadcast %sub3A_2182 : f32 to vector<16xf32>
    %sub3A_2184 = arith.subf %div3A_2178, %sub3A_2183 : vector<16xf32>
    %div3A_2185 = arith.constant 7.855000e+01 : f32
    %div3A_2186 = vector.broadcast %div3A_2185 : f32 to vector<16xf32>
    %div3A_2187 = arith.divf %sub3A_2184, %div3A_2186 : vector<16xf32>
    %jit3A_2188 = arith.constant 1.000000e+00 : f32
    %broadcast_in_dim3A_2189 = vector.broadcast %jit3A_2188 : f32 to vector<16xf32>
    %select_n3A_2190 = arith.select %ne3A_2181, %div3A_2187, %broadcast_in_dim3A_2189 : vector<16xi1>, vector<16xf32>
    %swap3A_2191 = arith.constant 592 : index
    %swap3A_2192 = tpu.vector_load %arg17[%swap3A_2191] {strides = array<i32>} : memref<1024xf32, #tpu.memory_space<vmem>>, vector<16xf32>,
    tpu.vector_store %arg17[%swap3A_2191], %select_n3A_2190 {strides = array<i32>} : memref<1024xf32, #tpu.memory_space<vmem>>, vector<16xf32>,
    %select_n3A_2193 = arith.select %ne3A_2181, %broadcast_in_dim3A_47, %broadcast_in_dim3A_45 : vector<16xi1>, vector<16xi32>
    %swap3A_2194 = arith.constant 592 : index
    %swap3A_2195 = tpu.vector_load %arg18[%swap3A_2194] {strides = array<i32>} : memref<1024xi32, #tpu.memory_space<vmem>>, vector<16xi32>,
    tpu.vector_store %arg18[%swap3A_2194], %select_n3A_2193 {strides = array<i32>} : memref<1024xi32, #tpu.memory_space<vmem>>, vector<16xi32>,
    %get3A_2196 = arith.constant 608 : index
    %get3A_2197 = tpu.vector_load %arg15[%get3A_2196] {strides = array<i32>} : memref<1024xf32, #tpu.memory_space<vmem>>, vector<16xf32>,
    %get3A_2198 = arith.constant 608 : index
    %get3A_2199 = tpu.vector_load %arg16[%get3A_2198] {strides = array<i32>} : memref<1024xf32, #tpu.memory_space<vmem>>, vector<16xf32>,
    %add3A_2200 = arith.constant 9.99999993E-9 : f32
    %add3A_2201 = vector.broadcast %add3A_2200 : f32 to vector<16xf32>
    %add3A_2202 = arith.addf %get3A_2199, %add3A_2201 : vector<16xf32>
    %div3A_2203 = arith.divf %get3A_2197, %add3A_2202 : vector<16xf32>
    %ne3A_2204 = arith.constant 0.000000e+00 : f32
    %ne3A_2205 = vector.broadcast %ne3A_2204 : f32 to vector<16xf32>
    %ne3A_2206 = arith.cmpf one, %div3A_2203, %ne3A_2205 : vector<16xf32>
    %sub3A_2207 = arith.constant 1.450000e+00 : f32
    %sub3A_2208 = vector.broadcast %sub3A_2207 : f32 to vector<16xf32>
    %sub3A_2209 = arith.subf %div3A_2203, %sub3A_2208 : vector<16xf32>
    %div3A_2210 = arith.constant 7.855000e+01 : f32
    %div3A_2211 = vector.broadcast %div3A_2210 : f32 to vector<16xf32>
    %div3A_2212 = arith.divf %sub3A_2209, %div3A_2211 : vector<16xf32>
    %jit3A_2213 = arith.constant 1.000000e+00 : f32
    %broadcast_in_dim3A_2214 = vector.broadcast %jit3A_2213 : f32 to vector<16xf32>
    %select_n3A_2215 = arith.select %ne3A_2206, %div3A_2212, %broadcast_in_dim3A_2214 : vector<16xi1>, vector<16xf32>
    %swap3A_2216 = arith.constant 608 : index
    %swap3A_2217 = tpu.vector_load %arg17[%swap3A_2216] {strides = array<i32>} : memref<1024xf32, #tpu.memory_space<vmem>>, vector<16xf32>,
    tpu.vector_store %arg17[%swap3A_2216], %select_n3A_2215 {strides = array<i32>} : memref<1024xf32, #tpu.memory_space<vmem>>, vector<16xf32>,
    %select_n3A_2218 = arith.select %ne3A_2206, %broadcast_in_dim3A_47, %broadcast_in_dim3A_45 : vector<16xi1>, vector<16xi32>
    %swap3A_2219 = arith.constant 608 : index
    %swap3A_2220 = tpu.vector_load %arg18[%swap3A_2219] {strides = array<i32>} : memref<1024xi32, #tpu.memory_space<vmem>>, vector<16xi32>,
    tpu.vector_store %arg18[%swap3A_2219], %select_n3A_2218 {strides = array<i32>} : memref<1024xi32, #tpu.memory_space<vmem>>, vector<16xi32>,
    %get3A_2221 = arith.constant 624 : index
    %get3A_2222 = tpu.vector_load %arg15[%get3A_2221] {strides = array<i32>} : memref<1024xf32, #tpu.memory_space<vmem>>, vector<16xf32>,
    %get3A_2223 = arith.constant 624 : index
    %get3A_2224 = tpu.vector_load %arg16[%get3A_2223] {strides = array<i32>} : memref<1024xf32, #tpu.memory_space<vmem>>, vector<16xf32>,
    %add3A_2225 = arith.constant 9.99999993E-9 : f32
    %add3A_2226 = vector.broadcast %add3A_2225 : f32 to vector<16xf32>
    %add3A_2227 = arith.addf %get3A_2224, %add3A_2226 : vector<16xf32>
    %div3A_2228 = arith.divf %get3A_2222, %add3A_2227 : vector<16xf32>
    %ne3A_2229 = arith.constant 0.000000e+00 : f32
    %ne3A_2230 = vector.broadcast %ne3A_2229 : f32 to vector<16xf32>
    %ne3A_2231 = arith.cmpf one, %div3A_2228, %ne3A_2230 : vector<16xf32>
    %sub3A_2232 = arith.constant 1.450000e+00 : f32
    %sub3A_2233 = vector.broadcast %sub3A_2232 : f32 to vector<16xf32>
    %sub3A_2234 = arith.subf %div3A_2228, %sub3A_2233 : vector<16xf32>
    %div3A_2235 = arith.constant 7.855000e+01 : f32
    %div3A_2236 = vector.broadcast %div3A_2235 : f32 to vector<16xf32>
    %div3A_2237 = arith.divf %sub3A_2234, %div3A_2236 : vector<16xf32>
    %jit3A_2238 = arith.constant 1.000000e+00 : f32
    %broadcast_in_dim3A_2239 = vector.broadcast %jit3A_2238 : f32 to vector<16xf32>
    %select_n3A_2240 = arith.select %ne3A_2231, %div3A_2237, %broadcast_in_dim3A_2239 : vector<16xi1>, vector<16xf32>
    %swap3A_2241 = arith.constant 624 : index
    %swap3A_2242 = tpu.vector_load %arg17[%swap3A_2241] {strides = array<i32>} : memref<1024xf32, #tpu.memory_space<vmem>>, vector<16xf32>,
    tpu.vector_store %arg17[%swap3A_2241], %select_n3A_2240 {strides = array<i32>} : memref<1024xf32, #tpu.memory_space<vmem>>, vector<16xf32>,
    %select_n3A_2243 = arith.select %ne3A_2231, %broadcast_in_dim3A_47, %broadcast_in_dim3A_45 : vector<16xi1>, vector<16xi32>
    %swap3A_2244 = arith.constant 624 : index
    %swap3A_2245 = tpu.vector_load %arg18[%swap3A_2244] {strides = array<i32>} : memref<1024xi32, #tpu.memory_space<vmem>>, vector<16xi32>,
    tpu.vector_store %arg18[%swap3A_2244], %select_n3A_2243 {strides = array<i32>} : memref<1024xi32, #tpu.memory_space<vmem>>, vector<16xi32>,
    %get3A_2246 = arith.constant 640 : index
    %get3A_2247 = tpu.vector_load %arg15[%get3A_2246] {strides = array<i32>} : memref<1024xf32, #tpu.memory_space<vmem>>, vector<16xf32>,
    %get3A_2248 = arith.constant 640 : index
    %get3A_2249 = tpu.vector_load %arg16[%get3A_2248] {strides = array<i32>} : memref<1024xf32, #tpu.memory_space<vmem>>, vector<16xf32>,
    %add3A_2250 = arith.constant 9.99999993E-9 : f32
    %add3A_2251 = vector.broadcast %add3A_2250 : f32 to vector<16xf32>
    %add3A_2252 = arith.addf %get3A_2249, %add3A_2251 : vector<16xf32>
    %div3A_2253 = arith.divf %get3A_2247, %add3A_2252 : vector<16xf32>
    %ne3A_2254 = arith.constant 0.000000e+00 : f32
    %ne3A_2255 = vector.broadcast %ne3A_2254 : f32 to vector<16xf32>
    %ne3A_2256 = arith.cmpf one, %div3A_2253, %ne3A_2255 : vector<16xf32>
    %sub3A_2257 = arith.constant 1.450000e+00 : f32
    %sub3A_2258 = vector.broadcast %sub3A_2257 : f32 to vector<16xf32>
    %sub3A_2259 = arith.subf %div3A_2253, %sub3A_2258 : vector<16xf32>
    %div3A_2260 = arith.constant 7.855000e+01 : f32
    %div3A_2261 = vector.broadcast %div3A_2260 : f32 to vector<16xf32>
    %div3A_2262 = arith.divf %sub3A_2259, %div3A_2261 : vector<16xf32>
    %jit3A_2263 = arith.constant 1.000000e+00 : f32
    %broadcast_in_dim3A_2264 = vector.broadcast %jit3A_2263 : f32 to vector<16xf32>
    %select_n3A_2265 = arith.select %ne3A_2256, %div3A_2262, %broadcast_in_dim3A_2264 : vector<16xi1>, vector<16xf32>
    %swap3A_2266 = arith.constant 640 : index
    %swap3A_2267 = tpu.vector_load %arg17[%swap3A_2266] {strides = array<i32>} : memref<1024xf32, #tpu.memory_space<vmem>>, vector<16xf32>,
    tpu.vector_store %arg17[%swap3A_2266], %select_n3A_2265 {strides = array<i32>} : memref<1024xf32, #tpu.memory_space<vmem>>, vector<16xf32>,
    %select_n3A_2268 = arith.select %ne3A_2256, %broadcast_in_dim3A_47, %broadcast_in_dim3A_45 : vector<16xi1>, vector<16xi32>
    %swap3A_2269 = arith.constant 640 : index
    %swap3A_2270 = tpu.vector_load %arg18[%swap3A_2269] {strides = array<i32>} : memref<1024xi32, #tpu.memory_space<vmem>>, vector<16xi32>,
    tpu.vector_store %arg18[%swap3A_2269], %select_n3A_2268 {strides = array<i32>} : memref<1024xi32, #tpu.memory_space<vmem>>, vector<16xi32>,
    %get3A_2271 = arith.constant 656 : index
    %get3A_2272 = tpu.vector_load %arg15[%get3A_2271] {strides = array<i32>} : memref<1024xf32, #tpu.memory_space<vmem>>, vector<16xf32>,
    %get3A_2273 = arith.constant 656 : index
    %get3A_2274 = tpu.vector_load %arg16[%get3A_2273] {strides = array<i32>} : memref<1024xf32, #tpu.memory_space<vmem>>, vector<16xf32>,
    %add3A_2275 = arith.constant 9.99999993E-9 : f32
    %add3A_2276 = vector.broadcast %add3A_2275 : f32 to vector<16xf32>
    %add3A_2277 = arith.addf %get3A_2274, %add3A_2276 : vector<16xf32>
    %div3A_2278 = arith.divf %get3A_2272, %add3A_2277 : vector<16xf32>
    %ne3A_2279 = arith.constant 0.000000e+00 : f32
    %ne3A_2280 = vector.broadcast %ne3A_2279 : f32 to vector<16xf32>
    %ne3A_2281 = arith.cmpf one, %div3A_2278, %ne3A_2280 : vector<16xf32>
    %sub3A_2282 = arith.constant 1.450000e+00 : f32
    %sub3A_2283 = vector.broadcast %sub3A_2282 : f32 to vector<16xf32>
    %sub3A_2284 = arith.subf %div3A_2278, %sub3A_2283 : vector<16xf32>
    %div3A_2285 = arith.constant 7.855000e+01 : f32
    %div3A_2286 = vector.broadcast %div3A_2285 : f32 to vector<16xf32>
    %div3A_2287 = arith.divf %sub3A_2284, %div3A_2286 : vector<16xf32>
    %jit3A_2288 = arith.constant 1.000000e+00 : f32
    %broadcast_in_dim3A_2289 = vector.broadcast %jit3A_2288 : f32 to vector<16xf32>
    %select_n3A_2290 = arith.select %ne3A_2281, %div3A_2287, %broadcast_in_dim3A_2289 : vector<16xi1>, vector<16xf32>
    %swap3A_2291 = arith.constant 656 : index
    %swap3A_2292 = tpu.vector_load %arg17[%swap3A_2291] {strides = array<i32>} : memref<1024xf32, #tpu.memory_space<vmem>>, vector<16xf32>,
    tpu.vector_store %arg17[%swap3A_2291], %select_n3A_2290 {strides = array<i32>} : memref<1024xf32, #tpu.memory_space<vmem>>, vector<16xf32>,
    %select_n3A_2293 = arith.select %ne3A_2281, %broadcast_in_dim3A_47, %broadcast_in_dim3A_45 : vector<16xi1>, vector<16xi32>
    %swap3A_2294 = arith.constant 656 : index
    %swap3A_2295 = tpu.vector_load %arg18[%swap3A_2294] {strides = array<i32>} : memref<1024xi32, #tpu.memory_space<vmem>>, vector<16xi32>,
    tpu.vector_store %arg18[%swap3A_2294], %select_n3A_2293 {strides = array<i32>} : memref<1024xi32, #tpu.memory_space<vmem>>, vector<16xi32>,
    %get3A_2296 = arith.constant 672 : index
    %get3A_2297 = tpu.vector_load %arg15[%get3A_2296] {strides = array<i32>} : memref<1024xf32, #tpu.memory_space<vmem>>, vector<16xf32>,
    %get3A_2298 = arith.constant 672 : index
    %get3A_2299 = tpu.vector_load %arg16[%get3A_2298] {strides = array<i32>} : memref<1024xf32, #tpu.memory_space<vmem>>, vector<16xf32>,
    %add3A_2300 = arith.constant 9.99999993E-9 : f32
    %add3A_2301 = vector.broadcast %add3A_2300 : f32 to vector<16xf32>
    %add3A_2302 = arith.addf %get3A_2299, %add3A_2301 : vector<16xf32>
    %div3A_2303 = arith.divf %get3A_2297, %add3A_2302 : vector<16xf32>
    %ne3A_2304 = arith.constant 0.000000e+00 : f32
    %ne3A_2305 = vector.broadcast %ne3A_2304 : f32 to vector<16xf32>
    %ne3A_2306 = arith.cmpf one, %div3A_2303, %ne3A_2305 : vector<16xf32>
    %sub3A_2307 = arith.constant 1.450000e+00 : f32
    %sub3A_2308 = vector.broadcast %sub3A_2307 : f32 to vector<16xf32>
    %sub3A_2309 = arith.subf %div3A_2303, %sub3A_2308 : vector<16xf32>
    %div3A_2310 = arith.constant 7.855000e+01 : f32
    %div3A_2311 = vector.broadcast %div3A_2310 : f32 to vector<16xf32>
    %div3A_2312 = arith.divf %sub3A_2309, %div3A_2311 : vector<16xf32>
    %jit3A_2313 = arith.constant 1.000000e+00 : f32
    %broadcast_in_dim3A_2314 = vector.broadcast %jit3A_2313 : f32 to vector<16xf32>
    %select_n3A_2315 = arith.select %ne3A_2306, %div3A_2312, %broadcast_in_dim3A_2314 : vector<16xi1>, vector<16xf32>
    %swap3A_2316 = arith.constant 672 : index
    %swap3A_2317 = tpu.vector_load %arg17[%swap3A_2316] {strides = array<i32>} : memref<1024xf32, #tpu.memory_space<vmem>>, vector<16xf32>,
    tpu.vector_store %arg17[%swap3A_2316], %select_n3A_2315 {strides = array<i32>} : memref<1024xf32, #tpu.memory_space<vmem>>, vector<16xf32>,
    %select_n3A_2318 = arith.select %ne3A_2306, %broadcast_in_dim3A_47, %broadcast_in_dim3A_45 : vector<16xi1>, vector<16xi32>
    %swap3A_2319 = arith.constant 672 : index
    %swap3A_2320 = tpu.vector_load %arg18[%swap3A_2319] {strides = array<i32>} : memref<1024xi32, #tpu.memory_space<vmem>>, vector<16xi32>,
    tpu.vector_store %arg18[%swap3A_2319], %select_n3A_2318 {strides = array<i32>} : memref<1024xi32, #tpu.memory_space<vmem>>, vector<16xi32>,
    %get3A_2321 = arith.constant 688 : index
    %get3A_2322 = tpu.vector_load %arg15[%get3A_2321] {strides = array<i32>} : memref<1024xf32, #tpu.memory_space<vmem>>, vector<16xf32>,
    %get3A_2323 = arith.constant 688 : index
    %get3A_2324 = tpu.vector_load %arg16[%get3A_2323] {strides = array<i32>} : memref<1024xf32, #tpu.memory_space<vmem>>, vector<16xf32>,
    %add3A_2325 = arith.constant 9.99999993E-9 : f32
    %add3A_2326 = vector.broadcast %add3A_2325 : f32 to vector<16xf32>
    %add3A_2327 = arith.addf %get3A_2324, %add3A_2326 : vector<16xf32>
    %div3A_2328 = arith.divf %get3A_2322, %add3A_2327 : vector<16xf32>
    %ne3A_2329 = arith.constant 0.000000e+00 : f32
    %ne3A_2330 = vector.broadcast %ne3A_2329 : f32 to vector<16xf32>
    %ne3A_2331 = arith.cmpf one, %div3A_2328, %ne3A_2330 : vector<16xf32>
    %sub3A_2332 = arith.constant 1.450000e+00 : f32
    %sub3A_2333 = vector.broadcast %sub3A_2332 : f32 to vector<16xf32>
    %sub3A_2334 = arith.subf %div3A_2328, %sub3A_2333 : vector<16xf32>
    %div3A_2335 = arith.constant 7.855000e+01 : f32
    %div3A_2336 = vector.broadcast %div3A_2335 : f32 to vector<16xf32>
    %div3A_2337 = arith.divf %sub3A_2334, %div3A_2336 : vector<16xf32>
    %jit3A_2338 = arith.constant 1.000000e+00 : f32
    %broadcast_in_dim3A_2339 = vector.broadcast %jit3A_2338 : f32 to vector<16xf32>
    %select_n3A_2340 = arith.select %ne3A_2331, %div3A_2337, %broadcast_in_dim3A_2339 : vector<16xi1>, vector<16xf32>
    %swap3A_2341 = arith.constant 688 : index
    %swap3A_2342 = tpu.vector_load %arg17[%swap3A_2341] {strides = array<i32>} : memref<1024xf32, #tpu.memory_space<vmem>>, vector<16xf32>,
    tpu.vector_store %arg17[%swap3A_2341], %select_n3A_2340 {strides = array<i32>} : memref<1024xf32, #tpu.memory_space<vmem>>, vector<16xf32>,
    %select_n3A_2343 = arith.select %ne3A_2331, %broadcast_in_dim3A_47, %broadcast_in_dim3A_45 : vector<16xi1>, vector<16xi32>
    %swap3A_2344 = arith.constant 688 : index
    %swap3A_2345 = tpu.vector_load %arg18[%swap3A_2344] {strides = array<i32>} : memref<1024xi32, #tpu.memory_space<vmem>>, vector<16xi32>,
    tpu.vector_store %arg18[%swap3A_2344], %select_n3A_2343 {strides = array<i32>} : memref<1024xi32, #tpu.memory_space<vmem>>, vector<16xi32>,
    %get3A_2346 = arith.constant 704 : index
    %get3A_2347 = tpu.vector_load %arg15[%get3A_2346] {strides = array<i32>} : memref<1024xf32, #tpu.memory_space<vmem>>, vector<16xf32>,
    %get3A_2348 = arith.constant 704 : index
    %get3A_2349 = tpu.vector_load %arg16[%get3A_2348] {strides = array<i32>} : memref<1024xf32, #tpu.memory_space<vmem>>, vector<16xf32>,
    %add3A_2350 = arith.constant 9.99999993E-9 : f32
    %add3A_2351 = vector.broadcast %add3A_2350 : f32 to vector<16xf32>
    %add3A_2352 = arith.addf %get3A_2349, %add3A_2351 : vector<16xf32>
    %div3A_2353 = arith.divf %get3A_2347, %add3A_2352 : vector<16xf32>
    %ne3A_2354 = arith.constant 0.000000e+00 : f32
    %ne3A_2355 = vector.broadcast %ne3A_2354 : f32 to vector<16xf32>
    %ne3A_2356 = arith.cmpf one, %div3A_2353, %ne3A_2355 : vector<16xf32>
    %sub3A_2357 = arith.constant 1.450000e+00 : f32
    %sub3A_2358 = vector.broadcast %sub3A_2357 : f32 to vector<16xf32>
    %sub3A_2359 = arith.subf %div3A_2353, %sub3A_2358 : vector<16xf32>
    %div3A_2360 = arith.constant 7.855000e+01 : f32
    %div3A_2361 = vector.broadcast %div3A_2360 : f32 to vector<16xf32>
    %div3A_2362 = arith.divf %sub3A_2359, %div3A_2361 : vector<16xf32>
    %jit3A_2363 = arith.constant 1.000000e+00 : f32
    %broadcast_in_dim3A_2364 = vector.broadcast %jit3A_2363 : f32 to vector<16xf32>
    %select_n3A_2365 = arith.select %ne3A_2356, %div3A_2362, %broadcast_in_dim3A_2364 : vector<16xi1>, vector<16xf32>
    %swap3A_2366 = arith.constant 704 : index
    %swap3A_2367 = tpu.vector_load %arg17[%swap3A_2366] {strides = array<i32>} : memref<1024xf32, #tpu.memory_space<vmem>>, vector<16xf32>,
    tpu.vector_store %arg17[%swap3A_2366], %select_n3A_2365 {strides = array<i32>} : memref<1024xf32, #tpu.memory_space<vmem>>, vector<16xf32>,
    %select_n3A_2368 = arith.select %ne3A_2356, %broadcast_in_dim3A_47, %broadcast_in_dim3A_45 : vector<16xi1>, vector<16xi32>
    %swap3A_2369 = arith.constant 704 : index
    %swap3A_2370 = tpu.vector_load %arg18[%swap3A_2369] {strides = array<i32>} : memref<1024xi32, #tpu.memory_space<vmem>>, vector<16xi32>,
    tpu.vector_store %arg18[%swap3A_2369], %select_n3A_2368 {strides = array<i32>} : memref<1024xi32, #tpu.memory_space<vmem>>, vector<16xi32>,
    %get3A_2371 = arith.constant 720 : index
    %get3A_2372 = tpu.vector_load %arg15[%get3A_2371] {strides = array<i32>} : memref<1024xf32, #tpu.memory_space<vmem>>, vector<16xf32>,
    %get3A_2373 = arith.constant 720 : index
    %get3A_2374 = tpu.vector_load %arg16[%get3A_2373] {strides = array<i32>} : memref<1024xf32, #tpu.memory_space<vmem>>, vector<16xf32>,
    %add3A_2375 = arith.constant 9.99999993E-9 : f32
    %add3A_2376 = vector.broadcast %add3A_2375 : f32 to vector<16xf32>
    %add3A_2377 = arith.addf %get3A_2374, %add3A_2376 : vector<16xf32>
    %div3A_2378 = arith.divf %get3A_2372, %add3A_2377 : vector<16xf32>
    %ne3A_2379 = arith.constant 0.000000e+00 : f32
    %ne3A_2380 = vector.broadcast %ne3A_2379 : f32 to vector<16xf32>
    %ne3A_2381 = arith.cmpf one, %div3A_2378, %ne3A_2380 : vector<16xf32>
    %sub3A_2382 = arith.constant 1.450000e+00 : f32
    %sub3A_2383 = vector.broadcast %sub3A_2382 : f32 to vector<16xf32>
    %sub3A_2384 = arith.subf %div3A_2378, %sub3A_2383 : vector<16xf32>
    %div3A_2385 = arith.constant 7.855000e+01 : f32
    %div3A_2386 = vector.broadcast %div3A_2385 : f32 to vector<16xf32>
    %div3A_2387 = arith.divf %sub3A_2384, %div3A_2386 : vector<16xf32>
    %jit3A_2388 = arith.constant 1.000000e+00 : f32
    %broadcast_in_dim3A_2389 = vector.broadcast %jit3A_2388 : f32 to vector<16xf32>
    %select_n3A_2390 = arith.select %ne3A_2381, %div3A_2387, %broadcast_in_dim3A_2389 : vector<16xi1>, vector<16xf32>
    %swap3A_2391 = arith.constant 720 : index
    %swap3A_2392 = tpu.vector_load %arg17[%swap3A_2391] {strides = array<i32>} : memref<1024xf32, #tpu.memory_space<vmem>>, vector<16xf32>,
    tpu.vector_store %arg17[%swap3A_2391], %select_n3A_2390 {strides = array<i32>} : memref<1024xf32, #tpu.memory_space<vmem>>, vector<16xf32>,
    %select_n3A_2393 = arith.select %ne3A_2381, %broadcast_in_dim3A_47, %broadcast_in_dim3A_45 : vector<16xi1>, vector<16xi32>
    %swap3A_2394 = arith.constant 720 : index
    %swap3A_2395 = tpu.vector_load %arg18[%swap3A_2394] {strides = array<i32>} : memref<1024xi32, #tpu.memory_space<vmem>>, vector<16xi32>,
    tpu.vector_store %arg18[%swap3A_2394], %select_n3A_2393 {strides = array<i32>} : memref<1024xi32, #tpu.memory_space<vmem>>, vector<16xi32>,
    %get3A_2396 = arith.constant 736 : index
    %get3A_2397 = tpu.vector_load %arg15[%get3A_2396] {strides = array<i32>} : memref<1024xf32, #tpu.memory_space<vmem>>, vector<16xf32>,
    %get3A_2398 = arith.constant 736 : index
    %get3A_2399 = tpu.vector_load %arg16[%get3A_2398] {strides = array<i32>} : memref<1024xf32, #tpu.memory_space<vmem>>, vector<16xf32>,
    %add3A_2400 = arith.constant 9.99999993E-9 : f32
    %add3A_2401 = vector.broadcast %add3A_2400 : f32 to vector<16xf32>
    %add3A_2402 = arith.addf %get3A_2399, %add3A_2401 : vector<16xf32>
    %div3A_2403 = arith.divf %get3A_2397, %add3A_2402 : vector<16xf32>
    %ne3A_2404 = arith.constant 0.000000e+00 : f32
    %ne3A_2405 = vector.broadcast %ne3A_2404 : f32 to vector<16xf32>
    %ne3A_2406 = arith.cmpf one, %div3A_2403, %ne3A_2405 : vector<16xf32>
    %sub3A_2407 = arith.constant 1.450000e+00 : f32
    %sub3A_2408 = vector.broadcast %sub3A_2407 : f32 to vector<16xf32>
    %sub3A_2409 = arith.subf %div3A_2403, %sub3A_2408 : vector<16xf32>
    %div3A_2410 = arith.constant 7.855000e+01 : f32
    %div3A_2411 = vector.broadcast %div3A_2410 : f32 to vector<16xf32>
    %div3A_2412 = arith.divf %sub3A_2409, %div3A_2411 : vector<16xf32>
    %jit3A_2413 = arith.constant 1.000000e+00 : f32
    %broadcast_in_dim3A_2414 = vector.broadcast %jit3A_2413 : f32 to vector<16xf32>
    %select_n3A_2415 = arith.select %ne3A_2406, %div3A_2412, %broadcast_in_dim3A_2414 : vector<16xi1>, vector<16xf32>
    %swap3A_2416 = arith.constant 736 : index
    %swap3A_2417 = tpu.vector_load %arg17[%swap3A_2416] {strides = array<i32>} : memref<1024xf32, #tpu.memory_space<vmem>>, vector<16xf32>,
    tpu.vector_store %arg17[%swap3A_2416], %select_n3A_2415 {strides = array<i32>} : memref<1024xf32, #tpu.memory_space<vmem>>, vector<16xf32>,
    %select_n3A_2418 = arith.select %ne3A_2406, %broadcast_in_dim3A_47, %broadcast_in_dim3A_45 : vector<16xi1>, vector<16xi32>
    %swap3A_2419 = arith.constant 736 : index
    %swap3A_2420 = tpu.vector_load %arg18[%swap3A_2419] {strides = array<i32>} : memref<1024xi32, #tpu.memory_space<vmem>>, vector<16xi32>,
    tpu.vector_store %arg18[%swap3A_2419], %select_n3A_2418 {strides = array<i32>} : memref<1024xi32, #tpu.memory_space<vmem>>, vector<16xi32>,
    %get3A_2421 = arith.constant 752 : index
    %get3A_2422 = tpu.vector_load %arg15[%get3A_2421] {strides = array<i32>} : memref<1024xf32, #tpu.memory_space<vmem>>, vector<16xf32>,
    %get3A_2423 = arith.constant 752 : index
    %get3A_2424 = tpu.vector_load %arg16[%get3A_2423] {strides = array<i32>} : memref<1024xf32, #tpu.memory_space<vmem>>, vector<16xf32>,
    %add3A_2425 = arith.constant 9.99999993E-9 : f32
    %add3A_2426 = vector.broadcast %add3A_2425 : f32 to vector<16xf32>
    %add3A_2427 = arith.addf %get3A_2424, %add3A_2426 : vector<16xf32>
    %div3A_2428 = arith.divf %get3A_2422, %add3A_2427 : vector<16xf32>
    %ne3A_2429 = arith.constant 0.000000e+00 : f32
    %ne3A_2430 = vector.broadcast %ne3A_2429 : f32 to vector<16xf32>
    %ne3A_2431 = arith.cmpf one, %div3A_2428, %ne3A_2430 : vector<16xf32>
    %sub3A_2432 = arith.constant 1.450000e+00 : f32
    %sub3A_2433 = vector.broadcast %sub3A_2432 : f32 to vector<16xf32>
    %sub3A_2434 = arith.subf %div3A_2428, %sub3A_2433 : vector<16xf32>
    %div3A_2435 = arith.constant 7.855000e+01 : f32
    %div3A_2436 = vector.broadcast %div3A_2435 : f32 to vector<16xf32>
    %div3A_2437 = arith.divf %sub3A_2434, %div3A_2436 : vector<16xf32>
    %jit3A_2438 = arith.constant 1.000000e+00 : f32
    %broadcast_in_dim3A_2439 = vector.broadcast %jit3A_2438 : f32 to vector<16xf32>
    %select_n3A_2440 = arith.select %ne3A_2431, %div3A_2437, %broadcast_in_dim3A_2439 : vector<16xi1>, vector<16xf32>
    %swap3A_2441 = arith.constant 752 : index
    %swap3A_2442 = tpu.vector_load %arg17[%swap3A_2441] {strides = array<i32>} : memref<1024xf32, #tpu.memory_space<vmem>>, vector<16xf32>,
    tpu.vector_store %arg17[%swap3A_2441], %select_n3A_2440 {strides = array<i32>} : memref<1024xf32, #tpu.memory_space<vmem>>, vector<16xf32>,
    %select_n3A_2443 = arith.select %ne3A_2431, %broadcast_in_dim3A_47, %broadcast_in_dim3A_45 : vector<16xi1>, vector<16xi32>
    %swap3A_2444 = arith.constant 752 : index
    %swap3A_2445 = tpu.vector_load %arg18[%swap3A_2444] {strides = array<i32>} : memref<1024xi32, #tpu.memory_space<vmem>>, vector<16xi32>,
    tpu.vector_store %arg18[%swap3A_2444], %select_n3A_2443 {strides = array<i32>} : memref<1024xi32, #tpu.memory_space<vmem>>, vector<16xi32>,
    %get3A_2446 = arith.constant 768 : index
    %get3A_2447 = tpu.vector_load %arg15[%get3A_2446] {strides = array<i32>} : memref<1024xf32, #tpu.memory_space<vmem>>, vector<16xf32>,
    %get3A_2448 = arith.constant 768 : index
    %get3A_2449 = tpu.vector_load %arg16[%get3A_2448] {strides = array<i32>} : memref<1024xf32, #tpu.memory_space<vmem>>, vector<16xf32>,
    %add3A_2450 = arith.constant 9.99999993E-9 : f32
    %add3A_2451 = vector.broadcast %add3A_2450 : f32 to vector<16xf32>
    %add3A_2452 = arith.addf %get3A_2449, %add3A_2451 : vector<16xf32>
    %div3A_2453 = arith.divf %get3A_2447, %add3A_2452 : vector<16xf32>
    %ne3A_2454 = arith.constant 0.000000e+00 : f32
    %ne3A_2455 = vector.broadcast %ne3A_2454 : f32 to vector<16xf32>
    %ne3A_2456 = arith.cmpf one, %div3A_2453, %ne3A_2455 : vector<16xf32>
    %sub3A_2457 = arith.constant 1.450000e+00 : f32
    %sub3A_2458 = vector.broadcast %sub3A_2457 : f32 to vector<16xf32>
    %sub3A_2459 = arith.subf %div3A_2453, %sub3A_2458 : vector<16xf32>
    %div3A_2460 = arith.constant 7.855000e+01 : f32
    %div3A_2461 = vector.broadcast %div3A_2460 : f32 to vector<16xf32>
    %div3A_2462 = arith.divf %sub3A_2459, %div3A_2461 : vector<16xf32>
    %jit3A_2463 = arith.constant 1.000000e+00 : f32
    %broadcast_in_dim3A_2464 = vector.broadcast %jit3A_2463 : f32 to vector<16xf32>
    %select_n3A_2465 = arith.select %ne3A_2456, %div3A_2462, %broadcast_in_dim3A_2464 : vector<16xi1>, vector<16xf32>
    %swap3A_2466 = arith.constant 768 : index
    %swap3A_2467 = tpu.vector_load %arg17[%swap3A_2466] {strides = array<i32>} : memref<1024xf32, #tpu.memory_space<vmem>>, vector<16xf32>,
    tpu.vector_store %arg17[%swap3A_2466], %select_n3A_2465 {strides = array<i32>} : memref<1024xf32, #tpu.memory_space<vmem>>, vector<16xf32>,
    %select_n3A_2468 = arith.select %ne3A_2456, %broadcast_in_dim3A_47, %broadcast_in_dim3A_45 : vector<16xi1>, vector<16xi32>
    %swap3A_2469 = arith.constant 768 : index
    %swap3A_2470 = tpu.vector_load %arg18[%swap3A_2469] {strides = array<i32>} : memref<1024xi32, #tpu.memory_space<vmem>>, vector<16xi32>,
    tpu.vector_store %arg18[%swap3A_2469], %select_n3A_2468 {strides = array<i32>} : memref<1024xi32, #tpu.memory_space<vmem>>, vector<16xi32>,
    %get3A_2471 = arith.constant 784 : index
    %get3A_2472 = tpu.vector_load %arg15[%get3A_2471] {strides = array<i32>} : memref<1024xf32, #tpu.memory_space<vmem>>, vector<16xf32>,
    %get3A_2473 = arith.constant 784 : index
    %get3A_2474 = tpu.vector_load %arg16[%get3A_2473] {strides = array<i32>} : memref<1024xf32, #tpu.memory_space<vmem>>, vector<16xf32>,
    %add3A_2475 = arith.constant 9.99999993E-9 : f32
    %add3A_2476 = vector.broadcast %add3A_2475 : f32 to vector<16xf32>
    %add3A_2477 = arith.addf %get3A_2474, %add3A_2476 : vector<16xf32>
    %div3A_2478 = arith.divf %get3A_2472, %add3A_2477 : vector<16xf32>
    %ne3A_2479 = arith.constant 0.000000e+00 : f32
    %ne3A_2480 = vector.broadcast %ne3A_2479 : f32 to vector<16xf32>
    %ne3A_2481 = arith.cmpf one, %div3A_2478, %ne3A_2480 : vector<16xf32>
    %sub3A_2482 = arith.constant 1.450000e+00 : f32
    %sub3A_2483 = vector.broadcast %sub3A_2482 : f32 to vector<16xf32>
    %sub3A_2484 = arith.subf %div3A_2478, %sub3A_2483 : vector<16xf32>
    %div3A_2485 = arith.constant 7.855000e+01 : f32
    %div3A_2486 = vector.broadcast %div3A_2485 : f32 to vector<16xf32>
    %div3A_2487 = arith.divf %sub3A_2484, %div3A_2486 : vector<16xf32>
    %jit3A_2488 = arith.constant 1.000000e+00 : f32
    %broadcast_in_dim3A_2489 = vector.broadcast %jit3A_2488 : f32 to vector<16xf32>
    %select_n3A_2490 = arith.select %ne3A_2481, %div3A_2487, %broadcast_in_dim3A_2489 : vector<16xi1>, vector<16xf32>
    %swap3A_2491 = arith.constant 784 : index
    %swap3A_2492 = tpu.vector_load %arg17[%swap3A_2491] {strides = array<i32>} : memref<1024xf32, #tpu.memory_space<vmem>>, vector<16xf32>,
    tpu.vector_store %arg17[%swap3A_2491], %select_n3A_2490 {strides = array<i32>} : memref<1024xf32, #tpu.memory_space<vmem>>, vector<16xf32>,
    %select_n3A_2493 = arith.select %ne3A_2481, %broadcast_in_dim3A_47, %broadcast_in_dim3A_45 : vector<16xi1>, vector<16xi32>
    %swap3A_2494 = arith.constant 784 : index
    %swap3A_2495 = tpu.vector_load %arg18[%swap3A_2494] {strides = array<i32>} : memref<1024xi32, #tpu.memory_space<vmem>>, vector<16xi32>,
    tpu.vector_store %arg18[%swap3A_2494], %select_n3A_2493 {strides = array<i32>} : memref<1024xi32, #tpu.memory_space<vmem>>, vector<16xi32>,
    %get3A_2496 = arith.constant 800 : index
    %get3A_2497 = tpu.vector_load %arg15[%get3A_2496] {strides = array<i32>} : memref<1024xf32, #tpu.memory_space<vmem>>, vector<16xf32>,
    %get3A_2498 = arith.constant 800 : index
    %get3A_2499 = tpu.vector_load %arg16[%get3A_2498] {strides = array<i32>} : memref<1024xf32, #tpu.memory_space<vmem>>, vector<16xf32>,
    %add3A_2500 = arith.constant 9.99999993E-9 : f32
    %add3A_2501 = vector.broadcast %add3A_2500 : f32 to vector<16xf32>
    %add3A_2502 = arith.addf %get3A_2499, %add3A_2501 : vector<16xf32>
    %div3A_2503 = arith.divf %get3A_2497, %add3A_2502 : vector<16xf32>
    %ne3A_2504 = arith.constant 0.000000e+00 : f32
    %ne3A_2505 = vector.broadcast %ne3A_2504 : f32 to vector<16xf32>
    %ne3A_2506 = arith.cmpf one, %div3A_2503, %ne3A_2505 : vector<16xf32>
    %sub3A_2507 = arith.constant 1.450000e+00 : f32
    %sub3A_2508 = vector.broadcast %sub3A_2507 : f32 to vector<16xf32>
    %sub3A_2509 = arith.subf %div3A_2503, %sub3A_2508 : vector<16xf32>
    %div3A_2510 = arith.constant 7.855000e+01 : f32
    %div3A_2511 = vector.broadcast %div3A_2510 : f32 to vector<16xf32>
    %div3A_2512 = arith.divf %sub3A_2509, %div3A_2511 : vector<16xf32>
    %jit3A_2513 = arith.constant 1.000000e+00 : f32
    %broadcast_in_dim3A_2514 = vector.broadcast %jit3A_2513 : f32 to vector<16xf32>
    %select_n3A_2515 = arith.select %ne3A_2506, %div3A_2512, %broadcast_in_dim3A_2514 : vector<16xi1>, vector<16xf32>
    %swap3A_2516 = arith.constant 800 : index
    %swap3A_2517 = tpu.vector_load %arg17[%swap3A_2516] {strides = array<i32>} : memref<1024xf32, #tpu.memory_space<vmem>>, vector<16xf32>,
    tpu.vector_store %arg17[%swap3A_2516], %select_n3A_2515 {strides = array<i32>} : memref<1024xf32, #tpu.memory_space<vmem>>, vector<16xf32>,
    %select_n3A_2518 = arith.select %ne3A_2506, %broadcast_in_dim3A_47, %broadcast_in_dim3A_45 : vector<16xi1>, vector<16xi32>
    %swap3A_2519 = arith.constant 800 : index
    %swap3A_2520 = tpu.vector_load %arg18[%swap3A_2519] {strides = array<i32>} : memref<1024xi32, #tpu.memory_space<vmem>>, vector<16xi32>,
    tpu.vector_store %arg18[%swap3A_2519], %select_n3A_2518 {strides = array<i32>} : memref<1024xi32, #tpu.memory_space<vmem>>, vector<16xi32>,
    %get3A_2521 = arith.constant 816 : index
    %get3A_2522 = tpu.vector_load %arg15[%get3A_2521] {strides = array<i32>} : memref<1024xf32, #tpu.memory_space<vmem>>, vector<16xf32>,
    %get3A_2523 = arith.constant 816 : index
    %get3A_2524 = tpu.vector_load %arg16[%get3A_2523] {strides = array<i32>} : memref<1024xf32, #tpu.memory_space<vmem>>, vector<16xf32>,
    %add3A_2525 = arith.constant 9.99999993E-9 : f32
    %add3A_2526 = vector.broadcast %add3A_2525 : f32 to vector<16xf32>
    %add3A_2527 = arith.addf %get3A_2524, %add3A_2526 : vector<16xf32>
    %div3A_2528 = arith.divf %get3A_2522, %add3A_2527 : vector<16xf32>
    %ne3A_2529 = arith.constant 0.000000e+00 : f32
    %ne3A_2530 = vector.broadcast %ne3A_2529 : f32 to vector<16xf32>
    %ne3A_2531 = arith.cmpf one, %div3A_2528, %ne3A_2530 : vector<16xf32>
    %sub3A_2532 = arith.constant 1.450000e+00 : f32
    %sub3A_2533 = vector.broadcast %sub3A_2532 : f32 to vector<16xf32>
    %sub3A_2534 = arith.subf %div3A_2528, %sub3A_2533 : vector<16xf32>
    %div3A_2535 = arith.constant 7.855000e+01 : f32
    %div3A_2536 = vector.broadcast %div3A_2535 : f32 to vector<16xf32>
    %div3A_2537 = arith.divf %sub3A_2534, %div3A_2536 : vector<16xf32>
    %jit3A_2538 = arith.constant 1.000000e+00 : f32
    %broadcast_in_dim3A_2539 = vector.broadcast %jit3A_2538 : f32 to vector<16xf32>
    %select_n3A_2540 = arith.select %ne3A_2531, %div3A_2537, %broadcast_in_dim3A_2539 : vector<16xi1>, vector<16xf32>
    %swap3A_2541 = arith.constant 816 : index
    %swap3A_2542 = tpu.vector_load %arg17[%swap3A_2541] {strides = array<i32>} : memref<1024xf32, #tpu.memory_space<vmem>>, vector<16xf32>,
    tpu.vector_store %arg17[%swap3A_2541], %select_n3A_2540 {strides = array<i32>} : memref<1024xf32, #tpu.memory_space<vmem>>, vector<16xf32>,
    %select_n3A_2543 = arith.select %ne3A_2531, %broadcast_in_dim3A_47, %broadcast_in_dim3A_45 : vector<16xi1>, vector<16xi32>
    %swap3A_2544 = arith.constant 816 : index
    %swap3A_2545 = tpu.vector_load %arg18[%swap3A_2544] {strides = array<i32>} : memref<1024xi32, #tpu.memory_space<vmem>>, vector<16xi32>,
    tpu.vector_store %arg18[%swap3A_2544], %select_n3A_2543 {strides = array<i32>} : memref<1024xi32, #tpu.memory_space<vmem>>, vector<16xi32>,
    %get3A_2546 = arith.constant 832 : index
    %get3A_2547 = tpu.vector_load %arg15[%get3A_2546] {strides = array<i32>} : memref<1024xf32, #tpu.memory_space<vmem>>, vector<16xf32>,
    %get3A_2548 = arith.constant 832 : index
    %get3A_2549 = tpu.vector_load %arg16[%get3A_2548] {strides = array<i32>} : memref<1024xf32, #tpu.memory_space<vmem>>, vector<16xf32>,
    %add3A_2550 = arith.constant 9.99999993E-9 : f32
    %add3A_2551 = vector.broadcast %add3A_2550 : f32 to vector<16xf32>
    %add3A_2552 = arith.addf %get3A_2549, %add3A_2551 : vector<16xf32>
    %div3A_2553 = arith.divf %get3A_2547, %add3A_2552 : vector<16xf32>
    %ne3A_2554 = arith.constant 0.000000e+00 : f32
    %ne3A_2555 = vector.broadcast %ne3A_2554 : f32 to vector<16xf32>
    %ne3A_2556 = arith.cmpf one, %div3A_2553, %ne3A_2555 : vector<16xf32>
    %sub3A_2557 = arith.constant 1.450000e+00 : f32
    %sub3A_2558 = vector.broadcast %sub3A_2557 : f32 to vector<16xf32>
    %sub3A_2559 = arith.subf %div3A_2553, %sub3A_2558 : vector<16xf32>
    %div3A_2560 = arith.constant 7.855000e+01 : f32
    %div3A_2561 = vector.broadcast %div3A_2560 : f32 to vector<16xf32>
    %div3A_2562 = arith.divf %sub3A_2559, %div3A_2561 : vector<16xf32>
    %jit3A_2563 = arith.constant 1.000000e+00 : f32
    %broadcast_in_dim3A_2564 = vector.broadcast %jit3A_2563 : f32 to vector<16xf32>
    %select_n3A_2565 = arith.select %ne3A_2556, %div3A_2562, %broadcast_in_dim3A_2564 : vector<16xi1>, vector<16xf32>
    %swap3A_2566 = arith.constant 832 : index
    %swap3A_2567 = tpu.vector_load %arg17[%swap3A_2566] {strides = array<i32>} : memref<1024xf32, #tpu.memory_space<vmem>>, vector<16xf32>,
    tpu.vector_store %arg17[%swap3A_2566], %select_n3A_2565 {strides = array<i32>} : memref<1024xf32, #tpu.memory_space<vmem>>, vector<16xf32>,
    %select_n3A_2568 = arith.select %ne3A_2556, %broadcast_in_dim3A_47, %broadcast_in_dim3A_45 : vector<16xi1>, vector<16xi32>
    %swap3A_2569 = arith.constant 832 : index
    %swap3A_2570 = tpu.vector_load %arg18[%swap3A_2569] {strides = array<i32>} : memref<1024xi32, #tpu.memory_space<vmem>>, vector<16xi32>,
    tpu.vector_store %arg18[%swap3A_2569], %select_n3A_2568 {strides = array<i32>} : memref<1024xi32, #tpu.memory_space<vmem>>, vector<16xi32>,
    %get3A_2571 = arith.constant 848 : index
    %get3A_2572 = tpu.vector_load %arg15[%get3A_2571] {strides = array<i32>} : memref<1024xf32, #tpu.memory_space<vmem>>, vector<16xf32>,
    %get3A_2573 = arith.constant 848 : index
    %get3A_2574 = tpu.vector_load %arg16[%get3A_2573] {strides = array<i32>} : memref<1024xf32, #tpu.memory_space<vmem>>, vector<16xf32>,
    %add3A_2575 = arith.constant 9.99999993E-9 : f32
    %add3A_2576 = vector.broadcast %add3A_2575 : f32 to vector<16xf32>
    %add3A_2577 = arith.addf %get3A_2574, %add3A_2576 : vector<16xf32>
    %div3A_2578 = arith.divf %get3A_2572, %add3A_2577 : vector<16xf32>
    %ne3A_2579 = arith.constant 0.000000e+00 : f32
    %ne3A_2580 = vector.broadcast %ne3A_2579 : f32 to vector<16xf32>
    %ne3A_2581 = arith.cmpf one, %div3A_2578, %ne3A_2580 : vector<16xf32>
    %sub3A_2582 = arith.constant 1.450000e+00 : f32
    %sub3A_2583 = vector.broadcast %sub3A_2582 : f32 to vector<16xf32>
    %sub3A_2584 = arith.subf %div3A_2578, %sub3A_2583 : vector<16xf32>
    %div3A_2585 = arith.constant 7.855000e+01 : f32
    %div3A_2586 = vector.broadcast %div3A_2585 : f32 to vector<16xf32>
    %div3A_2587 = arith.divf %sub3A_2584, %div3A_2586 : vector<16xf32>
    %jit3A_2588 = arith.constant 1.000000e+00 : f32
    %broadcast_in_dim3A_2589 = vector.broadcast %jit3A_2588 : f32 to vector<16xf32>
    %select_n3A_2590 = arith.select %ne3A_2581, %div3A_2587, %broadcast_in_dim3A_2589 : vector<16xi1>, vector<16xf32>
    %swap3A_2591 = arith.constant 848 : index
    %swap3A_2592 = tpu.vector_load %arg17[%swap3A_2591] {strides = array<i32>} : memref<1024xf32, #tpu.memory_space<vmem>>, vector<16xf32>,
    tpu.vector_store %arg17[%swap3A_2591], %select_n3A_2590 {strides = array<i32>} : memref<1024xf32, #tpu.memory_space<vmem>>, vector<16xf32>,
    %select_n3A_2593 = arith.select %ne3A_2581, %broadcast_in_dim3A_47, %broadcast_in_dim3A_45 : vector<16xi1>, vector<16xi32>
    %swap3A_2594 = arith.constant 848 : index
    %swap3A_2595 = tpu.vector_load %arg18[%swap3A_2594] {strides = array<i32>} : memref<1024xi32, #tpu.memory_space<vmem>>, vector<16xi32>,
    tpu.vector_store %arg18[%swap3A_2594], %select_n3A_2593 {strides = array<i32>} : memref<1024xi32, #tpu.memory_space<vmem>>, vector<16xi32>,
    %get3A_2596 = arith.constant 864 : index
    %get3A_2597 = tpu.vector_load %arg15[%get3A_2596] {strides = array<i32>} : memref<1024xf32, #tpu.memory_space<vmem>>, vector<16xf32>,
    %get3A_2598 = arith.constant 864 : index
    %get3A_2599 = tpu.vector_load %arg16[%get3A_2598] {strides = array<i32>} : memref<1024xf32, #tpu.memory_space<vmem>>, vector<16xf32>,
    %add3A_2600 = arith.constant 9.99999993E-9 : f32
    %add3A_2601 = vector.broadcast %add3A_2600 : f32 to vector<16xf32>
    %add3A_2602 = arith.addf %get3A_2599, %add3A_2601 : vector<16xf32>
    %div3A_2603 = arith.divf %get3A_2597, %add3A_2602 : vector<16xf32>
    %ne3A_2604 = arith.constant 0.000000e+00 : f32
    %ne3A_2605 = vector.broadcast %ne3A_2604 : f32 to vector<16xf32>
    %ne3A_2606 = arith.cmpf one, %div3A_2603, %ne3A_2605 : vector<16xf32>
    %sub3A_2607 = arith.constant 1.450000e+00 : f32
    %sub3A_2608 = vector.broadcast %sub3A_2607 : f32 to vector<16xf32>
    %sub3A_2609 = arith.subf %div3A_2603, %sub3A_2608 : vector<16xf32>
    %div3A_2610 = arith.constant 7.855000e+01 : f32
    %div3A_2611 = vector.broadcast %div3A_2610 : f32 to vector<16xf32>
    %div3A_2612 = arith.divf %sub3A_2609, %div3A_2611 : vector<16xf32>
    %jit3A_2613 = arith.constant 1.000000e+00 : f32
    %broadcast_in_dim3A_2614 = vector.broadcast %jit3A_2613 : f32 to vector<16xf32>
    %select_n3A_2615 = arith.select %ne3A_2606, %div3A_2612, %broadcast_in_dim3A_2614 : vector<16xi1>, vector<16xf32>
    %swap3A_2616 = arith.constant 864 : index
    %swap3A_2617 = tpu.vector_load %arg17[%swap3A_2616] {strides = array<i32>} : memref<1024xf32, #tpu.memory_space<vmem>>, vector<16xf32>,
    tpu.vector_store %arg17[%swap3A_2616], %select_n3A_2615 {strides = array<i32>} : memref<1024xf32, #tpu.memory_space<vmem>>, vector<16xf32>,
    %select_n3A_2618 = arith.select %ne3A_2606, %broadcast_in_dim3A_47, %broadcast_in_dim3A_45 : vector<16xi1>, vector<16xi32>
    %swap3A_2619 = arith.constant 864 : index
    %swap3A_2620 = tpu.vector_load %arg18[%swap3A_2619] {strides = array<i32>} : memref<1024xi32, #tpu.memory_space<vmem>>, vector<16xi32>,
    tpu.vector_store %arg18[%swap3A_2619], %select_n3A_2618 {strides = array<i32>} : memref<1024xi32, #tpu.memory_space<vmem>>, vector<16xi32>,
    %get3A_2621 = arith.constant 880 : index
    %get3A_2622 = tpu.vector_load %arg15[%get3A_2621] {strides = array<i32>} : memref<1024xf32, #tpu.memory_space<vmem>>, vector<16xf32>,
    %get3A_2623 = arith.constant 880 : index
    %get3A_2624 = tpu.vector_load %arg16[%get3A_2623] {strides = array<i32>} : memref<1024xf32, #tpu.memory_space<vmem>>, vector<16xf32>,
    %add3A_2625 = arith.constant 9.99999993E-9 : f32
    %add3A_2626 = vector.broadcast %add3A_2625 : f32 to vector<16xf32>
    %add3A_2627 = arith.addf %get3A_2624, %add3A_2626 : vector<16xf32>
    %div3A_2628 = arith.divf %get3A_2622, %add3A_2627 : vector<16xf32>
    %ne3A_2629 = arith.constant 0.000000e+00 : f32
    %ne3A_2630 = vector.broadcast %ne3A_2629 : f32 to vector<16xf32>
    %ne3A_2631 = arith.cmpf one, %div3A_2628, %ne3A_2630 : vector<16xf32>
    %sub3A_2632 = arith.constant 1.450000e+00 : f32
    %sub3A_2633 = vector.broadcast %sub3A_2632 : f32 to vector<16xf32>
    %sub3A_2634 = arith.subf %div3A_2628, %sub3A_2633 : vector<16xf32>
    %div3A_2635 = arith.constant 7.855000e+01 : f32
    %div3A_2636 = vector.broadcast %div3A_2635 : f32 to vector<16xf32>
    %div3A_2637 = arith.divf %sub3A_2634, %div3A_2636 : vector<16xf32>
    %jit3A_2638 = arith.constant 1.000000e+00 : f32
    %broadcast_in_dim3A_2639 = vector.broadcast %jit3A_2638 : f32 to vector<16xf32>
    %select_n3A_2640 = arith.select %ne3A_2631, %div3A_2637, %broadcast_in_dim3A_2639 : vector<16xi1>, vector<16xf32>
    %swap3A_2641 = arith.constant 880 : index
    %swap3A_2642 = tpu.vector_load %arg17[%swap3A_2641] {strides = array<i32>} : memref<1024xf32, #tpu.memory_space<vmem>>, vector<16xf32>,
    tpu.vector_store %arg17[%swap3A_2641], %select_n3A_2640 {strides = array<i32>} : memref<1024xf32, #tpu.memory_space<vmem>>, vector<16xf32>,
    %select_n3A_2643 = arith.select %ne3A_2631, %broadcast_in_dim3A_47, %broadcast_in_dim3A_45 : vector<16xi1>, vector<16xi32>
    %swap3A_2644 = arith.constant 880 : index
    %swap3A_2645 = tpu.vector_load %arg18[%swap3A_2644] {strides = array<i32>} : memref<1024xi32, #tpu.memory_space<vmem>>, vector<16xi32>,
    tpu.vector_store %arg18[%swap3A_2644], %select_n3A_2643 {strides = array<i32>} : memref<1024xi32, #tpu.memory_space<vmem>>, vector<16xi32>,
    %get3A_2646 = arith.constant 896 : index
    %get3A_2647 = tpu.vector_load %arg15[%get3A_2646] {strides = array<i32>} : memref<1024xf32, #tpu.memory_space<vmem>>, vector<16xf32>,
    %get3A_2648 = arith.constant 896 : index
    %get3A_2649 = tpu.vector_load %arg16[%get3A_2648] {strides = array<i32>} : memref<1024xf32, #tpu.memory_space<vmem>>, vector<16xf32>,
    %add3A_2650 = arith.constant 9.99999993E-9 : f32
    %add3A_2651 = vector.broadcast %add3A_2650 : f32 to vector<16xf32>
    %add3A_2652 = arith.addf %get3A_2649, %add3A_2651 : vector<16xf32>
    %div3A_2653 = arith.divf %get3A_2647, %add3A_2652 : vector<16xf32>
    %ne3A_2654 = arith.constant 0.000000e+00 : f32
    %ne3A_2655 = vector.broadcast %ne3A_2654 : f32 to vector<16xf32>
    %ne3A_2656 = arith.cmpf one, %div3A_2653, %ne3A_2655 : vector<16xf32>
    %sub3A_2657 = arith.constant 1.450000e+00 : f32
    %sub3A_2658 = vector.broadcast %sub3A_2657 : f32 to vector<16xf32>
    %sub3A_2659 = arith.subf %div3A_2653, %sub3A_2658 : vector<16xf32>
    %div3A_2660 = arith.constant 7.855000e+01 : f32
    %div3A_2661 = vector.broadcast %div3A_2660 : f32 to vector<16xf32>
    %div3A_2662 = arith.divf %sub3A_2659, %div3A_2661 : vector<16xf32>
    %jit3A_2663 = arith.constant 1.000000e+00 : f32
    %broadcast_in_dim3A_2664 = vector.broadcast %jit3A_2663 : f32 to vector<16xf32>
    %select_n3A_2665 = arith.select %ne3A_2656, %div3A_2662, %broadcast_in_dim3A_2664 : vector<16xi1>, vector<16xf32>
    %swap3A_2666 = arith.constant 896 : index
    %swap3A_2667 = tpu.vector_load %arg17[%swap3A_2666] {strides = array<i32>} : memref<1024xf32, #tpu.memory_space<vmem>>, vector<16xf32>,
    tpu.vector_store %arg17[%swap3A_2666], %select_n3A_2665 {strides = array<i32>} : memref<1024xf32, #tpu.memory_space<vmem>>, vector<16xf32>,
    %select_n3A_2668 = arith.select %ne3A_2656, %broadcast_in_dim3A_47, %broadcast_in_dim3A_45 : vector<16xi1>, vector<16xi32>
    %swap3A_2669 = arith.constant 896 : index
    %swap3A_2670 = tpu.vector_load %arg18[%swap3A_2669] {strides = array<i32>} : memref<1024xi32, #tpu.memory_space<vmem>>, vector<16xi32>,
    tpu.vector_store %arg18[%swap3A_2669], %select_n3A_2668 {strides = array<i32>} : memref<1024xi32, #tpu.memory_space<vmem>>, vector<16xi32>,
    %get3A_2671 = arith.constant 912 : index
    %get3A_2672 = tpu.vector_load %arg15[%get3A_2671] {strides = array<i32>} : memref<1024xf32, #tpu.memory_space<vmem>>, vector<16xf32>,
    %get3A_2673 = arith.constant 912 : index
    %get3A_2674 = tpu.vector_load %arg16[%get3A_2673] {strides = array<i32>} : memref<1024xf32, #tpu.memory_space<vmem>>, vector<16xf32>,
    %add3A_2675 = arith.constant 9.99999993E-9 : f32
    %add3A_2676 = vector.broadcast %add3A_2675 : f32 to vector<16xf32>
    %add3A_2677 = arith.addf %get3A_2674, %add3A_2676 : vector<16xf32>
    %div3A_2678 = arith.divf %get3A_2672, %add3A_2677 : vector<16xf32>
    %ne3A_2679 = arith.constant 0.000000e+00 : f32
    %ne3A_2680 = vector.broadcast %ne3A_2679 : f32 to vector<16xf32>
    %ne3A_2681 = arith.cmpf one, %div3A_2678, %ne3A_2680 : vector<16xf32>
    %sub3A_2682 = arith.constant 1.450000e+00 : f32
    %sub3A_2683 = vector.broadcast %sub3A_2682 : f32 to vector<16xf32>
    %sub3A_2684 = arith.subf %div3A_2678, %sub3A_2683 : vector<16xf32>
    %div3A_2685 = arith.constant 7.855000e+01 : f32
    %div3A_2686 = vector.broadcast %div3A_2685 : f32 to vector<16xf32>
    %div3A_2687 = arith.divf %sub3A_2684, %div3A_2686 : vector<16xf32>
    %jit3A_2688 = arith.constant 1.000000e+00 : f32
    %broadcast_in_dim3A_2689 = vector.broadcast %jit3A_2688 : f32 to vector<16xf32>
    %select_n3A_2690 = arith.select %ne3A_2681, %div3A_2687, %broadcast_in_dim3A_2689 : vector<16xi1>, vector<16xf32>
    %swap3A_2691 = arith.constant 912 : index
    %swap3A_2692 = tpu.vector_load %arg17[%swap3A_2691] {strides = array<i32>} : memref<1024xf32, #tpu.memory_space<vmem>>, vector<16xf32>,
    tpu.vector_store %arg17[%swap3A_2691], %select_n3A_2690 {strides = array<i32>} : memref<1024xf32, #tpu.memory_space<vmem>>, vector<16xf32>,
    %select_n3A_2693 = arith.select %ne3A_2681, %broadcast_in_dim3A_47, %broadcast_in_dim3A_45 : vector<16xi1>, vector<16xi32>
    %swap3A_2694 = arith.constant 912 : index
    %swap3A_2695 = tpu.vector_load %arg18[%swap3A_2694] {strides = array<i32>} : memref<1024xi32, #tpu.memory_space<vmem>>, vector<16xi32>,
    tpu.vector_store %arg18[%swap3A_2694], %select_n3A_2693 {strides = array<i32>} : memref<1024xi32, #tpu.memory_space<vmem>>, vector<16xi32>,
    %get3A_2696 = arith.constant 928 : index
    %get3A_2697 = tpu.vector_load %arg15[%get3A_2696] {strides = array<i32>} : memref<1024xf32, #tpu.memory_space<vmem>>, vector<16xf32>,
    %get3A_2698 = arith.constant 928 : index
    %get3A_2699 = tpu.vector_load %arg16[%get3A_2698] {strides = array<i32>} : memref<1024xf32, #tpu.memory_space<vmem>>, vector<16xf32>,
    %add3A_2700 = arith.constant 9.99999993E-9 : f32
    %add3A_2701 = vector.broadcast %add3A_2700 : f32 to vector<16xf32>
    %add3A_2702 = arith.addf %get3A_2699, %add3A_2701 : vector<16xf32>
    %div3A_2703 = arith.divf %get3A_2697, %add3A_2702 : vector<16xf32>
    %ne3A_2704 = arith.constant 0.000000e+00 : f32
    %ne3A_2705 = vector.broadcast %ne3A_2704 : f32 to vector<16xf32>
    %ne3A_2706 = arith.cmpf one, %div3A_2703, %ne3A_2705 : vector<16xf32>
    %sub3A_2707 = arith.constant 1.450000e+00 : f32
    %sub3A_2708 = vector.broadcast %sub3A_2707 : f32 to vector<16xf32>
    %sub3A_2709 = arith.subf %div3A_2703, %sub3A_2708 : vector<16xf32>
    %div3A_2710 = arith.constant 7.855000e+01 : f32
    %div3A_2711 = vector.broadcast %div3A_2710 : f32 to vector<16xf32>
    %div3A_2712 = arith.divf %sub3A_2709, %div3A_2711 : vector<16xf32>
    %jit3A_2713 = arith.constant 1.000000e+00 : f32
    %broadcast_in_dim3A_2714 = vector.broadcast %jit3A_2713 : f32 to vector<16xf32>
    %select_n3A_2715 = arith.select %ne3A_2706, %div3A_2712, %broadcast_in_dim3A_2714 : vector<16xi1>, vector<16xf32>
    %swap3A_2716 = arith.constant 928 : index
    %swap3A_2717 = tpu.vector_load %arg17[%swap3A_2716] {strides = array<i32>} : memref<1024xf32, #tpu.memory_space<vmem>>, vector<16xf32>,
    tpu.vector_store %arg17[%swap3A_2716], %select_n3A_2715 {strides = array<i32>} : memref<1024xf32, #tpu.memory_space<vmem>>, vector<16xf32>,
    %select_n3A_2718 = arith.select %ne3A_2706, %broadcast_in_dim3A_47, %broadcast_in_dim3A_45 : vector<16xi1>, vector<16xi32>
    %swap3A_2719 = arith.constant 928 : index
    %swap3A_2720 = tpu.vector_load %arg18[%swap3A_2719] {strides = array<i32>} : memref<1024xi32, #tpu.memory_space<vmem>>, vector<16xi32>,
    tpu.vector_store %arg18[%swap3A_2719], %select_n3A_2718 {strides = array<i32>} : memref<1024xi32, #tpu.memory_space<vmem>>, vector<16xi32>,
    %get3A_2721 = arith.constant 944 : index
    %get3A_2722 = tpu.vector_load %arg15[%get3A_2721] {strides = array<i32>} : memref<1024xf32, #tpu.memory_space<vmem>>, vector<16xf32>,
    %get3A_2723 = arith.constant 944 : index
    %get3A_2724 = tpu.vector_load %arg16[%get3A_2723] {strides = array<i32>} : memref<1024xf32, #tpu.memory_space<vmem>>, vector<16xf32>,
    %add3A_2725 = arith.constant 9.99999993E-9 : f32
    %add3A_2726 = vector.broadcast %add3A_2725 : f32 to vector<16xf32>
    %add3A_2727 = arith.addf %get3A_2724, %add3A_2726 : vector<16xf32>
    %div3A_2728 = arith.divf %get3A_2722, %add3A_2727 : vector<16xf32>
    %ne3A_2729 = arith.constant 0.000000e+00 : f32
    %ne3A_2730 = vector.broadcast %ne3A_2729 : f32 to vector<16xf32>
    %ne3A_2731 = arith.cmpf one, %div3A_2728, %ne3A_2730 : vector<16xf32>
    %sub3A_2732 = arith.constant 1.450000e+00 : f32
    %sub3A_2733 = vector.broadcast %sub3A_2732 : f32 to vector<16xf32>
    %sub3A_2734 = arith.subf %div3A_2728, %sub3A_2733 : vector<16xf32>
    %div3A_2735 = arith.constant 7.855000e+01 : f32
    %div3A_2736 = vector.broadcast %div3A_2735 : f32 to vector<16xf32>
    %div3A_2737 = arith.divf %sub3A_2734, %div3A_2736 : vector<16xf32>
    %jit3A_2738 = arith.constant 1.000000e+00 : f32
    %broadcast_in_dim3A_2739 = vector.broadcast %jit3A_2738 : f32 to vector<16xf32>
    %select_n3A_2740 = arith.select %ne3A_2731, %div3A_2737, %broadcast_in_dim3A_2739 : vector<16xi1>, vector<16xf32>
    %swap3A_2741 = arith.constant 944 : index
    %swap3A_2742 = tpu.vector_load %arg17[%swap3A_2741] {strides = array<i32>} : memref<1024xf32, #tpu.memory_space<vmem>>, vector<16xf32>,
    tpu.vector_store %arg17[%swap3A_2741], %select_n3A_2740 {strides = array<i32>} : memref<1024xf32, #tpu.memory_space<vmem>>, vector<16xf32>,
    %select_n3A_2743 = arith.select %ne3A_2731, %broadcast_in_dim3A_47, %broadcast_in_dim3A_45 : vector<16xi1>, vector<16xi32>
    %swap3A_2744 = arith.constant 944 : index
    %swap3A_2745 = tpu.vector_load %arg18[%swap3A_2744] {strides = array<i32>} : memref<1024xi32, #tpu.memory_space<vmem>>, vector<16xi32>,
    tpu.vector_store %arg18[%swap3A_2744], %select_n3A_2743 {strides = array<i32>} : memref<1024xi32, #tpu.memory_space<vmem>>, vector<16xi32>,
    %get3A_2746 = arith.constant 960 : index
    %get3A_2747 = tpu.vector_load %arg15[%get3A_2746] {strides = array<i32>} : memref<1024xf32, #tpu.memory_space<vmem>>, vector<16xf32>,
    %get3A_2748 = arith.constant 960 : index
    %get3A_2749 = tpu.vector_load %arg16[%get3A_2748] {strides = array<i32>} : memref<1024xf32, #tpu.memory_space<vmem>>, vector<16xf32>,
    %add3A_2750 = arith.constant 9.99999993E-9 : f32
    %add3A_2751 = vector.broadcast %add3A_2750 : f32 to vector<16xf32>
    %add3A_2752 = arith.addf %get3A_2749, %add3A_2751 : vector<16xf32>
    %div3A_2753 = arith.divf %get3A_2747, %add3A_2752 : vector<16xf32>
    %ne3A_2754 = arith.constant 0.000000e+00 : f32
    %ne3A_2755 = vector.broadcast %ne3A_2754 : f32 to vector<16xf32>
    %ne3A_2756 = arith.cmpf one, %div3A_2753, %ne3A_2755 : vector<16xf32>
    %sub3A_2757 = arith.constant 1.450000e+00 : f32
    %sub3A_2758 = vector.broadcast %sub3A_2757 : f32 to vector<16xf32>
    %sub3A_2759 = arith.subf %div3A_2753, %sub3A_2758 : vector<16xf32>
    %div3A_2760 = arith.constant 7.855000e+01 : f32
    %div3A_2761 = vector.broadcast %div3A_2760 : f32 to vector<16xf32>
    %div3A_2762 = arith.divf %sub3A_2759, %div3A_2761 : vector<16xf32>
    %jit3A_2763 = arith.constant 1.000000e+00 : f32
    %broadcast_in_dim3A_2764 = vector.broadcast %jit3A_2763 : f32 to vector<16xf32>
    %select_n3A_2765 = arith.select %ne3A_2756, %div3A_2762, %broadcast_in_dim3A_2764 : vector<16xi1>, vector<16xf32>
    %swap3A_2766 = arith.constant 960 : index
    %swap3A_2767 = tpu.vector_load %arg17[%swap3A_2766] {strides = array<i32>} : memref<1024xf32, #tpu.memory_space<vmem>>, vector<16xf32>,
    tpu.vector_store %arg17[%swap3A_2766], %select_n3A_2765 {strides = array<i32>} : memref<1024xf32, #tpu.memory_space<vmem>>, vector<16xf32>,
    %select_n3A_2768 = arith.select %ne3A_2756, %broadcast_in_dim3A_47, %broadcast_in_dim3A_45 : vector<16xi1>, vector<16xi32>
    %swap3A_2769 = arith.constant 960 : index
    %swap3A_2770 = tpu.vector_load %arg18[%swap3A_2769] {strides = array<i32>} : memref<1024xi32, #tpu.memory_space<vmem>>, vector<16xi32>,
    tpu.vector_store %arg18[%swap3A_2769], %select_n3A_2768 {strides = array<i32>} : memref<1024xi32, #tpu.memory_space<vmem>>, vector<16xi32>,
    %get3A_2771 = arith.constant 976 : index
    %get3A_2772 = tpu.vector_load %arg15[%get3A_2771] {strides = array<i32>} : memref<1024xf32, #tpu.memory_space<vmem>>, vector<16xf32>,
    %get3A_2773 = arith.constant 976 : index
    %get3A_2774 = tpu.vector_load %arg16[%get3A_2773] {strides = array<i32>} : memref<1024xf32, #tpu.memory_space<vmem>>, vector<16xf32>,
    %add3A_2775 = arith.constant 9.99999993E-9 : f32
    %add3A_2776 = vector.broadcast %add3A_2775 : f32 to vector<16xf32>
    %add3A_2777 = arith.addf %get3A_2774, %add3A_2776 : vector<16xf32>
    %div3A_2778 = arith.divf %get3A_2772, %add3A_2777 : vector<16xf32>
    %ne3A_2779 = arith.constant 0.000000e+00 : f32
    %ne3A_2780 = vector.broadcast %ne3A_2779 : f32 to vector<16xf32>
    %ne3A_2781 = arith.cmpf one, %div3A_2778, %ne3A_2780 : vector<16xf32>
    %sub3A_2782 = arith.constant 1.450000e+00 : f32
    %sub3A_2783 = vector.broadcast %sub3A_2782 : f32 to vector<16xf32>
    %sub3A_2784 = arith.subf %div3A_2778, %sub3A_2783 : vector<16xf32>
    %div3A_2785 = arith.constant 7.855000e+01 : f32
    %div3A_2786 = vector.broadcast %div3A_2785 : f32 to vector<16xf32>
    %div3A_2787 = arith.divf %sub3A_2784, %div3A_2786 : vector<16xf32>
    %jit3A_2788 = arith.constant 1.000000e+00 : f32
    %broadcast_in_dim3A_2789 = vector.broadcast %jit3A_2788 : f32 to vector<16xf32>
    %select_n3A_2790 = arith.select %ne3A_2781, %div3A_2787, %broadcast_in_dim3A_2789 : vector<16xi1>, vector<16xf32>
    %swap3A_2791 = arith.constant 976 : index
    %swap3A_2792 = tpu.vector_load %arg17[%swap3A_2791] {strides = array<i32>} : memref<1024xf32, #tpu.memory_space<vmem>>, vector<16xf32>,
    tpu.vector_store %arg17[%swap3A_2791], %select_n3A_2790 {strides = array<i32>} : memref<1024xf32, #tpu.memory_space<vmem>>, vector<16xf32>,
    %select_n3A_2793 = arith.select %ne3A_2781, %broadcast_in_dim3A_47, %broadcast_in_dim3A_45 : vector<16xi1>, vector<16xi32>
    %swap3A_2794 = arith.constant 976 : index
    %swap3A_2795 = tpu.vector_load %arg18[%swap3A_2794] {strides = array<i32>} : memref<1024xi32, #tpu.memory_space<vmem>>, vector<16xi32>,
    tpu.vector_store %arg18[%swap3A_2794], %select_n3A_2793 {strides = array<i32>} : memref<1024xi32, #tpu.memory_space<vmem>>, vector<16xi32>,
    %get3A_2796 = arith.constant 992 : index
    %get3A_2797 = tpu.vector_load %arg15[%get3A_2796] {strides = array<i32>} : memref<1024xf32, #tpu.memory_space<vmem>>, vector<16xf32>,
    %get3A_2798 = arith.constant 992 : index
    %get3A_2799 = tpu.vector_load %arg16[%get3A_2798] {strides = array<i32>} : memref<1024xf32, #tpu.memory_space<vmem>>, vector<16xf32>,
    %add3A_2800 = arith.constant 9.99999993E-9 : f32
    %add3A_2801 = vector.broadcast %add3A_2800 : f32 to vector<16xf32>
    %add3A_2802 = arith.addf %get3A_2799, %add3A_2801 : vector<16xf32>
    %div3A_2803 = arith.divf %get3A_2797, %add3A_2802 : vector<16xf32>
    %ne3A_2804 = arith.constant 0.000000e+00 : f32
    %ne3A_2805 = vector.broadcast %ne3A_2804 : f32 to vector<16xf32>
    %ne3A_2806 = arith.cmpf one, %div3A_2803, %ne3A_2805 : vector<16xf32>
    %sub3A_2807 = arith.constant 1.450000e+00 : f32
    %sub3A_2808 = vector.broadcast %sub3A_2807 : f32 to vector<16xf32>
    %sub3A_2809 = arith.subf %div3A_2803, %sub3A_2808 : vector<16xf32>
    %div3A_2810 = arith.constant 7.855000e+01 : f32
    %div3A_2811 = vector.broadcast %div3A_2810 : f32 to vector<16xf32>
    %div3A_2812 = arith.divf %sub3A_2809, %div3A_2811 : vector<16xf32>
    %jit3A_2813 = arith.constant 1.000000e+00 : f32
    %broadcast_in_dim3A_2814 = vector.broadcast %jit3A_2813 : f32 to vector<16xf32>
    %select_n3A_2815 = arith.select %ne3A_2806, %div3A_2812, %broadcast_in_dim3A_2814 : vector<16xi1>, vector<16xf32>
    %swap3A_2816 = arith.constant 992 : index
    %swap3A_2817 = tpu.vector_load %arg17[%swap3A_2816] {strides = array<i32>} : memref<1024xf32, #tpu.memory_space<vmem>>, vector<16xf32>,
    tpu.vector_store %arg17[%swap3A_2816], %select_n3A_2815 {strides = array<i32>} : memref<1024xf32, #tpu.memory_space<vmem>>, vector<16xf32>,
    %select_n3A_2818 = arith.select %ne3A_2806, %broadcast_in_dim3A_47, %broadcast_in_dim3A_45 : vector<16xi1>, vector<16xi32>
    %swap3A_2819 = arith.constant 992 : index
    %swap3A_2820 = tpu.vector_load %arg18[%swap3A_2819] {strides = array<i32>} : memref<1024xi32, #tpu.memory_space<vmem>>, vector<16xi32>,
    tpu.vector_store %arg18[%swap3A_2819], %select_n3A_2818 {strides = array<i32>} : memref<1024xi32, #tpu.memory_space<vmem>>, vector<16xi32>,
    %get3A_2821 = arith.constant 1008 : index
    %get3A_2822 = tpu.vector_load %arg15[%get3A_2821] {strides = array<i32>} : memref<1024xf32, #tpu.memory_space<vmem>>, vector<16xf32>,
    %get3A_2823 = arith.constant 1008 : index
    %get3A_2824 = tpu.vector_load %arg16[%get3A_2823] {strides = array<i32>} : memref<1024xf32, #tpu.memory_space<vmem>>, vector<16xf32>,
    %add3A_2825 = arith.constant 9.99999993E-9 : f32
    %add3A_2826 = vector.broadcast %add3A_2825 : f32 to vector<16xf32>
    %add3A_2827 = arith.addf %get3A_2824, %add3A_2826 : vector<16xf32>
    %div3A_2828 = arith.divf %get3A_2822, %add3A_2827 : vector<16xf32>
    %ne3A_2829 = arith.constant 0.000000e+00 : f32
    %ne3A_2830 = vector.broadcast %ne3A_2829 : f32 to vector<16xf32>
    %ne3A_2831 = arith.cmpf one, %div3A_2828, %ne3A_2830 : vector<16xf32>
    %sub3A_2832 = arith.constant 1.450000e+00 : f32
    %sub3A_2833 = vector.broadcast %sub3A_2832 : f32 to vector<16xf32>
    %sub3A_2834 = arith.subf %div3A_2828, %sub3A_2833 : vector<16xf32>
    %div3A_2835 = arith.constant 7.855000e+01 : f32
    %div3A_2836 = vector.broadcast %div3A_2835 : f32 to vector<16xf32>
    %div3A_2837 = arith.divf %sub3A_2834, %div3A_2836 : vector<16xf32>
    %jit3A_2838 = arith.constant 1.000000e+00 : f32
    %broadcast_in_dim3A_2839 = vector.broadcast %jit3A_2838 : f32 to vector<16xf32>
    %select_n3A_2840 = arith.select %ne3A_2831, %div3A_2837, %broadcast_in_dim3A_2839 : vector<16xi1>, vector<16xf32>
    %swap3A_2841 = arith.constant 1008 : index
    %swap3A_2842 = tpu.vector_load %arg17[%swap3A_2841] {strides = array<i32>} : memref<1024xf32, #tpu.memory_space<vmem>>, vector<16xf32>,
    tpu.vector_store %arg17[%swap3A_2841], %select_n3A_2840 {strides = array<i32>} : memref<1024xf32, #tpu.memory_space<vmem>>, vector<16xf32>,
    %select_n3A_2843 = arith.select %ne3A_2831, %broadcast_in_dim3A_47, %broadcast_in_dim3A_45 : vector<16xi1>, vector<16xi32>
    %swap3A_2844 = arith.constant 1008 : index
    %swap3A_2845 = tpu.vector_load %arg18[%swap3A_2844] {strides = array<i32>} : memref<1024xi32, #tpu.memory_space<vmem>>, vector<16xi32>,
    tpu.vector_store %arg18[%swap3A_2844], %select_n3A_2843 {strides = array<i32>} : memref<1024xi32, #tpu.memory_space<vmem>>, vector<16xi32>,
    %mul3A_2846 = arith.constant 16384 : i32
    %mul3A_2847 = arith.muli %arg0, %mul3A_2846 : i32
    %mul3A_2848 = arith.constant 1024 : i32
    %mul3A_2849 = arith.muli %arg1, %mul3A_2848 : i32
    %add3A_2850 = arith.addi %mul3A_2847, %mul3A_2849 : i32
    %dma_start3A_2851 = tpu.memref_slice %arg5[%add3A_2850] : memref<32768xf32, #tpu.memory_space<hbm>> -> memref<1024xf32, #tpu.memory_space<hbm>>
    %dma_start3A_2852 = tpu.memref_slice %arg5[%add3A_2850] : memref<32768xf32, #tpu.memory_space<hbm>> -> memref<1024xf32, #tpu.memory_space<hbm>>
    tpu.enqueue_dma source(%arg17 : memref<1024xf32, #tpu.memory_space<vmem>>) target(%dma_start3A_2852 : memref<1024xf32, #tpu.memory_space<hbm>>) target_semaphore(%arg20 : memref<!tpu.dma_semaphore, #tpu.memory_space<semaphore_mem>>)
    %dma_start3A_2853 = tpu.memref_slice %arg6[%add3A_2850] : memref<32768xi32, #tpu.memory_space<hbm>> -> memref<1024xi32, #tpu.memory_space<hbm>>
    %dma_start3A_2854 = tpu.memref_slice %arg6[%add3A_2850] : memref<32768xi32, #tpu.memory_space<hbm>> -> memref<1024xi32, #tpu.memory_space<hbm>>
    tpu.enqueue_dma source(%arg18 : memref<1024xi32, #tpu.memory_space<vmem>>) target(%dma_start3A_2854 : memref<1024xi32, #tpu.memory_space<hbm>>) target_semaphore(%arg20 : memref<!tpu.dma_semaphore, #tpu.memory_space<semaphore_mem>>)
    %dma_wait3A_2855 = tpu.memref_slice %arg5[%add3A_2850] : memref<32768xf32, #tpu.memory_space<hbm>> -> memref<1024xf32, #tpu.memory_space<hbm>>
    %dma_wait3A_2856 = tpu.memref_slice %arg5[%add3A_2850] : memref<32768xf32, #tpu.memory_space<hbm>> -> memref<1024xf32, #tpu.memory_space<hbm>>
    tpu.wait_dma2 semaphore(%arg20 : memref<!tpu.dma_semaphore, #tpu.memory_space<semaphore_mem>>) src(%arg17 : memref<1024xf32, #tpu.memory_space<vmem>>) dst(%dma_wait3A_2856 : memref<1024xf32, #tpu.memory_space<hbm>>)
    %dma_wait3A_2857 = tpu.memref_slice %arg6[%add3A_2850] : memref<32768xi32, #tpu.memory_space<hbm>> -> memref<1024xi32, #tpu.memory_space<hbm>>
    %dma_wait3A_2858 = tpu.memref_slice %arg6[%add3A_2850] : memref<32768xi32, #tpu.memory_space<hbm>> -> memref<1024xi32, #tpu.memory_space<hbm>>
    tpu.wait_dma2 semaphore(%arg20 : memref<!tpu.dma_semaphore, #tpu.memory_space<semaphore_mem>>) src(%arg18 : memref<1024xi32, #tpu.memory_space<vmem>>) dst(%dma_wait3A_2858 : memref<1024xi32, #tpu.memory_space<hbm>>)
    return
  }
}

</mosaic_0001>

<sc_bundles>
// kernel: _sc_rasterize.3.cloned.1.call-start
scs
__scs_entry_jumppad:
0x0: {  	(pc) =	sbr.rel $0x88, $3  }
0x1: {  	(tag) =	ssettag $0x0;
	lr =	simm.s32 $0x1  }
0x2: {  	[smem:$0x3F9E] =	sst lr;
	_ =	strace $0xD0000000  }
0x3: {  	_ = 	snop  }
0x4: {  	_ = 	snop  }
0x5: {  	_ = 	snop  }
0x6: {  	_ = 	snop  }
0x7: {  	_ = 	snop  }
__scs_overlays_trampoline_lowered:
0x8: {  	[smem:$0x3FAD] =	sst s0  }
0x9: {  	[smem:$0x3FAE] =	sst s1  }
0xa: {  	[smem:$0x3FAF] =	sst s2  }
0xb: {  	[smem:$0x3FB0] =	sst s3  }
0xc: {  	[smem:$0x3FB1] =	sst s4  }
0xd: {  	[smem:$0x3FB2] =	sst s5  }
0xe: {  	[smem:$0x3FB3] =	sst s6  }
0xf: {  	[smem:$0x3FB4] =	sst s7  }
0x10: {  	[smem:$0x3FB5] =	sst s8  }
0x11: {  	[smem:$0x3FB6] =	sst s9;
	s0 =	simm.s32 @!p0 $0x0  }
0x12: {  	s1 =	sld [smem:$0x3F9C];
	s0 =	simm.s32 @p0 $0x1  }
0x13: {  	[smem:$0x3FB7] =	sst s0;
	s0 =	simm.s32 @!p1 $0x0  }
0x14: {  	s2 =	sld [smem:$0x3F9B];
	s0 =	simm.s32 @p1 $0x1  }
0x15: {  	[smem:$0x3FB8] =	sst s0;
	s0 =	simm.s32 @!p2 $0x0  }
0x16: {  	s3 =	sld [smem:$0x3FDB];
	s0 =	simm.s32 @p2 $0x1  }
0x17: {  	s4 =	simm.s32 $0x1BF5;
	[smem:$0x3FBA] =	sst s0  }
0x18: {  	s0 =	sld [smem:$0x3F9D];
	_ =	swait.ge [sflag:s4], $0x0  }
0x19: {  	s7 =	sld [smem:$0x3F9E]  }
0x1a: {  	s8 =	sadd.s32 $0xFFFFE003, lr  }
0x1b: {  	s9 =	sadd.s32 $0xFFFFFEF7, lr;
	s5 =	simm.s32 $0xFFFFFFFF;
	p2 =	slt.u32 s8, $0xFFFFF086  }
0x1c: {  	p1 =	slt.u32 s9, $0xF7A;
	s5 =	simm.s32 @!p2 $0x0  }
0x1d: {  	s5 =	simm.s32 @p1 $0x1;
	p0 =	seq.s32 s7, s2  }
0x1e: {  	s7 =	smul.u32 @!p0 $0xF7A, s2;
	p2 =	seq.s32 @!p0 s5, $0x0  }
0x1f: {  	s9 =	smul.u32 $0xF7A, s1;
	s8 =	simm.s32 @!p0 $0x1BF5;
	p2 =	por !p2, p0  }
0x20: {  	[sflag:s8] =	ssyncset.s32 @!p0 $0xFFFFF086;
	s6 =	sadd.s32 @!p0 s3, s7;
	s7 =	simm.s32 @!p0 $0x108  }
0x21: {  	s3 =	sadd.s32 s3, s9;
	s6 =	sadd.s32 @!p0 $0x88, s6;
	s7 =	simm.s32 @p2 $0x1082  }
0x22: {  	[simem:s7], [sflag:s8] =	dma.local @!p0 [hbm:s6], $0xF7A  }
0x23: {  	s9 =	sor.u32 $0xD0000000, s2;
	s6 =	simm.s32 $0x108;
	_ =	swait.ge @!p0 [sflag:s8], $0x0  }
0x24: {  	s3 =	sadd.s32 $0x88, s3;
	s6 =	simm.s32 @!p1 $0x1082;
	[sflag:s4] =	ssyncset.s32 $0xFFFFF086  }
0x25: {  	[simem:s6], [sflag:s4] =	dma.local [hbm:s3], $0xF7A  }
0x26: {  	[smem:$0x3F9E] =	sst s1;
	(tag) =	ssettag s2;
	_ =	strace s9  }
0x27: {  	s1 =	sld [smem:$0x3FAE]  }
0x28: {  	s2 =	sld [smem:$0x3FAF]  }
0x29: {  	s4 =	sld [smem:$0x3FB1]  }
0x2a: {  	p0 =	seq.s32 s5, $0x0;
	s5 =	sld [smem:$0x3FB2]  }
0x2b: {  	s6 =	sld [smem:$0x3FB3]  }
0x2c: {  	s7 =	sld [smem:$0x3FB4]  }
0x2d: {  	s3 =	simm.s32 $0x108;
	s8 =	sld [smem:$0x3FB5]  }
0x2e: {  	s3 =	simm.s32 @!p0 $0x1082;
	s9 =	sld [smem:$0x3FB6]  }
0x2f: {  	lr =	sadd.s32 s0, s3;
	s0 =	sld [smem:$0x3FAD]  }
0x30: {  	s3 =	sld [smem:$0x3FB0]  }
0x31: {  	[smem:$0x3FB9] =	sst s10  }
0x32: {  	s10 =	sld [smem:$0x3FB7];
	_ =	sdelay $0x3  }
0x33: {  	p0 =	seq.s32 s10, $0x1;
	s10 =	sld [smem:$0x3FB9];
	_ =	sdelay $0x3  }
0x34: {  	[smem:$0x3FB9] =	sst s10  }
0x35: {  	s10 =	sld [smem:$0x3FB8];
	_ =	sdelay $0x3  }
0x36: {  	p1 =	seq.s32 s10, $0x1;
	s10 =	sld [smem:$0x3FB9];
	_ =	sdelay $0x3  }
0x37: {  	[smem:$0x3FB9] =	sst s10  }
0x38: {  	s10 =	sld [smem:$0x3FBA]  }
0x39: {  	_ = 	snop;
	(pc) =	sbr.ind lr, $3  }
0x3a: {  	_ = 	snop  }
0x3b: {  	_ = 	snop  }
0x3c: {  	p2 =	seq.s32 s10, $0x1;
	s10 =	sld [smem:$0x3FB9]  }
0x3d: {  	_ =	shalt  }
0x3e: {  	_ =	shalt  }
0x3f: {  	_ =	shalt  }
0x40: {  	_ =	shalt  }
0x41: {  	_ =	shalt  }
0x42: {  	_ =	shalt  }
0x43: {  	_ =	shalt  }
0x44: {  	_ =	shalt  }
0x45: {  	_ =	shalt  }
0x46: {  	_ =	shalt  }
0x47: {  	_ =	shalt  }
0x48: {  	_ =	shalt  }
0x49: {  	_ =	shalt  }
0x4a: {  	_ =	shalt  }
0x4b: {  	_ =	shalt  }
0x4c: {  	_ =	shalt  }
0x4d: {  	_ =	shalt  }
0x4e: {  	_ =	shalt  }
0x4f: {  	_ =	shalt  }
0x50: {  	_ =	shalt  }
0x51: {  	_ =	shalt  }
0x52: {  	_ =	shalt  }
0x53: {  	_ =	shalt  }
0x54: {  	_ =	shalt  }
0x55: {  	_ =	shalt  }
0x56: {  	_ =	shalt  }
0x57: {  	_ =	shalt  }
0x58: {  	_ =	shalt  }
0x59: {  	_ =	shalt  }
0x5a: {  	_ =	shalt  }
0x5b: {  	_ =	shalt  }
0x5c: {  	_ =	shalt  }
0x5d: {  	_ =	shalt  }
0x5e: {  	_ =	shalt  }
0x5f: {  	_ =	shalt  }
0x60: {  	_ =	shalt  }
0x61: {  	_ =	shalt  }
0x62: {  	_ =	shalt  }
0x63: {  	_ =	shalt  }
0x64: {  	_ =	shalt  }
0x65: {  	_ =	shalt  }
0x66: {  	_ =	shalt  }
0x67: {  	_ =	shalt  }
0x68: {  	_ =	shalt  }
0x69: {  	_ =	shalt  }
0x6a: {  	_ =	shalt  }
0x6b: {  	_ =	shalt  }
0x6c: {  	_ =	shalt  }
0x6d: {  	_ =	shalt  }
0x6e: {  	_ =	shalt  }
0x6f: {  	_ =	shalt  }
0x70: {  	_ =	shalt  }
0x71: {  	_ =	shalt  }
0x72: {  	_ =	shalt  }
0x73: {  	_ =	shalt  }
0x74: {  	_ =	shalt  }
0x75: {  	_ =	shalt  }
0x76: {  	_ =	shalt  }
0x77: {  	_ =	shalt  }
0x78: {  	_ =	shalt  }
0x79: {  	_ =	shalt  }
0x7a: {  	_ =	shalt  }
0x7b: {  	_ =	shalt  }
0x7c: {  	_ =	shalt  }
0x7d: {  	_ =	shalt  }
0x7e: {  	_ =	shalt  }
0x7f: {  	_ =	shalt  }
0x80: {  	_ =	shalt  }
0x81: {  	_ =	shalt  }
0x82: {  	_ =	shalt  }
0x83: {  	_ =	shalt  }
0x84: {  	_ =	shalt  }
0x85: {  	_ =	shalt  }
0x86: {  	_ =	shalt  }
0x87: {  	_ =	shalt  }
.Lfunc_end0:
.L_simem_size_0:
called_computation_lowered:
.L_overlay_start_0:
0x88: {  	s2 =	sld [smem:$0x3FD9]  }
0x89: {  	s3 =	sld [smem:$0x3FFE];
	_ =	sdelay $0x1  }
0x8a: {  	s1 =	srdreg.scid  }
0x8b: {  	s0 =	sand.u32 $0x1, s1  }
0x8c: {  	s15 =	sshll.u32 s0, $0xA;
	s2 =	sadd.s32 s3, s2  }
0x8d: {  	s2 =	sadd.s32 s2, s15  }
0x8e: {  	[smem:$0x3FC5] =	sst s2  }
0x8f: {  	_ = 	snop  }
0x90: {  	s2 =	sld [smem:$0x3FD0]  }
0x91: {  	s16 =	sld [smem:$0x3FC9]  }
0x92: {  	s4 =	sld [smem:$0x3FC8]  }
0x93: {  	s6 =	simm.s32 $0xA;
	s7 =	simm.s32 $0x10;
	s5 =	sld [smem:$0x3FC7]  }
0x94: {  	[smem:s7], [sflag:s6] =	dma.local [hbm:s2], $0x1  }
0x95: {  	_ =	swait.eq [sflag:s6], $0x1  }
0x96: {  	[sflag:s6] =	ssyncset.done $0x0  }
0x97: {  	s17 =	sld [smem:$0x10];
	[sflag:s6] =	ssyncadd.s32 $0xFFFFFFFF  }
0x98: {  	s18 =	sld [smem:$0x11];
	(tm) =	ssettm $0x1  }
0x99: {  	s19 =	sld [smem:$0x3FFB];
	_ =	sdelay $0x3  }
0x9a: {  	_ =	strace s19  }
0x9b: {  	s7 =	sld [smem:$0x3FFC];
	_ =	sdelay $0x3  }
0x9c: {  	_ =	strace s7  }
0x9d: {  	s7 =	sld [smem:$0x3FFD];
	_ =	sdelay $0x3  }
0x9e: {  	_ =	strace s7  }
0x9f: {  	_ =	strace $0x8FFFFFFF  }
0xa0: {  	s20 =	sld [smem:$0x3FDB];
	_ =	sdelay $0x1  }
0xa1: {  	s8 =	simm.s32 $_scs_section_size  }
0xa2: {  	s9 =	simm.s32 $_size__tile_overlayer_lowered;
	s10 =	simm.s32 $_tile_overlayer_lowered  }
0xa3: {  	s23 =	simm.s32 $0x1BFF;
	s22 =	sshll.u32 s10, $0x1;
	s7 =	sadd.s32 s8, s20  }
0xa4: {  	s11 =	simm.s32 $0x0;
	s21 =	sshll.u32 s9, $0x1;
	s9 =	sadd.s32 s22, s7  }
0xa5: {  	[timem:s11], [sflag:s23] =	dma.local [hbm:s9], s21  }
0xa6: {  	_ =	swait.ge [sflag:s23], s21  }
0xa7: {  	s8 =	ssub.s32 $0x0, s21;
	[sflag:s23] =	ssyncset.done $0x0  }
0xa8: {  	[sflag:s23] =	ssyncadd.s32 s8;
	_ =	sdelay $0x1  }
0xa9: {  	s24 =	simm.s32 $0x1B8B  }
0xaa: {  	_ =	swait.ge [sflag:s24], $0x1  }
0xab: {  	[sflag:s24] =	ssyncset.done $0x0  }
0xac: {  	s25 =	simm.s32 $0x1B8E;
	[sflag:s24] =	ssyncadd.s32 $0xFFFFFFFF  }
0xad: {  	s26 =	simm.s32 $execute0_lowered;
	[smem:$0x3FD2] =	sst s25  }
0xae: {  	s8 =	sshll.u32 s26, $0x1;
	_ =	strace $0x80000046;
	[dreg:$0x1] =	wrdreg $0xFFFFFFFF  }
0xaf: {  	s28 =	simm.s32 $_size_execute0_lowered;
	s7 =	sadd.s32 s7, s8;
	[dreg:$0x0] =	wrdreg $0x0  }
0xb0: {  	s8 =	sshll.u32 s28, $0x1;
	[dreg:$0x2] =	wrdreg s7  }
0xb1: {  	[dreg:$0x3] =	wrdreg s8  }
0xb2: {  	[dreg:$0x4] =	wrdreg $0xC0  }
0xb3: {  	_ =	task [dreg:s11], $0x5FFFF  }
0xb4: {  	[dreg:$0x1] =	wrdreg $0xFFFFFFFF  }
0xb5: {  	[dreg:$0x0] =	wrdreg $0x60  }
0xb6: {  	[dreg:$0x2] =	wrdreg s16  }
0xb7: {  	[dreg:$0x3] =	wrdreg s4  }
0xb8: {  	[dreg:$0x4] =	wrdreg s5  }
0xb9: {  	[dreg:$0x5] =	wrdreg s17  }
0xba: {  	[dreg:$0x6] =	wrdreg s18  }
0xbb: {  	[dreg:$0x7] =	wrdreg $0x15000  }
0xbc: {  	[dreg:$0x8] =	wrdreg $0x9  }
0xbd: {  	_ =	task.clear_ibuf [dreg:s11], $0x9FFFF;
	_ =	strace $0x90000046  }
0xbe: {  	s29 =	simm.s32 $0x9;
	_ =	strace $0x80000048  }
0xbf: {  	_ =	swait.ge [sflag:s29], $0x1  }
0xc0: {  	[sflag:s29] =	ssyncadd.s32 $0xFFFFFFFF  }
0xc1: {  	_ =	strace $0x90000048  }
0xc2: {  	_ =	sfence  }
0xc3: {  	s30 =	sld [smem:$0x0];
	_ =	sdelay $0x2  }
0xc4: {  	s31 =	sshll.u32 s1, $0xD;
	s1 =	sshrl.u32 s1, $0x2  }
0xc5: {  	s3 =	sand.u32 $0x4000, s31;
	s1 =	sadd.s32 s1, s30  }
0xc6: {  	s0 =	sor.u32 s3, s0;
	s1 =	sshll.u32 s1, $0x11  }
0xc7: {  	s0 =	sor.u32 s1, s0  }
0xc8: {  	s0 =	sadd.s32 $0x8F2B, s0  }
0xc9: {  	[sflag:s0] =	ssyncadd.remote.s32 $0x1  }
0xca: {  	_ =	sfence.sel $0xFFFF  }
0xcb: {  	[dreg:$0x0] =	wrdreg $0xFFFFFFFF;
	(pc) =	sbr.abs _section_cstart, $3  }
0xcc: {  	[dreg:$0x1] =	wrdreg $0xFFFFFFFF  }
0xcd: {  	_ =	task.clear_ibuf [dreg:s11], $0x2FFFF;
	_ =	strace $0x9FFFFFFF  }
0xce: {  	(tm) =	ssettm $0x7FFFFFFF  }
0xcf: {  	_ =	shalt  }
tec
execute0_lowered:
.L_overlay_start_1:
0x0: {  	(tag) =	ssettag $0x1  }
0x1: {  	s6 =	rddreg [dreg:$0x0]  }
0x2: {  	s1 =	rddreg [dreg:$0x1]  }
0x3: {  	s2 =	rddreg [dreg:$0x2]  }
0x4: {  	s13 =	rddreg [dreg:$0x3]  }
0x5: {  	s14 =	rddreg [dreg:$0x4]  }
0x6: {  	s4 =	rddreg [dreg:$0x5];
	s5 =	srdreg.scid  }
0x7: {  	s0 =	rddreg [dreg:$0x6];
	s3 =	stileid.u32  }
0x8: {  	s17 =	simm.s32 $0x100;
	s9 =	sand.u32 $0x1, s5;
	s5 =	simm.s32 $0x0  }
0x9: {  	s18 =	simm.s32 $0x180;
	s19 =	simm.s32 $0x200;
	[smem:$0x7FF] =	sst s5  }
0xa: {  	v0 =	vimm.f32 $7.855000300e+01;
	s21 =	simm.s32 $0x1;
	s22 =	simm.s32 $0x400;
	_ =	strace $0x80000047  }
0xb: {  	s23 =	simm.s32 $0x380;
	s24 =	simm.s32 $0x480;
	s25 =	simm.s32 $0x500;
	(erf) = vrcp.f32 v0  }
0xc: {  	s26 =	simm.s32 $0x900;
	s28 =	simm.s32 $0xD00;
	s29 =	simm.s32 $0x1100  }
0xd: {  	s11 =	sshll.u32 s3, $0x6;
	s30 =	sshll.u32 s3, $0xA;
	s16 =	sshll.u32 s3, $0xB  }
0xe: {  	s7 =	sshll.u32 s9, $0xA;
	s8 =	ssub.s32 $0x2, s9;
	s12 =	sshll.u32 s9, $0xE  }
0xf: {  	s20 =	sadd.s32 s16, s4;
	s16 =	simm.s32 $0x80;
	s7 =	sor.u32 s11, s7  }
0x10: {  	s10 =	sshrl.u32 s8, $0x1;
	s12 =	sor.u32 s30, s12;
	s11 =	sor.u32 $0x1C01, s11  }
0x11: {  	s20 =	sshrl.u32 s20, $0x3;
	s6 =	sadd.s32 s6, s7;
	s15 =	ssub.s32 s8, s10  }
0x12: {  	s10 =	sadd.s32 s30, s4;
	s31 =	sshrl.u32 s12, $0x3;
	s7 =	sadd.s32 $0x10, s6  }
0x13: {  	s8 =	sadd.s32 $0x20, s6;
	s9 =	sadd.s32 $0x30, s6;
	s12 =	sadd.s32 $0x4000, s10  }
0x14: {  	v1 =	vimm.s32 $0x1F;
	v2 =	vimm.s32 $0x0;
	v3 =	vimm.s32 $0xBF;
	s13 =	sadd.s32 s13, s31;
	s14 =	sadd.s32 s14, s31;
	s15 =	smax.u32 s15, $0x1;
	v0 =	vpop (erf)  }
.LBB2_1:
0x15: {  	[tilespmem:s5], [sflag:$0x1] =	stream.linear.gather [hbm4b:s6+s5], $0x80, $0x38;
	[tilespmem:$0x1D00] =	vst v63  }
0x16: {  	_ = 	snop  }
0x17: {  	[tilespmem:s16], [sflag:$0x1] =	stream.linear.gather [hbm4b:s7+s5], $0x80, $0x38;
	[tilespmem:$0x1D00] =	vst v63  }
0x18: {  	_ = 	snop  }
0x19: {  	[tilespmem:s17], [sflag:$0x1] =	stream.linear.gather [hbm4b:s8+s5], $0x80, $0x38;
	[tilespmem:$0x1D00] =	vst v63  }
0x1a: {  	_ = 	snop  }
0x1b: {  	[tilespmem:s18], [sflag:$0x1] =	stream.linear.gather [hbm4b:s9+s5], $0x80, $0x38;
	[tilespmem:$0x1D00] =	vst v63  }
0x1c: {  	_ = 	snop  }
0x1d: {  	[tilespmem:s19], [sflag:$0x1] =	stream.linear.gather [hbm4b:s1+s5], $0x180, $0x38;
	[tilespmem:$0x1D00] =	vst v63  }
0x1e: {  	[spmem:s20], [sflag:s11] =	dma.local [hbm:s2], $0x100  }
0x1f: {  	_ =	swait.ge [sflag:s21], $0x80  }
0x20: {  	[sflag:s21] =	ssyncset.done $0x0  }
0x21: {  	[sflag:s21] =	ssyncadd.s32 $0xFFFFFF80  }
0x22: {  	_ =	swait.ge [sflag:s21], $0x80  }
0x23: {  	[sflag:s21] =	ssyncset.done $0x0  }
0x24: {  	[sflag:s21] =	ssyncadd.s32 $0xFFFFFF80  }
0x25: {  	_ =	swait.ge [sflag:s21], $0x80  }
0x26: {  	[sflag:s21] =	ssyncset.done $0x0  }
0x27: {  	[sflag:s21] =	ssyncadd.s32 $0xFFFFFF80  }
0x28: {  	_ =	swait.ge [sflag:s21], $0x80  }
0x29: {  	[sflag:s21] =	ssyncset.done $0x0  }
0x2a: {  	[sflag:s21] =	ssyncadd.s32 $0xFFFFFF80  }
0x2b: {  	_ =	swait.ge [sflag:s21], $0x180  }
0x2c: {  	[sflag:s21] =	ssyncset.done $0x0  }
0x2d: {  	[sflag:s21] =	ssyncadd.s32 $0xFFFFFE80  }
0x2e: {  	_ =	swait.ge [sflag:s21], $0x100  }
0x2f: {  	[sflag:s21] =	ssyncset.done $0x0  }
0x30: {  	[sflag:s21] =	ssyncadd.s32 $0xFFFFFF00  }
0x31: {  	v4 =	vld [tilespmem:$0x80]  }
0x32: {  	v5 =	vld.idx.msk [tilespmem:v3+s19+$0x0], $0xffff;
	_ =	sdelay $0x4  }
0x33: {  	vm0 =	vgt.f32 v4, v5  }
0x34: {  	v5 =	vsel vm0, $0x80, v2  }
0x35: {  	v6 =	vor.u32 $0x7F, v5;
	_ =	sdelay $0x4  }
0x36: {  	v6 =	vld.idx.msk [tilespmem:v6+s19+$0x0], $0xffff;
	_ =	sdelay $0x4  }
0x37: {  	v7 =	vor.u32 $0x40, v5;
	vm6 =	vgt.f32 v4, v6  }
0x38: {  	v5 =	vsel vm6, v7, v5  }
0x39: {  	v25 =	vadd.s32 $0x5F, v5;
	_ =	sdelay $0x2  }
0x3a: {  	v26 =	vld [tilespmem:$0x0]  }
0x3b: {  	v8 =	vld.idx.msk [tilespmem:v1+s19+$0x0], $0xffff  }
0x3c: {  	v6 =	vld.idx.msk [tilespmem:v25+s19+$0x0], $0xffff;
	_ =	sdelay $0x3  }
0x3d: {  	vm7 =	vgt.f32 v26, v8  }
0x3e: {  	v8 =	vsel vm7, $0x20, v2;
	v9 =	vor.u32 $0x20, v5;
	vm8 =	vgt.f32 v4, v6  }
0x3f: {  	v27 =	vor.u32 $0xF, v8;
	v5 =	vsel vm8, v9, v5  }
0x40: {  	v9 =	vadd.s32 $0x4F, v5;
	_ =	sdelay $0x3  }
0x41: {  	v6 =	vld.idx.msk [tilespmem:v27+s19+$0x0], $0xffff  }
0x42: {  	v9 =	vld.idx.msk [tilespmem:v9+s19+$0x0], $0xffff;
	_ =	sdelay $0x3  }
0x43: {  	v10 =	vor.u32 $0x10, v8;
	vm9 =	vgt.f32 v26, v6  }
0x44: {  	v28 =	vor.u32 $0x10, v5;
	v6 =	vsel vm9, v10, v8;
	vm10 =	vgt.f32 v4, v9  }
0x45: {  	v29 =	vor.u32 $0x7, v6;
	v5 =	vsel vm10, v28, v5  }
0x46: {  	v8 =	vadd.s32 $0x47, v5;
	_ =	sdelay $0x3  }
0x47: {  	v9 =	vld.idx.msk [tilespmem:v29+s19+$0x0], $0xffff  }
0x48: {  	v8 =	vld.idx.msk [tilespmem:v8+s19+$0x0], $0xffff;
	_ =	sdelay $0x3  }
0x49: {  	v10 =	vor.u32 $0x8, v6;
	vm11 =	vgt.f32 v26, v9  }
0x4a: {  	v30 =	vadd.s32 $0x8, v5;
	v6 =	vsel vm11, v10, v6;
	vm12 =	vgt.f32 v4, v8  }
0x4b: {  	v31 =	vor.u32 $0x3, v6;
	v5 =	vsel vm12, v30, v5  }
0x4c: {  	v9 =	vadd.s32 $0x43, v5;
	_ =	sdelay $0x3  }
0x4d: {  	v8 =	vld.idx.msk [tilespmem:v31+s19+$0x0], $0xffff  }
0x4e: {  	v9 =	vld.idx.msk [tilespmem:v9+s19+$0x0], $0xffff;
	_ =	sdelay $0x3  }
0x4f: {  	v10 =	vor.u32 $0x4, v6;
	vm13 =	vgt.f32 v26, v8  }
0x50: {  	v32 =	vadd.s32 $0x4, v5;
	v6 =	vsel vm13, v10, v6;
	vm14 =	vgt.f32 v4, v9  }
0x51: {  	v33 =	vadd.s32 $0x1, v6;
	v5 =	vsel vm14, v32, v5  }
0x52: {  	v8 =	vadd.s32 $0x41, v5;
	_ =	sdelay $0x3  }
0x53: {  	v9 =	vld.idx.msk [tilespmem:v33+s19+$0x0], $0xffff  }
0x54: {  	v8 =	vld.idx.msk [tilespmem:v8+s19+$0x0], $0xffff;
	_ =	sdelay $0x3  }
0x55: {  	v10 =	vadd.s32 $0x2, v6;
	vm15 =	vgt.f32 v26, v9  }
0x56: {  	v34 =	vadd.s32 $0x2, v5;
	v6 =	vsel vm15, v10, v6;
	vm4 =	vgt.f32 v4, v8  }
0x57: {  	v5 =	vsel vm4, v34, v5  }
0x58: {  	v35 =	vadd.s32 $0x40, v5;
	_ =	sdelay $0x2  }
0x59: {  	v36 =	vld.idx.msk [tilespmem:v6+s19+$0x0], $0xffff;
	_ =	sdelay $0x1  }
0x5a: {  	v8 =	vld.idx.msk [tilespmem:v35+s19+$0x0], $0xffff;
	_ =	sdelay $0x2  }
0x5b: {  	v37 =	vld [tilespmem:$0x100];
	vm5 =	vgt.f32 v26, v36  }
0x5c: {  	v38 =	vld [tilespmem:$0x180];
	v9 =	vsel vm5, $0x1, v2  }
0x5d: {  	v6 =	vadd.s32 v9, v6;
	vm6 =	vgt.f32 v4, v8  }
0x5e: {  	v6 =	vshll.u32 v6, $0x8;
	v4 =	vsel vm6, $0x1, v2  }
0x5f: {  	v4 =	vor.u32 v4, v6  }
0x60: {  	v4 =	vadd.s32 v5, v4  }
0x61: {  	v5 =	vmul.f32 v38, v37;
	[tilespmem:$0x400] =	vst v4;
	v4 =	vadd.s32 $0x4000, v4  }
0x62: {  	[tilespmem:$0x480] =	vst v4  }
0x63: {  	[tilespmem:$0x380] =	vst v5;
	v4 =	vld [tilespmem:$0x90]  }
0x64: {  	v5 =	vld.idx.msk [tilespmem:v3+s19+$0x0], $0xffff;
	_ =	sdelay $0x4  }
0x65: {  	vm7 =	vgt.f32 v4, v5  }
0x66: {  	v5 =	vsel vm7, $0x80, v2  }
0x67: {  	v39 =	vor.u32 $0x7F, v5;
	_ =	sdelay $0x4  }
0x68: {  	v6 =	vld.idx.msk [tilespmem:v39+s19+$0x0], $0xffff;
	_ =	sdelay $0x4  }
0x69: {  	v40 =	vor.u32 $0x40, v5;
	vm8 =	vgt.f32 v4, v6  }
0x6a: {  	v5 =	vsel vm8, v40, v5  }
0x6b: {  	v41 =	vadd.s32 $0x5F, v5;
	_ =	sdelay $0x2  }
0x6c: {  	v42 =	vld [tilespmem:$0x10]  }
0x6d: {  	v43 =	vld.idx.msk [tilespmem:v1+s19+$0x0], $0xffff  }
0x6e: {  	v6 =	vld.idx.msk [tilespmem:v41+s19+$0x0], $0xffff;
	_ =	sdelay $0x3  }
0x6f: {  	vm9 =	vgt.f32 v42, v43  }
0x70: {  	v8 =	vsel vm9, $0x20, v2;
	v44 =	vor.u32 $0x20, v5;
	vm10 =	vgt.f32 v4, v6  }
0x71: {  	v45 =	vor.u32 $0xF, v8;
	v5 =	vsel vm10, v44, v5  }
0x72: {  	v9 =	vadd.s32 $0x4F, v5;
	_ =	sdelay $0x3  }
0x73: {  	v6 =	vld.idx.msk [tilespmem:v45+s19+$0x0], $0xffff  }
0x74: {  	v9 =	vld.idx.msk [tilespmem:v9+s19+$0x0], $0xffff;
	_ =	sdelay $0x3  }
0x75: {  	v46 =	vor.u32 $0x10, v8;
	vm11 =	vgt.f32 v42, v6  }
0x76: {  	v47 =	vor.u32 $0x10, v5;
	v6 =	vsel vm11, v46, v8;
	vm12 =	vgt.f32 v4, v9  }
0x77: {  	v48 =	vor.u32 $0x7, v6;
	v5 =	vsel vm12, v47, v5  }
0x78: {  	v8 =	vadd.s32 $0x47, v5;
	_ =	sdelay $0x3  }
0x79: {  	v9 =	vld.idx.msk [tilespmem:v48+s19+$0x0], $0xffff  }
0x7a: {  	v8 =	vld.idx.msk [tilespmem:v8+s19+$0x0], $0xffff;
	_ =	sdelay $0x3  }
0x7b: {  	v10 =	vor.u32 $0x8, v6;
	vm13 =	vgt.f32 v42, v9  }
0x7c: {  	v49 =	vadd.s32 $0x8, v5;
	v6 =	vsel vm13, v10, v6;
	vm14 =	vgt.f32 v4, v8  }
0x7d: {  	v50 =	vor.u32 $0x3, v6;
	v5 =	vsel vm14, v49, v5  }
0x7e: {  	v9 =	vadd.s32 $0x43, v5;
	_ =	sdelay $0x3  }
0x7f: {  	v8 =	vld.idx.msk [tilespmem:v50+s19+$0x0], $0xffff  }
0x80: {  	v9 =	vld.idx.msk [tilespmem:v9+s19+$0x0], $0xffff;
	_ =	sdelay $0x3  }
0x81: {  	v10 =	vor.u32 $0x4, v6;
	vm15 =	vgt.f32 v42, v8  }
0x82: {  	v51 =	vadd.s32 $0x4, v5;
	v6 =	vsel vm15, v10, v6;
	vm4 =	vgt.f32 v4, v9  }
0x83: {  	v52 =	vadd.s32 $0x1, v6;
	v5 =	vsel vm4, v51, v5  }
0x84: {  	v8 =	vadd.s32 $0x41, v5;
	_ =	sdelay $0x3  }
0x85: {  	v9 =	vld.idx.msk [tilespmem:v52+s19+$0x0], $0xffff  }
0x86: {  	v8 =	vld.idx.msk [tilespmem:v8+s19+$0x0], $0xffff;
	_ =	sdelay $0x3  }
0x87: {  	v10 =	vadd.s32 $0x2, v6;
	vm5 =	vgt.f32 v42, v9  }
0x88: {  	v53 =	vadd.s32 $0x2, v5;
	v6 =	vsel vm5, v10, v6;
	vm6 =	vgt.f32 v4, v8  }
0x89: {  	v5 =	vsel vm6, v53, v5  }
0x8a: {  	v54 =	vadd.s32 $0x40, v5;
	_ =	sdelay $0x2  }
0x8b: {  	v55 =	vld.idx.msk [tilespmem:v6+s19+$0x0], $0xffff;
	_ =	sdelay $0x1  }
0x8c: {  	v8 =	vld.idx.msk [tilespmem:v54+s19+$0x0], $0xffff;
	_ =	sdelay $0x2  }
0x8d: {  	v56 =	vld [tilespmem:$0x110];
	vm7 =	vgt.f32 v42, v55  }
0x8e: {  	v57 =	vld [tilespmem:$0x190];
	v9 =	vsel vm7, $0x1, v2  }
0x8f: {  	v6 =	vadd.s32 v9, v6;
	vm8 =	vgt.f32 v4, v8  }
0x90: {  	v6 =	vshll.u32 v6, $0x8;
	v4 =	vsel vm8, $0x1, v2  }
0x91: {  	v4 =	vor.u32 v4, v6  }
0x92: {  	v4 =	vadd.s32 v5, v4  }
0x93: {  	v5 =	vmul.f32 v57, v56;
	[tilespmem:$0x410] =	vst v4;
	v4 =	vadd.s32 $0x4000, v4  }
0x94: {  	[tilespmem:$0x490] =	vst v4  }
0x95: {  	[tilespmem:$0x390] =	vst v5;
	v4 =	vld [tilespmem:$0xA0]  }
0x96: {  	v5 =	vld.idx.msk [tilespmem:v3+s19+$0x0], $0xffff;
	_ =	sdelay $0x4  }
0x97: {  	vm9 =	vgt.f32 v4, v5  }
0x98: {  	v5 =	vsel vm9, $0x80, v2  }
0x99: {  	v58 =	vor.u32 $0x7F, v5;
	_ =	sdelay $0x4  }
0x9a: {  	v6 =	vld.idx.msk [tilespmem:v58+s19+$0x0], $0xffff;
	_ =	sdelay $0x4  }
0x9b: {  	v59 =	vor.u32 $0x40, v5;
	vm10 =	vgt.f32 v4, v6  }
0x9c: {  	v5 =	vsel vm10, v59, v5  }
0x9d: {  	v60 =	vadd.s32 $0x5F, v5;
	_ =	sdelay $0x2  }
0x9e: {  	v61 =	vld [tilespmem:$0x20]  }
0x9f: {  	v62 =	vld.idx.msk [tilespmem:v1+s19+$0x0], $0xffff  }
0xa0: {  	v6 =	vld.idx.msk [tilespmem:v60+s19+$0x0], $0xffff;
	_ =	sdelay $0x3  }
0xa1: {  	vm11 =	vgt.f32 v61, v62  }
0xa2: {  	v8 =	vsel vm11, $0x20, v2;
	v63 =	vor.u32 $0x20, v5;
	vm12 =	vgt.f32 v4, v6  }
0xa3: {  	v12 =	vor.u32 $0xF, v8;
	v5 =	vsel vm12, v63, v5  }
0xa4: {  	v9 =	vadd.s32 $0x4F, v5;
	_ =	sdelay $0x3  }
0xa5: {  	v6 =	vld.idx.msk [tilespmem:v12+s19+$0x0], $0xffff  }
0xa6: {  	v9 =	vld.idx.msk [tilespmem:v9+s19+$0x0], $0xffff;
	_ =	sdelay $0x3  }
0xa7: {  	v13 =	vor.u32 $0x10, v8;
	vm13 =	vgt.f32 v61, v6  }
0xa8: {  	v14 =	vor.u32 $0x10, v5;
	v6 =	vsel vm13, v13, v8;
	vm14 =	vgt.f32 v4, v9  }
0xa9: {  	v15 =	vor.u32 $0x7, v6;
	v5 =	vsel vm14, v14, v5  }
0xaa: {  	v8 =	vadd.s32 $0x47, v5;
	_ =	sdelay $0x3  }
0xab: {  	v9 =	vld.idx.msk [tilespmem:v15+s19+$0x0], $0xffff  }
0xac: {  	v8 =	vld.idx.msk [tilespmem:v8+s19+$0x0], $0xffff;
	_ =	sdelay $0x3  }
0xad: {  	v10 =	vor.u32 $0x8, v6;
	vm15 =	vgt.f32 v61, v9  }
0xae: {  	v16 =	vadd.s32 $0x8, v5;
	v6 =	vsel vm15, v10, v6;
	vm4 =	vgt.f32 v4, v8  }
0xaf: {  	v17 =	vor.u32 $0x3, v6;
	v5 =	vsel vm4, v16, v5  }
0xb0: {  	v9 =	vadd.s32 $0x43, v5;
	_ =	sdelay $0x3  }
0xb1: {  	v8 =	vld.idx.msk [tilespmem:v17+s19+$0x0], $0xffff  }
0xb2: {  	v9 =	vld.idx.msk [tilespmem:v9+s19+$0x0], $0xffff;
	_ =	sdelay $0x3  }
0xb3: {  	v10 =	vor.u32 $0x4, v6;
	vm5 =	vgt.f32 v61, v8  }
0xb4: {  	v18 =	vadd.s32 $0x4, v5;
	v6 =	vsel vm5, v10, v6;
	vm6 =	vgt.f32 v4, v9  }
0xb5: {  	v19 =	vadd.s32 $0x1, v6;
	v5 =	vsel vm6, v18, v5  }
0xb6: {  	v8 =	vadd.s32 $0x41, v5;
	_ =	sdelay $0x3  }
0xb7: {  	v9 =	vld.idx.msk [tilespmem:v19+s19+$0x0], $0xffff  }
0xb8: {  	v8 =	vld.idx.msk [tilespmem:v8+s19+$0x0], $0xffff;
	_ =	sdelay $0x3  }
0xb9: {  	v10 =	vadd.s32 $0x2, v6;
	vm7 =	vgt.f32 v61, v9  }
0xba: {  	v20 =	vadd.s32 $0x2, v5;
	v6 =	vsel vm7, v10, v6;
	vm8 =	vgt.f32 v4, v8  }
0xbb: {  	v5 =	vsel vm8, v20, v5  }
0xbc: {  	v21 =	vadd.s32 $0x40, v5;
	_ =	sdelay $0x2  }
0xbd: {  	v22 =	vld.idx.msk [tilespmem:v6+s19+$0x0], $0xffff;
	_ =	sdelay $0x1  }
0xbe: {  	v8 =	vld.idx.msk [tilespmem:v21+s19+$0x0], $0xffff;
	_ =	sdelay $0x2  }
0xbf: {  	v23 =	vld [tilespmem:$0x120];
	vm9 =	vgt.f32 v61, v22  }
0xc0: {  	v24 =	vld [tilespmem:$0x1A0];
	v9 =	vsel vm9, $0x1, v2  }
0xc1: {  	v6 =	vadd.s32 v9, v6;
	vm10 =	vgt.f32 v4, v8  }
0xc2: {  	v6 =	vshll.u32 v6, $0x8;
	v4 =	vsel vm10, $0x1, v2  }
0xc3: {  	v4 =	vor.u32 v4, v6  }
0xc4: {  	v4 =	vadd.s32 v5, v4  }
0xc5: {  	v5 =	vmul.f32 v24, v23;
	[tilespmem:$0x420] =	vst v4;
	v4 =	vadd.s32 $0x4000, v4  }
0xc6: {  	[tilespmem:$0x4A0] =	vst v4  }
0xc7: {  	[tilespmem:$0x3A0] =	vst v5;
	v4 =	vld [tilespmem:$0x30]  }
0xc8: {  	v5 =	vld.idx.msk [tilespmem:v1+s19+$0x0], $0xffff;
	_ =	sdelay $0x4  }
0xc9: {  	vm11 =	vgt.f32 v4, v5  }
0xca: {  	v5 =	vsel vm11, $0x20, v2  }
0xcb: {  	v25 =	vor.u32 $0xF, v5;
	_ =	sdelay $0x4  }
0xcc: {  	v6 =	vld.idx.msk [tilespmem:v25+s19+$0x0], $0xffff;
	_ =	sdelay $0x4  }
0xcd: {  	v26 =	vor.u32 $0x10, v5;
	vm12 =	vgt.f32 v4, v6  }
0xce: {  	v5 =	vsel vm12, v26, v5  }
0xcf: {  	v27 =	vor.u32 $0x7, v5;
	_ =	sdelay $0x4  }
0xd0: {  	v6 =	vld.idx.msk [tilespmem:v27+s19+$0x0], $0xffff;
	_ =	sdelay $0x4  }
0xd1: {  	v7 =	vor.u32 $0x8, v5;
	vm13 =	vgt.f32 v4, v6  }
0xd2: {  	v5 =	vsel vm13, v7, v5  }
0xd3: {  	v28 =	vor.u32 $0x3, v5;
	_ =	sdelay $0x4  }
0xd4: {  	v6 =	vld.idx.msk [tilespmem:v28+s19+$0x0], $0xffff;
	_ =	sdelay $0x4  }
0xd5: {  	v7 =	vor.u32 $0x4, v5;
	vm14 =	vgt.f32 v4, v6  }
0xd6: {  	v5 =	vsel vm14, v7, v5  }
0xd7: {  	v29 =	vadd.s32 $0x1, v5;
	_ =	sdelay $0x4  }
0xd8: {  	v6 =	vld.idx.msk [tilespmem:v29+s19+$0x0], $0xffff;
	_ =	sdelay $0x4  }
0xd9: {  	v7 =	vadd.s32 $0x2, v5;
	vm15 =	vgt.f32 v4, v6  }
0xda: {  	v5 =	vsel vm15, v7, v5;
	_ =	sdelay $0x3  }
0xdb: {  	v30 =	vld [tilespmem:$0xB0]  }
0xdc: {  	v7 =	vld.idx.msk [tilespmem:v5+s19+$0x0], $0xffff  }
0xdd: {  	v31 =	vld.idx.msk [tilespmem:v3+s19+$0x0], $0xffff;
	_ =	sdelay $0x4  }
0xde: {  	vm4 =	vgt.f32 v30, v31  }
0xdf: {  	v8 =	vsel vm4, $0x80, v2  }
0xe0: {  	v32 =	vor.u32 $0x7F, v8;
	_ =	sdelay $0x4  }
0xe1: {  	v9 =	vld.idx.msk [tilespmem:v32+s19+$0x0], $0xffff;
	_ =	sdelay $0x4  }
0xe2: {  	v33 =	vor.u32 $0x40, v8;
	vm5 =	vgt.f32 v30, v9  }
0xe3: {  	v8 =	vsel vm5, v33, v8  }
0xe4: {  	v34 =	vadd.s32 $0x5F, v8;
	_ =	sdelay $0x4  }
0xe5: {  	v9 =	vld.idx.msk [tilespmem:v34+s19+$0x0], $0xffff;
	_ =	sdelay $0x4  }
0xe6: {  	v10 =	vor.u32 $0x20, v8;
	vm6 =	vgt.f32 v30, v9  }
0xe7: {  	v8 =	vsel vm6, v10, v8  }
0xe8: {  	v35 =	vadd.s32 $0x4F, v8;
	_ =	sdelay $0x4  }
0xe9: {  	v9 =	vld.idx.msk [tilespmem:v35+s19+$0x0], $0xffff;
	_ =	sdelay $0x4  }
0xea: {  	v10 =	vor.u32 $0x10, v8;
	vm7 =	vgt.f32 v30, v9  }
0xeb: {  	v8 =	vsel vm7, v10, v8  }
0xec: {  	v36 =	vadd.s32 $0x47, v8;
	_ =	sdelay $0x4  }
0xed: {  	v9 =	vld.idx.msk [tilespmem:v36+s19+$0x0], $0xffff;
	_ =	sdelay $0x4  }
0xee: {  	v10 =	vadd.s32 $0x8, v8;
	vm8 =	vgt.f32 v30, v9  }
0xef: {  	v8 =	vsel vm8, v10, v8  }
0xf0: {  	v37 =	vadd.s32 $0x43, v8;
	_ =	sdelay $0x4  }
0xf1: {  	v9 =	vld.idx.msk [tilespmem:v37+s19+$0x0], $0xffff;
	_ =	sdelay $0x4  }
0xf2: {  	v10 =	vadd.s32 $0x4, v8;
	vm9 =	vgt.f32 v30, v9  }
0xf3: {  	v8 =	vsel vm9, v10, v8  }
0xf4: {  	v38 =	vadd.s32 $0x41, v8;
	_ =	sdelay $0x4  }
0xf5: {  	v9 =	vld.idx.msk [tilespmem:v38+s19+$0x0], $0xffff;
	_ =	sdelay $0x4  }
0xf6: {  	v10 =	vadd.s32 $0x2, v8;
	vm10 =	vgt.f32 v30, v9  }
0xf7: {  	v8 =	vsel vm10, v10, v8  }
0xf8: {  	v39 =	vadd.s32 $0x40, v8;
	_ =	sdelay $0x3  }
0xf9: {  	v40 =	vld [tilespmem:$0x1B0]  }
0xfa: {  	v9 =	vld.idx.msk [tilespmem:v39+s19+$0x0], $0xffff  }
0xfb: {  	vm11 =	vgt.f32 v4, v7;
	v4 =	vld [tilespmem:$0x130];
	_ =	sdelay $0x2  }
0xfc: {  	v7 =	vsel vm11, $0x1, v2  }
0xfd: {  	v5 =	vadd.s32 v7, v5;
	vm12 =	vgt.f32 v30, v9  }
0xfe: {  	v5 =	vshll.u32 v5, $0x8;
	v4 =	vmul.f32 v40, v4;
	v6 =	vsel vm12, $0x1, v2  }
0xff: {  	v5 =	vor.u32 v6, v5  }
0x100: {  	[tilespmem:$0x3B0] =	vst v4;
	v5 =	vadd.s32 v8, v5  }
0x101: {  	[tilespmem:$0x430] =	vst v5;
	v5 =	vadd.s32 $0x4000, v5  }
0x102: {  	v4 =	vld [tilespmem:$0xC0];
	[tilespmem:$0x4B0] =	vst v5  }
0x103: {  	v5 =	vld.idx.msk [tilespmem:v3+s19+$0x0], $0xffff;
	_ =	sdelay $0x4  }
0x104: {  	vm13 =	vgt.f32 v4, v5  }
0x105: {  	v5 =	vsel vm13, $0x80, v2  }
0x106: {  	v41 =	vor.u32 $0x7F, v5;
	_ =	sdelay $0x4  }
0x107: {  	v6 =	vld.idx.msk [tilespmem:v41+s19+$0x0], $0xffff;
	_ =	sdelay $0x4  }
0x108: {  	v42 =	vor.u32 $0x40, v5;
	vm14 =	vgt.f32 v4, v6  }
0x109: {  	v5 =	vsel vm14, v42, v5  }
0x10a: {  	v43 =	vadd.s32 $0x5F, v5;
	_ =	sdelay $0x2  }
0x10b: {  	v44 =	vld [tilespmem:$0x40]  }
0x10c: {  	v45 =	vld.idx.msk [tilespmem:v1+s19+$0x0], $0xffff  }
0x10d: {  	v6 =	vld.idx.msk [tilespmem:v43+s19+$0x0], $0xffff;
	_ =	sdelay $0x3  }
0x10e: {  	vm15 =	vgt.f32 v44, v45  }
0x10f: {  	v8 =	vsel vm15, $0x20, v2;
	v46 =	vor.u32 $0x20, v5;
	vm4 =	vgt.f32 v4, v6  }
0x110: {  	v47 =	vor.u32 $0xF, v8;
	v5 =	vsel vm4, v46, v5  }
0x111: {  	v9 =	vadd.s32 $0x4F, v5;
	_ =	sdelay $0x3  }
0x112: {  	v6 =	vld.idx.msk [tilespmem:v47+s19+$0x0], $0xffff  }
0x113: {  	v9 =	vld.idx.msk [tilespmem:v9+s19+$0x0], $0xffff;
	_ =	sdelay $0x3  }
0x114: {  	v48 =	vor.u32 $0x10, v8;
	vm5 =	vgt.f32 v44, v6  }
0x115: {  	v49 =	vor.u32 $0x10, v5;
	v6 =	vsel vm5, v48, v8;
	vm6 =	vgt.f32 v4, v9  }
0x116: {  	v50 =	vor.u32 $0x7, v6;
	v5 =	vsel vm6, v49, v5  }
0x117: {  	v8 =	vadd.s32 $0x47, v5;
	_ =	sdelay $0x3  }
0x118: {  	v9 =	vld.idx.msk [tilespmem:v50+s19+$0x0], $0xffff  }
0x119: {  	v8 =	vld.idx.msk [tilespmem:v8+s19+$0x0], $0xffff;
	_ =	sdelay $0x3  }
0x11a: {  	v10 =	vor.u32 $0x8, v6;
	vm7 =	vgt.f32 v44, v9  }
0x11b: {  	v51 =	vadd.s32 $0x8, v5;
	v6 =	vsel vm7, v10, v6;
	vm8 =	vgt.f32 v4, v8  }
0x11c: {  	v52 =	vor.u32 $0x3, v6;
	v5 =	vsel vm8, v51, v5  }
0x11d: {  	v9 =	vadd.s32 $0x43, v5;
	_ =	sdelay $0x3  }
0x11e: {  	v8 =	vld.idx.msk [tilespmem:v52+s19+$0x0], $0xffff  }
0x11f: {  	v9 =	vld.idx.msk [tilespmem:v9+s19+$0x0], $0xffff;
	_ =	sdelay $0x3  }
0x120: {  	v10 =	vor.u32 $0x4, v6;
	vm9 =	vgt.f32 v44, v8  }
0x121: {  	v53 =	vadd.s32 $0x4, v5;
	v6 =	vsel vm9, v10, v6;
	vm10 =	vgt.f32 v4, v9  }
0x122: {  	v54 =	vadd.s32 $0x1, v6;
	v5 =	vsel vm10, v53, v5  }
0x123: {  	v8 =	vadd.s32 $0x41, v5;
	_ =	sdelay $0x3  }
0x124: {  	v9 =	vld.idx.msk [tilespmem:v54+s19+$0x0], $0xffff  }
0x125: {  	v8 =	vld.idx.msk [tilespmem:v8+s19+$0x0], $0xffff;
	_ =	sdelay $0x3  }
0x126: {  	v10 =	vadd.s32 $0x2, v6;
	vm11 =	vgt.f32 v44, v9  }
0x127: {  	v55 =	vadd.s32 $0x2, v5;
	v6 =	vsel vm11, v10, v6;
	vm12 =	vgt.f32 v4, v8  }
0x128: {  	v5 =	vsel vm12, v55, v5  }
0x129: {  	v56 =	vadd.s32 $0x40, v5;
	_ =	sdelay $0x2  }
0x12a: {  	v57 =	vld.idx.msk [tilespmem:v6+s19+$0x0], $0xffff;
	_ =	sdelay $0x1  }
0x12b: {  	v8 =	vld.idx.msk [tilespmem:v56+s19+$0x0], $0xffff;
	_ =	sdelay $0x2  }
0x12c: {  	v58 =	vld [tilespmem:$0x140];
	vm13 =	vgt.f32 v44, v57  }
0x12d: {  	v59 =	vld [tilespmem:$0x1C0];
	v9 =	vsel vm13, $0x1, v2  }
0x12e: {  	v6 =	vadd.s32 v9, v6;
	vm14 =	vgt.f32 v4, v8  }
0x12f: {  	v6 =	vshll.u32 v6, $0x8;
	v4 =	vsel vm14, $0x1, v2  }
0x130: {  	v4 =	vor.u32 v4, v6  }
0x131: {  	v4 =	vadd.s32 v5, v4  }
0x132: {  	v5 =	vmul.f32 v59, v58;
	[tilespmem:$0x440] =	vst v4;
	v4 =	vadd.s32 $0x4000, v4  }
0x133: {  	[tilespmem:$0x4C0] =	vst v4  }
0x134: {  	[tilespmem:$0x3C0] =	vst v5;
	v4 =	vld [tilespmem:$0xD0]  }
0x135: {  	v5 =	vld.idx.msk [tilespmem:v3+s19+$0x0], $0xffff;
	_ =	sdelay $0x4  }
0x136: {  	vm15 =	vgt.f32 v4, v5  }
0x137: {  	v5 =	vsel vm15, $0x80, v2  }
0x138: {  	v60 =	vor.u32 $0x7F, v5;
	_ =	sdelay $0x4  }
0x139: {  	v6 =	vld.idx.msk [tilespmem:v60+s19+$0x0], $0xffff;
	_ =	sdelay $0x4  }
0x13a: {  	v61 =	vor.u32 $0x40, v5;
	vm4 =	vgt.f32 v4, v6  }
0x13b: {  	v5 =	vsel vm4, v61, v5  }
0x13c: {  	v62 =	vadd.s32 $0x5F, v5;
	_ =	sdelay $0x2  }
0x13d: {  	v63 =	vld [tilespmem:$0x50]  }
0x13e: {  	v12 =	vld.idx.msk [tilespmem:v1+s19+$0x0], $0xffff  }
0x13f: {  	v6 =	vld.idx.msk [tilespmem:v62+s19+$0x0], $0xffff;
	_ =	sdelay $0x3  }
0x140: {  	vm5 =	vgt.f32 v63, v12  }
0x141: {  	v8 =	vsel vm5, $0x20, v2;
	v13 =	vor.u32 $0x20, v5;
	vm6 =	vgt.f32 v4, v6  }
0x142: {  	v14 =	vor.u32 $0xF, v8;
	v5 =	vsel vm6, v13, v5  }
0x143: {  	v9 =	vadd.s32 $0x4F, v5;
	_ =	sdelay $0x3  }
0x144: {  	v6 =	vld.idx.msk [tilespmem:v14+s19+$0x0], $0xffff  }
0x145: {  	v9 =	vld.idx.msk [tilespmem:v9+s19+$0x0], $0xffff;
	_ =	sdelay $0x3  }
0x146: {  	v15 =	vor.u32 $0x10, v8;
	vm7 =	vgt.f32 v63, v6  }
0x147: {  	v16 =	vor.u32 $0x10, v5;
	v6 =	vsel vm7, v15, v8;
	vm8 =	vgt.f32 v4, v9  }
0x148: {  	v17 =	vor.u32 $0x7, v6;
	v5 =	vsel vm8, v16, v5  }
0x149: {  	v8 =	vadd.s32 $0x47, v5;
	_ =	sdelay $0x3  }
0x14a: {  	v9 =	vld.idx.msk [tilespmem:v17+s19+$0x0], $0xffff  }
0x14b: {  	v8 =	vld.idx.msk [tilespmem:v8+s19+$0x0], $0xffff;
	_ =	sdelay $0x3  }
0x14c: {  	v10 =	vor.u32 $0x8, v6;
	vm9 =	vgt.f32 v63, v9  }
0x14d: {  	v18 =	vadd.s32 $0x8, v5;
	v6 =	vsel vm9, v10, v6;
	vm10 =	vgt.f32 v4, v8  }
0x14e: {  	v19 =	vor.u32 $0x3, v6;
	v5 =	vsel vm10, v18, v5  }
0x14f: {  	v9 =	vadd.s32 $0x43, v5;
	_ =	sdelay $0x3  }
0x150: {  	v8 =	vld.idx.msk [tilespmem:v19+s19+$0x0], $0xffff  }
0x151: {  	v9 =	vld.idx.msk [tilespmem:v9+s19+$0x0], $0xffff;
	_ =	sdelay $0x3  }
0x152: {  	v10 =	vor.u32 $0x4, v6;
	vm11 =	vgt.f32 v63, v8  }
0x153: {  	v20 =	vadd.s32 $0x4, v5;
	v6 =	vsel vm11, v10, v6;
	vm12 =	vgt.f32 v4, v9  }
0x154: {  	v21 =	vadd.s32 $0x1, v6;
	v5 =	vsel vm12, v20, v5  }
0x155: {  	v8 =	vadd.s32 $0x41, v5;
	_ =	sdelay $0x3  }
0x156: {  	v9 =	vld.idx.msk [tilespmem:v21+s19+$0x0], $0xffff  }
0x157: {  	v8 =	vld.idx.msk [tilespmem:v8+s19+$0x0], $0xffff;
	_ =	sdelay $0x3  }
0x158: {  	v10 =	vadd.s32 $0x2, v6;
	vm13 =	vgt.f32 v63, v9  }
0x159: {  	v22 =	vadd.s32 $0x2, v5;
	v6 =	vsel vm13, v10, v6;
	vm14 =	vgt.f32 v4, v8  }
0x15a: {  	v5 =	vsel vm14, v22, v5  }
0x15b: {  	v23 =	vadd.s32 $0x40, v5;
	_ =	sdelay $0x2  }
0x15c: {  	v24 =	vld.idx.msk [tilespmem:v6+s19+$0x0], $0xffff;
	_ =	sdelay $0x1  }
0x15d: {  	v8 =	vld.idx.msk [tilespmem:v23+s19+$0x0], $0xffff;
	_ =	sdelay $0x2  }
0x15e: {  	v25 =	vld [tilespmem:$0x150];
	vm15 =	vgt.f32 v63, v24  }
0x15f: {  	v26 =	vld [tilespmem:$0x1D0];
	v9 =	vsel vm15, $0x1, v2  }
0x160: {  	v6 =	vadd.s32 v9, v6;
	vm4 =	vgt.f32 v4, v8  }
0x161: {  	v6 =	vshll.u32 v6, $0x8;
	v4 =	vsel vm4, $0x1, v2  }
0x162: {  	v4 =	vor.u32 v4, v6  }
0x163: {  	v4 =	vadd.s32 v5, v4  }
0x164: {  	v5 =	vmul.f32 v26, v25;
	[tilespmem:$0x450] =	vst v4;
	v4 =	vadd.s32 $0x4000, v4  }
0x165: {  	[tilespmem:$0x4D0] =	vst v4  }
0x166: {  	[tilespmem:$0x3D0] =	vst v5;
	v4 =	vld [tilespmem:$0xE0]  }
0x167: {  	v5 =	vld.idx.msk [tilespmem:v3+s19+$0x0], $0xffff;
	_ =	sdelay $0x4  }
0x168: {  	vm5 =	vgt.f32 v4, v5  }
0x169: {  	v5 =	vsel vm5, $0x80, v2  }
0x16a: {  	v27 =	vor.u32 $0x7F, v5;
	_ =	sdelay $0x4  }
0x16b: {  	v6 =	vld.idx.msk [tilespmem:v27+s19+$0x0], $0xffff;
	_ =	sdelay $0x4  }
0x16c: {  	v28 =	vor.u32 $0x40, v5;
	vm6 =	vgt.f32 v4, v6  }
0x16d: {  	v5 =	vsel vm6, v28, v5  }
0x16e: {  	v29 =	vadd.s32 $0x5F, v5;
	_ =	sdelay $0x2  }
0x16f: {  	v30 =	vld [tilespmem:$0x60]  }
0x170: {  	v31 =	vld.idx.msk [tilespmem:v1+s19+$0x0], $0xffff  }
0x171: {  	v6 =	vld.idx.msk [tilespmem:v29+s19+$0x0], $0xffff;
	_ =	sdelay $0x3  }
0x172: {  	vm7 =	vgt.f32 v30, v31  }
0x173: {  	v8 =	vsel vm7, $0x20, v2;
	v32 =	vor.u32 $0x20, v5;
	vm8 =	vgt.f32 v4, v6  }
0x174: {  	v33 =	vor.u32 $0xF, v8;
	v5 =	vsel vm8, v32, v5  }
0x175: {  	v9 =	vadd.s32 $0x4F, v5;
	_ =	sdelay $0x3  }
0x176: {  	v6 =	vld.idx.msk [tilespmem:v33+s19+$0x0], $0xffff  }
0x177: {  	v9 =	vld.idx.msk [tilespmem:v9+s19+$0x0], $0xffff;
	_ =	sdelay $0x3  }
0x178: {  	v34 =	vor.u32 $0x10, v8;
	vm9 =	vgt.f32 v30, v6  }
0x179: {  	v35 =	vor.u32 $0x10, v5;
	v6 =	vsel vm9, v34, v8;
	vm10 =	vgt.f32 v4, v9  }
0x17a: {  	v36 =	vor.u32 $0x7, v6;
	v5 =	vsel vm10, v35, v5  }
0x17b: {  	v8 =	vadd.s32 $0x47, v5;
	_ =	sdelay $0x3  }
0x17c: {  	v9 =	vld.idx.msk [tilespmem:v36+s19+$0x0], $0xffff  }
0x17d: {  	v8 =	vld.idx.msk [tilespmem:v8+s19+$0x0], $0xffff;
	_ =	sdelay $0x3  }
0x17e: {  	v10 =	vor.u32 $0x8, v6;
	vm11 =	vgt.f32 v30, v9  }
0x17f: {  	v37 =	vadd.s32 $0x8, v5;
	v6 =	vsel vm11, v10, v6;
	vm12 =	vgt.f32 v4, v8  }
0x180: {  	v38 =	vor.u32 $0x3, v6;
	v5 =	vsel vm12, v37, v5  }
0x181: {  	v9 =	vadd.s32 $0x43, v5;
	_ =	sdelay $0x3  }
0x182: {  	v8 =	vld.idx.msk [tilespmem:v38+s19+$0x0], $0xffff  }
0x183: {  	v9 =	vld.idx.msk [tilespmem:v9+s19+$0x0], $0xffff;
	_ =	sdelay $0x3  }
0x184: {  	v10 =	vor.u32 $0x4, v6;
	vm13 =	vgt.f32 v30, v8  }
0x185: {  	v39 =	vadd.s32 $0x4, v5;
	v6 =	vsel vm13, v10, v6;
	vm14 =	vgt.f32 v4, v9  }
0x186: {  	v40 =	vadd.s32 $0x1, v6;
	v5 =	vsel vm14, v39, v5  }
0x187: {  	v8 =	vadd.s32 $0x41, v5;
	_ =	sdelay $0x3  }
0x188: {  	v9 =	vld.idx.msk [tilespmem:v40+s19+$0x0], $0xffff  }
0x189: {  	v8 =	vld.idx.msk [tilespmem:v8+s19+$0x0], $0xffff;
	_ =	sdelay $0x3  }
0x18a: {  	v10 =	vadd.s32 $0x2, v6;
	vm15 =	vgt.f32 v30, v9  }
0x18b: {  	v41 =	vadd.s32 $0x2, v5;
	v6 =	vsel vm15, v10, v6;
	vm4 =	vgt.f32 v4, v8  }
0x18c: {  	v5 =	vsel vm4, v41, v5  }
0x18d: {  	v42 =	vadd.s32 $0x40, v5;
	_ =	sdelay $0x2  }
0x18e: {  	v43 =	vld.idx.msk [tilespmem:v6+s19+$0x0], $0xffff;
	_ =	sdelay $0x1  }
0x18f: {  	v8 =	vld.idx.msk [tilespmem:v42+s19+$0x0], $0xffff;
	_ =	sdelay $0x2  }
0x190: {  	v45 =	vld [tilespmem:$0x1E0];
	vm5 =	vgt.f32 v30, v43  }
0x191: {  	v44 =	vld [tilespmem:$0x160];
	v9 =	vsel vm5, $0x1, v2  }
0x192: {  	v6 =	vadd.s32 v9, v6;
	vm6 =	vgt.f32 v4, v8  }
0x193: {  	v6 =	vshll.u32 v6, $0x8;
	v4 =	vsel vm6, $0x1, v2  }
0x194: {  	v4 =	vor.u32 v4, v6  }
0x195: {  	v4 =	vadd.s32 v5, v4  }
0x196: {  	v5 =	vmul.f32 v45, v44;
	[tilespmem:$0x460] =	vst v4;
	v4 =	vadd.s32 $0x4000, v4  }
0x197: {  	[tilespmem:$0x4E0] =	vst v4  }
0x198: {  	[tilespmem:$0x3E0] =	vst v5;
	v4 =	vld [tilespmem:$0xF0]  }
0x199: {  	v5 =	vld.idx.msk [tilespmem:v3+s19+$0x0], $0xffff;
	_ =	sdelay $0x4  }
0x19a: {  	vm7 =	vgt.f32 v4, v5  }
0x19b: {  	v5 =	vsel vm7, $0x80, v2  }
0x19c: {  	v46 =	vor.u32 $0x7F, v5;
	_ =	sdelay $0x4  }
0x19d: {  	v6 =	vld.idx.msk [tilespmem:v46+s19+$0x0], $0xffff;
	_ =	sdelay $0x4  }
0x19e: {  	v47 =	vor.u32 $0x40, v5;
	vm8 =	vgt.f32 v4, v6  }
0x19f: {  	v5 =	vsel vm8, v47, v5  }
0x1a0: {  	v48 =	vadd.s32 $0x5F, v5;
	_ =	sdelay $0x2  }
0x1a1: {  	v49 =	vld [tilespmem:$0x70]  }
0x1a2: {  	v50 =	vld.idx.msk [tilespmem:v1+s19+$0x0], $0xffff  }
0x1a3: {  	v6 =	vld.idx.msk [tilespmem:v48+s19+$0x0], $0xffff;
	_ =	sdelay $0x3  }
0x1a4: {  	vm9 =	vgt.f32 v49, v50  }
0x1a5: {  	v8 =	vsel vm9, $0x20, v2;
	v51 =	vor.u32 $0x20, v5;
	vm10 =	vgt.f32 v4, v6  }
0x1a6: {  	v52 =	vor.u32 $0xF, v8;
	v5 =	vsel vm10, v51, v5  }
0x1a7: {  	v9 =	vadd.s32 $0x4F, v5;
	_ =	sdelay $0x3  }
0x1a8: {  	v6 =	vld.idx.msk [tilespmem:v52+s19+$0x0], $0xffff  }
0x1a9: {  	v9 =	vld.idx.msk [tilespmem:v9+s19+$0x0], $0xffff;
	_ =	sdelay $0x3  }
0x1aa: {  	v53 =	vor.u32 $0x10, v8;
	vm11 =	vgt.f32 v49, v6  }
0x1ab: {  	v54 =	vor.u32 $0x10, v5;
	v6 =	vsel vm11, v53, v8;
	vm12 =	vgt.f32 v4, v9  }
0x1ac: {  	v55 =	vor.u32 $0x7, v6;
	v5 =	vsel vm12, v54, v5  }
0x1ad: {  	v8 =	vadd.s32 $0x47, v5;
	_ =	sdelay $0x3  }
0x1ae: {  	v9 =	vld.idx.msk [tilespmem:v55+s19+$0x0], $0xffff  }
0x1af: {  	v8 =	vld.idx.msk [tilespmem:v8+s19+$0x0], $0xffff;
	_ =	sdelay $0x3  }
0x1b0: {  	v10 =	vor.u32 $0x8, v6;
	vm13 =	vgt.f32 v49, v9  }
0x1b1: {  	v56 =	vadd.s32 $0x8, v5;
	v6 =	vsel vm13, v10, v6;
	vm14 =	vgt.f32 v4, v8  }
0x1b2: {  	v57 =	vor.u32 $0x3, v6;
	v5 =	vsel vm14, v56, v5  }
0x1b3: {  	v9 =	vadd.s32 $0x43, v5;
	_ =	sdelay $0x3  }
0x1b4: {  	v8 =	vld.idx.msk [tilespmem:v57+s19+$0x0], $0xffff  }
0x1b5: {  	v9 =	vld.idx.msk [tilespmem:v9+s19+$0x0], $0xffff;
	_ =	sdelay $0x3  }
0x1b6: {  	v10 =	vor.u32 $0x4, v6;
	vm15 =	vgt.f32 v49, v8  }
0x1b7: {  	v58 =	vadd.s32 $0x4, v5;
	v6 =	vsel vm15, v10, v6;
	vm4 =	vgt.f32 v4, v9  }
0x1b8: {  	v59 =	vadd.s32 $0x1, v6;
	v5 =	vsel vm4, v58, v5  }
0x1b9: {  	v8 =	vadd.s32 $0x41, v5;
	_ =	sdelay $0x3  }
0x1ba: {  	v9 =	vld.idx.msk [tilespmem:v59+s19+$0x0], $0xffff  }
0x1bb: {  	v8 =	vld.idx.msk [tilespmem:v8+s19+$0x0], $0xffff;
	_ =	sdelay $0x3  }
0x1bc: {  	v10 =	vadd.s32 $0x2, v6;
	vm5 =	vgt.f32 v49, v9  }
0x1bd: {  	v60 =	vadd.s32 $0x2, v5;
	v6 =	vsel vm5, v10, v6;
	vm6 =	vgt.f32 v4, v8  }
0x1be: {  	v5 =	vsel vm6, v60, v5  }
0x1bf: {  	v61 =	vadd.s32 $0x40, v5;
	_ =	sdelay $0x2  }
0x1c0: {  	v62 =	vld.idx.msk [tilespmem:v6+s19+$0x0], $0xffff;
	_ =	sdelay $0x1  }
0x1c1: {  	v8 =	vld.idx.msk [tilespmem:v61+s19+$0x0], $0xffff;
	_ =	sdelay $0x2  }
0x1c2: {  	v12 =	vld [tilespmem:$0x1F0];
	vm7 =	vgt.f32 v49, v62  }
0x1c3: {  	v63 =	vld [tilespmem:$0x170];
	v9 =	vsel vm7, $0x1, v2  }
0x1c4: {  	v6 =	vadd.s32 v9, v6;
	vm8 =	vgt.f32 v4, v8  }
0x1c5: {  	v6 =	vshll.u32 v6, $0x8;
	v4 =	vsel vm8, $0x1, v2  }
0x1c6: {  	v4 =	vor.u32 v4, v6  }
0x1c7: {  	v4 =	vadd.s32 v5, v4  }
0x1c8: {  	v5 =	vmul.f32 v12, v63;
	[tilespmem:$0x470] =	vst v4;
	v4 =	vadd.s32 $0x4000, v4  }
0x1c9: {  	[tilespmem:$0x4F0] =	vst v4  }
0x1ca: {  	[tilespmem:$0x3F0] =	vst v5  }
0x1cb: {  	[bflag:$0x0] =	sbarrier.arrive $0xFFFF  }
0x1cc: {  	[spmem:s4] =	stream.indirect.scatter.add.f32 [tilespmem:s23], [sflag:$0x1], $0x1, s22, s16, $0xb8;
	[tilespmem:$0x1D00] =	vst v63  }
0x1cd: {  	_ = 	snop  }
0x1ce: {  	[spmem:s4] =	stream.indirect.scatter.add.f32 [tilespmem:s17], [sflag:$0x1], $0x1, s24, s16, $0xb8;
	[tilespmem:$0x1D00] =	vst v63  }
0x1cf: {  	_ =	swait.ge [sflag:s21], $0x80  }
0x1d0: {  	[sflag:s21] =	ssyncset.done $0x0  }
0x1d1: {  	[sflag:s21] =	ssyncadd.s32 $0xFFFFFF80  }
0x1d2: {  	_ =	swait.ge [sflag:s21], $0x80  }
0x1d3: {  	[sflag:s21] =	ssyncset.done $0x0  }
0x1d4: {  	[sflag:s21] =	ssyncadd.s32 $0xFFFFFF80  }
0x1d5: {  	[bflag:$0x0] =	sbarrier.arrive $0xFFFF  }
0x1d6: {  	[tilespmem:s25], [sflag:$0x1] =	stream.linear.gather [spmem:s10], $0x400, $0x38;
	[tilespmem:$0x1D00] =	vst v63  }
0x1d7: {  	_ = 	snop  }
0x1d8: {  	[tilespmem:s26], [sflag:$0x1] =	stream.linear.gather [spmem:s12], $0x400, $0x38;
	[tilespmem:$0x1D00] =	vst v63  }
0x1d9: {  	_ =	swait.ge [sflag:s21], $0x400  }
0x1da: {  	[sflag:s21] =	ssyncset.done $0x0  }
0x1db: {  	[sflag:s21] =	ssyncadd.s32 $0xFFFFFC00  }
0x1dc: {  	_ =	swait.ge [sflag:s21], $0x400  }
0x1dd: {  	[sflag:s21] =	ssyncset.done $0x0  }
0x1de: {  	[sflag:s21] =	ssyncadd.s32 $0xFFFFFC00  }
0x1df: {  	v4 =	vld [tilespmem:$0x900];
	_ =	sdelay $0x1  }
0x1e0: {  	v5 =	vld [tilespmem:$0x910];
	_ =	sdelay $0x2  }
0x1e1: {  	v4 =	vadd.f32 $9.999999930e-09, v4;
	_ =	sdelay $0x1  }
0x1e2: {  	(erf) = vrcp.f32 v4;
	v4 =	vadd.f32 $9.999999930e-09, v5;
	v5 =	vld [tilespmem:$0x920]  }
0x1e3: {  	v13 =	vld [tilespmem:$0x930]  }
0x1e4: {  	v14 =	vld [tilespmem:$0x940];
	(erf) = vrcp.f32 v4  }
0x1e5: {  	v15 =	vld [tilespmem:$0x510]  }
0x1e6: {  	v16 =	vld [tilespmem:$0x950]  }
0x1e7: {  	v4 =	vld [tilespmem:$0x500];
	v5 =	vadd.f32 $9.999999930e-09, v5  }
0x1e8: {  	v20 =	vld [tilespmem:$0x960]  }
0x1e9: {  	v11 =	vld [tilespmem:$0x970];
	v6 =	vadd.f32 $9.999999930e-09, v13  }
0x1ea: {  	(erf) = vrcp.f32 v5  }
0x1eb: {  	v26 =	vld [tilespmem:$0x980];
	(erf) = vrcp.f32 v6;
	v5 =	vpop (erf)  }
0x1ec: {  	v7 =	vadd.f32 $9.999999930e-09, v16;
	v4 =	vmul.f32 v5, v4  }
0x1ed: {  	v10 =	vadd.f32 $9.999999930e-09, v20;
	v16 =	vld [tilespmem:$0x990];
	v5 =	vadd.f32 $9.999999930e-09, v14;
	v17 =	vpop (erf)  }
0x1ee: {  	v19 =	vld [tilespmem:$0x520];
	v25 =	vadd.f32 $9.999999930e-09, v11;
	v18 =	vadd.f32 $-1.450000050e+00, v4;
	v8 =	vmul.f32 v17, v15  }
0x1ef: {  	(erf) = vrcp.f32 v5;
	vm9 =	vlt.f32 v4, $0.0e+00;
	vm1 =	vgt.f32 v4, $0.0e+00;
	v17 =	vld [tilespmem:$0x9A0]  }
0x1f0: {  	v12 =	vld [tilespmem:$0x530];
	v11 =	vadd.f32 $9.999999930e-09, v26;
	vm0 =	vmor vm1, vm9;
	v4 =	vmul.f32 v18, v0  }
0x1f1: {  	v21 =	vadd.f32 $-1.450000050e+00, v8;
	vm10 =	vlt.f32 v8, $0.0e+00;
	vm2 =	vgt.f32 v8, $0.0e+00  }
0x1f2: {  	v16 =	vadd.f32 $9.999999930e-09, v16;
	vm11 =	vmor vm2, vm10;
	v5 =	vnsel vm0, $0x3F800000, v4  }
0x1f3: {  	v24 =	vld [tilespmem:$0x540];
	v4 =	vmul.f32 v21, v0;
	v22 =	vpop (erf);
	(erf) = vrcp.f32 v7;
	v7 =	vsel vm0, $0x1, v2  }
0x1f4: {  	v39 =	vld [tilespmem:$0x9C0];
	v23 =	vmul.f32 v22, v19;
	v14 =	vpop (erf);
	(erf) = vrcp.f32 v10;
	v35 =	vadd.f32 $9.999999930e-09, v17  }
0x1f5: {  	v6 =	vnsel vm11, $0x3F800000, v4;
	v4 =	vsel vm11, $0x1, v2;
	v12 =	vmul.f32 v14, v12  }
0x1f6: {  	v29 =	vld [tilespmem:$0x550];
	v13 =	vadd.f32 $-1.450000050e+00, v23;
	vm12 =	vlt.f32 v23, $0.0e+00;
	vm13 =	vgt.f32 v23, $0.0e+00  }
0x1f7: {  	v22 =	vld [tilespmem:$0x9D0];
	vm0 =	vmor vm13, vm12;
	v30 =	vadd.f32 $-1.450000050e+00, v12;
	vm14 =	vlt.f32 v12, $0.0e+00  }
0x1f8: {  	v36 =	vld [tilespmem:$0x9B0];
	vm15 =	vgt.f32 v12, $0.0e+00;
	v27 =	vmul.f32 v13, v0;
	v28 =	vpop (erf);
	(erf) = vrcp.f32 v25  }
0x1f9: {  	v15 =	vld [tilespmem:$0x560];
	v8 =	vsel vm0, $0x1, v2;
	v25 =	vadd.f32 $9.999999930e-09, v39;
	v13 =	vmul.f32 v28, v24  }
0x1fa: {  	v10 =	vmul.f32 v30, v0;
	v28 =	vld [tilespmem:$0x9F0];
	v9 =	vnsel vm0, $0x3F800000, v27;
	vm0 =	vmor vm15, vm14  }
0x1fb: {  	v31 =	vadd.f32 $-1.450000050e+00, v13;
	vm4 =	vlt.f32 v13, $0.0e+00;
	vm5 =	vgt.f32 v13, $0.0e+00  }
0x1fc: {  	v22 =	vadd.f32 $9.999999930e-09, v22;
	v12 =	vnsel vm0, $0x3F800000, v10;
	vm1 =	vmor vm5, vm4  }
0x1fd: {  	v52 =	vld [tilespmem:$0xA10];
	v33 =	vpop (erf);
	(erf) = vrcp.f32 v11;
	v11 =	vsel vm0, $0x1, v2;
	v32 =	vmul.f32 v31, v0  }
0x1fe: {  	v18 =	vld [tilespmem:$0x570];
	v14 =	vmul.f32 v33, v29;
	v19 =	vpop (erf);
	(erf) = vrcp.f32 v16;
	v17 =	vsel vm1, $0x1, v2  }
0x1ff: {  	v29 =	vld [tilespmem:$0xA00];
	v15 =	vmul.f32 v19, v15;
	v19 =	vadd.f32 $9.999999930e-09, v36;
	v28 =	vadd.f32 $9.999999930e-09, v28  }
0x200: {  	v55 =	vld [tilespmem:$0xA20];
	vm6 =	vlt.f32 v14, $0.0e+00;
	v34 =	vadd.f32 $-1.450000050e+00, v14;
	vm7 =	vgt.f32 v14, $0.0e+00  }
0x201: {  	v10 =	vnsel vm1, $0x3F800000, v32;
	vm0 =	vmor vm7, vm6;
	v38 =	vadd.f32 $-1.450000050e+00, v15  }
0x202: {  	v42 =	vld [tilespmem:$0x9E0];
	vm8 =	vlt.f32 v15, $0.0e+00;
	vm9 =	vgt.f32 v15, $0.0e+00;
	v13 =	vmul.f32 v34, v0  }
0x203: {  	v20 =	vld [tilespmem:$0x580];
	v37 =	vpop (erf);
	(erf) = vrcp.f32 v35;
	v15 =	vsel vm0, $0x1, v2;
	vm10 =	vmor vm9, vm8  }
0x204: {  	v24 =	vld [tilespmem:$0x590];
	v18 =	vmul.f32 v37, v18;
	v16 =	vmul.f32 v38, v0;
	v51 =	vadd.f32 $9.999999930e-09, v29  }
0x205: {  	v34 =	vld [tilespmem:$0xA30];
	v29 =	vadd.f32 $9.999999930e-09, v52;
	v37 =	vadd.f32 $9.999999930e-09, v55;
	v14 =	vnsel vm0, $0x3F800000, v13  }
0x206: {  	v21 =	vadd.f32 $-1.450000050e+00, v18;
	v16 =	vnsel vm10, $0x3F800000, v16;
	vm11 =	vlt.f32 v18, $0.0e+00  }
0x207: {  	vm12 =	vgt.f32 v18, $0.0e+00;
	v23 =	vpop (erf);
	(erf) = vrcp.f32 v19;
	v19 =	vsel vm10, $0x1, v2  }
0x208: {  	v40 =	vld [tilespmem:$0x5A0];
	vm13 =	vmor vm12, vm11;
	v21 =	vmul.f32 v21, v0;
	v20 =	vmul.f32 v23, v20  }
0x209: {  	v13 =	vsel vm13, $0x1, v2;
	v26 =	vpop (erf);
	(erf) = vrcp.f32 v25;
	v25 =	vadd.f32 $9.999999930e-09, v42  }
0x20a: {  	v34 =	vadd.f32 $9.999999930e-09, v34;
	v24 =	vmul.f32 v26, v24;
	v41 =	vadd.f32 $-1.450000050e+00, v20  }
0x20b: {  	v45 =	vld [tilespmem:$0x5B0];
	v18 =	vnsel vm13, $0x3F800000, v21;
	vm14 =	vlt.f32 v20, $0.0e+00;
	vm15 =	vgt.f32 v20, $0.0e+00  }
0x20c: {  	v63 =	vld [tilespmem:$0xA50];
	vm0 =	vmor vm15, vm14;
	v46 =	vadd.f32 $-1.450000050e+00, v24;
	v43 =	vmul.f32 v41, v0;
	v44 =	vpop (erf)  }
0x20d: {  	v27 =	vld [tilespmem:$0x5C0];
	vm4 =	vlt.f32 v24, $0.0e+00;
	(erf) = vrcp.f32 v22;
	v23 =	vmul.f32 v44, v40  }
0x20e: {  	vm5 =	vgt.f32 v24, $0.0e+00;
	v20 =	vsel vm0, $0x1, v2;
	v41 =	vld [tilespmem:$0xA60];
	v22 =	vmul.f32 v46, v0  }
0x20f: {  	v21 =	vnsel vm0, $0x3F800000, v43;
	vm0 =	vmor vm5, vm4;
	v47 =	vadd.f32 $-1.450000050e+00, v23  }
0x210: {  	vm6 =	vlt.f32 v23, $0.0e+00;
	vm7 =	vgt.f32 v23, $0.0e+00;
	v26 =	vnsel vm0, $0x3F800000, v22  }
0x211: {  	v23 =	vsel vm0, $0x1, v2;
	v48 =	vpop (erf);
	(erf) = vrcp.f32 v25;
	v24 =	vmul.f32 v47, v0  }
0x212: {  	v31 =	vld [tilespmem:$0x5D0];
	vm1 =	vmor vm7, vm6;
	v30 =	vmul.f32 v48, v45;
	v50 =	vpop (erf);
	(erf) = vrcp.f32 v28  }
0x213: {  	v48 =	vadd.f32 $9.999999930e-09, v63;
	v41 =	vadd.f32 $9.999999930e-09, v41;
	v27 =	vmul.f32 v50, v27  }
0x214: {  	vm8 =	vlt.f32 v30, $0.0e+00;
	v49 =	vadd.f32 $-1.450000050e+00, v30;
	vm9 =	vgt.f32 v30, $0.0e+00  }
0x215: {  	v59 =	vld [tilespmem:$0xA40];
	v22 =	vnsel vm1, $0x3F800000, v24;
	vm0 =	vmor vm9, vm8;
	v54 =	vadd.f32 $-1.450000050e+00, v27  }
0x216: {  	v50 =	vld [tilespmem:$0xA70];
	vm10 =	vlt.f32 v27, $0.0e+00;
	v24 =	vmul.f32 v49, v0;
	v53 =	vpop (erf);
	(erf) = vrcp.f32 v51  }
0x217: {  	v32 =	vld [tilespmem:$0x5E0];
	vm11 =	vgt.f32 v27, $0.0e+00;
	v31 =	vmul.f32 v53, v31;
	v56 =	vmul.f32 v54, v0  }
0x218: {  	v36 =	vld [tilespmem:$0x5F0];
	v30 =	vsel vm1, $0x1, v2;
	v28 =	vsel vm0, $0x1, v2;
	vm12 =	vmor vm11, vm10  }
0x219: {  	v25 =	vnsel vm0, $0x3F800000, v24;
	v33 =	vadd.f32 $-1.450000050e+00, v31;
	v27 =	vnsel vm12, $0x3F800000, v56  }
0x21a: {  	vm13 =	vlt.f32 v31, $0.0e+00;
	vm14 =	vgt.f32 v31, $0.0e+00;
	v31 =	vsel vm12, $0x1, v2  }
0x21b: {  	v57 =	vld [tilespmem:$0x600];
	v56 =	vadd.f32 $9.999999930e-09, v50;
	v35 =	vpop (erf);
	(erf) = vrcp.f32 v29;
	vm15 =	vmor vm14, vm13  }
0x21c: {  	v50 =	vld [tilespmem:$0xAA0];
	v33 =	vmul.f32 v33, v0;
	v32 =	vmul.f32 v35, v32;
	v24 =	vsel vm15, $0x1, v2;
	v38 =	vpop (erf)  }
0x21d: {  	(erf) = vrcp.f32 v37;
	v37 =	vadd.f32 $9.999999930e-09, v59;
	v36 =	vmul.f32 v38, v36  }
0x21e: {  	v58 =	vadd.f32 $-1.450000050e+00, v32;
	vm4 =	vlt.f32 v32, $0.0e+00;
	vm5 =	vgt.f32 v32, $0.0e+00  }
0x21f: {  	v29 =	vnsel vm15, $0x3F800000, v33;
	vm0 =	vmor vm5, vm4;
	v39 =	vadd.f32 $-1.450000050e+00, v36  }
0x220: {  	v62 =	vld [tilespmem:$0x610];
	vm6 =	vlt.f32 v36, $0.0e+00;
	vm7 =	vgt.f32 v36, $0.0e+00;
	v60 =	vmul.f32 v58, v0;
	v61 =	vpop (erf)  }
0x221: {  	v50 =	vadd.f32 $9.999999930e-09, v50;
	(erf) = vrcp.f32 v34;
	v35 =	vmul.f32 v61, v57  }
0x222: {  	v40 =	vld [tilespmem:$0x620];
	v32 =	vsel vm0, $0x1, v2;
	v39 =	vmul.f32 v39, v0;
	v33 =	vnsel vm0, $0x3F800000, v60  }
0x223: {  	vm0 =	vmor vm7, vm6;
	v45 =	vadd.f32 $-1.450000050e+00, v35;
	vm8 =	vlt.f32 v35, $0.0e+00  }
0x224: {  	vm9 =	vgt.f32 v35, $0.0e+00;
	v38 =	vnsel vm0, $0x3F800000, v39;
	v36 =	vsel vm0, $0x1, v2;
	v47 =	vpop (erf)  }
0x225: {  	v43 =	vld [tilespmem:$0x630];
	(erf) = vrcp.f32 v37;
	vm10 =	vmor vm9, vm8;
	v42 =	vmul.f32 v47, v62  }
0x226: {  	[tilespmem:$0xDF0] =	vst v38;
	v38 =	vld [tilespmem:$0xBA0];
	v46 =	vmul.f32 v45, v0;
	v44 =	vpop (erf);
	(erf) = vrcp.f32 v48;
	v35 =	vsel vm10, $0x1, v2  }
0x227: {  	v48 =	vld [tilespmem:$0xA90];
	v40 =	vmul.f32 v44, v40;
	vm11 =	vlt.f32 v42, $0.0e+00;
	vm12 =	vgt.f32 v42, $0.0e+00  }
0x228: {  	v34 =	vnsel vm10, $0x3F800000, v46;
	v49 =	vadd.f32 $-1.450000050e+00, v42;
	vm0 =	vmor vm12, vm11  }
0x229: {  	v46 =	vld [tilespmem:$0xA80];
	v53 =	vadd.f32 $-1.450000050e+00, v40;
	vm13 =	vlt.f32 v40, $0.0e+00;
	vm14 =	vgt.f32 v40, $0.0e+00  }
0x22a: {  	v45 =	vld [tilespmem:$0x640];
	v51 =	vmul.f32 v49, v0;
	v52 =	vpop (erf);
	(erf) = vrcp.f32 v41;
	v41 =	vsel vm0, $0x1, v2  }
0x22b: {  	[tilespmem:$0x11B0] =	vst v28;
	vm15 =	vmor vm14, vm13;
	v28 =	vadd.f32 $9.999999930e-09, v38;
	v43 =	vmul.f32 v52, v43  }
0x22c: {  	v47 =	vld [tilespmem:$0x650];
	v54 =	vmul.f32 v53, v0;
	v42 =	vsel vm15, $0x1, v2;
	v48 =	vadd.f32 $9.999999930e-09, v48  }
0x22d: {  	v37 =	vnsel vm0, $0x3F800000, v51;
	v51 =	vld [tilespmem:$0xAB0];
	v55 =	vadd.f32 $-1.450000050e+00, v43;
	vm4 =	vlt.f32 v43, $0.0e+00  }
0x22e: {  	vm5 =	vgt.f32 v43, $0.0e+00;
	v46 =	vadd.f32 $9.999999930e-09, v46;
	v57 =	vpop (erf);
	(erf) = vrcp.f32 v56  }
0x22f: {  	vm6 =	vmor vm5, vm4;
	v40 =	vmul.f32 v55, v0;
	v58 =	vmul.f32 v57, v45  }
0x230: {  	v59 =	vld [tilespmem:$0x660];
	v39 =	vnsel vm15, $0x3F800000, v54;
	v60 =	vpop (erf);
	(erf) = vrcp.f32 v46;
	v43 =	vsel vm6, $0x1, v2  }
0x231: {  	v54 =	vld [tilespmem:$0xAD0];
	v45 =	vmul.f32 v60, v47;
	v40 =	vnsel vm6, $0x3F800000, v40;
	vm7 =	vlt.f32 v58, $0.0e+00  }
0x232: {  	vm8 =	vgt.f32 v58, $0.0e+00;
	v61 =	vadd.f32 $-1.450000050e+00, v58;
	v51 =	vadd.f32 $9.999999930e-09, v51  }
0x233: {  	v49 =	vld [tilespmem:$0x670];
	vm9 =	vmor vm8, vm7;
	v62 =	vadd.f32 $-1.450000050e+00, v45;
	vm10 =	vlt.f32 v45, $0.0e+00  }
0x234: {  	v57 =	vld [tilespmem:$0x680];
	vm11 =	vgt.f32 v45, $0.0e+00;
	v47 =	vmul.f32 v61, v0;
	v63 =	vpop (erf);
	(erf) = vrcp.f32 v48  }
0x235: {  	v60 =	vld [tilespmem:$0xAE0];
	vm12 =	vmor vm11, vm10;
	v52 =	vmul.f32 v62, v0;
	v53 =	vmul.f32 v63, v59  }
0x236: {  	v54 =	vadd.f32 $9.999999930e-09, v54;
	v45 =	vsel vm9, $0x1, v2;
	v59 =	vld [tilespmem:$0xAC0];
	v48 =	vsel vm12, $0x1, v2  }
0x237: {  	v46 =	vnsel vm9, $0x3F800000, v47;
	v44 =	vnsel vm12, $0x3F800000, v52;
	v56 =	vadd.f32 $-1.450000050e+00, v53  }
0x238: {  	vm13 =	vlt.f32 v53, $0.0e+00;
	vm14 =	vgt.f32 v53, $0.0e+00;
	v58 =	vpop (erf);
	(erf) = vrcp.f32 v50  }
0x239: {  	vm15 =	vmor vm14, vm13;
	v47 =	vmul.f32 v56, v0;
	v49 =	vmul.f32 v58, v49;
	v55 =	vpop (erf)  }
0x23a: {  	v62 =	vld [tilespmem:$0x690];
	v50 =	vadd.f32 $9.999999930e-09, v60;
	(erf) = vrcp.f32 v51;
	v52 =	vmul.f32 v55, v57  }
0x23b: {  	v53 =	vadd.f32 $9.999999930e-09, v59;
	v47 =	vnsel vm15, $0x3F800000, v47;
	vm4 =	vlt.f32 v49, $0.0e+00  }
0x23c: {  	vm5 =	vgt.f32 v49, $0.0e+00;
	v61 =	vadd.f32 $-1.450000050e+00, v49;
	v49 =	vsel vm15, $0x1, v2  }
0x23d: {  	v58 =	vld [tilespmem:$0x6B0];
	vm6 =	vmor vm5, vm4;
	v56 =	vadd.f32 $-1.450000050e+00, v52;
	vm7 =	vlt.f32 v52, $0.0e+00  }
0x23e: {  	v57 =	vld [tilespmem:$0x6A0];
	(erf) = vrcp.f32 v53;
	vm8 =	vgt.f32 v52, $0.0e+00;
	v51 =	vmul.f32 v61, v0;
	v59 =	vpop (erf)  }
0x23f: {  	(erf) = vrcp.f32 v54;
	v54 =	vld [tilespmem:$0xAF0];
	vm1 =	vmor vm8, vm7;
	v55 =	vmul.f32 v59, v62  }
0x240: {  	[tilespmem:$0xD00] =	vst v5;
	v63 =	vmul.f32 v56, v0;
	(erf) = vrcp.f32 v50;
	v5 =	vsel vm1, $0x1, v2  }
0x241: {  	v52 =	vnsel vm6, $0x3F800000, v51;
	v51 =	vsel vm6, $0x1, v2;
	v60 =	vadd.f32 $-1.450000050e+00, v55  }
0x242: {  	v56 =	vld [tilespmem:$0x6C0];
	v50 =	vnsel vm1, $0x3F800000, v63;
	vm9 =	vlt.f32 v55, $0.0e+00;
	vm10 =	vgt.f32 v55, $0.0e+00;
	v61 =	vpop (erf)  }
0x243: {  	v59 =	vld [tilespmem:$0x6D0];
	vm0 =	vmor vm10, vm9;
	v55 =	vmul.f32 v61, v57;
	v62 =	vpop (erf);
	v63 =	vmul.f32 v60, v0  }
0x244: {  	[tilespmem:$0xD10] =	vst v6;
	v54 =	vadd.f32 $9.999999930e-09, v54;
	v57 =	vld [tilespmem:$0xB00];
	v6 =	vsel vm0, $0x1, v2;
	v60 =	vmul.f32 v62, v58  }
0x245: {  	v58 =	vld [tilespmem:$0x6E0];
	vm11 =	vlt.f32 v55, $0.0e+00;
	vm12 =	vgt.f32 v55, $0.0e+00;
	v55 =	vadd.f32 $-1.450000050e+00, v55  }
0x246: {  	[tilespmem:$0x1110] =	vst v4;
	(erf) = vrcp.f32 v54;
	v4 =	vnsel vm0, $0x3F800000, v63;
	vm3 =	vlt.f32 v60, $0.0e+00  }
0x247: {  	[tilespmem:$0xD20] =	vst v9;
	v9 =	vld [tilespmem:$0xB10];
	vm4 =	vgt.f32 v60, $0.0e+00;
	vm1 =	vmor vm12, vm11;
	v61 =	vpop (erf);
	v63 =	vadd.f32 $-1.450000050e+00, v60  }
0x248: {  	[tilespmem:$0x1120] =	vst v8;
	vm13 =	vmor vm4, vm3;
	v8 =	vmul.f32 v55, v0;
	v54 =	vmul.f32 v61, v56;
	v62 =	vpop (erf)  }
0x249: {  	[tilespmem:$0x1100] =	vst v7;
	v7 =	vsel vm1, $0x1, v2;
	v53 =	vmul.f32 v62, v59;
	v60 =	vpop (erf);
	v61 =	vadd.f32 $9.999999930e-09, v57  }
0x24a: {  	[tilespmem:$0x1130] =	vst v11;
	v63 =	vmul.f32 v63, v0;
	v8 =	vnsel vm1, $0x3F800000, v8;
	v11 =	vmul.f32 v60, v58  }
0x24b: {  	[tilespmem:$0xD30] =	vst v12;
	v62 =	vld [tilespmem:$0xB20];
	vm14 =	vlt.f32 v54, $0.0e+00;
	vm15 =	vgt.f32 v54, $0.0e+00;
	v57 =	vadd.f32 $-1.450000050e+00, v54  }
0x24c: {  	v12 =	vld [tilespmem:$0x6F0];
	[tilespmem:$0x1140] =	vst v17;
	v58 =	vadd.f32 $9.999999930e-09, v9;
	v9 =	vsel vm13, $0x1, v2;
	(erf) = vrcp.f32 v61  }
0x24d: {  	[tilespmem:$0xD40] =	vst v10;
	v10 =	vnsel vm13, $0x3F800000, v63;
	vm0 =	vmor vm15, vm14;
	vm4 =	vlt.f32 v53, $0.0e+00  }
0x24e: {  	[tilespmem:$0x1150] =	vst v15;
	vm5 =	vgt.f32 v53, $0.0e+00;
	v60 =	vadd.f32 $-1.450000050e+00, v53;
	(erf) = vrcp.f32 v58  }
0x24f: {  	[tilespmem:$0xD50] =	vst v14;
	v59 =	vmul.f32 v57, v0;
	vm1 =	vmor vm5, vm4;
	v63 =	vadd.f32 $-1.450000050e+00, v11;
	v58 =	vld [tilespmem:$0xB30]  }
0x250: {  	v17 =	vld [tilespmem:$0x700];
	[tilespmem:$0xD60] =	vst v16;
	vm6 =	vlt.f32 v11, $0.0e+00;
	vm7 =	vgt.f32 v11, $0.0e+00;
	v62 =	vadd.f32 $9.999999930e-09, v62;
	v61 =	vpop (erf)  }
0x251: {  	[tilespmem:$0x1160] =	vst v19;
	v56 =	vld [tilespmem:$0xB50];
	v16 =	vsel vm0, $0x1, v2;
	vm8 =	vmor vm7, vm6;
	v57 =	vmul.f32 v61, v12  }
0x252: {  	[tilespmem:$0x1170] =	vst v13;
	v12 =	vnsel vm0, $0x3F800000, v59;
	v59 =	vmul.f32 v60, v0;
	(erf) = vrcp.f32 v62;
	v60 =	vld [tilespmem:$0xB40]  }
0x253: {  	[tilespmem:$0xD70] =	vst v18;
	v14 =	vsel vm1, $0x1, v2;
	v15 =	vsel vm8, $0x1, v2;
	v61 =	vmul.f32 v63, v0;
	v62 =	vld [tilespmem:$0x710]  }
0x254: {  	[tilespmem:$0x1180] =	vst v20;
	v54 =	vadd.f32 $9.999999930e-09, v58;
	v13 =	vnsel vm1, $0x3F800000, v59;
	v63 =	vadd.f32 $-1.450000050e+00, v57  }
0x255: {  	[tilespmem:$0xD80] =	vst v21;
	v11 =	vnsel vm8, $0x3F800000, v61;
	vm9 =	vlt.f32 v57, $0.0e+00;
	vm10 =	vgt.f32 v57, $0.0e+00  }
0x256: {  	[tilespmem:$0xD90] =	vst v26;
	vm11 =	vmor vm10, vm9;
	v53 =	vpop (erf);
	v20 =	vmul.f32 v63, v0;
	(erf) = vrcp.f32 v54  }
0x257: {  	[tilespmem:$0x1190] =	vst v23;
	v58 =	vld [tilespmem:$0x720];
	v54 =	vadd.f32 $9.999999930e-09, v56;
	v21 =	vmul.f32 v53, v17;
	v55 =	vadd.f32 $9.999999930e-09, v60;
	v57 =	vpop (erf)  }
0x258: {  	[tilespmem:$0xDA0] =	vst v22;
	v60 =	vld [tilespmem:$0xB60];
	v19 =	vmul.f32 v57, v62;
	v17 =	vnsel vm11, $0x3F800000, v20;
	v20 =	vsel vm11, $0x1, v2  }
0x259: {  	[tilespmem:$0x11A0] =	vst v30;
	v56 =	vld [tilespmem:$0xB80];
	(erf) = vrcp.f32 v55;
	vm12 =	vlt.f32 v21, $0.0e+00;
	vm13 =	vgt.f32 v21, $0.0e+00  }
0x25a: {  	[tilespmem:$0xDB0] =	vst v25;
	v59 =	vadd.f32 $-1.450000050e+00, v21;
	vm1 =	vmor vm13, vm12;
	vm14 =	vlt.f32 v19, $0.0e+00  }
0x25b: {  	[tilespmem:$0xDC0] =	vst v27;
	v62 =	vld [tilespmem:$0x730];
	vm15 =	vgt.f32 v19, $0.0e+00;
	v19 =	vadd.f32 $-1.450000050e+00, v19;
	(erf) = vrcp.f32 v54;
	v63 =	vpop (erf)  }
0x25c: {  	[tilespmem:$0x11C0] =	vst v31;
	v55 =	vld [tilespmem:$0xB70];
	v61 =	vmul.f32 v59, v0;
	v21 =	vsel vm1, $0x1, v2;
	v23 =	vmul.f32 v63, v58  }
0x25d: {  	[tilespmem:$0x11D0] =	vst v24;
	vm4 =	vmor vm15, vm14;
	v19 =	vmul.f32 v19, v0;
	v26 =	vadd.f32 $9.999999930e-09, v60;
	v63 =	vld [tilespmem:$0xB90]  }
0x25e: {  	[tilespmem:$0x11F0] =	vst v36;
	v53 =	vld [tilespmem:$0x740];
	v36 =	vadd.f32 $9.999999930e-09, v56;
	v18 =	vnsel vm1, $0x3F800000, v61;
	v57 =	vadd.f32 $-1.450000050e+00, v23  }
0x25f: {  	[tilespmem:$0x1250] =	vst v48;
	v48 =	vld [tilespmem:$0xBD0];
	v22 =	vnsel vm4, $0x3F800000, v19;
	(erf) = vrcp.f32 v26;
	vm5 =	vlt.f32 v23, $0.0e+00;
	v59 =	vpop (erf)  }
0x260: {  	[tilespmem:$0xDD0] =	vst v29;
	v60 =	vld [tilespmem:$0x750];
	vm6 =	vgt.f32 v23, $0.0e+00;
	v58 =	vmul.f32 v57, v0;
	v24 =	vmul.f32 v59, v62  }
0x261: {  	[tilespmem:$0x11E0] =	vst v32;
	v19 =	vsel vm4, $0x1, v2;
	vm0 =	vmor vm6, vm5;
	v62 =	vadd.f32 $9.999999930e-09, v55  }
0x262: {  	[tilespmem:$0xDE0] =	vst v33;
	v30 =	vadd.f32 $9.999999930e-09, v63;
	v61 =	vpop (erf);
	v23 =	vnsel vm0, $0x3F800000, v58;
	vm7 =	vlt.f32 v24, $0.0e+00  }
0x263: {  	[tilespmem:$0x1200] =	vst v35;
	(erf) = vrcp.f32 v62;
	vm8 =	vgt.f32 v24, $0.0e+00;
	v25 =	vmul.f32 v61, v53  }
0x264: {  	[tilespmem:$0xE00] =	vst v34;
	v53 =	vadd.f32 $-1.450000050e+00, v24;
	v24 =	vsel vm0, $0x1, v2;
	(erf) = vrcp.f32 v36;
	v56 =	vpop (erf)  }
0x265: {  	[tilespmem:$0x1210] =	vst v41;
	v54 =	vld [tilespmem:$0x760];
	vm1 =	vmor vm8, vm7;
	v36 =	vadd.f32 $9.999999930e-09, v48;
	v26 =	vmul.f32 v56, v60  }
0x266: {  	[tilespmem:$0x1220] =	vst v42;
	v62 =	vld [tilespmem:$0xBC0];
	(erf) = vrcp.f32 v30;
	v27 =	vsel vm1, $0x1, v2;
	v29 =	vmul.f32 v53, v0  }
0x267: {  	[tilespmem:$0xE10] =	vst v37;
	v60 =	vld [tilespmem:$0xBB0];
	vm9 =	vlt.f32 v25, $0.0e+00;
	vm10 =	vgt.f32 v25, $0.0e+00;
	v55 =	vadd.f32 $-1.450000050e+00, v25  }
0x268: {  	[tilespmem:$0xE20] =	vst v39;
	(erf) = vrcp.f32 v28;
	vm0 =	vmor vm10, vm9;
	v61 =	vadd.f32 $-1.450000050e+00, v26  }
0x269: {  	[tilespmem:$0x1230] =	vst v43;
	v57 =	vld [tilespmem:$0x770];
	vm11 =	vlt.f32 v26, $0.0e+00;
	vm12 =	vgt.f32 v26, $0.0e+00;
	v25 =	vnsel vm1, $0x3F800000, v29;
	v59 =	vpop (erf)  }
0x26a: {  	[tilespmem:$0x1260] =	vst v49;
	v49 =	vld [tilespmem:$0xBE0];
	v31 =	vmul.f32 v55, v0;
	vm13 =	vmor vm12, vm11;
	v32 =	vmul.f32 v59, v54  }
0x26b: {  	[tilespmem:$0xE40] =	vst v46;
	v58 =	vld [tilespmem:$0x780];
	v46 =	vadd.f32 $9.999999930e-09, v62;
	v63 =	vmul.f32 v61, v0;
	v29 =	vsel vm13, $0x1, v2  }
0x26c: {  	[tilespmem:$0xE30] =	vst v40;
	v59 =	vld [tilespmem:$0xBF0];
	v26 =	vnsel vm0, $0x3F800000, v31;
	v43 =	vadd.f32 $9.999999930e-09, v60;
	vm14 =	vlt.f32 v32, $0.0e+00  }
0x26d: {  	v42 =	vld [tilespmem:$0x790];
	[tilespmem:$0x1240] =	vst v45;
	vm15 =	vgt.f32 v32, $0.0e+00;
	v32 =	vadd.f32 $-1.450000050e+00, v32;
	v30 =	vnsel vm13, $0x3F800000, v63;
	v40 =	vpop (erf)  }
0x26e: {  	[tilespmem:$0xE50] =	vst v44;
	vm2 =	vmor vm15, vm14;
	(erf) = vrcp.f32 v43;
	v33 =	vmul.f32 v40, v57  }
0x26f: {  	v45 =	vld [tilespmem:$0x7A0];
	[tilespmem:$0xE60] =	vst v47;
	v41 =	vpop (erf);
	v44 =	vmul.f32 v32, v0;
	v32 =	vsel vm0, $0x1, v2;
	(erf) = vrcp.f32 v46  }
0x270: {  	[tilespmem:$0x1270] =	vst v51;
	v51 =	vld [tilespmem:$0xC20];
	v31 =	vsel vm2, $0x1, v2;
	v34 =	vmul.f32 v41, v58;
	v58 =	vadd.f32 $9.999999930e-09, v49  }
0x271: {  	[tilespmem:$0x1280] =	vst v5;
	v53 =	vpop (erf);
	v43 =	vadd.f32 $9.999999930e-09, v59;
	v28 =	vnsel vm2, $0x3F800000, v44;
	vm6 =	vlt.f32 v33, $0.0e+00  }
0x272: {  	[tilespmem:$0xE70] =	vst v52;
	vm7 =	vgt.f32 v33, $0.0e+00;
	v33 =	vadd.f32 $-1.450000050e+00, v33;
	v54 =	vmul.f32 v53, v42  }
0x273: {  	[tilespmem:$0xE80] =	vst v50;
	v55 =	vpop (erf);
	(erf) = vrcp.f32 v36;
	vm1 =	vmor vm7, vm6;
	vm8 =	vlt.f32 v34, $0.0e+00  }
0x274: {  	[tilespmem:$0x1290] =	vst v6;
	v46 =	vld [tilespmem:$0xC10];
	vm9 =	vgt.f32 v34, $0.0e+00;
	v5 =	vadd.f32 $-1.450000050e+00, v34;
	v57 =	vmul.f32 v55, v45  }
0x275: {  	v52 =	vld [tilespmem:$0xC30];
	[tilespmem:$0xE90] =	vst v4;
	(erf) = vrcp.f32 v58;
	v55 =	vadd.f32 $9.999999930e-09, v51;
	v33 =	vmul.f32 v33, v0  }
0x276: {  	[tilespmem:$0x12A0] =	vst v7;
	v56 =	vld [tilespmem:$0x7B0];
	vm0 =	vmor vm9, vm8;
	vm10 =	vlt.f32 v54, $0.0e+00;
	vm11 =	vgt.f32 v54, $0.0e+00  }
0x277: {  	[tilespmem:$0xEA0] =	vst v8;
	v45 =	vld [tilespmem:$0xC00];
	v61 =	vadd.f32 $-1.450000050e+00, v54;
	v7 =	vsel vm1, $0x1, v2;
	v5 =	vmul.f32 v5, v0  }
0x278: {  	[tilespmem:$0x12B0] =	vst v9;
	v36 =	vld [tilespmem:$0xC70];
	vm12 =	vmor vm11, vm10;
	vm13 =	vlt.f32 v57, $0.0e+00;
	vm14 =	vgt.f32 v57, $0.0e+00  }
0x279: {  	[tilespmem:$0x12C0] =	vst v16;
	v60 =	vld [tilespmem:$0x7C0];
	v40 =	vadd.f32 $-1.450000050e+00, v57;
	v44 =	vsel vm0, $0x1, v2;
	v16 =	vadd.f32 $9.999999930e-09, v46  }
0x27a: {  	[tilespmem:$0xEB0] =	vst v10;
	v57 =	vld [tilespmem:$0xC40];
	v4 =	vnsel vm1, $0x3F800000, v33;
	v8 =	vmul.f32 v61, v0;
	vm15 =	vmor vm14, vm13  }
0x27b: {  	[tilespmem:$0x12D0] =	vst v14;
	v47 =	vsel vm12, $0x1, v2;
	v5 =	vnsel vm0, $0x3F800000, v5;
	v9 =	vmul.f32 v40, v0  }
0x27c: {  	[tilespmem:$0xEF0] =	vst v17;
	v63 =	vld [tilespmem:$0x7D0];
	v17 =	vsel vm15, $0x1, v2;
	v62 =	vpop (erf);
	v8 =	vnsel vm12, $0x3F800000, v8;
	v33 =	vadd.f32 $9.999999930e-09, v45  }
0x27d: {  	[tilespmem:$0x12E0] =	vst v15;
	v45 =	vadd.f32 $9.999999930e-09, v36;
	v10 =	vmul.f32 v62, v56;
	v41 =	vpop (erf);
	(erf) = vrcp.f32 v43  }
0x27e: {  	[tilespmem:$0xEC0] =	vst v12;
	v42 =	vld [tilespmem:$0x7E0];
	v9 =	vnsel vm15, $0x3F800000, v9;
	v56 =	vadd.f32 $9.999999930e-09, v52;
	v6 =	vmul.f32 v41, v60  }
0x27f: {  	[tilespmem:$0x12F0] =	vst v20;
	v20 =	vadd.f32 $9.999999930e-09, v57;
	vm6 =	vlt.f32 v10, $0.0e+00;
	vm7 =	vgt.f32 v10, $0.0e+00  }
0x280: {  	[tilespmem:$0xED0] =	vst v13;
	v10 =	vadd.f32 $-1.450000050e+00, v10;
	v48 =	vpop (erf);
	(erf) = vrcp.f32 v33;
	vm8 =	vmor vm7, vm6  }
0x281: {  	[tilespmem:$0xEE0] =	vst v11;
	v60 =	vld [tilespmem:$0xC50];
	vm9 =	vlt.f32 v6, $0.0e+00;
	vm10 =	vgt.f32 v6, $0.0e+00;
	v11 =	vmul.f32 v48, v63  }
0x282: {  	[tilespmem:$0x1300] =	vst v21;
	v41 =	vld [tilespmem:$0xC80];
	v6 =	vadd.f32 $-1.450000050e+00, v6;
	v49 =	vpop (erf);
	(erf) = vrcp.f32 v16;
	v10 =	vmul.f32 v10, v0  }
0x283: {  	[tilespmem:$0xF00] =	vst v18;
	v57 =	vld [tilespmem:$0xC90];
	v14 =	vmul.f32 v49, v42;
	v16 =	vsel vm8, $0x1, v2;
	vm11 =	vmor vm10, vm9  }
0x284: {  	v35 =	vld [tilespmem:$0xC60];
	[tilespmem:$0xF10] =	vst v22;
	(erf) = vrcp.f32 v55;
	v6 =	vmul.f32 v6, v0;
	vm12 =	vlt.f32 v11, $0.0e+00  }
0x285: {  	v50 =	vld [tilespmem:$0x7F0];
	[tilespmem:$0x1310] =	vst v19;
	vm13 =	vgt.f32 v11, $0.0e+00;
	v11 =	vadd.f32 $-1.450000050e+00, v11;
	v22 =	vsel vm11, $0x1, v2  }
0x286: {  	[tilespmem:$0x1330] =	vst v27;
	v27 =	vld [tilespmem:$0xCB0];
	v10 =	vnsel vm8, $0x3F800000, v10;
	vm1 =	vmor vm13, vm12;
	vm14 =	vlt.f32 v14, $0.0e+00  }
0x287: {  	[tilespmem:$0x1320] =	vst v24;
	v58 =	vld [tilespmem:$0x810];
	vm15 =	vgt.f32 v14, $0.0e+00;
	v14 =	vadd.f32 $-1.450000050e+00, v14;
	v24 =	vadd.f32 $9.999999930e-09, v60  }
0x288: {  	[tilespmem:$0xF30] =	vst v25;
	v54 =	vld [tilespmem:$0x800];
	v51 =	vadd.f32 $9.999999930e-09, v41;
	v25 =	vadd.f32 $9.999999930e-09, v57;
	v6 =	vnsel vm11, $0x3F800000, v6  }
0x289: {  	[tilespmem:$0xF60] =	vst v28;
	v28 =	vld [tilespmem:$0xCC0];
	v11 =	vmul.f32 v11, v0;
	vm6 =	vmor vm15, vm14;
	v18 =	vsel vm1, $0x1, v2;
	v53 =	vpop (erf)  }
0x28a: {  	[tilespmem:$0xF20] =	vst v23;
	v14 =	vmul.f32 v14, v0;
	v33 =	vsel vm6, $0x1, v2;
	v15 =	vmul.f32 v53, v50  }
0x28b: {  	(erf) = vrcp.f32 v56;
	v11 =	vnsel vm1, $0x3F800000, v11;
	[tilespmem:$0x13E0] =	vst v33;
	v33 =	vadd.f32 $9.999999930e-09, v27  }
0x28c: {  	[tilespmem:$0x1340] =	vst v32;
	v32 =	vld [tilespmem:$0x820];
	v14 =	vnsel vm6, $0x3F800000, v14;
	v62 =	vpop (erf);
	v59 =	vadd.f32 $-1.450000050e+00, v15;
	vm7 =	vlt.f32 v15, $0.0e+00  }
0x28d: {  	[tilespmem:$0x1350] =	vst v29;
	vm8 =	vgt.f32 v15, $0.0e+00;
	v19 =	vmul.f32 v62, v54;
	v63 =	vpop (erf);
	(erf) = vrcp.f32 v20  }
0x28e: {  	[tilespmem:$0xF40] =	vst v26;
	v20 =	vadd.f32 $9.999999930e-09, v35;
	v35 =	vadd.f32 $9.999999930e-09, v28;
	v21 =	vmul.f32 v63, v58  }
0x28f: {  	[tilespmem:$0xF50] =	vst v30;
	vm1 =	vmor vm8, vm7;
	(erf) = vrcp.f32 v24;
	v61 =	vmul.f32 v59, v0  }
0x290: {  	[tilespmem:$0x1360] =	vst v31;
	v37 =	vpop (erf);
	vm9 =	vlt.f32 v19, $0.0e+00;
	vm10 =	vgt.f32 v19, $0.0e+00;
	v19 =	vadd.f32 $-1.450000050e+00, v19  }
0x291: {  	[tilespmem:$0xF70] =	vst v4;
	v36 =	vld [tilespmem:$0xCE0];
	v4 =	vsel vm1, $0x1, v2;
	v39 =	vmul.f32 v37, v32;
	(erf) = vrcp.f32 v20  }
0x292: {  	v30 =	vld [tilespmem:$0xCD0];
	[tilespmem:$0x1370] =	vst v7;
	vm0 =	vmor vm10, vm9;
	vm11 =	vlt.f32 v21, $0.0e+00;
	vm12 =	vgt.f32 v21, $0.0e+00  }
0x293: {  	v34 =	vld [tilespmem:$0x830];
	[tilespmem:$0x1380] =	vst v44;
	v21 =	vadd.f32 $-1.450000050e+00, v21;
	v15 =	vnsel vm1, $0x3F800000, v61;
	v19 =	vmul.f32 v19, v0  }
0x294: {  	[tilespmem:$0x1390] =	vst v47;
	v59 =	vld [tilespmem:$0xCA0];
	vm13 =	vmor vm12, vm11;
	v44 =	vsel vm0, $0x1, v2;
	vm14 =	vlt.f32 v39, $0.0e+00  }
0x295: {  	[tilespmem:$0xF80] =	vst v5;
	v43 =	vld [tilespmem:$0x840];
	vm15 =	vgt.f32 v39, $0.0e+00;
	v47 =	vadd.f32 $-1.450000050e+00, v39;
	v38 =	vmul.f32 v21, v0  }
0x296: {  	v39 =	vld [tilespmem:$0xCF0];
	v46 =	vsel vm13, $0x1, v2;
	[tilespmem:$0xFF0] =	vst v15;
	v15 =	vadd.f32 $9.999999930e-09, v36;
	v5 =	vnsel vm0, $0x3F800000, v19  }
0x297: {  	[tilespmem:$0x13A0] =	vst v17;
	v40 =	vpop (erf);
	(erf) = vrcp.f32 v45;
	vm0 =	vmor vm15, vm14;
	v13 =	vmul.f32 v47, v0  }
0x298: {  	[tilespmem:$0xF90] =	vst v8;
	v48 =	vld [tilespmem:$0x850];
	v42 =	vmul.f32 v40, v34;
	v7 =	vnsel vm13, $0x3F800000, v38;
	v58 =	vsel vm0, $0x1, v2  }
0x299: {  	[tilespmem:$0xFA0] =	vst v9;
	v20 =	vadd.f32 $9.999999930e-09, v59;
	v38 =	vadd.f32 $9.999999930e-09, v30;
	v13 =	vnsel vm0, $0x3F800000, v13  }
0x29a: {  	[tilespmem:$0x13B0] =	vst v16;
	v53 =	vld [tilespmem:$0x860];
	v49 =	vadd.f32 $-1.450000050e+00, v42;
	v50 =	vpop (erf);
	vm4 =	vlt.f32 v42, $0.0e+00;
	vm5 =	vgt.f32 v42, $0.0e+00  }
0x29b: {  	[tilespmem:$0x13C0] =	vst v22;
	(erf) = vrcp.f32 v51;
	v12 =	vadd.f32 $9.999999930e-09, v39;
	v52 =	vmul.f32 v50, v43  }
0x29c: {  	[tilespmem:$0xFB0] =	vst v10;
	vm1 =	vmor vm5, vm4;
	v56 =	vpop (erf);
	(erf) = vrcp.f32 v25;
	v9 =	vmul.f32 v49, v0  }
0x29d: {  	[tilespmem:$0xFC0] =	vst v6;
	v19 =	vmul.f32 v56, v48;
	v60 =	vsel vm1, $0x1, v2;
	v61 =	vpop (erf);
	(erf) = vrcp.f32 v20  }
0x29e: {  	[tilespmem:$0x13D0] =	vst v18;
	v55 =	vadd.f32 $-1.450000050e+00, v52;
	vm6 =	vlt.f32 v52, $0.0e+00;
	vm7 =	vgt.f32 v52, $0.0e+00  }
0x29f: {  	[tilespmem:$0xFD0] =	vst v11;
	v54 =	vld [tilespmem:$0x870];
	v17 =	vmul.f32 v61, v53;
	(erf) = vrcp.f32 v33;
	v9 =	vnsel vm1, $0x3F800000, v9  }
0x2a0: {  	[tilespmem:$0xFE0] =	vst v14;
	vm2 =	vmor vm7, vm6;
	vm8 =	vlt.f32 v19, $0.0e+00;
	vm9 =	vgt.f32 v19, $0.0e+00  }
0x2a1: {  	[tilespmem:$0x13F0] =	vst v4;
	v19 =	vadd.f32 $-1.450000050e+00, v19;
	v16 =	vmul.f32 v55, v0;
	vm0 =	vmor vm9, vm8  }
0x2a2: {  	[tilespmem:$0x1400] =	vst v44;
	v63 =	vsel vm2, $0x1, v2;
	vm10 =	vlt.f32 v17, $0.0e+00;
	vm11 =	vgt.f32 v17, $0.0e+00  }
0x2a3: {  	v62 =	vld [tilespmem:$0x880];
	[tilespmem:$0x1410] =	vst v46;
	v31 =	vadd.f32 $-1.450000050e+00, v17;
	v24 =	vpop (erf);
	v4 =	vmul.f32 v19, v0;
	vm1 =	vmor vm11, vm10  }
0x2a4: {  	v32 =	vld [tilespmem:$0x890];
	[tilespmem:$0x1000] =	vst v5;
	(erf) = vrcp.f32 v35;
	v40 =	vsel vm0, $0x1, v2;
	v10 =	vmul.f32 v24, v54  }
0x2a5: {  	[tilespmem:$0x1010] =	vst v7;
	v16 =	vnsel vm2, $0x3F800000, v16;
	v34 =	vmul.f32 v31, v0;
	v41 =	vsel vm1, $0x1, v2  }
0x2a6: {  	v37 =	vld [tilespmem:$0x8A0];
	[tilespmem:$0x1420] =	vst v58;
	v4 =	vnsel vm0, $0x3F800000, v4;
	vm12 =	vlt.f32 v10, $0.0e+00;
	vm13 =	vgt.f32 v10, $0.0e+00  }
0x2a7: {  	[tilespmem:$0x1020] =	vst v13;
	v29 =	vpop (erf);
	v10 =	vadd.f32 $-1.450000050e+00, v10;
	v8 =	vnsel vm1, $0x3F800000, v34;
	(erf) = vrcp.f32 v38  }
0x2a8: {  	v46 =	vld [tilespmem:$0x8B0];
	[tilespmem:$0x1430] =	vst v60;
	v5 =	vmul.f32 v29, v62;
	vm2 =	vmor vm13, vm12;
	v42 =	vpop (erf);
	(erf) = vrcp.f32 v15  }
0x2a9: {  	[tilespmem:$0x1030] =	vst v9;
	v10 =	vmul.f32 v10, v0;
	v43 =	vsel vm2, $0x1, v2;
	v6 =	vmul.f32 v42, v32  }
0x2aa: {  	[tilespmem:$0x1440] =	vst v63;
	v44 =	vpop (erf);
	(erf) = vrcp.f32 v12;
	vm14 =	vlt.f32 v5, $0.0e+00;
	vm15 =	vgt.f32 v5, $0.0e+00  }
0x2ab: {  	[tilespmem:$0x1450] =	vst v40;
	v5 =	vadd.f32 $-1.450000050e+00, v5;
	v7 =	vmul.f32 v44, v37;
	vm3 =	vmor vm15, vm14  }
0x2ac: {  	v47 =	vld [tilespmem:$0x8C0];
	[tilespmem:$0x1050] =	vst v4;
	v50 =	vpop (erf);
	v10 =	vnsel vm2, $0x3F800000, v10;
	v4 =	vadd.f32 $-1.450000050e+00, v6;
	vm8 =	vlt.f32 v6, $0.0e+00  }
0x2ad: {  	[tilespmem:$0x1040] =	vst v16;
	vm9 =	vgt.f32 v6, $0.0e+00;
	v9 =	vmul.f32 v50, v46;
	v5 =	vmul.f32 v5, v0  }
0x2ae: {  	[tilespmem:$0x1460] =	vst v41;
	v45 =	vsel vm3, $0x1, v2;
	v48 =	vadd.f32 $-1.450000050e+00, v7;
	vm0 =	vmor vm9, vm8  }
0x2af: {  	v49 =	vld [tilespmem:$0x8D0];
	[tilespmem:$0x1060] =	vst v8;
	vm10 =	vlt.f32 v7, $0.0e+00;
	vm11 =	vgt.f32 v7, $0.0e+00;
	v4 =	vmul.f32 v4, v0  }
0x2b0: {  	[tilespmem:$0x1470] =	vst v43;
	v51 =	vpop (erf);
	vm1 =	vmor vm11, vm10;
	v52 =	vsel vm0, $0x1, v2;
	vm12 =	vlt.f32 v9, $0.0e+00  }
0x2b1: {  	[tilespmem:$0x1070] =	vst v10;
	vm13 =	vgt.f32 v9, $0.0e+00;
	v5 =	vnsel vm3, $0x3F800000, v5;
	v7 =	vmul.f32 v51, v47  }
0x2b2: {  	[tilespmem:$0x1480] =	vst v45;
	v6 =	vmul.f32 v48, v0;
	v55 =	vsel vm1, $0x1, v2;
	v4 =	vnsel vm0, $0x3F800000, v4  }
0x2b3: {  	v53 =	vld [tilespmem:$0x8E0];
	[tilespmem:$0x1080] =	vst v5;
	v5 =	vadd.f32 $-1.450000050e+00, v9;
	vm0 =	vmor vm13, vm12;
	v54 =	vpop (erf);
	vm14 =	vlt.f32 v7, $0.0e+00  }
0x2b4: {  	v56 =	vld [tilespmem:$0x8F0];
	[tilespmem:$0x1490] =	vst v52;
	vm15 =	vgt.f32 v7, $0.0e+00;
	v7 =	vadd.f32 $-1.450000050e+00, v7;
	v8 =	vmul.f32 v54, v49  }
0x2b5: {  	v6 =	vnsel vm1, $0x3F800000, v6;
	[tilespmem:$0x1090] =	vst v4;
	v4 =	vmul.f32 v5, v0;
	vm1 =	vmor vm15, vm14  }
0x2b6: {  	[tilespmem:$0x14A0] =	vst v55;
	v57 =	vmul.f32 v7, v0;
	v61 =	vsel vm1, $0x1, v2;
	vm8 =	vlt.f32 v8, $0.0e+00  }
0x2b7: {  	[tilespmem:$0x10A0] =	vst v6;
	v5 =	vpop (erf);
	vm9 =	vgt.f32 v8, $0.0e+00;
	v4 =	vnsel vm0, $0x3F800000, v4;
	v58 =	vadd.f32 $-1.450000050e+00, v8  }
0x2b8: {  	vm10 =	vmor vm9, vm8;
	v5 =	vmul.f32 v5, v53;
	v59 =	vpop (erf);
	[tilespmem:$0x10B0] =	vst v4;
	v4 =	vsel vm0, $0x1, v2  }
0x2b9: {  	v8 =	vmul.f32 v59, v56;
	[tilespmem:$0x14B0] =	vst v4;
	v4 =	vnsel vm1, $0x3F800000, v57;
	v7 =	vmul.f32 v58, v0  }
0x2ba: {  	[tilespmem:$0x14C0] =	vst v61;
	v60 =	vadd.f32 $-1.450000050e+00, v5;
	vm11 =	vlt.f32 v5, $0.0e+00;
	vm12 =	vgt.f32 v5, $0.0e+00  }
0x2bb: {  	[tilespmem:$0x10C0] =	vst v4;
	v5 =	vnsel vm10, $0x3F800000, v7;
	vm0 =	vmor vm12, vm11;
	v62 =	vadd.f32 $-1.450000050e+00, v8  }
0x2bc: {  	vm13 =	vlt.f32 v8, $0.0e+00;
	v4 =	vmul.f32 v60, v0;
	[tilespmem:$0x10D0] =	vst v5;
	v5 =	vsel vm10, $0x1, v2  }
0x2bd: {  	vm14 =	vgt.f32 v8, $0.0e+00;
	v63 =	vsel vm0, $0x1, v2;
	[tilespmem:$0x14D0] =	vst v5;
	v5 =	vmul.f32 v62, v0  }
0x2be: {  	vm15 =	vmor vm14, vm13;
	[tilespmem:$0x14E0] =	vst v63;
	v4 =	vnsel vm0, $0x3F800000, v4  }
0x2bf: {  	[tilespmem:$0x10E0] =	vst v4;
	v4 =	vnsel vm15, $0x3F800000, v5  }
0x2c0: {  	[tilespmem:$0x10F0] =	vst v4;
	v4 =	vsel vm15, $0x1, v2  }
0x2c1: {  	[tilespmem:$0x14F0] =	vst v4  }
0x2c2: {  	[hbm4b:s13+s5] =	stream.linear.scatter [tilespmem:s28], [sflag:$0x1], $0x400, $0x38;
	[tilespmem:$0x1D00] =	vst v63  }
0x2c3: {  	_ = 	snop  }
0x2c4: {  	[hbm4b:s14+s5] =	stream.linear.scatter [tilespmem:s29], [sflag:$0x1], $0x400, $0x38;
	[tilespmem:$0x1D00] =	vst v63  }
0x2c5: {  	p0 =	sne.s32 s15, $0x1;
	_ =	swait.ge [sflag:s21], $0x400  }
.Ltmp0:
0x2c6: {  	[sflag:s21] =	ssyncset.done $0x0;
	(pc) =	sbr.rel @p0 .LBB2_1-.Ltmp0, $4  }
0x2c7: {  	[sflag:s21] =	ssyncadd.s32 $0xFFFFFC00  }
0x2c8: {  	_ =	swait.ge [sflag:s21], $0x400  }
0x2c9: {  	[sflag:s21] =	ssyncset.done $0x0  }
0x2ca: {  	s15 =	sadd.s32 $0xFFFFFFFF, s15;
	[sflag:s21] =	ssyncadd.s32 $0xFFFFFC00  }
0x2cb: {  	_ =	sfence.sel $0x180000  }
0x2cc: {  	[bflag:$0x0] =	sbarrier.arrive $0xFFFF  }
0x2cd: {  	p0 =	sne.s32 s3, $0x0;
	_ =	strace $0x90000047  }
0x2ce: {  	s0 =	sadd.s32 @!p0 $0x100000, s0;
	[bflag:$0x2] =	sbarrier.arrive $0xFFFF  }
0x2cf: {  	[sflag:s0] =	ssyncadd.tile.s32 @!p0 $0x1;
	_ =	shalt  }
.Lfunc_end2:
_tile_overlayer_lowered:
.L_overlay_start_2:
0x2d0: {  	(tag) =	ssettag $0x2  }
0x2d1: {  	s0 =	rddreg [dreg:$0x0];
	s2 =	stileid.u32  }
0x2d2: {  	s1 =	rddreg [dreg:$0x1];
	p0 =	sne.s32 s2, $0x0  }
0x2d3: {  	s3 =	rddreg [dreg:$0x2];
	[bflag:$0x3] =	sbarrier.arrive $0xFFFF;
	s2 =	simm.s32 @!p0 $0x1C02  }
0x2d4: {  	[timem:s3], [sflag:s2] =	dma.local @!p0 [hbm:s0], s1  }
0x2d5: {  	s0 =	simm.s32 @!p0 $0x2  }
0x2d6: {  	_ =	swait.ge @!p0 [sflag:s0], s1  }
0x2d7: {  	s1 =	ssub.s32 @!p0 $0x0, s1;
	[sflag:s0] =	ssyncset.done @!p0 $0x0  }
0x2d8: {  	[sflag:s0] =	ssyncadd.s32 @!p0 s1  }
0x2d9: {  	[bflag:$0x3] =	sbarrier.arrive $0xFFFF  }
0x2da: {  	_ =	shalt  }

</sc_bundles>
